<compile_context>
chip_gen: v7x
topology: tpu7x:2x2x1
jax: 0.10.2.dev20260603
libtpu: 0.0.44.dev20260713+nightly
codegen_flags: <defaults>
</compile_context>

<pallas_src>
import functools

import jax
import jax.numpy as jnp
import numpy as np
from jax import lax
from jax.experimental import pallas as pl
from jax.experimental.pallas import tpu as pltpu
from jax.experimental.pallas import tpu_sc as plsc

N = 10000
D = 128
C = 40
E = 320000

NC, NS = 2, 16
ROWS_PER_TILE = 632
N_PAD = NS * ROWS_PER_TILE
CHUNK = 128
STEPS_PER_TILE = 80
NB = 2
NBI = 4
E_PAD = NC * NS * STEPS_PER_TILE * CHUNK

@functools.cache
def _make_sc_aggregate():
    mesh = plsc.VectorSubcoreMesh(
        core_axis_name="c", subcore_axis_name="s", num_cores=NC, num_subcores=NS
    )

    @functools.partial(
        pl.kernel,
        out_type=jax.ShapeDtypeStruct((NC, N_PAD, D), jnp.float32),
        mesh=mesh,
        scratch_types=[
            pltpu.VMEM((NBI, CHUNK), jnp.int32),
            pltpu.VMEM((NBI, CHUNK), jnp.int32),
            pltpu.VMEM((NB, CHUNK, D), jnp.float32),
            pltpu.VMEM_SHARED((N_PAD, D), jnp.float32),
            [pltpu.SemaphoreType.DMA] * NB,
            [pltpu.SemaphoreType.DMA] * NBI,
            [pltpu.SemaphoreType.DMA] * NBI,
        ],
    )
    def sc_aggregate(h_hbm, src_hbm, dst_hbm, zeros_hbm, out_hbm,
                     src_ring, dst_ring, rows_v, agg_sh, gsems, ssems, dsems):
        c = lax.axis_index("c")
        s = lax.axis_index("s")
        row0 = s * ROWS_PER_TILE
        wid = c * NS + s
        base = wid * STEPS_PER_TILE
        for k in range(NBI):
            g = (base + k) * CHUNK
            pltpu.async_copy(src_hbm.at[pl.ds(g, CHUNK)], src_ring.at[k], ssems[k])
            pltpu.async_copy(dst_hbm.at[pl.ds(g, CHUNK)], dst_ring.at[k], dsems[k])
        pltpu.sync_copy(zeros_hbm.at[pl.ds(row0, ROWS_PER_TILE)],
                        agg_sh.at[pl.ds(row0, ROWS_PER_TILE)])
        for b in range(NB):
            pltpu.make_async_copy(src_hbm.at[pl.ds(0, CHUNK)], src_ring.at[b],
                                  ssems[b]).wait()
            pltpu.async_copy(h_hbm.at[src_ring.at[b]], rows_v.at[b], gsems[b])
        plsc.subcore_barrier()

        def outer(o, carry):
            for k in range(NBI):
                b = k % NB
                j = o * NBI + k
                pltpu.make_async_copy(h_hbm.at[src_ring.at[0]], rows_v.at[b],
                                      gsems[b]).wait()
                pltpu.make_async_copy(src_hbm.at[pl.ds(0, CHUNK)],
                                      dst_ring.at[k], dsems[k]).wait()
                pltpu.sync_copy(rows_v.at[b], agg_sh.at[dst_ring.at[k]], add=True)

                @pl.when(j + NBI < STEPS_PER_TILE)
                def _():
                    g = (base + j + NBI) * CHUNK
                    pltpu.async_copy(src_hbm.at[pl.ds(g, CHUNK)], src_ring.at[k],
                                     ssems[k])
                    pltpu.async_copy(dst_hbm.at[pl.ds(g, CHUNK)], dst_ring.at[k],
                                     dsems[k])

                kn = (k + NB) % NBI

                @pl.when(j + NB < STEPS_PER_TILE)
                def _():
                    pltpu.make_async_copy(src_hbm.at[pl.ds(0, CHUNK)],
                                          src_ring.at[kn], ssems[kn]).wait()
                    pltpu.async_copy(h_hbm.at[src_ring.at[kn]], rows_v.at[b],
                                     gsems[b])
            return carry

        lax.fori_loop(0, STEPS_PER_TILE // NBI, outer, 0)
        plsc.subcore_barrier()
        pltpu.sync_copy(agg_sh.at[pl.ds(row0, ROWS_PER_TILE)],
                        out_hbm.at[c, pl.ds(row0, ROWS_PER_TILE)])

    return sc_aggregate


def _sc_aggregate(h, src_p, dst_p, zeros):
    return _make_sc_aggregate()(h, src_p, dst_p, zeros)


BM = 2000


def _elu(z):
    return jnp.where(z > 0.0, z, jnp.exp(z) - 1.0)


def _mlp_block(h_ref, agg_ref, w1_ref, b1_ref, w2_ref, b2_ref):
    z = h_ref[...] + agg_ref[0] + agg_ref[1]
    z = _elu(jnp.dot(z, w1_ref[...], preferred_element_type=jnp.float32)
             + b1_ref[...])
    z = _elu(jnp.dot(z, w2_ref[...], preferred_element_type=jnp.float32)
             + b2_ref[...])
    return z


def _tc_mlp_body(h_ref, agg_ref, w1_ref, b1_ref, w2_ref, b2_ref, out_ref):
    out_ref[...] = _mlp_block(h_ref, agg_ref, w1_ref, b1_ref, w2_ref, b2_ref)


def _tc_mlp_fc_body(h_ref, agg_ref, w1_ref, b1_ref, w2_ref, b2_ref,
                    wfc_ref, bfc_ref, out_ref):
    z = _mlp_block(h_ref, agg_ref, w1_ref, b1_ref, w2_ref, b2_ref)
    out_ref[...] = jnp.dot(z, wfc_ref[...], preferred_element_type=jnp.float32
                           ) + bfc_ref[...]


def _full(shape):
    return pl.BlockSpec(shape, lambda i: tuple(0 for _ in shape))


_H_SPEC = pl.BlockSpec((BM, D), lambda i: (i, 0))
_AGG_SPEC = pl.BlockSpec((NC, BM, D), lambda i: (0, i, 0))


def _tc_mlp(h, agg, w1, b1, w2, b2):
    return pl.pallas_call(
        _tc_mlp_body,
        grid=(N // BM,),
        in_specs=[_H_SPEC, _AGG_SPEC, _full((D, D)), _full((1, D)),
                  _full((D, D)), _full((1, D))],
        out_specs=_H_SPEC,
        out_shape=jax.ShapeDtypeStruct((N, D), jnp.float32),
    )(h, agg, w1, b1, w2, b2)


def _tc_mlp_fc(h, agg, w1, b1, w2, b2, wfc, bfc):
    return pl.pallas_call(
        _tc_mlp_fc_body,
        grid=(N // BM,),
        in_specs=[_H_SPEC, _AGG_SPEC, _full((D, D)), _full((1, D)),
                  _full((D, D)), _full((1, D)), _full((D, C)), _full((1, C))],
        out_specs=pl.BlockSpec((BM, C), lambda i: (i, 0)),
        out_shape=jax.ShapeDtypeStruct((N, C), jnp.float32),
    )(h, agg, w1, b1, w2, b2, wfc, bfc)


def kernel(x, edge_index, weight, W1_0, b1_0, W2_0, b2_0, W1_1, b1_1, W2_1,
           b2_1, W1_2, b1_2, W2_2, b2_2, Wfc, bfc):
    del weight
    ar = np.arange(E_PAD - E, dtype=np.int32)
    src_p = jnp.concatenate([edge_index[0], jnp.asarray(ar % N)])
    dst_p = jnp.concatenate([edge_index[1], jnp.asarray(N + ar % (N_PAD - N))])
    zeros = jnp.asarray(np.zeros((N_PAD, D), np.float32))

    h = x
    for (w1, b1, w2, b2) in ((W1_0, b1_0, W2_0, b2_0), (W1_1, b1_1, W2_1, b2_1)):
        agg = _sc_aggregate(h, src_p, dst_p, zeros)
        h = _tc_mlp(h, agg, w1.reshape(D, D), b1.reshape(1, D),
                    w2.reshape(D, D), b2.reshape(1, D))
    agg = _sc_aggregate(h, src_p, dst_p, zeros)
    out = _tc_mlp_fc(h, agg, W1_2, b1_2.reshape(1, D),
                     W2_2, b2_2.reshape(1, D), Wfc, bfc.reshape(1, C))
    return out

# --- scband reference (transcript-rebuilt; emitter-appended) ---
"""Pipeline reference for scband-gl-ginconv-3l-128h-44753559224362 (READ-ONLY COPY).

The authoritative reference and input builder live on the scoring server;
editing this copy changes nothing except your own understanding.
"""

import jax, jax.numpy as jnp
import numpy as np

N = 10000
E = 320000
D = 128
H = 128
C = 40


def setup_inputs(seed: int = 0) -> dict:
    key = jax.random.key(seed)
    ks = jax.random.split(key, 20)
    x = jax.random.normal(ks[0], (N, D), dtype=jnp.float32)
    edge_index = jax.random.randint(ks[1], (2, E), 0, N, dtype=jnp.int32)
    weight = jax.random.uniform(ks[2], (E,), dtype=jnp.float32)
    s_d = 1.0 / np.sqrt(D)
    s_h = 1.0 / np.sqrt(H)
    inp = {
        'x': x,
        'edge_index': edge_index,
        'weight': weight,
        'W1_0': jax.random.normal(ks[3], (D, H), dtype=jnp.float32) * s_d,
        'b1_0': jnp.zeros((H,), dtype=jnp.float32),
        'W2_0': jax.random.normal(ks[4], (H, H), dtype=jnp.float32) * s_h,
        'b2_0': jnp.zeros((H,), dtype=jnp.float32),
        'W1_1': jax.random.normal(ks[5], (H, H), dtype=jnp.float32) * s_h,
        'b1_1': jnp.zeros((H,), dtype=jnp.float32),
        'W2_1': jax.random.normal(ks[6], (H, H), dtype=jnp.float32) * s_h,
        'b2_1': jnp.zeros((H,), dtype=jnp.float32),
        'W1_2': jax.random.normal(ks[7], (H, H), dtype=jnp.float32) * s_h,
        'b1_2': jnp.zeros((H,), dtype=jnp.float32),
        'W2_2': jax.random.normal(ks[8], (H, H), dtype=jnp.float32) * s_h,
        'b2_2': jnp.zeros((H,), dtype=jnp.float32),
        'Wfc': jax.random.normal(ks[9], (H, C), dtype=jnp.float32) * s_h,
        'bfc': jnp.zeros((C,), dtype=jnp.float32),
    }
    return inp


def reference(x, edge_index, weight, W1_0, b1_0, W2_0, b2_0, W1_1, b1_1, W2_1, b2_1, W1_2, b1_2, W2_2, b2_2, Wfc, bfc):
    # GINConv with eps=0: h' = MLP((1+eps)*h + sum_{j in N(i)} h_j)
    # edge_index[0] = source nodes, edge_index[1] = destination nodes
    src = edge_index[0]
    dst = edge_index[1]
    layers = [(W1_0, b1_0, W2_0, b2_0), (W1_1, b1_1, W2_1, b2_1), (W1_2, b1_2, W2_2, b2_2)]
    h = x
    for (W1, b1, W2, b2) in layers:
        msgs = h[src]  # gather source node features per edge
        agg = jnp.zeros_like(h).at[dst].add(msgs)  # scatter-add to destination nodes
        z = h + agg  # (1 + eps) * h + agg, eps = 0.0
        z = jax.nn.elu(z @ W1 + b1)
        z = jax.nn.elu(z @ W2 + b2)
        h = z
    out = h @ Wfc + bfc
    return out

if __name__ == "__main__":
    import jax
    _d = setup_inputs()
    print(jax.jit(kernel)(*tuple(_d.values())))

</pallas_src>

<mosaic_0001>
#map = affine_map<(d0, d1) -> (0, 0)>
#map1 = affine_map<(d0, d1) -> (0)>
#map2 = affine_map<(d0, d1) -> (0, 0, 0)>
module attributes {stable_mosaic.version = 14 : i64} {
  func.func @sc_aggregate(%arg0: i32, %arg1: i32, %arg2: memref<10000x128xf32, #tpu.memory_space<hbm>>, %arg3: memref<327680xi32, #tpu.memory_space<hbm>>, %arg4: memref<327680xi32, #tpu.memory_space<hbm>>, %arg5: memref<10112x128xf32, #tpu.memory_space<hbm>>, %arg6: memref<2x10112x128xf32, #tpu.memory_space<hbm>>, %arg7: memref<4x128xi32, #tpu.memory_space<vmem>>, %arg8: memref<4x128xi32, #tpu.memory_space<vmem>>, %arg9: memref<2x128x128xf32, #tpu.memory_space<vmem>>, %arg10: memref<10112x128xf32, #tpu.memory_space<vmem_shared>>, %arg11: memref<!tpu.dma_semaphore, #tpu.memory_space<semaphore_mem>>, %arg12: memref<!tpu.dma_semaphore, #tpu.memory_space<semaphore_mem>>, %arg13: memref<!tpu.dma_semaphore, #tpu.memory_space<semaphore_mem>>, %arg14: memref<!tpu.dma_semaphore, #tpu.memory_space<semaphore_mem>>, %arg15: memref<!tpu.dma_semaphore, #tpu.memory_space<semaphore_mem>>, %arg16: memref<!tpu.dma_semaphore, #tpu.memory_space<semaphore_mem>>, %arg17: memref<!tpu.dma_semaphore, #tpu.memory_space<semaphore_mem>>, %arg18: memref<!tpu.dma_semaphore, #tpu.memory_space<semaphore_mem>>, %arg19: memref<!tpu.dma_semaphore, #tpu.memory_space<semaphore_mem>>, %arg20: memref<!tpu.dma_semaphore, #tpu.memory_space<semaphore_mem>>) attributes {dimension_semantics = [#tpu.dimension_semantics<core_parallel>, #tpu.dimension_semantics<subcore_parallel>], iteration_bounds = array<i64: 2, 16>, scalar_prefetch = 0 : i64, scratch_operands = 14 : i64, tpu.core_type = #tpu.core_type<sc_vector_subcore>, window_params = [{transform_indices = #map}, {transform_indices = #map1}, {transform_indices = #map1}, {transform_indices = #map}, {transform_indices = #map2}]} {
    %mul3A = arith.constant 632 : i32
    %mul3A_0 = arith.muli %arg1, %mul3A : i32
    %mul3A_1 = arith.constant 16 : i32
    %mul3A_2 = arith.muli %arg0, %mul3A_1 : i32
    %add3A = arith.addi %mul3A_2, %arg1 : i32
    %mul3A_3 = arith.constant 80 : i32
    %mul3A_4 = arith.muli %add3A, %mul3A_3 : i32
    %add3A_5 = arith.constant 0 : i32
    %add3A_6 = arith.addi %mul3A_4, %add3A_5 : i32
    %mul3A_7 = arith.constant 128 : i32
    %mul3A_8 = arith.muli %add3A_6, %mul3A_7 : i32
    %dma_start3A = arith.constant 0 : i32
    %dma_start3A_9 = arith.constant 0 : i32
    %dma_start3A_10 = tpu.memref_slice %arg7[%dma_start3A, %dma_start3A_9] : memref<4x128xi32, #tpu.memory_space<vmem>> -> memref<1x128xi32, #tpu.memory_space<vmem>>
    %dma_start3A_11 = tpu.memref_squeeze %dma_start3A_10 : memref<1x128xi32, #tpu.memory_space<vmem>> -> memref<128xi32, #tpu.memory_space<vmem>>
    %dma_start3A_12 = tpu.memref_slice %arg3[%mul3A_8] : memref<327680xi32, #tpu.memory_space<hbm>> -> memref<128xi32, #tpu.memory_space<hbm>>
    %dma_start3A_13 = arith.constant 0 : i32
    %dma_start3A_14 = tpu.memref_slice %arg7[%dma_start3A, %dma_start3A_13] : memref<4x128xi32, #tpu.memory_space<vmem>> -> memref<1x128xi32, #tpu.memory_space<vmem>>
    %dma_start3A_15 = tpu.memref_squeeze %dma_start3A_14 : memref<1x128xi32, #tpu.memory_space<vmem>> -> memref<128xi32, #tpu.memory_space<vmem>>
    %dma_start3A_16 = tpu.memref_slice %arg3[%mul3A_8] : memref<327680xi32, #tpu.memory_space<hbm>> -> memref<128xi32, #tpu.memory_space<hbm>>
    tpu.enqueue_dma source(%dma_start3A_16 : memref<128xi32, #tpu.memory_space<hbm>>) target(%dma_start3A_15 : memref<128xi32, #tpu.memory_space<vmem>>) target_semaphore(%arg13 : memref<!tpu.dma_semaphore, #tpu.memory_space<semaphore_mem>>)
    %dma_start3A_17 = arith.constant 0 : i32
    %dma_start3A_18 = arith.constant 0 : i32
    %dma_start3A_19 = tpu.memref_slice %arg8[%dma_start3A_17, %dma_start3A_18] : memref<4x128xi32, #tpu.memory_space<vmem>> -> memref<1x128xi32, #tpu.memory_space<vmem>>
    %dma_start3A_20 = tpu.memref_squeeze %dma_start3A_19 : memref<1x128xi32, #tpu.memory_space<vmem>> -> memref<128xi32, #tpu.memory_space<vmem>>
    %dma_start3A_21 = tpu.memref_slice %arg4[%mul3A_8] : memref<327680xi32, #tpu.memory_space<hbm>> -> memref<128xi32, #tpu.memory_space<hbm>>
    %dma_start3A_22 = arith.constant 0 : i32
    %dma_start3A_23 = tpu.memref_slice %arg8[%dma_start3A_17, %dma_start3A_22] : memref<4x128xi32, #tpu.memory_space<vmem>> -> memref<1x128xi32, #tpu.memory_space<vmem>>
    %dma_start3A_24 = tpu.memref_squeeze %dma_start3A_23 : memref<1x128xi32, #tpu.memory_space<vmem>> -> memref<128xi32, #tpu.memory_space<vmem>>
    %dma_start3A_25 = tpu.memref_slice %arg4[%mul3A_8] : memref<327680xi32, #tpu.memory_space<hbm>> -> memref<128xi32, #tpu.memory_space<hbm>>
    tpu.enqueue_dma source(%dma_start3A_25 : memref<128xi32, #tpu.memory_space<hbm>>) target(%dma_start3A_24 : memref<128xi32, #tpu.memory_space<vmem>>) target_semaphore(%arg17 : memref<!tpu.dma_semaphore, #tpu.memory_space<semaphore_mem>>)
    %add3A_26 = arith.constant 1 : i32
    %add3A_27 = arith.addi %mul3A_4, %add3A_26 : i32
    %mul3A_28 = arith.constant 128 : i32
    %mul3A_29 = arith.muli %add3A_27, %mul3A_28 : i32
    %dma_start3A_30 = arith.constant 1 : i32
    %dma_start3A_31 = arith.constant 0 : i32
    %dma_start3A_32 = tpu.memref_slice %arg7[%dma_start3A_30, %dma_start3A_31] : memref<4x128xi32, #tpu.memory_space<vmem>> -> memref<1x128xi32, #tpu.memory_space<vmem>>
    %dma_start3A_33 = tpu.memref_squeeze %dma_start3A_32 : memref<1x128xi32, #tpu.memory_space<vmem>> -> memref<128xi32, #tpu.memory_space<vmem>>
    %dma_start3A_34 = tpu.memref_slice %arg3[%mul3A_29] : memref<327680xi32, #tpu.memory_space<hbm>> -> memref<128xi32, #tpu.memory_space<hbm>>
    %dma_start3A_35 = arith.constant 0 : i32
    %dma_start3A_36 = tpu.memref_slice %arg7[%dma_start3A_30, %dma_start3A_35] : memref<4x128xi32, #tpu.memory_space<vmem>> -> memref<1x128xi32, #tpu.memory_space<vmem>>
    %dma_start3A_37 = tpu.memref_squeeze %dma_start3A_36 : memref<1x128xi32, #tpu.memory_space<vmem>> -> memref<128xi32, #tpu.memory_space<vmem>>
    %dma_start3A_38 = tpu.memref_slice %arg3[%mul3A_29] : memref<327680xi32, #tpu.memory_space<hbm>> -> memref<128xi32, #tpu.memory_space<hbm>>
    tpu.enqueue_dma source(%dma_start3A_38 : memref<128xi32, #tpu.memory_space<hbm>>) target(%dma_start3A_37 : memref<128xi32, #tpu.memory_space<vmem>>) target_semaphore(%arg14 : memref<!tpu.dma_semaphore, #tpu.memory_space<semaphore_mem>>)
    %dma_start3A_39 = arith.constant 1 : i32
    %dma_start3A_40 = arith.constant 0 : i32
    %dma_start3A_41 = tpu.memref_slice %arg8[%dma_start3A_39, %dma_start3A_40] : memref<4x128xi32, #tpu.memory_space<vmem>> -> memref<1x128xi32, #tpu.memory_space<vmem>>
    %dma_start3A_42 = tpu.memref_squeeze %dma_start3A_41 : memref<1x128xi32, #tpu.memory_space<vmem>> -> memref<128xi32, #tpu.memory_space<vmem>>
    %dma_start3A_43 = tpu.memref_slice %arg4[%mul3A_29] : memref<327680xi32, #tpu.memory_space<hbm>> -> memref<128xi32, #tpu.memory_space<hbm>>
    %dma_start3A_44 = arith.constant 0 : i32
    %dma_start3A_45 = tpu.memref_slice %arg8[%dma_start3A_39, %dma_start3A_44] : memref<4x128xi32, #tpu.memory_space<vmem>> -> memref<1x128xi32, #tpu.memory_space<vmem>>
    %dma_start3A_46 = tpu.memref_squeeze %dma_start3A_45 : memref<1x128xi32, #tpu.memory_space<vmem>> -> memref<128xi32, #tpu.memory_space<vmem>>
    %dma_start3A_47 = tpu.memref_slice %arg4[%mul3A_29] : memref<327680xi32, #tpu.memory_space<hbm>> -> memref<128xi32, #tpu.memory_space<hbm>>
    tpu.enqueue_dma source(%dma_start3A_47 : memref<128xi32, #tpu.memory_space<hbm>>) target(%dma_start3A_46 : memref<128xi32, #tpu.memory_space<vmem>>) target_semaphore(%arg18 : memref<!tpu.dma_semaphore, #tpu.memory_space<semaphore_mem>>)
    %add3A_48 = arith.constant 2 : i32
    %add3A_49 = arith.addi %mul3A_4, %add3A_48 : i32
    %mul3A_50 = arith.constant 128 : i32
    %mul3A_51 = arith.muli %add3A_49, %mul3A_50 : i32
    %dma_start3A_52 = arith.constant 2 : i32
    %dma_start3A_53 = arith.constant 0 : i32
    %dma_start3A_54 = tpu.memref_slice %arg7[%dma_start3A_52, %dma_start3A_53] : memref<4x128xi32, #tpu.memory_space<vmem>> -> memref<1x128xi32, #tpu.memory_space<vmem>>
    %dma_start3A_55 = tpu.memref_squeeze %dma_start3A_54 : memref<1x128xi32, #tpu.memory_space<vmem>> -> memref<128xi32, #tpu.memory_space<vmem>>
    %dma_start3A_56 = tpu.memref_slice %arg3[%mul3A_51] : memref<327680xi32, #tpu.memory_space<hbm>> -> memref<128xi32, #tpu.memory_space<hbm>>
    %dma_start3A_57 = arith.constant 0 : i32
    %dma_start3A_58 = tpu.memref_slice %arg7[%dma_start3A_52, %dma_start3A_57] : memref<4x128xi32, #tpu.memory_space<vmem>> -> memref<1x128xi32, #tpu.memory_space<vmem>>
    %dma_start3A_59 = tpu.memref_squeeze %dma_start3A_58 : memref<1x128xi32, #tpu.memory_space<vmem>> -> memref<128xi32, #tpu.memory_space<vmem>>
    %dma_start3A_60 = tpu.memref_slice %arg3[%mul3A_51] : memref<327680xi32, #tpu.memory_space<hbm>> -> memref<128xi32, #tpu.memory_space<hbm>>
    tpu.enqueue_dma source(%dma_start3A_60 : memref<128xi32, #tpu.memory_space<hbm>>) target(%dma_start3A_59 : memref<128xi32, #tpu.memory_space<vmem>>) target_semaphore(%arg15 : memref<!tpu.dma_semaphore, #tpu.memory_space<semaphore_mem>>)
    %dma_start3A_61 = arith.constant 2 : i32
    %dma_start3A_62 = arith.constant 0 : i32
    %dma_start3A_63 = tpu.memref_slice %arg8[%dma_start3A_61, %dma_start3A_62] : memref<4x128xi32, #tpu.memory_space<vmem>> -> memref<1x128xi32, #tpu.memory_space<vmem>>
    %dma_start3A_64 = tpu.memref_squeeze %dma_start3A_63 : memref<1x128xi32, #tpu.memory_space<vmem>> -> memref<128xi32, #tpu.memory_space<vmem>>
    %dma_start3A_65 = tpu.memref_slice %arg4[%mul3A_51] : memref<327680xi32, #tpu.memory_space<hbm>> -> memref<128xi32, #tpu.memory_space<hbm>>
    %dma_start3A_66 = arith.constant 0 : i32
    %dma_start3A_67 = tpu.memref_slice %arg8[%dma_start3A_61, %dma_start3A_66] : memref<4x128xi32, #tpu.memory_space<vmem>> -> memref<1x128xi32, #tpu.memory_space<vmem>>
    %dma_start3A_68 = tpu.memref_squeeze %dma_start3A_67 : memref<1x128xi32, #tpu.memory_space<vmem>> -> memref<128xi32, #tpu.memory_space<vmem>>
    %dma_start3A_69 = tpu.memref_slice %arg4[%mul3A_51] : memref<327680xi32, #tpu.memory_space<hbm>> -> memref<128xi32, #tpu.memory_space<hbm>>
    tpu.enqueue_dma source(%dma_start3A_69 : memref<128xi32, #tpu.memory_space<hbm>>) target(%dma_start3A_68 : memref<128xi32, #tpu.memory_space<vmem>>) target_semaphore(%arg19 : memref<!tpu.dma_semaphore, #tpu.memory_space<semaphore_mem>>)
    %add3A_70 = arith.constant 3 : i32
    %add3A_71 = arith.addi %mul3A_4, %add3A_70 : i32
    %mul3A_72 = arith.constant 128 : i32
    %mul3A_73 = arith.muli %add3A_71, %mul3A_72 : i32
    %dma_start3A_74 = arith.constant 3 : i32
    %dma_start3A_75 = arith.constant 0 : i32
    %dma_start3A_76 = tpu.memref_slice %arg7[%dma_start3A_74, %dma_start3A_75] : memref<4x128xi32, #tpu.memory_space<vmem>> -> memref<1x128xi32, #tpu.memory_space<vmem>>
    %dma_start3A_77 = tpu.memref_squeeze %dma_start3A_76 : memref<1x128xi32, #tpu.memory_space<vmem>> -> memref<128xi32, #tpu.memory_space<vmem>>
    %dma_start3A_78 = tpu.memref_slice %arg3[%mul3A_73] : memref<327680xi32, #tpu.memory_space<hbm>> -> memref<128xi32, #tpu.memory_space<hbm>>
    %dma_start3A_79 = arith.constant 0 : i32
    %dma_start3A_80 = tpu.memref_slice %arg7[%dma_start3A_74, %dma_start3A_79] : memref<4x128xi32, #tpu.memory_space<vmem>> -> memref<1x128xi32, #tpu.memory_space<vmem>>
    %dma_start3A_81 = tpu.memref_squeeze %dma_start3A_80 : memref<1x128xi32, #tpu.memory_space<vmem>> -> memref<128xi32, #tpu.memory_space<vmem>>
    %dma_start3A_82 = tpu.memref_slice %arg3[%mul3A_73] : memref<327680xi32, #tpu.memory_space<hbm>> -> memref<128xi32, #tpu.memory_space<hbm>>
    tpu.enqueue_dma source(%dma_start3A_82 : memref<128xi32, #tpu.memory_space<hbm>>) target(%dma_start3A_81 : memref<128xi32, #tpu.memory_space<vmem>>) target_semaphore(%arg16 : memref<!tpu.dma_semaphore, #tpu.memory_space<semaphore_mem>>)
    %dma_start3A_83 = arith.constant 3 : i32
    %dma_start3A_84 = arith.constant 0 : i32
    %dma_start3A_85 = tpu.memref_slice %arg8[%dma_start3A_83, %dma_start3A_84] : memref<4x128xi32, #tpu.memory_space<vmem>> -> memref<1x128xi32, #tpu.memory_space<vmem>>
    %dma_start3A_86 = tpu.memref_squeeze %dma_start3A_85 : memref<1x128xi32, #tpu.memory_space<vmem>> -> memref<128xi32, #tpu.memory_space<vmem>>
    %dma_start3A_87 = tpu.memref_slice %arg4[%mul3A_73] : memref<327680xi32, #tpu.memory_space<hbm>> -> memref<128xi32, #tpu.memory_space<hbm>>
    %dma_start3A_88 = arith.constant 0 : i32
    %dma_start3A_89 = tpu.memref_slice %arg8[%dma_start3A_83, %dma_start3A_88] : memref<4x128xi32, #tpu.memory_space<vmem>> -> memref<1x128xi32, #tpu.memory_space<vmem>>
    %dma_start3A_90 = tpu.memref_squeeze %dma_start3A_89 : memref<1x128xi32, #tpu.memory_space<vmem>> -> memref<128xi32, #tpu.memory_space<vmem>>
    %dma_start3A_91 = tpu.memref_slice %arg4[%mul3A_73] : memref<327680xi32, #tpu.memory_space<hbm>> -> memref<128xi32, #tpu.memory_space<hbm>>
    tpu.enqueue_dma source(%dma_start3A_91 : memref<128xi32, #tpu.memory_space<hbm>>) target(%dma_start3A_90 : memref<128xi32, #tpu.memory_space<vmem>>) target_semaphore(%arg20 : memref<!tpu.dma_semaphore, #tpu.memory_space<semaphore_mem>>)
    "tpu.region"() ({
      %run_scoped3A = tpu.sem_alloc : memref<!tpu.dma_semaphore, #tpu.memory_space<semaphore_mem>>
      %dma_start3A_143 = arith.constant 0 : i32
      %dma_start3A_144 = tpu.memref_slice %arg10[%mul3A_0, %dma_start3A_143] : memref<10112x128xf32, #tpu.memory_space<vmem_shared>> -> memref<632x128xf32, #tpu.memory_space<vmem_shared>>
      %dma_start3A_145 = arith.constant 0 : i32
      %dma_start3A_146 = tpu.memref_slice %arg5[%mul3A_0, %dma_start3A_145] : memref<10112x128xf32, #tpu.memory_space<hbm>> -> memref<632x128xf32, #tpu.memory_space<hbm>>
      tpu.enqueue_dma source(%dma_start3A_146 : memref<632x128xf32, #tpu.memory_space<hbm>>) target(%dma_start3A_144 : memref<632x128xf32, #tpu.memory_space<vmem_shared>>) target_semaphore(%run_scoped3A : memref<!tpu.dma_semaphore, #tpu.memory_space<semaphore_mem>>)
      %dma_wait3A_147 = arith.constant 0 : i32
      %dma_wait3A_148 = tpu.memref_slice %arg10[%mul3A_0, %dma_wait3A_147] : memref<10112x128xf32, #tpu.memory_space<vmem_shared>> -> memref<632x128xf32, #tpu.memory_space<vmem_shared>>
      %dma_wait3A_149 = arith.constant 0 : i32
      %dma_wait3A_150 = tpu.memref_slice %arg5[%mul3A_0, %dma_wait3A_149] : memref<10112x128xf32, #tpu.memory_space<hbm>> -> memref<632x128xf32, #tpu.memory_space<hbm>>
      tpu.wait_dma2 semaphore(%run_scoped3A : memref<!tpu.dma_semaphore, #tpu.memory_space<semaphore_mem>>) src(%dma_wait3A_150 : memref<632x128xf32, #tpu.memory_space<hbm>>) dst(%dma_wait3A_148 : memref<632x128xf32, #tpu.memory_space<vmem_shared>>)
      tpu.yield
    }) : () -> ()
    %dma_wait3A = arith.constant 0 : i32
    %dma_wait3A_92 = arith.constant 0 : i32
    %dma_wait3A_93 = tpu.memref_slice %arg7[%dma_wait3A, %dma_wait3A_92] : memref<4x128xi32, #tpu.memory_space<vmem>> -> memref<1x128xi32, #tpu.memory_space<vmem>>
    %dma_wait3A_94 = tpu.memref_squeeze %dma_wait3A_93 : memref<1x128xi32, #tpu.memory_space<vmem>> -> memref<128xi32, #tpu.memory_space<vmem>>
    %dma_wait3A_95 = arith.constant 0 : i32
    %dma_wait3A_96 = tpu.memref_slice %arg3[%dma_wait3A_95] : memref<327680xi32, #tpu.memory_space<hbm>> -> memref<128xi32, #tpu.memory_space<hbm>>
    %dma_wait3A_97 = arith.constant 0 : i32
    %dma_wait3A_98 = tpu.memref_slice %arg7[%dma_wait3A, %dma_wait3A_97] : memref<4x128xi32, #tpu.memory_space<vmem>> -> memref<1x128xi32, #tpu.memory_space<vmem>>
    %dma_wait3A_99 = tpu.memref_squeeze %dma_wait3A_98 : memref<1x128xi32, #tpu.memory_space<vmem>> -> memref<128xi32, #tpu.memory_space<vmem>>
    %dma_wait3A_100 = arith.constant 0 : i32
    %dma_wait3A_101 = tpu.memref_slice %arg3[%dma_wait3A_100] : memref<327680xi32, #tpu.memory_space<hbm>> -> memref<128xi32, #tpu.memory_space<hbm>>
    tpu.wait_dma2 semaphore(%arg13 : memref<!tpu.dma_semaphore, #tpu.memory_space<semaphore_mem>>) src(%dma_wait3A_101 : memref<128xi32, #tpu.memory_space<hbm>>) dst(%dma_wait3A_99 : memref<128xi32, #tpu.memory_space<vmem>>)
    %dma_start3A_102 = arith.constant 0 : i32
    %dma_start3A_103 = arith.constant 0 : i32
    %dma_start3A_104 = arith.constant 0 : i32
    %dma_start3A_105 = arith.constant 0 : i32
    %dma_start3A_106 = tpu.memref_slice %arg9[%dma_start3A_103, %dma_start3A_104, %dma_start3A_105] : memref<2x128x128xf32, #tpu.memory_space<vmem>> -> memref<1x128x128xf32, #tpu.memory_space<vmem>>
    %dma_start3A_107 = tpu.memref_squeeze %dma_start3A_106 : memref<1x128x128xf32, #tpu.memory_space<vmem>> -> memref<128x128xf32, #tpu.memory_space<vmem>>
    %dma_start3A_108 = arith.constant 0 : i32
    %dma_start3A_109 = tpu.memref_slice %arg7[%dma_start3A_102, %dma_start3A_108] : memref<4x128xi32, #tpu.memory_space<vmem>> -> memref<1x128xi32, #tpu.memory_space<vmem>>
    %dma_start3A_110 = tpu.memref_squeeze %dma_start3A_109 : memref<1x128xi32, #tpu.memory_space<vmem>> -> memref<128xi32, #tpu.memory_space<vmem>>
    %dma_start3A_111 = arith.constant 0 : i32
    %dma_start3A_112 = arith.constant 0 : i32
    %dma_start3A_113 = tpu.memref_slice %arg2[%dma_start3A_111, %dma_start3A_112] : memref<10000x128xf32, #tpu.memory_space<hbm>> -> memref<10000x128xf32, #tpu.memory_space<hbm>>
    tpu.enqueue_indirect_dma source(%dma_start3A_113 : memref<10000x128xf32, #tpu.memory_space<hbm>>) target(%dma_start3A_107 : memref<128x128xf32, #tpu.memory_space<vmem>>) offsets(%dma_start3A_110 : memref<128xi32, #tpu.memory_space<vmem>>) semaphore(%arg11 : memref<!tpu.dma_semaphore, #tpu.memory_space<semaphore_mem>>)
    %dma_wait3A_114 = arith.constant 1 : i32
    %dma_wait3A_115 = arith.constant 0 : i32
    %dma_wait3A_116 = tpu.memref_slice %arg7[%dma_wait3A_114, %dma_wait3A_115] : memref<4x128xi32, #tpu.memory_space<vmem>> -> memref<1x128xi32, #tpu.memory_space<vmem>>
    %dma_wait3A_117 = tpu.memref_squeeze %dma_wait3A_116 : memref<1x128xi32, #tpu.memory_space<vmem>> -> memref<128xi32, #tpu.memory_space<vmem>>
    %dma_wait3A_118 = arith.constant 0 : i32
    %dma_wait3A_119 = tpu.memref_slice %arg3[%dma_wait3A_118] : memref<327680xi32, #tpu.memory_space<hbm>> -> memref<128xi32, #tpu.memory_space<hbm>>
    %dma_wait3A_120 = arith.constant 0 : i32
    %dma_wait3A_121 = tpu.memref_slice %arg7[%dma_wait3A_114, %dma_wait3A_120] : memref<4x128xi32, #tpu.memory_space<vmem>> -> memref<1x128xi32, #tpu.memory_space<vmem>>
    %dma_wait3A_122 = tpu.memref_squeeze %dma_wait3A_121 : memref<1x128xi32, #tpu.memory_space<vmem>> -> memref<128xi32, #tpu.memory_space<vmem>>
    %dma_wait3A_123 = arith.constant 0 : i32
    %dma_wait3A_124 = tpu.memref_slice %arg3[%dma_wait3A_123] : memref<327680xi32, #tpu.memory_space<hbm>> -> memref<128xi32, #tpu.memory_space<hbm>>
    tpu.wait_dma2 semaphore(%arg14 : memref<!tpu.dma_semaphore, #tpu.memory_space<semaphore_mem>>) src(%dma_wait3A_124 : memref<128xi32, #tpu.memory_space<hbm>>) dst(%dma_wait3A_122 : memref<128xi32, #tpu.memory_space<vmem>>)
    %dma_start3A_125 = arith.constant 1 : i32
    %dma_start3A_126 = arith.constant 1 : i32
    %dma_start3A_127 = arith.constant 0 : i32
    %dma_start3A_128 = arith.constant 0 : i32
    %dma_start3A_129 = tpu.memref_slice %arg9[%dma_start3A_126, %dma_start3A_127, %dma_start3A_128] : memref<2x128x128xf32, #tpu.memory_space<vmem>> -> memref<1x128x128xf32, #tpu.memory_space<vmem>>
    %dma_start3A_130 = tpu.memref_squeeze %dma_start3A_129 : memref<1x128x128xf32, #tpu.memory_space<vmem>> -> memref<128x128xf32, #tpu.memory_space<vmem>>
    %dma_start3A_131 = arith.constant 0 : i32
    %dma_start3A_132 = tpu.memref_slice %arg7[%dma_start3A_125, %dma_start3A_131] : memref<4x128xi32, #tpu.memory_space<vmem>> -> memref<1x128xi32, #tpu.memory_space<vmem>>
    %dma_start3A_133 = tpu.memref_squeeze %dma_start3A_132 : memref<1x128xi32, #tpu.memory_space<vmem>> -> memref<128xi32, #tpu.memory_space<vmem>>
    %dma_start3A_134 = arith.constant 0 : i32
    %dma_start3A_135 = arith.constant 0 : i32
    %dma_start3A_136 = tpu.memref_slice %arg2[%dma_start3A_134, %dma_start3A_135] : memref<10000x128xf32, #tpu.memory_space<hbm>> -> memref<10000x128xf32, #tpu.memory_space<hbm>>
    tpu.enqueue_indirect_dma source(%dma_start3A_136 : memref<10000x128xf32, #tpu.memory_space<hbm>>) target(%dma_start3A_130 : memref<128x128xf32, #tpu.memory_space<vmem>>) offsets(%dma_start3A_133 : memref<128xi32, #tpu.memory_space<vmem>>) semaphore(%arg12 : memref<!tpu.dma_semaphore, #tpu.memory_space<semaphore_mem>>)
    %barrier3A = arith.constant 0 : index
    tpu.barrier barrier_id(%barrier3A)
    %scan3A = arith.constant 0 : i32
    %scan3A_137 = arith.constant 0 : i32
    %scan3A_138 = arith.constant 20 : i32
    %scan3A_139 = arith.addi %scan3A_137, %scan3A_138 : i32
    %scan3A_140 = arith.constant 1 : i32
    scf.for %scan3A_143 = %scan3A_137 to %scan3A_139 step %scan3A_140  : i32 {
      %mul3A_144 = arith.constant 4 : i32
      %mul3A_145 = arith.muli %scan3A_143, %mul3A_144 : i32
      %add3A_146 = arith.constant 0 : i32
      %add3A_147 = arith.addi %mul3A_145, %add3A_146 : i32
      %dma_wait3A_148 = arith.constant 0 : i32
      %dma_wait3A_149 = arith.constant 0 : i32
      %dma_wait3A_150 = arith.constant 0 : i32
      %dma_wait3A_151 = arith.constant 0 : i32
      %dma_wait3A_152 = tpu.memref_slice %arg9[%dma_wait3A_149, %dma_wait3A_150, %dma_wait3A_151] : memref<2x128x128xf32, #tpu.memory_space<vmem>> -> memref<1x128x128xf32, #tpu.memory_space<vmem>>
      %dma_wait3A_153 = tpu.memref_squeeze %dma_wait3A_152 : memref<1x128x128xf32, #tpu.memory_space<vmem>> -> memref<128x128xf32, #tpu.memory_space<vmem>>
      %dma_wait3A_154 = arith.constant 0 : i32
      %dma_wait3A_155 = tpu.memref_slice %arg7[%dma_wait3A_148, %dma_wait3A_154] : memref<4x128xi32, #tpu.memory_space<vmem>> -> memref<1x128xi32, #tpu.memory_space<vmem>>
      %dma_wait3A_156 = tpu.memref_squeeze %dma_wait3A_155 : memref<1x128xi32, #tpu.memory_space<vmem>> -> memref<128xi32, #tpu.memory_space<vmem>>
      %dma_wait3A_157 = arith.constant 0 : i32
      %dma_wait3A_158 = arith.constant 0 : i32
      %dma_wait3A_159 = tpu.memref_slice %arg2[%dma_wait3A_157, %dma_wait3A_158] : memref<10000x128xf32, #tpu.memory_space<hbm>> -> memref<10000x128xf32, #tpu.memory_space<hbm>>
      tpu.wait_indirect_dma semaphore(%arg11 : memref<!tpu.dma_semaphore, #tpu.memory_space<semaphore_mem>>) src(%dma_wait3A_159 : memref<10000x128xf32, #tpu.memory_space<hbm>>) dst(%dma_wait3A_153 : memref<128x128xf32, #tpu.memory_space<vmem>>)
      %dma_wait3A_160 = arith.constant 0 : i32
      %dma_wait3A_161 = arith.constant 0 : i32
      %dma_wait3A_162 = tpu.memref_slice %arg8[%dma_wait3A_160, %dma_wait3A_161] : memref<4x128xi32, #tpu.memory_space<vmem>> -> memref<1x128xi32, #tpu.memory_space<vmem>>
      %dma_wait3A_163 = tpu.memref_squeeze %dma_wait3A_162 : memref<1x128xi32, #tpu.memory_space<vmem>> -> memref<128xi32, #tpu.memory_space<vmem>>
      %dma_wait3A_164 = arith.constant 0 : i32
      %dma_wait3A_165 = tpu.memref_slice %arg3[%dma_wait3A_164] : memref<327680xi32, #tpu.memory_space<hbm>> -> memref<128xi32, #tpu.memory_space<hbm>>
      %dma_wait3A_166 = arith.constant 0 : i32
      %dma_wait3A_167 = tpu.memref_slice %arg8[%dma_wait3A_160, %dma_wait3A_166] : memref<4x128xi32, #tpu.memory_space<vmem>> -> memref<1x128xi32, #tpu.memory_space<vmem>>
      %dma_wait3A_168 = tpu.memref_squeeze %dma_wait3A_167 : memref<1x128xi32, #tpu.memory_space<vmem>> -> memref<128xi32, #tpu.memory_space<vmem>>
      %dma_wait3A_169 = arith.constant 0 : i32
      %dma_wait3A_170 = tpu.memref_slice %arg3[%dma_wait3A_169] : memref<327680xi32, #tpu.memory_space<hbm>> -> memref<128xi32, #tpu.memory_space<hbm>>
      tpu.wait_dma2 semaphore(%arg17 : memref<!tpu.dma_semaphore, #tpu.memory_space<semaphore_mem>>) src(%dma_wait3A_170 : memref<128xi32, #tpu.memory_space<hbm>>) dst(%dma_wait3A_168 : memref<128xi32, #tpu.memory_space<vmem>>)
      %run_scoped3A = arith.constant 0 : i32
      %run_scoped3A_171 = arith.constant 0 : i32
      "tpu.region"() ({
        %run_scoped3A_312 = tpu.sem_alloc : memref<!tpu.dma_semaphore, #tpu.memory_space<semaphore_mem>>
        %dma_start3A_313 = arith.constant 0 : i32
        %dma_start3A_314 = arith.constant 0 : i32
        %dma_start3A_315 = tpu.memref_slice %arg9[%run_scoped3A, %dma_start3A_313, %dma_start3A_314] : memref<2x128x128xf32, #tpu.memory_space<vmem>> -> memref<1x128x128xf32, #tpu.memory_space<vmem>>
        %dma_start3A_316 = tpu.memref_squeeze %dma_start3A_315 : memref<1x128x128xf32, #tpu.memory_space<vmem>> -> memref<128x128xf32, #tpu.memory_space<vmem>>
        %dma_start3A_317 = arith.constant 0 : i32
        %dma_start3A_318 = tpu.memref_slice %arg8[%run_scoped3A_171, %dma_start3A_317] : memref<4x128xi32, #tpu.memory_space<vmem>> -> memref<1x128xi32, #tpu.memory_space<vmem>>
        %dma_start3A_319 = tpu.memref_squeeze %dma_start3A_318 : memref<1x128xi32, #tpu.memory_space<vmem>> -> memref<128xi32, #tpu.memory_space<vmem>>
        %dma_start3A_320 = arith.constant 0 : i32
        %dma_start3A_321 = arith.constant 0 : i32
        %dma_start3A_322 = tpu.memref_slice %arg10[%dma_start3A_320, %dma_start3A_321] : memref<10112x128xf32, #tpu.memory_space<vmem_shared>> -> memref<10112x128xf32, #tpu.memory_space<vmem_shared>>
        tpu.enqueue_indirect_dma source(%dma_start3A_316 : memref<128x128xf32, #tpu.memory_space<vmem>>) target(%dma_start3A_322 : memref<10112x128xf32, #tpu.memory_space<vmem_shared>>) offsets(%dma_start3A_319 : memref<128xi32, #tpu.memory_space<vmem>>) semaphore(%run_scoped3A_312 : memref<!tpu.dma_semaphore, #tpu.memory_space<semaphore_mem>>) {add = true}
        %dma_wait3A_323 = arith.constant 0 : i32
        %dma_wait3A_324 = arith.constant 0 : i32
        %dma_wait3A_325 = tpu.memref_slice %arg9[%run_scoped3A, %dma_wait3A_323, %dma_wait3A_324] : memref<2x128x128xf32, #tpu.memory_space<vmem>> -> memref<1x128x128xf32, #tpu.memory_space<vmem>>
        %dma_wait3A_326 = tpu.memref_squeeze %dma_wait3A_325 : memref<1x128x128xf32, #tpu.memory_space<vmem>> -> memref<128x128xf32, #tpu.memory_space<vmem>>
        %dma_wait3A_327 = arith.constant 0 : i32
        %dma_wait3A_328 = tpu.memref_slice %arg8[%run_scoped3A_171, %dma_wait3A_327] : memref<4x128xi32, #tpu.memory_space<vmem>> -> memref<1x128xi32, #tpu.memory_space<vmem>>
        %dma_wait3A_329 = tpu.memref_squeeze %dma_wait3A_328 : memref<1x128xi32, #tpu.memory_space<vmem>> -> memref<128xi32, #tpu.memory_space<vmem>>
        %dma_wait3A_330 = arith.constant 0 : i32
        %dma_wait3A_331 = arith.constant 0 : i32
        %dma_wait3A_332 = tpu.memref_slice %arg10[%dma_wait3A_330, %dma_wait3A_331] : memref<10112x128xf32, #tpu.memory_space<vmem_shared>> -> memref<10112x128xf32, #tpu.memory_space<vmem_shared>>
        tpu.wait_indirect_dma semaphore(%run_scoped3A_312 : memref<!tpu.dma_semaphore, #tpu.memory_space<semaphore_mem>>) src(%dma_wait3A_326 : memref<128x128xf32, #tpu.memory_space<vmem>>) dst(%dma_wait3A_332 : memref<10112x128xf32, #tpu.memory_space<vmem_shared>>)
        tpu.yield
      }) : () -> ()
      %add3A_172 = arith.constant 4 : i32
      %add3A_173 = arith.addi %add3A_147, %add3A_172 : i32
      %lt3A = arith.constant 80 : i32
      %lt3A_174 = arith.cmpi slt, %add3A_173, %lt3A : i32
      %convert_element_type3A = arith.extui %lt3A_174 : i1 to i32
      %cond3A = arith.constant 0 : i32
      %cond3A_175 = arith.cmpi ne, %convert_element_type3A, %cond3A : i32
      scf.if %cond3A_175 {
        %add3A_312 = arith.addi %mul3A_4, %add3A_147 : i32
        %add3A_313 = arith.constant 4 : i32
        %add3A_314 = arith.addi %add3A_312, %add3A_313 : i32
        %mul3A_315 = arith.constant 128 : i32
        %mul3A_316 = arith.muli %add3A_314, %mul3A_315 : i32
        %dma_start3A_317 = arith.constant 0 : i32
        %dma_start3A_318 = arith.constant 0 : i32
        %dma_start3A_319 = tpu.memref_slice %arg7[%dma_start3A_317, %dma_start3A_318] : memref<4x128xi32, #tpu.memory_space<vmem>> -> memref<1x128xi32, #tpu.memory_space<vmem>>
        %dma_start3A_320 = tpu.memref_squeeze %dma_start3A_319 : memref<1x128xi32, #tpu.memory_space<vmem>> -> memref<128xi32, #tpu.memory_space<vmem>>
        %dma_start3A_321 = tpu.memref_slice %arg3[%mul3A_316] : memref<327680xi32, #tpu.memory_space<hbm>> -> memref<128xi32, #tpu.memory_space<hbm>>
        %dma_start3A_322 = arith.constant 0 : i32
        %dma_start3A_323 = tpu.memref_slice %arg7[%dma_start3A_317, %dma_start3A_322] : memref<4x128xi32, #tpu.memory_space<vmem>> -> memref<1x128xi32, #tpu.memory_space<vmem>>
        %dma_start3A_324 = tpu.memref_squeeze %dma_start3A_323 : memref<1x128xi32, #tpu.memory_space<vmem>> -> memref<128xi32, #tpu.memory_space<vmem>>
        %dma_start3A_325 = tpu.memref_slice %arg3[%mul3A_316] : memref<327680xi32, #tpu.memory_space<hbm>> -> memref<128xi32, #tpu.memory_space<hbm>>
        tpu.enqueue_dma source(%dma_start3A_325 : memref<128xi32, #tpu.memory_space<hbm>>) target(%dma_start3A_324 : memref<128xi32, #tpu.memory_space<vmem>>) target_semaphore(%arg13 : memref<!tpu.dma_semaphore, #tpu.memory_space<semaphore_mem>>)
        %dma_start3A_326 = arith.constant 0 : i32
        %dma_start3A_327 = arith.constant 0 : i32
        %dma_start3A_328 = tpu.memref_slice %arg8[%dma_start3A_326, %dma_start3A_327] : memref<4x128xi32, #tpu.memory_space<vmem>> -> memref<1x128xi32, #tpu.memory_space<vmem>>
        %dma_start3A_329 = tpu.memref_squeeze %dma_start3A_328 : memref<1x128xi32, #tpu.memory_space<vmem>> -> memref<128xi32, #tpu.memory_space<vmem>>
        %dma_start3A_330 = tpu.memref_slice %arg4[%mul3A_316] : memref<327680xi32, #tpu.memory_space<hbm>> -> memref<128xi32, #tpu.memory_space<hbm>>
        %dma_start3A_331 = arith.constant 0 : i32
        %dma_start3A_332 = tpu.memref_slice %arg8[%dma_start3A_326, %dma_start3A_331] : memref<4x128xi32, #tpu.memory_space<vmem>> -> memref<1x128xi32, #tpu.memory_space<vmem>>
        %dma_start3A_333 = tpu.memref_squeeze %dma_start3A_332 : memref<1x128xi32, #tpu.memory_space<vmem>> -> memref<128xi32, #tpu.memory_space<vmem>>
        %dma_start3A_334 = tpu.memref_slice %arg4[%mul3A_316] : memref<327680xi32, #tpu.memory_space<hbm>> -> memref<128xi32, #tpu.memory_space<hbm>>
        tpu.enqueue_dma source(%dma_start3A_334 : memref<128xi32, #tpu.memory_space<hbm>>) target(%dma_start3A_333 : memref<128xi32, #tpu.memory_space<vmem>>) target_semaphore(%arg17 : memref<!tpu.dma_semaphore, #tpu.memory_space<semaphore_mem>>)
      } else {
      }
      %add3A_176 = arith.constant 2 : i32
      %add3A_177 = arith.addi %add3A_147, %add3A_176 : i32
      %lt3A_178 = arith.constant 80 : i32
      %lt3A_179 = arith.cmpi slt, %add3A_177, %lt3A_178 : i32
      %convert_element_type3A_180 = arith.extui %lt3A_179 : i1 to i32
      %cond3A_181 = arith.constant 0 : i32
      %cond3A_182 = arith.cmpi ne, %convert_element_type3A_180, %cond3A_181 : i32
      scf.if %cond3A_182 {
        %dma_wait3A_312 = arith.constant 2 : i32
        %dma_wait3A_313 = arith.constant 0 : i32
        %dma_wait3A_314 = tpu.memref_slice %arg7[%dma_wait3A_312, %dma_wait3A_313] : memref<4x128xi32, #tpu.memory_space<vmem>> -> memref<1x128xi32, #tpu.memory_space<vmem>>
        %dma_wait3A_315 = tpu.memref_squeeze %dma_wait3A_314 : memref<1x128xi32, #tpu.memory_space<vmem>> -> memref<128xi32, #tpu.memory_space<vmem>>
        %dma_wait3A_316 = arith.constant 0 : i32
        %dma_wait3A_317 = tpu.memref_slice %arg3[%dma_wait3A_316] : memref<327680xi32, #tpu.memory_space<hbm>> -> memref<128xi32, #tpu.memory_space<hbm>>
        %dma_wait3A_318 = arith.constant 0 : i32
        %dma_wait3A_319 = tpu.memref_slice %arg7[%dma_wait3A_312, %dma_wait3A_318] : memref<4x128xi32, #tpu.memory_space<vmem>> -> memref<1x128xi32, #tpu.memory_space<vmem>>
        %dma_wait3A_320 = tpu.memref_squeeze %dma_wait3A_319 : memref<1x128xi32, #tpu.memory_space<vmem>> -> memref<128xi32, #tpu.memory_space<vmem>>
        %dma_wait3A_321 = arith.constant 0 : i32
        %dma_wait3A_322 = tpu.memref_slice %arg3[%dma_wait3A_321] : memref<327680xi32, #tpu.memory_space<hbm>> -> memref<128xi32, #tpu.memory_space<hbm>>
        tpu.wait_dma2 semaphore(%arg15 : memref<!tpu.dma_semaphore, #tpu.memory_space<semaphore_mem>>) src(%dma_wait3A_322 : memref<128xi32, #tpu.memory_space<hbm>>) dst(%dma_wait3A_320 : memref<128xi32, #tpu.memory_space<vmem>>)
        %dma_start3A_323 = arith.constant 2 : i32
        %dma_start3A_324 = arith.constant 0 : i32
        %dma_start3A_325 = arith.constant 0 : i32
        %dma_start3A_326 = arith.constant 0 : i32
        %dma_start3A_327 = tpu.memref_slice %arg9[%dma_start3A_324, %dma_start3A_325, %dma_start3A_326] : memref<2x128x128xf32, #tpu.memory_space<vmem>> -> memref<1x128x128xf32, #tpu.memory_space<vmem>>
        %dma_start3A_328 = tpu.memref_squeeze %dma_start3A_327 : memref<1x128x128xf32, #tpu.memory_space<vmem>> -> memref<128x128xf32, #tpu.memory_space<vmem>>
        %dma_start3A_329 = arith.constant 0 : i32
        %dma_start3A_330 = tpu.memref_slice %arg7[%dma_start3A_323, %dma_start3A_329] : memref<4x128xi32, #tpu.memory_space<vmem>> -> memref<1x128xi32, #tpu.memory_space<vmem>>
        %dma_start3A_331 = tpu.memref_squeeze %dma_start3A_330 : memref<1x128xi32, #tpu.memory_space<vmem>> -> memref<128xi32, #tpu.memory_space<vmem>>
        %dma_start3A_332 = arith.constant 0 : i32
        %dma_start3A_333 = arith.constant 0 : i32
        %dma_start3A_334 = tpu.memref_slice %arg2[%dma_start3A_332, %dma_start3A_333] : memref<10000x128xf32, #tpu.memory_space<hbm>> -> memref<10000x128xf32, #tpu.memory_space<hbm>>
        tpu.enqueue_indirect_dma source(%dma_start3A_334 : memref<10000x128xf32, #tpu.memory_space<hbm>>) target(%dma_start3A_328 : memref<128x128xf32, #tpu.memory_space<vmem>>) offsets(%dma_start3A_331 : memref<128xi32, #tpu.memory_space<vmem>>) semaphore(%arg11 : memref<!tpu.dma_semaphore, #tpu.memory_space<semaphore_mem>>)
      } else {
      }
      %mul3A_183 = arith.constant 4 : i32
      %mul3A_184 = arith.muli %scan3A_143, %mul3A_183 : i32
      %add3A_185 = arith.constant 1 : i32
      %add3A_186 = arith.addi %mul3A_184, %add3A_185 : i32
      %dma_wait3A_187 = arith.constant 0 : i32
      %dma_wait3A_188 = arith.constant 1 : i32
      %dma_wait3A_189 = arith.constant 0 : i32
      %dma_wait3A_190 = arith.constant 0 : i32
      %dma_wait3A_191 = tpu.memref_slice %arg9[%dma_wait3A_188, %dma_wait3A_189, %dma_wait3A_190] : memref<2x128x128xf32, #tpu.memory_space<vmem>> -> memref<1x128x128xf32, #tpu.memory_space<vmem>>
      %dma_wait3A_192 = tpu.memref_squeeze %dma_wait3A_191 : memref<1x128x128xf32, #tpu.memory_space<vmem>> -> memref<128x128xf32, #tpu.memory_space<vmem>>
      %dma_wait3A_193 = arith.constant 0 : i32
      %dma_wait3A_194 = tpu.memref_slice %arg7[%dma_wait3A_187, %dma_wait3A_193] : memref<4x128xi32, #tpu.memory_space<vmem>> -> memref<1x128xi32, #tpu.memory_space<vmem>>
      %dma_wait3A_195 = tpu.memref_squeeze %dma_wait3A_194 : memref<1x128xi32, #tpu.memory_space<vmem>> -> memref<128xi32, #tpu.memory_space<vmem>>
      %dma_wait3A_196 = arith.constant 0 : i32
      %dma_wait3A_197 = arith.constant 0 : i32
      %dma_wait3A_198 = tpu.memref_slice %arg2[%dma_wait3A_196, %dma_wait3A_197] : memref<10000x128xf32, #tpu.memory_space<hbm>> -> memref<10000x128xf32, #tpu.memory_space<hbm>>
      tpu.wait_indirect_dma semaphore(%arg12 : memref<!tpu.dma_semaphore, #tpu.memory_space<semaphore_mem>>) src(%dma_wait3A_198 : memref<10000x128xf32, #tpu.memory_space<hbm>>) dst(%dma_wait3A_192 : memref<128x128xf32, #tpu.memory_space<vmem>>)
      %dma_wait3A_199 = arith.constant 1 : i32
      %dma_wait3A_200 = arith.constant 0 : i32
      %dma_wait3A_201 = tpu.memref_slice %arg8[%dma_wait3A_199, %dma_wait3A_200] : memref<4x128xi32, #tpu.memory_space<vmem>> -> memref<1x128xi32, #tpu.memory_space<vmem>>
      %dma_wait3A_202 = tpu.memref_squeeze %dma_wait3A_201 : memref<1x128xi32, #tpu.memory_space<vmem>> -> memref<128xi32, #tpu.memory_space<vmem>>
      %dma_wait3A_203 = arith.constant 0 : i32
      %dma_wait3A_204 = tpu.memref_slice %arg3[%dma_wait3A_203] : memref<327680xi32, #tpu.memory_space<hbm>> -> memref<128xi32, #tpu.memory_space<hbm>>
      %dma_wait3A_205 = arith.constant 0 : i32
      %dma_wait3A_206 = tpu.memref_slice %arg8[%dma_wait3A_199, %dma_wait3A_205] : memref<4x128xi32, #tpu.memory_space<vmem>> -> memref<1x128xi32, #tpu.memory_space<vmem>>
      %dma_wait3A_207 = tpu.memref_squeeze %dma_wait3A_206 : memref<1x128xi32, #tpu.memory_space<vmem>> -> memref<128xi32, #tpu.memory_space<vmem>>
      %dma_wait3A_208 = arith.constant 0 : i32
      %dma_wait3A_209 = tpu.memref_slice %arg3[%dma_wait3A_208] : memref<327680xi32, #tpu.memory_space<hbm>> -> memref<128xi32, #tpu.memory_space<hbm>>
      tpu.wait_dma2 semaphore(%arg18 : memref<!tpu.dma_semaphore, #tpu.memory_space<semaphore_mem>>) src(%dma_wait3A_209 : memref<128xi32, #tpu.memory_space<hbm>>) dst(%dma_wait3A_207 : memref<128xi32, #tpu.memory_space<vmem>>)
      %run_scoped3A_210 = arith.constant 1 : i32
      %run_scoped3A_211 = arith.constant 1 : i32
      "tpu.region"() ({
        %run_scoped3A_312 = tpu.sem_alloc : memref<!tpu.dma_semaphore, #tpu.memory_space<semaphore_mem>>
        %dma_start3A_313 = arith.constant 0 : i32
        %dma_start3A_314 = arith.constant 0 : i32
        %dma_start3A_315 = tpu.memref_slice %arg9[%run_scoped3A_210, %dma_start3A_313, %dma_start3A_314] : memref<2x128x128xf32, #tpu.memory_space<vmem>> -> memref<1x128x128xf32, #tpu.memory_space<vmem>>
        %dma_start3A_316 = tpu.memref_squeeze %dma_start3A_315 : memref<1x128x128xf32, #tpu.memory_space<vmem>> -> memref<128x128xf32, #tpu.memory_space<vmem>>
        %dma_start3A_317 = arith.constant 0 : i32
        %dma_start3A_318 = tpu.memref_slice %arg8[%run_scoped3A_211, %dma_start3A_317] : memref<4x128xi32, #tpu.memory_space<vmem>> -> memref<1x128xi32, #tpu.memory_space<vmem>>
        %dma_start3A_319 = tpu.memref_squeeze %dma_start3A_318 : memref<1x128xi32, #tpu.memory_space<vmem>> -> memref<128xi32, #tpu.memory_space<vmem>>
        %dma_start3A_320 = arith.constant 0 : i32
        %dma_start3A_321 = arith.constant 0 : i32
        %dma_start3A_322 = tpu.memref_slice %arg10[%dma_start3A_320, %dma_start3A_321] : memref<10112x128xf32, #tpu.memory_space<vmem_shared>> -> memref<10112x128xf32, #tpu.memory_space<vmem_shared>>
        tpu.enqueue_indirect_dma source(%dma_start3A_316 : memref<128x128xf32, #tpu.memory_space<vmem>>) target(%dma_start3A_322 : memref<10112x128xf32, #tpu.memory_space<vmem_shared>>) offsets(%dma_start3A_319 : memref<128xi32, #tpu.memory_space<vmem>>) semaphore(%run_scoped3A_312 : memref<!tpu.dma_semaphore, #tpu.memory_space<semaphore_mem>>) {add = true}
        %dma_wait3A_323 = arith.constant 0 : i32
        %dma_wait3A_324 = arith.constant 0 : i32
        %dma_wait3A_325 = tpu.memref_slice %arg9[%run_scoped3A_210, %dma_wait3A_323, %dma_wait3A_324] : memref<2x128x128xf32, #tpu.memory_space<vmem>> -> memref<1x128x128xf32, #tpu.memory_space<vmem>>
        %dma_wait3A_326 = tpu.memref_squeeze %dma_wait3A_325 : memref<1x128x128xf32, #tpu.memory_space<vmem>> -> memref<128x128xf32, #tpu.memory_space<vmem>>
        %dma_wait3A_327 = arith.constant 0 : i32
        %dma_wait3A_328 = tpu.memref_slice %arg8[%run_scoped3A_211, %dma_wait3A_327] : memref<4x128xi32, #tpu.memory_space<vmem>> -> memref<1x128xi32, #tpu.memory_space<vmem>>
        %dma_wait3A_329 = tpu.memref_squeeze %dma_wait3A_328 : memref<1x128xi32, #tpu.memory_space<vmem>> -> memref<128xi32, #tpu.memory_space<vmem>>
        %dma_wait3A_330 = arith.constant 0 : i32
        %dma_wait3A_331 = arith.constant 0 : i32
        %dma_wait3A_332 = tpu.memref_slice %arg10[%dma_wait3A_330, %dma_wait3A_331] : memref<10112x128xf32, #tpu.memory_space<vmem_shared>> -> memref<10112x128xf32, #tpu.memory_space<vmem_shared>>
        tpu.wait_indirect_dma semaphore(%run_scoped3A_312 : memref<!tpu.dma_semaphore, #tpu.memory_space<semaphore_mem>>) src(%dma_wait3A_326 : memref<128x128xf32, #tpu.memory_space<vmem>>) dst(%dma_wait3A_332 : memref<10112x128xf32, #tpu.memory_space<vmem_shared>>)
        tpu.yield
      }) : () -> ()
      %add3A_212 = arith.constant 4 : i32
      %add3A_213 = arith.addi %add3A_186, %add3A_212 : i32
      %lt3A_214 = arith.constant 80 : i32
      %lt3A_215 = arith.cmpi slt, %add3A_213, %lt3A_214 : i32
      %convert_element_type3A_216 = arith.extui %lt3A_215 : i1 to i32
      %cond3A_217 = arith.constant 0 : i32
      %cond3A_218 = arith.cmpi ne, %convert_element_type3A_216, %cond3A_217 : i32
      scf.if %cond3A_218 {
        %add3A_312 = arith.addi %mul3A_4, %add3A_186 : i32
        %add3A_313 = arith.constant 4 : i32
        %add3A_314 = arith.addi %add3A_312, %add3A_313 : i32
        %mul3A_315 = arith.constant 128 : i32
        %mul3A_316 = arith.muli %add3A_314, %mul3A_315 : i32
        %dma_start3A_317 = arith.constant 1 : i32
        %dma_start3A_318 = arith.constant 0 : i32
        %dma_start3A_319 = tpu.memref_slice %arg7[%dma_start3A_317, %dma_start3A_318] : memref<4x128xi32, #tpu.memory_space<vmem>> -> memref<1x128xi32, #tpu.memory_space<vmem>>
        %dma_start3A_320 = tpu.memref_squeeze %dma_start3A_319 : memref<1x128xi32, #tpu.memory_space<vmem>> -> memref<128xi32, #tpu.memory_space<vmem>>
        %dma_start3A_321 = tpu.memref_slice %arg3[%mul3A_316] : memref<327680xi32, #tpu.memory_space<hbm>> -> memref<128xi32, #tpu.memory_space<hbm>>
        %dma_start3A_322 = arith.constant 0 : i32
        %dma_start3A_323 = tpu.memref_slice %arg7[%dma_start3A_317, %dma_start3A_322] : memref<4x128xi32, #tpu.memory_space<vmem>> -> memref<1x128xi32, #tpu.memory_space<vmem>>
        %dma_start3A_324 = tpu.memref_squeeze %dma_start3A_323 : memref<1x128xi32, #tpu.memory_space<vmem>> -> memref<128xi32, #tpu.memory_space<vmem>>
        %dma_start3A_325 = tpu.memref_slice %arg3[%mul3A_316] : memref<327680xi32, #tpu.memory_space<hbm>> -> memref<128xi32, #tpu.memory_space<hbm>>
        tpu.enqueue_dma source(%dma_start3A_325 : memref<128xi32, #tpu.memory_space<hbm>>) target(%dma_start3A_324 : memref<128xi32, #tpu.memory_space<vmem>>) target_semaphore(%arg14 : memref<!tpu.dma_semaphore, #tpu.memory_space<semaphore_mem>>)
        %dma_start3A_326 = arith.constant 1 : i32
        %dma_start3A_327 = arith.constant 0 : i32
        %dma_start3A_328 = tpu.memref_slice %arg8[%dma_start3A_326, %dma_start3A_327] : memref<4x128xi32, #tpu.memory_space<vmem>> -> memref<1x128xi32, #tpu.memory_space<vmem>>
        %dma_start3A_329 = tpu.memref_squeeze %dma_start3A_328 : memref<1x128xi32, #tpu.memory_space<vmem>> -> memref<128xi32, #tpu.memory_space<vmem>>
        %dma_start3A_330 = tpu.memref_slice %arg4[%mul3A_316] : memref<327680xi32, #tpu.memory_space<hbm>> -> memref<128xi32, #tpu.memory_space<hbm>>
        %dma_start3A_331 = arith.constant 0 : i32
        %dma_start3A_332 = tpu.memref_slice %arg8[%dma_start3A_326, %dma_start3A_331] : memref<4x128xi32, #tpu.memory_space<vmem>> -> memref<1x128xi32, #tpu.memory_space<vmem>>
        %dma_start3A_333 = tpu.memref_squeeze %dma_start3A_332 : memref<1x128xi32, #tpu.memory_space<vmem>> -> memref<128xi32, #tpu.memory_space<vmem>>
        %dma_start3A_334 = tpu.memref_slice %arg4[%mul3A_316] : memref<327680xi32, #tpu.memory_space<hbm>> -> memref<128xi32, #tpu.memory_space<hbm>>
        tpu.enqueue_dma source(%dma_start3A_334 : memref<128xi32, #tpu.memory_space<hbm>>) target(%dma_start3A_333 : memref<128xi32, #tpu.memory_space<vmem>>) target_semaphore(%arg18 : memref<!tpu.dma_semaphore, #tpu.memory_space<semaphore_mem>>)
      } else {
      }
      %add3A_219 = arith.constant 2 : i32
      %add3A_220 = arith.addi %add3A_186, %add3A_219 : i32
      %lt3A_221 = arith.constant 80 : i32
      %lt3A_222 = arith.cmpi slt, %add3A_220, %lt3A_221 : i32
      %convert_element_type3A_223 = arith.extui %lt3A_222 : i1 to i32
      %cond3A_224 = arith.constant 0 : i32
      %cond3A_225 = arith.cmpi ne, %convert_element_type3A_223, %cond3A_224 : i32
      scf.if %cond3A_225 {
        %dma_wait3A_312 = arith.constant 3 : i32
        %dma_wait3A_313 = arith.constant 0 : i32
        %dma_wait3A_314 = tpu.memref_slice %arg7[%dma_wait3A_312, %dma_wait3A_313] : memref<4x128xi32, #tpu.memory_space<vmem>> -> memref<1x128xi32, #tpu.memory_space<vmem>>
        %dma_wait3A_315 = tpu.memref_squeeze %dma_wait3A_314 : memref<1x128xi32, #tpu.memory_space<vmem>> -> memref<128xi32, #tpu.memory_space<vmem>>
        %dma_wait3A_316 = arith.constant 0 : i32
        %dma_wait3A_317 = tpu.memref_slice %arg3[%dma_wait3A_316] : memref<327680xi32, #tpu.memory_space<hbm>> -> memref<128xi32, #tpu.memory_space<hbm>>
        %dma_wait3A_318 = arith.constant 0 : i32
        %dma_wait3A_319 = tpu.memref_slice %arg7[%dma_wait3A_312, %dma_wait3A_318] : memref<4x128xi32, #tpu.memory_space<vmem>> -> memref<1x128xi32, #tpu.memory_space<vmem>>
        %dma_wait3A_320 = tpu.memref_squeeze %dma_wait3A_319 : memref<1x128xi32, #tpu.memory_space<vmem>> -> memref<128xi32, #tpu.memory_space<vmem>>
        %dma_wait3A_321 = arith.constant 0 : i32
        %dma_wait3A_322 = tpu.memref_slice %arg3[%dma_wait3A_321] : memref<327680xi32, #tpu.memory_space<hbm>> -> memref<128xi32, #tpu.memory_space<hbm>>
        tpu.wait_dma2 semaphore(%arg16 : memref<!tpu.dma_semaphore, #tpu.memory_space<semaphore_mem>>) src(%dma_wait3A_322 : memref<128xi32, #tpu.memory_space<hbm>>) dst(%dma_wait3A_320 : memref<128xi32, #tpu.memory_space<vmem>>)
        %dma_start3A_323 = arith.constant 3 : i32
        %dma_start3A_324 = arith.constant 1 : i32
        %dma_start3A_325 = arith.constant 0 : i32
        %dma_start3A_326 = arith.constant 0 : i32
        %dma_start3A_327 = tpu.memref_slice %arg9[%dma_start3A_324, %dma_start3A_325, %dma_start3A_326] : memref<2x128x128xf32, #tpu.memory_space<vmem>> -> memref<1x128x128xf32, #tpu.memory_space<vmem>>
        %dma_start3A_328 = tpu.memref_squeeze %dma_start3A_327 : memref<1x128x128xf32, #tpu.memory_space<vmem>> -> memref<128x128xf32, #tpu.memory_space<vmem>>
        %dma_start3A_329 = arith.constant 0 : i32
        %dma_start3A_330 = tpu.memref_slice %arg7[%dma_start3A_323, %dma_start3A_329] : memref<4x128xi32, #tpu.memory_space<vmem>> -> memref<1x128xi32, #tpu.memory_space<vmem>>
        %dma_start3A_331 = tpu.memref_squeeze %dma_start3A_330 : memref<1x128xi32, #tpu.memory_space<vmem>> -> memref<128xi32, #tpu.memory_space<vmem>>
        %dma_start3A_332 = arith.constant 0 : i32
        %dma_start3A_333 = arith.constant 0 : i32
        %dma_start3A_334 = tpu.memref_slice %arg2[%dma_start3A_332, %dma_start3A_333] : memref<10000x128xf32, #tpu.memory_space<hbm>> -> memref<10000x128xf32, #tpu.memory_space<hbm>>
        tpu.enqueue_indirect_dma source(%dma_start3A_334 : memref<10000x128xf32, #tpu.memory_space<hbm>>) target(%dma_start3A_328 : memref<128x128xf32, #tpu.memory_space<vmem>>) offsets(%dma_start3A_331 : memref<128xi32, #tpu.memory_space<vmem>>) semaphore(%arg12 : memref<!tpu.dma_semaphore, #tpu.memory_space<semaphore_mem>>)
      } else {
      }
      %mul3A_226 = arith.constant 4 : i32
      %mul3A_227 = arith.muli %scan3A_143, %mul3A_226 : i32
      %add3A_228 = arith.constant 2 : i32
      %add3A_229 = arith.addi %mul3A_227, %add3A_228 : i32
      %dma_wait3A_230 = arith.constant 0 : i32
      %dma_wait3A_231 = arith.constant 0 : i32
      %dma_wait3A_232 = arith.constant 0 : i32
      %dma_wait3A_233 = arith.constant 0 : i32
      %dma_wait3A_234 = tpu.memref_slice %arg9[%dma_wait3A_231, %dma_wait3A_232, %dma_wait3A_233] : memref<2x128x128xf32, #tpu.memory_space<vmem>> -> memref<1x128x128xf32, #tpu.memory_space<vmem>>
      %dma_wait3A_235 = tpu.memref_squeeze %dma_wait3A_234 : memref<1x128x128xf32, #tpu.memory_space<vmem>> -> memref<128x128xf32, #tpu.memory_space<vmem>>
      %dma_wait3A_236 = arith.constant 0 : i32
      %dma_wait3A_237 = tpu.memref_slice %arg7[%dma_wait3A_230, %dma_wait3A_236] : memref<4x128xi32, #tpu.memory_space<vmem>> -> memref<1x128xi32, #tpu.memory_space<vmem>>
      %dma_wait3A_238 = tpu.memref_squeeze %dma_wait3A_237 : memref<1x128xi32, #tpu.memory_space<vmem>> -> memref<128xi32, #tpu.memory_space<vmem>>
      %dma_wait3A_239 = arith.constant 0 : i32
      %dma_wait3A_240 = arith.constant 0 : i32
      %dma_wait3A_241 = tpu.memref_slice %arg2[%dma_wait3A_239, %dma_wait3A_240] : memref<10000x128xf32, #tpu.memory_space<hbm>> -> memref<10000x128xf32, #tpu.memory_space<hbm>>
      tpu.wait_indirect_dma semaphore(%arg11 : memref<!tpu.dma_semaphore, #tpu.memory_space<semaphore_mem>>) src(%dma_wait3A_241 : memref<10000x128xf32, #tpu.memory_space<hbm>>) dst(%dma_wait3A_235 : memref<128x128xf32, #tpu.memory_space<vmem>>)
      %dma_wait3A_242 = arith.constant 2 : i32
      %dma_wait3A_243 = arith.constant 0 : i32
      %dma_wait3A_244 = tpu.memref_slice %arg8[%dma_wait3A_242, %dma_wait3A_243] : memref<4x128xi32, #tpu.memory_space<vmem>> -> memref<1x128xi32, #tpu.memory_space<vmem>>
      %dma_wait3A_245 = tpu.memref_squeeze %dma_wait3A_244 : memref<1x128xi32, #tpu.memory_space<vmem>> -> memref<128xi32, #tpu.memory_space<vmem>>
      %dma_wait3A_246 = arith.constant 0 : i32
      %dma_wait3A_247 = tpu.memref_slice %arg3[%dma_wait3A_246] : memref<327680xi32, #tpu.memory_space<hbm>> -> memref<128xi32, #tpu.memory_space<hbm>>
      %dma_wait3A_248 = arith.constant 0 : i32
      %dma_wait3A_249 = tpu.memref_slice %arg8[%dma_wait3A_242, %dma_wait3A_248] : memref<4x128xi32, #tpu.memory_space<vmem>> -> memref<1x128xi32, #tpu.memory_space<vmem>>
      %dma_wait3A_250 = tpu.memref_squeeze %dma_wait3A_249 : memref<1x128xi32, #tpu.memory_space<vmem>> -> memref<128xi32, #tpu.memory_space<vmem>>
      %dma_wait3A_251 = arith.constant 0 : i32
      %dma_wait3A_252 = tpu.memref_slice %arg3[%dma_wait3A_251] : memref<327680xi32, #tpu.memory_space<hbm>> -> memref<128xi32, #tpu.memory_space<hbm>>
      tpu.wait_dma2 semaphore(%arg19 : memref<!tpu.dma_semaphore, #tpu.memory_space<semaphore_mem>>) src(%dma_wait3A_252 : memref<128xi32, #tpu.memory_space<hbm>>) dst(%dma_wait3A_250 : memref<128xi32, #tpu.memory_space<vmem>>)
      %run_scoped3A_253 = arith.constant 0 : i32
      %run_scoped3A_254 = arith.constant 2 : i32
      "tpu.region"() ({
        %run_scoped3A_312 = tpu.sem_alloc : memref<!tpu.dma_semaphore, #tpu.memory_space<semaphore_mem>>
        %dma_start3A_313 = arith.constant 0 : i32
        %dma_start3A_314 = arith.constant 0 : i32
        %dma_start3A_315 = tpu.memref_slice %arg9[%run_scoped3A_253, %dma_start3A_313, %dma_start3A_314] : memref<2x128x128xf32, #tpu.memory_space<vmem>> -> memref<1x128x128xf32, #tpu.memory_space<vmem>>
        %dma_start3A_316 = tpu.memref_squeeze %dma_start3A_315 : memref<1x128x128xf32, #tpu.memory_space<vmem>> -> memref<128x128xf32, #tpu.memory_space<vmem>>
        %dma_start3A_317 = arith.constant 0 : i32
        %dma_start3A_318 = tpu.memref_slice %arg8[%run_scoped3A_254, %dma_start3A_317] : memref<4x128xi32, #tpu.memory_space<vmem>> -> memref<1x128xi32, #tpu.memory_space<vmem>>
        %dma_start3A_319 = tpu.memref_squeeze %dma_start3A_318 : memref<1x128xi32, #tpu.memory_space<vmem>> -> memref<128xi32, #tpu.memory_space<vmem>>
        %dma_start3A_320 = arith.constant 0 : i32
        %dma_start3A_321 = arith.constant 0 : i32
        %dma_start3A_322 = tpu.memref_slice %arg10[%dma_start3A_320, %dma_start3A_321] : memref<10112x128xf32, #tpu.memory_space<vmem_shared>> -> memref<10112x128xf32, #tpu.memory_space<vmem_shared>>
        tpu.enqueue_indirect_dma source(%dma_start3A_316 : memref<128x128xf32, #tpu.memory_space<vmem>>) target(%dma_start3A_322 : memref<10112x128xf32, #tpu.memory_space<vmem_shared>>) offsets(%dma_start3A_319 : memref<128xi32, #tpu.memory_space<vmem>>) semaphore(%run_scoped3A_312 : memref<!tpu.dma_semaphore, #tpu.memory_space<semaphore_mem>>) {add = true}
        %dma_wait3A_323 = arith.constant 0 : i32
        %dma_wait3A_324 = arith.constant 0 : i32
        %dma_wait3A_325 = tpu.memref_slice %arg9[%run_scoped3A_253, %dma_wait3A_323, %dma_wait3A_324] : memref<2x128x128xf32, #tpu.memory_space<vmem>> -> memref<1x128x128xf32, #tpu.memory_space<vmem>>
        %dma_wait3A_326 = tpu.memref_squeeze %dma_wait3A_325 : memref<1x128x128xf32, #tpu.memory_space<vmem>> -> memref<128x128xf32, #tpu.memory_space<vmem>>
        %dma_wait3A_327 = arith.constant 0 : i32
        %dma_wait3A_328 = tpu.memref_slice %arg8[%run_scoped3A_254, %dma_wait3A_327] : memref<4x128xi32, #tpu.memory_space<vmem>> -> memref<1x128xi32, #tpu.memory_space<vmem>>
        %dma_wait3A_329 = tpu.memref_squeeze %dma_wait3A_328 : memref<1x128xi32, #tpu.memory_space<vmem>> -> memref<128xi32, #tpu.memory_space<vmem>>
        %dma_wait3A_330 = arith.constant 0 : i32
        %dma_wait3A_331 = arith.constant 0 : i32
        %dma_wait3A_332 = tpu.memref_slice %arg10[%dma_wait3A_330, %dma_wait3A_331] : memref<10112x128xf32, #tpu.memory_space<vmem_shared>> -> memref<10112x128xf32, #tpu.memory_space<vmem_shared>>
        tpu.wait_indirect_dma semaphore(%run_scoped3A_312 : memref<!tpu.dma_semaphore, #tpu.memory_space<semaphore_mem>>) src(%dma_wait3A_326 : memref<128x128xf32, #tpu.memory_space<vmem>>) dst(%dma_wait3A_332 : memref<10112x128xf32, #tpu.memory_space<vmem_shared>>)
        tpu.yield
      }) : () -> ()
      %add3A_255 = arith.constant 4 : i32
      %add3A_256 = arith.addi %add3A_229, %add3A_255 : i32
      %lt3A_257 = arith.constant 80 : i32
      %lt3A_258 = arith.cmpi slt, %add3A_256, %lt3A_257 : i32
      %convert_element_type3A_259 = arith.extui %lt3A_258 : i1 to i32
      %cond3A_260 = arith.constant 0 : i32
      %cond3A_261 = arith.cmpi ne, %convert_element_type3A_259, %cond3A_260 : i32
      scf.if %cond3A_261 {
        %add3A_312 = arith.addi %mul3A_4, %add3A_229 : i32
        %add3A_313 = arith.constant 4 : i32
        %add3A_314 = arith.addi %add3A_312, %add3A_313 : i32
        %mul3A_315 = arith.constant 128 : i32
        %mul3A_316 = arith.muli %add3A_314, %mul3A_315 : i32
        %dma_start3A_317 = arith.constant 2 : i32
        %dma_start3A_318 = arith.constant 0 : i32
        %dma_start3A_319 = tpu.memref_slice %arg7[%dma_start3A_317, %dma_start3A_318] : memref<4x128xi32, #tpu.memory_space<vmem>> -> memref<1x128xi32, #tpu.memory_space<vmem>>
        %dma_start3A_320 = tpu.memref_squeeze %dma_start3A_319 : memref<1x128xi32, #tpu.memory_space<vmem>> -> memref<128xi32, #tpu.memory_space<vmem>>
        %dma_start3A_321 = tpu.memref_slice %arg3[%mul3A_316] : memref<327680xi32, #tpu.memory_space<hbm>> -> memref<128xi32, #tpu.memory_space<hbm>>
        %dma_start3A_322 = arith.constant 0 : i32
        %dma_start3A_323 = tpu.memref_slice %arg7[%dma_start3A_317, %dma_start3A_322] : memref<4x128xi32, #tpu.memory_space<vmem>> -> memref<1x128xi32, #tpu.memory_space<vmem>>
        %dma_start3A_324 = tpu.memref_squeeze %dma_start3A_323 : memref<1x128xi32, #tpu.memory_space<vmem>> -> memref<128xi32, #tpu.memory_space<vmem>>
        %dma_start3A_325 = tpu.memref_slice %arg3[%mul3A_316] : memref<327680xi32, #tpu.memory_space<hbm>> -> memref<128xi32, #tpu.memory_space<hbm>>
        tpu.enqueue_dma source(%dma_start3A_325 : memref<128xi32, #tpu.memory_space<hbm>>) target(%dma_start3A_324 : memref<128xi32, #tpu.memory_space<vmem>>) target_semaphore(%arg15 : memref<!tpu.dma_semaphore, #tpu.memory_space<semaphore_mem>>)
        %dma_start3A_326 = arith.constant 2 : i32
        %dma_start3A_327 = arith.constant 0 : i32
        %dma_start3A_328 = tpu.memref_slice %arg8[%dma_start3A_326, %dma_start3A_327] : memref<4x128xi32, #tpu.memory_space<vmem>> -> memref<1x128xi32, #tpu.memory_space<vmem>>
        %dma_start3A_329 = tpu.memref_squeeze %dma_start3A_328 : memref<1x128xi32, #tpu.memory_space<vmem>> -> memref<128xi32, #tpu.memory_space<vmem>>
        %dma_start3A_330 = tpu.memref_slice %arg4[%mul3A_316] : memref<327680xi32, #tpu.memory_space<hbm>> -> memref<128xi32, #tpu.memory_space<hbm>>
        %dma_start3A_331 = arith.constant 0 : i32
        %dma_start3A_332 = tpu.memref_slice %arg8[%dma_start3A_326, %dma_start3A_331] : memref<4x128xi32, #tpu.memory_space<vmem>> -> memref<1x128xi32, #tpu.memory_space<vmem>>
        %dma_start3A_333 = tpu.memref_squeeze %dma_start3A_332 : memref<1x128xi32, #tpu.memory_space<vmem>> -> memref<128xi32, #tpu.memory_space<vmem>>
        %dma_start3A_334 = tpu.memref_slice %arg4[%mul3A_316] : memref<327680xi32, #tpu.memory_space<hbm>> -> memref<128xi32, #tpu.memory_space<hbm>>
        tpu.enqueue_dma source(%dma_start3A_334 : memref<128xi32, #tpu.memory_space<hbm>>) target(%dma_start3A_333 : memref<128xi32, #tpu.memory_space<vmem>>) target_semaphore(%arg19 : memref<!tpu.dma_semaphore, #tpu.memory_space<semaphore_mem>>)
      } else {
      }
      %add3A_262 = arith.constant 2 : i32
      %add3A_263 = arith.addi %add3A_229, %add3A_262 : i32
      %lt3A_264 = arith.constant 80 : i32
      %lt3A_265 = arith.cmpi slt, %add3A_263, %lt3A_264 : i32
      %convert_element_type3A_266 = arith.extui %lt3A_265 : i1 to i32
      %cond3A_267 = arith.constant 0 : i32
      %cond3A_268 = arith.cmpi ne, %convert_element_type3A_266, %cond3A_267 : i32
      scf.if %cond3A_268 {
        %dma_wait3A_312 = arith.constant 0 : i32
        %dma_wait3A_313 = arith.constant 0 : i32
        %dma_wait3A_314 = tpu.memref_slice %arg7[%dma_wait3A_312, %dma_wait3A_313] : memref<4x128xi32, #tpu.memory_space<vmem>> -> memref<1x128xi32, #tpu.memory_space<vmem>>
        %dma_wait3A_315 = tpu.memref_squeeze %dma_wait3A_314 : memref<1x128xi32, #tpu.memory_space<vmem>> -> memref<128xi32, #tpu.memory_space<vmem>>
        %dma_wait3A_316 = arith.constant 0 : i32
        %dma_wait3A_317 = tpu.memref_slice %arg3[%dma_wait3A_316] : memref<327680xi32, #tpu.memory_space<hbm>> -> memref<128xi32, #tpu.memory_space<hbm>>
        %dma_wait3A_318 = arith.constant 0 : i32
        %dma_wait3A_319 = tpu.memref_slice %arg7[%dma_wait3A_312, %dma_wait3A_318] : memref<4x128xi32, #tpu.memory_space<vmem>> -> memref<1x128xi32, #tpu.memory_space<vmem>>
        %dma_wait3A_320 = tpu.memref_squeeze %dma_wait3A_319 : memref<1x128xi32, #tpu.memory_space<vmem>> -> memref<128xi32, #tpu.memory_space<vmem>>
        %dma_wait3A_321 = arith.constant 0 : i32
        %dma_wait3A_322 = tpu.memref_slice %arg3[%dma_wait3A_321] : memref<327680xi32, #tpu.memory_space<hbm>> -> memref<128xi32, #tpu.memory_space<hbm>>
        tpu.wait_dma2 semaphore(%arg13 : memref<!tpu.dma_semaphore, #tpu.memory_space<semaphore_mem>>) src(%dma_wait3A_322 : memref<128xi32, #tpu.memory_space<hbm>>) dst(%dma_wait3A_320 : memref<128xi32, #tpu.memory_space<vmem>>)
        %dma_start3A_323 = arith.constant 0 : i32
        %dma_start3A_324 = arith.constant 0 : i32
        %dma_start3A_325 = arith.constant 0 : i32
        %dma_start3A_326 = arith.constant 0 : i32
        %dma_start3A_327 = tpu.memref_slice %arg9[%dma_start3A_324, %dma_start3A_325, %dma_start3A_326] : memref<2x128x128xf32, #tpu.memory_space<vmem>> -> memref<1x128x128xf32, #tpu.memory_space<vmem>>
        %dma_start3A_328 = tpu.memref_squeeze %dma_start3A_327 : memref<1x128x128xf32, #tpu.memory_space<vmem>> -> memref<128x128xf32, #tpu.memory_space<vmem>>
        %dma_start3A_329 = arith.constant 0 : i32
        %dma_start3A_330 = tpu.memref_slice %arg7[%dma_start3A_323, %dma_start3A_329] : memref<4x128xi32, #tpu.memory_space<vmem>> -> memref<1x128xi32, #tpu.memory_space<vmem>>
        %dma_start3A_331 = tpu.memref_squeeze %dma_start3A_330 : memref<1x128xi32, #tpu.memory_space<vmem>> -> memref<128xi32, #tpu.memory_space<vmem>>
        %dma_start3A_332 = arith.constant 0 : i32
        %dma_start3A_333 = arith.constant 0 : i32
        %dma_start3A_334 = tpu.memref_slice %arg2[%dma_start3A_332, %dma_start3A_333] : memref<10000x128xf32, #tpu.memory_space<hbm>> -> memref<10000x128xf32, #tpu.memory_space<hbm>>
        tpu.enqueue_indirect_dma source(%dma_start3A_334 : memref<10000x128xf32, #tpu.memory_space<hbm>>) target(%dma_start3A_328 : memref<128x128xf32, #tpu.memory_space<vmem>>) offsets(%dma_start3A_331 : memref<128xi32, #tpu.memory_space<vmem>>) semaphore(%arg11 : memref<!tpu.dma_semaphore, #tpu.memory_space<semaphore_mem>>)
      } else {
      }
      %mul3A_269 = arith.constant 4 : i32
      %mul3A_270 = arith.muli %scan3A_143, %mul3A_269 : i32
      %add3A_271 = arith.constant 3 : i32
      %add3A_272 = arith.addi %mul3A_270, %add3A_271 : i32
      %dma_wait3A_273 = arith.constant 0 : i32
      %dma_wait3A_274 = arith.constant 1 : i32
      %dma_wait3A_275 = arith.constant 0 : i32
      %dma_wait3A_276 = arith.constant 0 : i32
      %dma_wait3A_277 = tpu.memref_slice %arg9[%dma_wait3A_274, %dma_wait3A_275, %dma_wait3A_276] : memref<2x128x128xf32, #tpu.memory_space<vmem>> -> memref<1x128x128xf32, #tpu.memory_space<vmem>>
      %dma_wait3A_278 = tpu.memref_squeeze %dma_wait3A_277 : memref<1x128x128xf32, #tpu.memory_space<vmem>> -> memref<128x128xf32, #tpu.memory_space<vmem>>
      %dma_wait3A_279 = arith.constant 0 : i32
      %dma_wait3A_280 = tpu.memref_slice %arg7[%dma_wait3A_273, %dma_wait3A_279] : memref<4x128xi32, #tpu.memory_space<vmem>> -> memref<1x128xi32, #tpu.memory_space<vmem>>
      %dma_wait3A_281 = tpu.memref_squeeze %dma_wait3A_280 : memref<1x128xi32, #tpu.memory_space<vmem>> -> memref<128xi32, #tpu.memory_space<vmem>>
      %dma_wait3A_282 = arith.constant 0 : i32
      %dma_wait3A_283 = arith.constant 0 : i32
      %dma_wait3A_284 = tpu.memref_slice %arg2[%dma_wait3A_282, %dma_wait3A_283] : memref<10000x128xf32, #tpu.memory_space<hbm>> -> memref<10000x128xf32, #tpu.memory_space<hbm>>
      tpu.wait_indirect_dma semaphore(%arg12 : memref<!tpu.dma_semaphore, #tpu.memory_space<semaphore_mem>>) src(%dma_wait3A_284 : memref<10000x128xf32, #tpu.memory_space<hbm>>) dst(%dma_wait3A_278 : memref<128x128xf32, #tpu.memory_space<vmem>>)
      %dma_wait3A_285 = arith.constant 3 : i32
      %dma_wait3A_286 = arith.constant 0 : i32
      %dma_wait3A_287 = tpu.memref_slice %arg8[%dma_wait3A_285, %dma_wait3A_286] : memref<4x128xi32, #tpu.memory_space<vmem>> -> memref<1x128xi32, #tpu.memory_space<vmem>>
      %dma_wait3A_288 = tpu.memref_squeeze %dma_wait3A_287 : memref<1x128xi32, #tpu.memory_space<vmem>> -> memref<128xi32, #tpu.memory_space<vmem>>
      %dma_wait3A_289 = arith.constant 0 : i32
      %dma_wait3A_290 = tpu.memref_slice %arg3[%dma_wait3A_289] : memref<327680xi32, #tpu.memory_space<hbm>> -> memref<128xi32, #tpu.memory_space<hbm>>
      %dma_wait3A_291 = arith.constant 0 : i32
      %dma_wait3A_292 = tpu.memref_slice %arg8[%dma_wait3A_285, %dma_wait3A_291] : memref<4x128xi32, #tpu.memory_space<vmem>> -> memref<1x128xi32, #tpu.memory_space<vmem>>
      %dma_wait3A_293 = tpu.memref_squeeze %dma_wait3A_292 : memref<1x128xi32, #tpu.memory_space<vmem>> -> memref<128xi32, #tpu.memory_space<vmem>>
      %dma_wait3A_294 = arith.constant 0 : i32
      %dma_wait3A_295 = tpu.memref_slice %arg3[%dma_wait3A_294] : memref<327680xi32, #tpu.memory_space<hbm>> -> memref<128xi32, #tpu.memory_space<hbm>>
      tpu.wait_dma2 semaphore(%arg20 : memref<!tpu.dma_semaphore, #tpu.memory_space<semaphore_mem>>) src(%dma_wait3A_295 : memref<128xi32, #tpu.memory_space<hbm>>) dst(%dma_wait3A_293 : memref<128xi32, #tpu.memory_space<vmem>>)
      %run_scoped3A_296 = arith.constant 1 : i32
      %run_scoped3A_297 = arith.constant 3 : i32
      "tpu.region"() ({
        %run_scoped3A_312 = tpu.sem_alloc : memref<!tpu.dma_semaphore, #tpu.memory_space<semaphore_mem>>
        %dma_start3A_313 = arith.constant 0 : i32
        %dma_start3A_314 = arith.constant 0 : i32
        %dma_start3A_315 = tpu.memref_slice %arg9[%run_scoped3A_296, %dma_start3A_313, %dma_start3A_314] : memref<2x128x128xf32, #tpu.memory_space<vmem>> -> memref<1x128x128xf32, #tpu.memory_space<vmem>>
        %dma_start3A_316 = tpu.memref_squeeze %dma_start3A_315 : memref<1x128x128xf32, #tpu.memory_space<vmem>> -> memref<128x128xf32, #tpu.memory_space<vmem>>
        %dma_start3A_317 = arith.constant 0 : i32
        %dma_start3A_318 = tpu.memref_slice %arg8[%run_scoped3A_297, %dma_start3A_317] : memref<4x128xi32, #tpu.memory_space<vmem>> -> memref<1x128xi32, #tpu.memory_space<vmem>>
        %dma_start3A_319 = tpu.memref_squeeze %dma_start3A_318 : memref<1x128xi32, #tpu.memory_space<vmem>> -> memref<128xi32, #tpu.memory_space<vmem>>
        %dma_start3A_320 = arith.constant 0 : i32
        %dma_start3A_321 = arith.constant 0 : i32
        %dma_start3A_322 = tpu.memref_slice %arg10[%dma_start3A_320, %dma_start3A_321] : memref<10112x128xf32, #tpu.memory_space<vmem_shared>> -> memref<10112x128xf32, #tpu.memory_space<vmem_shared>>
        tpu.enqueue_indirect_dma source(%dma_start3A_316 : memref<128x128xf32, #tpu.memory_space<vmem>>) target(%dma_start3A_322 : memref<10112x128xf32, #tpu.memory_space<vmem_shared>>) offsets(%dma_start3A_319 : memref<128xi32, #tpu.memory_space<vmem>>) semaphore(%run_scoped3A_312 : memref<!tpu.dma_semaphore, #tpu.memory_space<semaphore_mem>>) {add = true}
        %dma_wait3A_323 = arith.constant 0 : i32
        %dma_wait3A_324 = arith.constant 0 : i32
        %dma_wait3A_325 = tpu.memref_slice %arg9[%run_scoped3A_296, %dma_wait3A_323, %dma_wait3A_324] : memref<2x128x128xf32, #tpu.memory_space<vmem>> -> memref<1x128x128xf32, #tpu.memory_space<vmem>>
        %dma_wait3A_326 = tpu.memref_squeeze %dma_wait3A_325 : memref<1x128x128xf32, #tpu.memory_space<vmem>> -> memref<128x128xf32, #tpu.memory_space<vmem>>
        %dma_wait3A_327 = arith.constant 0 : i32
        %dma_wait3A_328 = tpu.memref_slice %arg8[%run_scoped3A_297, %dma_wait3A_327] : memref<4x128xi32, #tpu.memory_space<vmem>> -> memref<1x128xi32, #tpu.memory_space<vmem>>
        %dma_wait3A_329 = tpu.memref_squeeze %dma_wait3A_328 : memref<1x128xi32, #tpu.memory_space<vmem>> -> memref<128xi32, #tpu.memory_space<vmem>>
        %dma_wait3A_330 = arith.constant 0 : i32
        %dma_wait3A_331 = arith.constant 0 : i32
        %dma_wait3A_332 = tpu.memref_slice %arg10[%dma_wait3A_330, %dma_wait3A_331] : memref<10112x128xf32, #tpu.memory_space<vmem_shared>> -> memref<10112x128xf32, #tpu.memory_space<vmem_shared>>
        tpu.wait_indirect_dma semaphore(%run_scoped3A_312 : memref<!tpu.dma_semaphore, #tpu.memory_space<semaphore_mem>>) src(%dma_wait3A_326 : memref<128x128xf32, #tpu.memory_space<vmem>>) dst(%dma_wait3A_332 : memref<10112x128xf32, #tpu.memory_space<vmem_shared>>)
        tpu.yield
      }) : () -> ()
      %add3A_298 = arith.constant 4 : i32
      %add3A_299 = arith.addi %add3A_272, %add3A_298 : i32
      %lt3A_300 = arith.constant 80 : i32
      %lt3A_301 = arith.cmpi slt, %add3A_299, %lt3A_300 : i32
      %convert_element_type3A_302 = arith.extui %lt3A_301 : i1 to i32
      %cond3A_303 = arith.constant 0 : i32
      %cond3A_304 = arith.cmpi ne, %convert_element_type3A_302, %cond3A_303 : i32
      scf.if %cond3A_304 {
        %add3A_312 = arith.addi %mul3A_4, %add3A_272 : i32
        %add3A_313 = arith.constant 4 : i32
        %add3A_314 = arith.addi %add3A_312, %add3A_313 : i32
        %mul3A_315 = arith.constant 128 : i32
        %mul3A_316 = arith.muli %add3A_314, %mul3A_315 : i32
        %dma_start3A_317 = arith.constant 3 : i32
        %dma_start3A_318 = arith.constant 0 : i32
        %dma_start3A_319 = tpu.memref_slice %arg7[%dma_start3A_317, %dma_start3A_318] : memref<4x128xi32, #tpu.memory_space<vmem>> -> memref<1x128xi32, #tpu.memory_space<vmem>>
        %dma_start3A_320 = tpu.memref_squeeze %dma_start3A_319 : memref<1x128xi32, #tpu.memory_space<vmem>> -> memref<128xi32, #tpu.memory_space<vmem>>
        %dma_start3A_321 = tpu.memref_slice %arg3[%mul3A_316] : memref<327680xi32, #tpu.memory_space<hbm>> -> memref<128xi32, #tpu.memory_space<hbm>>
        %dma_start3A_322 = arith.constant 0 : i32
        %dma_start3A_323 = tpu.memref_slice %arg7[%dma_start3A_317, %dma_start3A_322] : memref<4x128xi32, #tpu.memory_space<vmem>> -> memref<1x128xi32, #tpu.memory_space<vmem>>
        %dma_start3A_324 = tpu.memref_squeeze %dma_start3A_323 : memref<1x128xi32, #tpu.memory_space<vmem>> -> memref<128xi32, #tpu.memory_space<vmem>>
        %dma_start3A_325 = tpu.memref_slice %arg3[%mul3A_316] : memref<327680xi32, #tpu.memory_space<hbm>> -> memref<128xi32, #tpu.memory_space<hbm>>
        tpu.enqueue_dma source(%dma_start3A_325 : memref<128xi32, #tpu.memory_space<hbm>>) target(%dma_start3A_324 : memref<128xi32, #tpu.memory_space<vmem>>) target_semaphore(%arg16 : memref<!tpu.dma_semaphore, #tpu.memory_space<semaphore_mem>>)
        %dma_start3A_326 = arith.constant 3 : i32
        %dma_start3A_327 = arith.constant 0 : i32
        %dma_start3A_328 = tpu.memref_slice %arg8[%dma_start3A_326, %dma_start3A_327] : memref<4x128xi32, #tpu.memory_space<vmem>> -> memref<1x128xi32, #tpu.memory_space<vmem>>
        %dma_start3A_329 = tpu.memref_squeeze %dma_start3A_328 : memref<1x128xi32, #tpu.memory_space<vmem>> -> memref<128xi32, #tpu.memory_space<vmem>>
        %dma_start3A_330 = tpu.memref_slice %arg4[%mul3A_316] : memref<327680xi32, #tpu.memory_space<hbm>> -> memref<128xi32, #tpu.memory_space<hbm>>
        %dma_start3A_331 = arith.constant 0 : i32
        %dma_start3A_332 = tpu.memref_slice %arg8[%dma_start3A_326, %dma_start3A_331] : memref<4x128xi32, #tpu.memory_space<vmem>> -> memref<1x128xi32, #tpu.memory_space<vmem>>
        %dma_start3A_333 = tpu.memref_squeeze %dma_start3A_332 : memref<1x128xi32, #tpu.memory_space<vmem>> -> memref<128xi32, #tpu.memory_space<vmem>>
        %dma_start3A_334 = tpu.memref_slice %arg4[%mul3A_316] : memref<327680xi32, #tpu.memory_space<hbm>> -> memref<128xi32, #tpu.memory_space<hbm>>
        tpu.enqueue_dma source(%dma_start3A_334 : memref<128xi32, #tpu.memory_space<hbm>>) target(%dma_start3A_333 : memref<128xi32, #tpu.memory_space<vmem>>) target_semaphore(%arg20 : memref<!tpu.dma_semaphore, #tpu.memory_space<semaphore_mem>>)
      } else {
      }
      %add3A_305 = arith.constant 2 : i32
      %add3A_306 = arith.addi %add3A_272, %add3A_305 : i32
      %lt3A_307 = arith.constant 80 : i32
      %lt3A_308 = arith.cmpi slt, %add3A_306, %lt3A_307 : i32
      %convert_element_type3A_309 = arith.extui %lt3A_308 : i1 to i32
      %cond3A_310 = arith.constant 0 : i32
      %cond3A_311 = arith.cmpi ne, %convert_element_type3A_309, %cond3A_310 : i32
      scf.if %cond3A_311 {
        %dma_wait3A_312 = arith.constant 1 : i32
        %dma_wait3A_313 = arith.constant 0 : i32
        %dma_wait3A_314 = tpu.memref_slice %arg7[%dma_wait3A_312, %dma_wait3A_313] : memref<4x128xi32, #tpu.memory_space<vmem>> -> memref<1x128xi32, #tpu.memory_space<vmem>>
        %dma_wait3A_315 = tpu.memref_squeeze %dma_wait3A_314 : memref<1x128xi32, #tpu.memory_space<vmem>> -> memref<128xi32, #tpu.memory_space<vmem>>
        %dma_wait3A_316 = arith.constant 0 : i32
        %dma_wait3A_317 = tpu.memref_slice %arg3[%dma_wait3A_316] : memref<327680xi32, #tpu.memory_space<hbm>> -> memref<128xi32, #tpu.memory_space<hbm>>
        %dma_wait3A_318 = arith.constant 0 : i32
        %dma_wait3A_319 = tpu.memref_slice %arg7[%dma_wait3A_312, %dma_wait3A_318] : memref<4x128xi32, #tpu.memory_space<vmem>> -> memref<1x128xi32, #tpu.memory_space<vmem>>
        %dma_wait3A_320 = tpu.memref_squeeze %dma_wait3A_319 : memref<1x128xi32, #tpu.memory_space<vmem>> -> memref<128xi32, #tpu.memory_space<vmem>>
        %dma_wait3A_321 = arith.constant 0 : i32
        %dma_wait3A_322 = tpu.memref_slice %arg3[%dma_wait3A_321] : memref<327680xi32, #tpu.memory_space<hbm>> -> memref<128xi32, #tpu.memory_space<hbm>>
        tpu.wait_dma2 semaphore(%arg14 : memref<!tpu.dma_semaphore, #tpu.memory_space<semaphore_mem>>) src(%dma_wait3A_322 : memref<128xi32, #tpu.memory_space<hbm>>) dst(%dma_wait3A_320 : memref<128xi32, #tpu.memory_space<vmem>>)
        %dma_start3A_323 = arith.constant 1 : i32
        %dma_start3A_324 = arith.constant 1 : i32
        %dma_start3A_325 = arith.constant 0 : i32
        %dma_start3A_326 = arith.constant 0 : i32
        %dma_start3A_327 = tpu.memref_slice %arg9[%dma_start3A_324, %dma_start3A_325, %dma_start3A_326] : memref<2x128x128xf32, #tpu.memory_space<vmem>> -> memref<1x128x128xf32, #tpu.memory_space<vmem>>
        %dma_start3A_328 = tpu.memref_squeeze %dma_start3A_327 : memref<1x128x128xf32, #tpu.memory_space<vmem>> -> memref<128x128xf32, #tpu.memory_space<vmem>>
        %dma_start3A_329 = arith.constant 0 : i32
        %dma_start3A_330 = tpu.memref_slice %arg7[%dma_start3A_323, %dma_start3A_329] : memref<4x128xi32, #tpu.memory_space<vmem>> -> memref<1x128xi32, #tpu.memory_space<vmem>>
        %dma_start3A_331 = tpu.memref_squeeze %dma_start3A_330 : memref<1x128xi32, #tpu.memory_space<vmem>> -> memref<128xi32, #tpu.memory_space<vmem>>
        %dma_start3A_332 = arith.constant 0 : i32
        %dma_start3A_333 = arith.constant 0 : i32
        %dma_start3A_334 = tpu.memref_slice %arg2[%dma_start3A_332, %dma_start3A_333] : memref<10000x128xf32, #tpu.memory_space<hbm>> -> memref<10000x128xf32, #tpu.memory_space<hbm>>
        tpu.enqueue_indirect_dma source(%dma_start3A_334 : memref<10000x128xf32, #tpu.memory_space<hbm>>) target(%dma_start3A_328 : memref<128x128xf32, #tpu.memory_space<vmem>>) offsets(%dma_start3A_331 : memref<128xi32, #tpu.memory_space<vmem>>) semaphore(%arg12 : memref<!tpu.dma_semaphore, #tpu.memory_space<semaphore_mem>>)
      } else {
      }
    }
    %scan3A_141 = arith.constant 20 : i32
    %barrier3A_142 = arith.constant 0 : index
    tpu.barrier barrier_id(%barrier3A_142)
    "tpu.region"() ({
      %run_scoped3A = tpu.sem_alloc : memref<!tpu.dma_semaphore, #tpu.memory_space<semaphore_mem>>
      %dma_start3A_143 = arith.constant 0 : i32
      %dma_start3A_144 = tpu.memref_slice %arg6[%arg0, %mul3A_0, %dma_start3A_143] : memref<2x10112x128xf32, #tpu.memory_space<hbm>> -> memref<1x632x128xf32, #tpu.memory_space<hbm>>
      %dma_start3A_145 = tpu.memref_squeeze %dma_start3A_144 : memref<1x632x128xf32, #tpu.memory_space<hbm>> -> memref<632x128xf32, #tpu.memory_space<hbm>>
      %dma_start3A_146 = arith.constant 0 : i32
      %dma_start3A_147 = tpu.memref_slice %arg10[%mul3A_0, %dma_start3A_146] : memref<10112x128xf32, #tpu.memory_space<vmem_shared>> -> memref<632x128xf32, #tpu.memory_space<vmem_shared>>
      tpu.enqueue_dma source(%dma_start3A_147 : memref<632x128xf32, #tpu.memory_space<vmem_shared>>) target(%dma_start3A_145 : memref<632x128xf32, #tpu.memory_space<hbm>>) target_semaphore(%run_scoped3A : memref<!tpu.dma_semaphore, #tpu.memory_space<semaphore_mem>>)
      %dma_wait3A_148 = arith.constant 0 : i32
      %dma_wait3A_149 = tpu.memref_slice %arg6[%arg0, %mul3A_0, %dma_wait3A_148] : memref<2x10112x128xf32, #tpu.memory_space<hbm>> -> memref<1x632x128xf32, #tpu.memory_space<hbm>>
      %dma_wait3A_150 = tpu.memref_squeeze %dma_wait3A_149 : memref<1x632x128xf32, #tpu.memory_space<hbm>> -> memref<632x128xf32, #tpu.memory_space<hbm>>
      %dma_wait3A_151 = arith.constant 0 : i32
      %dma_wait3A_152 = tpu.memref_slice %arg10[%mul3A_0, %dma_wait3A_151] : memref<10112x128xf32, #tpu.memory_space<vmem_shared>> -> memref<632x128xf32, #tpu.memory_space<vmem_shared>>
      tpu.wait_dma2 semaphore(%run_scoped3A : memref<!tpu.dma_semaphore, #tpu.memory_space<semaphore_mem>>) src(%dma_wait3A_152 : memref<632x128xf32, #tpu.memory_space<vmem_shared>>) dst(%dma_wait3A_150 : memref<632x128xf32, #tpu.memory_space<hbm>>)
      tpu.yield
    }) : () -> ()
    return
  }
}

#map = affine_map<(d0, d1) -> (0, 0)>
#map1 = affine_map<(d0, d1) -> (0)>
#map2 = affine_map<(d0, d1) -> (0, 0, 0)>
module attributes {stable_mosaic.version = 14 : i64} {
  func.func @sc_aggregate(%arg0: i32, %arg1: i32, %arg2: memref<10000x128xf32, #tpu.memory_space<hbm>>, %arg3: memref<327680xi32, #tpu.memory_space<hbm>>, %arg4: memref<327680xi32, #tpu.memory_space<hbm>>, %arg5: memref<10112x128xf32, #tpu.memory_space<hbm>>, %arg6: memref<2x10112x128xf32, #tpu.memory_space<hbm>>, %arg7: memref<4x128xi32, #tpu.memory_space<vmem>>, %arg8: memref<4x128xi32, #tpu.memory_space<vmem>>, %arg9: memref<2x128x128xf32, #tpu.memory_space<vmem>>, %arg10: memref<10112x128xf32, #tpu.memory_space<vmem_shared>>, %arg11: memref<!tpu.dma_semaphore, #tpu.memory_space<semaphore_mem>>, %arg12: memref<!tpu.dma_semaphore, #tpu.memory_space<semaphore_mem>>, %arg13: memref<!tpu.dma_semaphore, #tpu.memory_space<semaphore_mem>>, %arg14: memref<!tpu.dma_semaphore, #tpu.memory_space<semaphore_mem>>, %arg15: memref<!tpu.dma_semaphore, #tpu.memory_space<semaphore_mem>>, %arg16: memref<!tpu.dma_semaphore, #tpu.memory_space<semaphore_mem>>, %arg17: memref<!tpu.dma_semaphore, #tpu.memory_space<semaphore_mem>>, %arg18: memref<!tpu.dma_semaphore, #tpu.memory_space<semaphore_mem>>, %arg19: memref<!tpu.dma_semaphore, #tpu.memory_space<semaphore_mem>>, %arg20: memref<!tpu.dma_semaphore, #tpu.memory_space<semaphore_mem>>) attributes {dimension_semantics = [#tpu.dimension_semantics<core_parallel>, #tpu.dimension_semantics<subcore_parallel>], iteration_bounds = array<i64: 2, 16>, scalar_prefetch = 0 : i64, scratch_operands = 14 : i64, tpu.core_type = #tpu.core_type<sc_vector_subcore>, window_params = [{transform_indices = #map}, {transform_indices = #map1}, {transform_indices = #map1}, {transform_indices = #map}, {transform_indices = #map2}]} {
    %mul3A = arith.constant 632 : i32
    %mul3A_0 = arith.muli %arg1, %mul3A : i32
    %mul3A_1 = arith.constant 16 : i32
    %mul3A_2 = arith.muli %arg0, %mul3A_1 : i32
    %add3A = arith.addi %mul3A_2, %arg1 : i32
    %mul3A_3 = arith.constant 80 : i32
    %mul3A_4 = arith.muli %add3A, %mul3A_3 : i32
    %add3A_5 = arith.constant 0 : i32
    %add3A_6 = arith.addi %mul3A_4, %add3A_5 : i32
    %mul3A_7 = arith.constant 128 : i32
    %mul3A_8 = arith.muli %add3A_6, %mul3A_7 : i32
    %dma_start3A = arith.constant 0 : i32
    %dma_start3A_9 = arith.constant 0 : i32
    %dma_start3A_10 = tpu.memref_slice %arg7[%dma_start3A, %dma_start3A_9] : memref<4x128xi32, #tpu.memory_space<vmem>> -> memref<1x128xi32, #tpu.memory_space<vmem>>
    %dma_start3A_11 = tpu.memref_squeeze %dma_start3A_10 : memref<1x128xi32, #tpu.memory_space<vmem>> -> memref<128xi32, #tpu.memory_space<vmem>>
    %dma_start3A_12 = tpu.memref_slice %arg3[%mul3A_8] : memref<327680xi32, #tpu.memory_space<hbm>> -> memref<128xi32, #tpu.memory_space<hbm>>
    %dma_start3A_13 = arith.constant 0 : i32
    %dma_start3A_14 = tpu.memref_slice %arg7[%dma_start3A, %dma_start3A_13] : memref<4x128xi32, #tpu.memory_space<vmem>> -> memref<1x128xi32, #tpu.memory_space<vmem>>
    %dma_start3A_15 = tpu.memref_squeeze %dma_start3A_14 : memref<1x128xi32, #tpu.memory_space<vmem>> -> memref<128xi32, #tpu.memory_space<vmem>>
    %dma_start3A_16 = tpu.memref_slice %arg3[%mul3A_8] : memref<327680xi32, #tpu.memory_space<hbm>> -> memref<128xi32, #tpu.memory_space<hbm>>
    tpu.enqueue_dma source(%dma_start3A_16 : memref<128xi32, #tpu.memory_space<hbm>>) target(%dma_start3A_15 : memref<128xi32, #tpu.memory_space<vmem>>) target_semaphore(%arg13 : memref<!tpu.dma_semaphore, #tpu.memory_space<semaphore_mem>>)
    %dma_start3A_17 = arith.constant 0 : i32
    %dma_start3A_18 = arith.constant 0 : i32
    %dma_start3A_19 = tpu.memref_slice %arg8[%dma_start3A_17, %dma_start3A_18] : memref<4x128xi32, #tpu.memory_space<vmem>> -> memref<1x128xi32, #tpu.memory_space<vmem>>
    %dma_start3A_20 = tpu.memref_squeeze %dma_start3A_19 : memref<1x128xi32, #tpu.memory_space<vmem>> -> memref<128xi32, #tpu.memory_space<vmem>>
    %dma_start3A_21 = tpu.memref_slice %arg4[%mul3A_8] : memref<327680xi32, #tpu.memory_space<hbm>> -> memref<128xi32, #tpu.memory_space<hbm>>
    %dma_start3A_22 = arith.constant 0 : i32
    %dma_start3A_23 = tpu.memref_slice %arg8[%dma_start3A_17, %dma_start3A_22] : memref<4x128xi32, #tpu.memory_space<vmem>> -> memref<1x128xi32, #tpu.memory_space<vmem>>
    %dma_start3A_24 = tpu.memref_squeeze %dma_start3A_23 : memref<1x128xi32, #tpu.memory_space<vmem>> -> memref<128xi32, #tpu.memory_space<vmem>>
    %dma_start3A_25 = tpu.memref_slice %arg4[%mul3A_8] : memref<327680xi32, #tpu.memory_space<hbm>> -> memref<128xi32, #tpu.memory_space<hbm>>
    tpu.enqueue_dma source(%dma_start3A_25 : memref<128xi32, #tpu.memory_space<hbm>>) target(%dma_start3A_24 : memref<128xi32, #tpu.memory_space<vmem>>) target_semaphore(%arg17 : memref<!tpu.dma_semaphore, #tpu.memory_space<semaphore_mem>>)
    %add3A_26 = arith.constant 1 : i32
    %add3A_27 = arith.addi %mul3A_4, %add3A_26 : i32
    %mul3A_28 = arith.constant 128 : i32
    %mul3A_29 = arith.muli %add3A_27, %mul3A_28 : i32
    %dma_start3A_30 = arith.constant 1 : i32
    %dma_start3A_31 = arith.constant 0 : i32
    %dma_start3A_32 = tpu.memref_slice %arg7[%dma_start3A_30, %dma_start3A_31] : memref<4x128xi32, #tpu.memory_space<vmem>> -> memref<1x128xi32, #tpu.memory_space<vmem>>
    %dma_start3A_33 = tpu.memref_squeeze %dma_start3A_32 : memref<1x128xi32, #tpu.memory_space<vmem>> -> memref<128xi32, #tpu.memory_space<vmem>>
    %dma_start3A_34 = tpu.memref_slice %arg3[%mul3A_29] : memref<327680xi32, #tpu.memory_space<hbm>> -> memref<128xi32, #tpu.memory_space<hbm>>
    %dma_start3A_35 = arith.constant 0 : i32
    %dma_start3A_36 = tpu.memref_slice %arg7[%dma_start3A_30, %dma_start3A_35] : memref<4x128xi32, #tpu.memory_space<vmem>> -> memref<1x128xi32, #tpu.memory_space<vmem>>
    %dma_start3A_37 = tpu.memref_squeeze %dma_start3A_36 : memref<1x128xi32, #tpu.memory_space<vmem>> -> memref<128xi32, #tpu.memory_space<vmem>>
    %dma_start3A_38 = tpu.memref_slice %arg3[%mul3A_29] : memref<327680xi32, #tpu.memory_space<hbm>> -> memref<128xi32, #tpu.memory_space<hbm>>
    tpu.enqueue_dma source(%dma_start3A_38 : memref<128xi32, #tpu.memory_space<hbm>>) target(%dma_start3A_37 : memref<128xi32, #tpu.memory_space<vmem>>) target_semaphore(%arg14 : memref<!tpu.dma_semaphore, #tpu.memory_space<semaphore_mem>>)
    %dma_start3A_39 = arith.constant 1 : i32
    %dma_start3A_40 = arith.constant 0 : i32
    %dma_start3A_41 = tpu.memref_slice %arg8[%dma_start3A_39, %dma_start3A_40] : memref<4x128xi32, #tpu.memory_space<vmem>> -> memref<1x128xi32, #tpu.memory_space<vmem>>
    %dma_start3A_42 = tpu.memref_squeeze %dma_start3A_41 : memref<1x128xi32, #tpu.memory_space<vmem>> -> memref<128xi32, #tpu.memory_space<vmem>>
    %dma_start3A_43 = tpu.memref_slice %arg4[%mul3A_29] : memref<327680xi32, #tpu.memory_space<hbm>> -> memref<128xi32, #tpu.memory_space<hbm>>
    %dma_start3A_44 = arith.constant 0 : i32
    %dma_start3A_45 = tpu.memref_slice %arg8[%dma_start3A_39, %dma_start3A_44] : memref<4x128xi32, #tpu.memory_space<vmem>> -> memref<1x128xi32, #tpu.memory_space<vmem>>
    %dma_start3A_46 = tpu.memref_squeeze %dma_start3A_45 : memref<1x128xi32, #tpu.memory_space<vmem>> -> memref<128xi32, #tpu.memory_space<vmem>>
    %dma_start3A_47 = tpu.memref_slice %arg4[%mul3A_29] : memref<327680xi32, #tpu.memory_space<hbm>> -> memref<128xi32, #tpu.memory_space<hbm>>
    tpu.enqueue_dma source(%dma_start3A_47 : memref<128xi32, #tpu.memory_space<hbm>>) target(%dma_start3A_46 : memref<128xi32, #tpu.memory_space<vmem>>) target_semaphore(%arg18 : memref<!tpu.dma_semaphore, #tpu.memory_space<semaphore_mem>>)
    %add3A_48 = arith.constant 2 : i32
    %add3A_49 = arith.addi %mul3A_4, %add3A_48 : i32
    %mul3A_50 = arith.constant 128 : i32
    %mul3A_51 = arith.muli %add3A_49, %mul3A_50 : i32
    %dma_start3A_52 = arith.constant 2 : i32
    %dma_start3A_53 = arith.constant 0 : i32
    %dma_start3A_54 = tpu.memref_slice %arg7[%dma_start3A_52, %dma_start3A_53] : memref<4x128xi32, #tpu.memory_space<vmem>> -> memref<1x128xi32, #tpu.memory_space<vmem>>
    %dma_start3A_55 = tpu.memref_squeeze %dma_start3A_54 : memref<1x128xi32, #tpu.memory_space<vmem>> -> memref<128xi32, #tpu.memory_space<vmem>>
    %dma_start3A_56 = tpu.memref_slice %arg3[%mul3A_51] : memref<327680xi32, #tpu.memory_space<hbm>> -> memref<128xi32, #tpu.memory_space<hbm>>
    %dma_start3A_57 = arith.constant 0 : i32
    %dma_start3A_58 = tpu.memref_slice %arg7[%dma_start3A_52, %dma_start3A_57] : memref<4x128xi32, #tpu.memory_space<vmem>> -> memref<1x128xi32, #tpu.memory_space<vmem>>
    %dma_start3A_59 = tpu.memref_squeeze %dma_start3A_58 : memref<1x128xi32, #tpu.memory_space<vmem>> -> memref<128xi32, #tpu.memory_space<vmem>>
    %dma_start3A_60 = tpu.memref_slice %arg3[%mul3A_51] : memref<327680xi32, #tpu.memory_space<hbm>> -> memref<128xi32, #tpu.memory_space<hbm>>
    tpu.enqueue_dma source(%dma_start3A_60 : memref<128xi32, #tpu.memory_space<hbm>>) target(%dma_start3A_59 : memref<128xi32, #tpu.memory_space<vmem>>) target_semaphore(%arg15 : memref<!tpu.dma_semaphore, #tpu.memory_space<semaphore_mem>>)
    %dma_start3A_61 = arith.constant 2 : i32
    %dma_start3A_62 = arith.constant 0 : i32
    %dma_start3A_63 = tpu.memref_slice %arg8[%dma_start3A_61, %dma_start3A_62] : memref<4x128xi32, #tpu.memory_space<vmem>> -> memref<1x128xi32, #tpu.memory_space<vmem>>
    %dma_start3A_64 = tpu.memref_squeeze %dma_start3A_63 : memref<1x128xi32, #tpu.memory_space<vmem>> -> memref<128xi32, #tpu.memory_space<vmem>>
    %dma_start3A_65 = tpu.memref_slice %arg4[%mul3A_51] : memref<327680xi32, #tpu.memory_space<hbm>> -> memref<128xi32, #tpu.memory_space<hbm>>
    %dma_start3A_66 = arith.constant 0 : i32
    %dma_start3A_67 = tpu.memref_slice %arg8[%dma_start3A_61, %dma_start3A_66] : memref<4x128xi32, #tpu.memory_space<vmem>> -> memref<1x128xi32, #tpu.memory_space<vmem>>
    %dma_start3A_68 = tpu.memref_squeeze %dma_start3A_67 : memref<1x128xi32, #tpu.memory_space<vmem>> -> memref<128xi32, #tpu.memory_space<vmem>>
    %dma_start3A_69 = tpu.memref_slice %arg4[%mul3A_51] : memref<327680xi32, #tpu.memory_space<hbm>> -> memref<128xi32, #tpu.memory_space<hbm>>
    tpu.enqueue_dma source(%dma_start3A_69 : memref<128xi32, #tpu.memory_space<hbm>>) target(%dma_start3A_68 : memref<128xi32, #tpu.memory_space<vmem>>) target_semaphore(%arg19 : memref<!tpu.dma_semaphore, #tpu.memory_space<semaphore_mem>>)
    %add3A_70 = arith.constant 3 : i32
    %add3A_71 = arith.addi %mul3A_4, %add3A_70 : i32
    %mul3A_72 = arith.constant 128 : i32
    %mul3A_73 = arith.muli %add3A_71, %mul3A_72 : i32
    %dma_start3A_74 = arith.constant 3 : i32
    %dma_start3A_75 = arith.constant 0 : i32
    %dma_start3A_76 = tpu.memref_slice %arg7[%dma_start3A_74, %dma_start3A_75] : memref<4x128xi32, #tpu.memory_space<vmem>> -> memref<1x128xi32, #tpu.memory_space<vmem>>
    %dma_start3A_77 = tpu.memref_squeeze %dma_start3A_76 : memref<1x128xi32, #tpu.memory_space<vmem>> -> memref<128xi32, #tpu.memory_space<vmem>>
    %dma_start3A_78 = tpu.memref_slice %arg3[%mul3A_73] : memref<327680xi32, #tpu.memory_space<hbm>> -> memref<128xi32, #tpu.memory_space<hbm>>
    %dma_start3A_79 = arith.constant 0 : i32
    %dma_start3A_80 = tpu.memref_slice %arg7[%dma_start3A_74, %dma_start3A_79] : memref<4x128xi32, #tpu.memory_space<vmem>> -> memref<1x128xi32, #tpu.memory_space<vmem>>
    %dma_start3A_81 = tpu.memref_squeeze %dma_start3A_80 : memref<1x128xi32, #tpu.memory_space<vmem>> -> memref<128xi32, #tpu.memory_space<vmem>>
    %dma_start3A_82 = tpu.memref_slice %arg3[%mul3A_73] : memref<327680xi32, #tpu.memory_space<hbm>> -> memref<128xi32, #tpu.memory_space<hbm>>
    tpu.enqueue_dma source(%dma_start3A_82 : memref<128xi32, #tpu.memory_space<hbm>>) target(%dma_start3A_81 : memref<128xi32, #tpu.memory_space<vmem>>) target_semaphore(%arg16 : memref<!tpu.dma_semaphore, #tpu.memory_space<semaphore_mem>>)
    %dma_start3A_83 = arith.constant 3 : i32
    %dma_start3A_84 = arith.constant 0 : i32
    %dma_start3A_85 = tpu.memref_slice %arg8[%dma_start3A_83, %dma_start3A_84] : memref<4x128xi32, #tpu.memory_space<vmem>> -> memref<1x128xi32, #tpu.memory_space<vmem>>
    %dma_start3A_86 = tpu.memref_squeeze %dma_start3A_85 : memref<1x128xi32, #tpu.memory_space<vmem>> -> memref<128xi32, #tpu.memory_space<vmem>>
    %dma_start3A_87 = tpu.memref_slice %arg4[%mul3A_73] : memref<327680xi32, #tpu.memory_space<hbm>> -> memref<128xi32, #tpu.memory_space<hbm>>
    %dma_start3A_88 = arith.constant 0 : i32
    %dma_start3A_89 = tpu.memref_slice %arg8[%dma_start3A_83, %dma_start3A_88] : memref<4x128xi32, #tpu.memory_space<vmem>> -> memref<1x128xi32, #tpu.memory_space<vmem>>
    %dma_start3A_90 = tpu.memref_squeeze %dma_start3A_89 : memref<1x128xi32, #tpu.memory_space<vmem>> -> memref<128xi32, #tpu.memory_space<vmem>>
    %dma_start3A_91 = tpu.memref_slice %arg4[%mul3A_73] : memref<327680xi32, #tpu.memory_space<hbm>> -> memref<128xi32, #tpu.memory_space<hbm>>
    tpu.enqueue_dma source(%dma_start3A_91 : memref<128xi32, #tpu.memory_space<hbm>>) target(%dma_start3A_90 : memref<128xi32, #tpu.memory_space<vmem>>) target_semaphore(%arg20 : memref<!tpu.dma_semaphore, #tpu.memory_space<semaphore_mem>>)
    "tpu.region"() ({
      %run_scoped3A = tpu.sem_alloc : memref<!tpu.dma_semaphore, #tpu.memory_space<semaphore_mem>>
      %dma_start3A_143 = arith.constant 0 : i32
      %dma_start3A_144 = tpu.memref_slice %arg10[%mul3A_0, %dma_start3A_143] : memref<10112x128xf32, #tpu.memory_space<vmem_shared>> -> memref<632x128xf32, #tpu.memory_space<vmem_shared>>
      %dma_start3A_145 = arith.constant 0 : i32
      %dma_start3A_146 = tpu.memref_slice %arg5[%mul3A_0, %dma_start3A_145] : memref<10112x128xf32, #tpu.memory_space<hbm>> -> memref<632x128xf32, #tpu.memory_space<hbm>>
      tpu.enqueue_dma source(%dma_start3A_146 : memref<632x128xf32, #tpu.memory_space<hbm>>) target(%dma_start3A_144 : memref<632x128xf32, #tpu.memory_space<vmem_shared>>) target_semaphore(%run_scoped3A : memref<!tpu.dma_semaphore, #tpu.memory_space<semaphore_mem>>)
      %dma_wait3A_147 = arith.constant 0 : i32
      %dma_wait3A_148 = tpu.memref_slice %arg10[%mul3A_0, %dma_wait3A_147] : memref<10112x128xf32, #tpu.memory_space<vmem_shared>> -> memref<632x128xf32, #tpu.memory_space<vmem_shared>>
      %dma_wait3A_149 = arith.constant 0 : i32
      %dma_wait3A_150 = tpu.memref_slice %arg5[%mul3A_0, %dma_wait3A_149] : memref<10112x128xf32, #tpu.memory_space<hbm>> -> memref<632x128xf32, #tpu.memory_space<hbm>>
      tpu.wait_dma2 semaphore(%run_scoped3A : memref<!tpu.dma_semaphore, #tpu.memory_space<semaphore_mem>>) src(%dma_wait3A_150 : memref<632x128xf32, #tpu.memory_space<hbm>>) dst(%dma_wait3A_148 : memref<632x128xf32, #tpu.memory_space<vmem_shared>>)
      tpu.yield
    }) : () -> ()
    %dma_wait3A = arith.constant 0 : i32
    %dma_wait3A_92 = arith.constant 0 : i32
    %dma_wait3A_93 = tpu.memref_slice %arg7[%dma_wait3A, %dma_wait3A_92] : memref<4x128xi32, #tpu.memory_space<vmem>> -> memref<1x128xi32, #tpu.memory_space<vmem>>
    %dma_wait3A_94 = tpu.memref_squeeze %dma_wait3A_93 : memref<1x128xi32, #tpu.memory_space<vmem>> -> memref<128xi32, #tpu.memory_space<vmem>>
    %dma_wait3A_95 = arith.constant 0 : i32
    %dma_wait3A_96 = tpu.memref_slice %arg3[%dma_wait3A_95] : memref<327680xi32, #tpu.memory_space<hbm>> -> memref<128xi32, #tpu.memory_space<hbm>>
    %dma_wait3A_97 = arith.constant 0 : i32
    %dma_wait3A_98 = tpu.memref_slice %arg7[%dma_wait3A, %dma_wait3A_97] : memref<4x128xi32, #tpu.memory_space<vmem>> -> memref<1x128xi32, #tpu.memory_space<vmem>>
    %dma_wait3A_99 = tpu.memref_squeeze %dma_wait3A_98 : memref<1x128xi32, #tpu.memory_space<vmem>> -> memref<128xi32, #tpu.memory_space<vmem>>
    %dma_wait3A_100 = arith.constant 0 : i32
    %dma_wait3A_101 = tpu.memref_slice %arg3[%dma_wait3A_100] : memref<327680xi32, #tpu.memory_space<hbm>> -> memref<128xi32, #tpu.memory_space<hbm>>
    tpu.wait_dma2 semaphore(%arg13 : memref<!tpu.dma_semaphore, #tpu.memory_space<semaphore_mem>>) src(%dma_wait3A_101 : memref<128xi32, #tpu.memory_space<hbm>>) dst(%dma_wait3A_99 : memref<128xi32, #tpu.memory_space<vmem>>)
    %dma_start3A_102 = arith.constant 0 : i32
    %dma_start3A_103 = arith.constant 0 : i32
    %dma_start3A_104 = arith.constant 0 : i32
    %dma_start3A_105 = arith.constant 0 : i32
    %dma_start3A_106 = tpu.memref_slice %arg9[%dma_start3A_103, %dma_start3A_104, %dma_start3A_105] : memref<2x128x128xf32, #tpu.memory_space<vmem>> -> memref<1x128x128xf32, #tpu.memory_space<vmem>>
    %dma_start3A_107 = tpu.memref_squeeze %dma_start3A_106 : memref<1x128x128xf32, #tpu.memory_space<vmem>> -> memref<128x128xf32, #tpu.memory_space<vmem>>
    %dma_start3A_108 = arith.constant 0 : i32
    %dma_start3A_109 = tpu.memref_slice %arg7[%dma_start3A_102, %dma_start3A_108] : memref<4x128xi32, #tpu.memory_space<vmem>> -> memref<1x128xi32, #tpu.memory_space<vmem>>
    %dma_start3A_110 = tpu.memref_squeeze %dma_start3A_109 : memref<1x128xi32, #tpu.memory_space<vmem>> -> memref<128xi32, #tpu.memory_space<vmem>>
    %dma_start3A_111 = arith.constant 0 : i32
    %dma_start3A_112 = arith.constant 0 : i32
    %dma_start3A_113 = tpu.memref_slice %arg2[%dma_start3A_111, %dma_start3A_112] : memref<10000x128xf32, #tpu.memory_space<hbm>> -> memref<10000x128xf32, #tpu.memory_space<hbm>>
    tpu.enqueue_indirect_dma source(%dma_start3A_113 : memref<10000x128xf32, #tpu.memory_space<hbm>>) target(%dma_start3A_107 : memref<128x128xf32, #tpu.memory_space<vmem>>) offsets(%dma_start3A_110 : memref<128xi32, #tpu.memory_space<vmem>>) semaphore(%arg11 : memref<!tpu.dma_semaphore, #tpu.memory_space<semaphore_mem>>)
    %dma_wait3A_114 = arith.constant 1 : i32
    %dma_wait3A_115 = arith.constant 0 : i32
    %dma_wait3A_116 = tpu.memref_slice %arg7[%dma_wait3A_114, %dma_wait3A_115] : memref<4x128xi32, #tpu.memory_space<vmem>> -> memref<1x128xi32, #tpu.memory_space<vmem>>
    %dma_wait3A_117 = tpu.memref_squeeze %dma_wait3A_116 : memref<1x128xi32, #tpu.memory_space<vmem>> -> memref<128xi32, #tpu.memory_space<vmem>>
    %dma_wait3A_118 = arith.constant 0 : i32
    %dma_wait3A_119 = tpu.memref_slice %arg3[%dma_wait3A_118] : memref<327680xi32, #tpu.memory_space<hbm>> -> memref<128xi32, #tpu.memory_space<hbm>>
    %dma_wait3A_120 = arith.constant 0 : i32
    %dma_wait3A_121 = tpu.memref_slice %arg7[%dma_wait3A_114, %dma_wait3A_120] : memref<4x128xi32, #tpu.memory_space<vmem>> -> memref<1x128xi32, #tpu.memory_space<vmem>>
    %dma_wait3A_122 = tpu.memref_squeeze %dma_wait3A_121 : memref<1x128xi32, #tpu.memory_space<vmem>> -> memref<128xi32, #tpu.memory_space<vmem>>
    %dma_wait3A_123 = arith.constant 0 : i32
    %dma_wait3A_124 = tpu.memref_slice %arg3[%dma_wait3A_123] : memref<327680xi32, #tpu.memory_space<hbm>> -> memref<128xi32, #tpu.memory_space<hbm>>
    tpu.wait_dma2 semaphore(%arg14 : memref<!tpu.dma_semaphore, #tpu.memory_space<semaphore_mem>>) src(%dma_wait3A_124 : memref<128xi32, #tpu.memory_space<hbm>>) dst(%dma_wait3A_122 : memref<128xi32, #tpu.memory_space<vmem>>)
    %dma_start3A_125 = arith.constant 1 : i32
    %dma_start3A_126 = arith.constant 1 : i32
    %dma_start3A_127 = arith.constant 0 : i32
    %dma_start3A_128 = arith.constant 0 : i32
    %dma_start3A_129 = tpu.memref_slice %arg9[%dma_start3A_126, %dma_start3A_127, %dma_start3A_128] : memref<2x128x128xf32, #tpu.memory_space<vmem>> -> memref<1x128x128xf32, #tpu.memory_space<vmem>>
    %dma_start3A_130 = tpu.memref_squeeze %dma_start3A_129 : memref<1x128x128xf32, #tpu.memory_space<vmem>> -> memref<128x128xf32, #tpu.memory_space<vmem>>
    %dma_start3A_131 = arith.constant 0 : i32
    %dma_start3A_132 = tpu.memref_slice %arg7[%dma_start3A_125, %dma_start3A_131] : memref<4x128xi32, #tpu.memory_space<vmem>> -> memref<1x128xi32, #tpu.memory_space<vmem>>
    %dma_start3A_133 = tpu.memref_squeeze %dma_start3A_132 : memref<1x128xi32, #tpu.memory_space<vmem>> -> memref<128xi32, #tpu.memory_space<vmem>>
    %dma_start3A_134 = arith.constant 0 : i32
    %dma_start3A_135 = arith.constant 0 : i32
    %dma_start3A_136 = tpu.memref_slice %arg2[%dma_start3A_134, %dma_start3A_135] : memref<10000x128xf32, #tpu.memory_space<hbm>> -> memref<10000x128xf32, #tpu.memory_space<hbm>>
    tpu.enqueue_indirect_dma source(%dma_start3A_136 : memref<10000x128xf32, #tpu.memory_space<hbm>>) target(%dma_start3A_130 : memref<128x128xf32, #tpu.memory_space<vmem>>) offsets(%dma_start3A_133 : memref<128xi32, #tpu.memory_space<vmem>>) semaphore(%arg12 : memref<!tpu.dma_semaphore, #tpu.memory_space<semaphore_mem>>)
    %barrier3A = arith.constant 0 : index
    tpu.barrier barrier_id(%barrier3A)
    %scan3A = arith.constant 0 : i32
    %scan3A_137 = arith.constant 0 : i32
    %scan3A_138 = arith.constant 20 : i32
    %scan3A_139 = arith.addi %scan3A_137, %scan3A_138 : i32
    %scan3A_140 = arith.constant 1 : i32
    scf.for %scan3A_143 = %scan3A_137 to %scan3A_139 step %scan3A_140  : i32 {
      %mul3A_144 = arith.constant 4 : i32
      %mul3A_145 = arith.muli %scan3A_143, %mul3A_144 : i32
      %add3A_146 = arith.constant 0 : i32
      %add3A_147 = arith.addi %mul3A_145, %add3A_146 : i32
      %dma_wait3A_148 = arith.constant 0 : i32
      %dma_wait3A_149 = arith.constant 0 : i32
      %dma_wait3A_150 = arith.constant 0 : i32
      %dma_wait3A_151 = arith.constant 0 : i32
      %dma_wait3A_152 = tpu.memref_slice %arg9[%dma_wait3A_149, %dma_wait3A_150, %dma_wait3A_151] : memref<2x128x128xf32, #tpu.memory_space<vmem>> -> memref<1x128x128xf32, #tpu.memory_space<vmem>>
      %dma_wait3A_153 = tpu.memref_squeeze %dma_wait3A_152 : memref<1x128x128xf32, #tpu.memory_space<vmem>> -> memref<128x128xf32, #tpu.memory_space<vmem>>
      %dma_wait3A_154 = arith.constant 0 : i32
      %dma_wait3A_155 = tpu.memref_slice %arg7[%dma_wait3A_148, %dma_wait3A_154] : memref<4x128xi32, #tpu.memory_space<vmem>> -> memref<1x128xi32, #tpu.memory_space<vmem>>
      %dma_wait3A_156 = tpu.memref_squeeze %dma_wait3A_155 : memref<1x128xi32, #tpu.memory_space<vmem>> -> memref<128xi32, #tpu.memory_space<vmem>>
      %dma_wait3A_157 = arith.constant 0 : i32
      %dma_wait3A_158 = arith.constant 0 : i32
      %dma_wait3A_159 = tpu.memref_slice %arg2[%dma_wait3A_157, %dma_wait3A_158] : memref<10000x128xf32, #tpu.memory_space<hbm>> -> memref<10000x128xf32, #tpu.memory_space<hbm>>
      tpu.wait_indirect_dma semaphore(%arg11 : memref<!tpu.dma_semaphore, #tpu.memory_space<semaphore_mem>>) src(%dma_wait3A_159 : memref<10000x128xf32, #tpu.memory_space<hbm>>) dst(%dma_wait3A_153 : memref<128x128xf32, #tpu.memory_space<vmem>>)
      %dma_wait3A_160 = arith.constant 0 : i32
      %dma_wait3A_161 = arith.constant 0 : i32
      %dma_wait3A_162 = tpu.memref_slice %arg8[%dma_wait3A_160, %dma_wait3A_161] : memref<4x128xi32, #tpu.memory_space<vmem>> -> memref<1x128xi32, #tpu.memory_space<vmem>>
      %dma_wait3A_163 = tpu.memref_squeeze %dma_wait3A_162 : memref<1x128xi32, #tpu.memory_space<vmem>> -> memref<128xi32, #tpu.memory_space<vmem>>
      %dma_wait3A_164 = arith.constant 0 : i32
      %dma_wait3A_165 = tpu.memref_slice %arg3[%dma_wait3A_164] : memref<327680xi32, #tpu.memory_space<hbm>> -> memref<128xi32, #tpu.memory_space<hbm>>
      %dma_wait3A_166 = arith.constant 0 : i32
      %dma_wait3A_167 = tpu.memref_slice %arg8[%dma_wait3A_160, %dma_wait3A_166] : memref<4x128xi32, #tpu.memory_space<vmem>> -> memref<1x128xi32, #tpu.memory_space<vmem>>
      %dma_wait3A_168 = tpu.memref_squeeze %dma_wait3A_167 : memref<1x128xi32, #tpu.memory_space<vmem>> -> memref<128xi32, #tpu.memory_space<vmem>>
      %dma_wait3A_169 = arith.constant 0 : i32
      %dma_wait3A_170 = tpu.memref_slice %arg3[%dma_wait3A_169] : memref<327680xi32, #tpu.memory_space<hbm>> -> memref<128xi32, #tpu.memory_space<hbm>>
      tpu.wait_dma2 semaphore(%arg17 : memref<!tpu.dma_semaphore, #tpu.memory_space<semaphore_mem>>) src(%dma_wait3A_170 : memref<128xi32, #tpu.memory_space<hbm>>) dst(%dma_wait3A_168 : memref<128xi32, #tpu.memory_space<vmem>>)
      %run_scoped3A = arith.constant 0 : i32
      %run_scoped3A_171 = arith.constant 0 : i32
      "tpu.region"() ({
        %run_scoped3A_312 = tpu.sem_alloc : memref<!tpu.dma_semaphore, #tpu.memory_space<semaphore_mem>>
        %dma_start3A_313 = arith.constant 0 : i32
        %dma_start3A_314 = arith.constant 0 : i32
        %dma_start3A_315 = tpu.memref_slice %arg9[%run_scoped3A, %dma_start3A_313, %dma_start3A_314] : memref<2x128x128xf32, #tpu.memory_space<vmem>> -> memref<1x128x128xf32, #tpu.memory_space<vmem>>
        %dma_start3A_316 = tpu.memref_squeeze %dma_start3A_315 : memref<1x128x128xf32, #tpu.memory_space<vmem>> -> memref<128x128xf32, #tpu.memory_space<vmem>>
        %dma_start3A_317 = arith.constant 0 : i32
        %dma_start3A_318 = tpu.memref_slice %arg8[%run_scoped3A_171, %dma_start3A_317] : memref<4x128xi32, #tpu.memory_space<vmem>> -> memref<1x128xi32, #tpu.memory_space<vmem>>
        %dma_start3A_319 = tpu.memref_squeeze %dma_start3A_318 : memref<1x128xi32, #tpu.memory_space<vmem>> -> memref<128xi32, #tpu.memory_space<vmem>>
        %dma_start3A_320 = arith.constant 0 : i32
        %dma_start3A_321 = arith.constant 0 : i32
        %dma_start3A_322 = tpu.memref_slice %arg10[%dma_start3A_320, %dma_start3A_321] : memref<10112x128xf32, #tpu.memory_space<vmem_shared>> -> memref<10112x128xf32, #tpu.memory_space<vmem_shared>>
        tpu.enqueue_indirect_dma source(%dma_start3A_316 : memref<128x128xf32, #tpu.memory_space<vmem>>) target(%dma_start3A_322 : memref<10112x128xf32, #tpu.memory_space<vmem_shared>>) offsets(%dma_start3A_319 : memref<128xi32, #tpu.memory_space<vmem>>) semaphore(%run_scoped3A_312 : memref<!tpu.dma_semaphore, #tpu.memory_space<semaphore_mem>>) {add = true}
        %dma_wait3A_323 = arith.constant 0 : i32
        %dma_wait3A_324 = arith.constant 0 : i32
        %dma_wait3A_325 = tpu.memref_slice %arg9[%run_scoped3A, %dma_wait3A_323, %dma_wait3A_324] : memref<2x128x128xf32, #tpu.memory_space<vmem>> -> memref<1x128x128xf32, #tpu.memory_space<vmem>>
        %dma_wait3A_326 = tpu.memref_squeeze %dma_wait3A_325 : memref<1x128x128xf32, #tpu.memory_space<vmem>> -> memref<128x128xf32, #tpu.memory_space<vmem>>
        %dma_wait3A_327 = arith.constant 0 : i32
        %dma_wait3A_328 = tpu.memref_slice %arg8[%run_scoped3A_171, %dma_wait3A_327] : memref<4x128xi32, #tpu.memory_space<vmem>> -> memref<1x128xi32, #tpu.memory_space<vmem>>
        %dma_wait3A_329 = tpu.memref_squeeze %dma_wait3A_328 : memref<1x128xi32, #tpu.memory_space<vmem>> -> memref<128xi32, #tpu.memory_space<vmem>>
        %dma_wait3A_330 = arith.constant 0 : i32
        %dma_wait3A_331 = arith.constant 0 : i32
        %dma_wait3A_332 = tpu.memref_slice %arg10[%dma_wait3A_330, %dma_wait3A_331] : memref<10112x128xf32, #tpu.memory_space<vmem_shared>> -> memref<10112x128xf32, #tpu.memory_space<vmem_shared>>
        tpu.wait_indirect_dma semaphore(%run_scoped3A_312 : memref<!tpu.dma_semaphore, #tpu.memory_space<semaphore_mem>>) src(%dma_wait3A_326 : memref<128x128xf32, #tpu.memory_space<vmem>>) dst(%dma_wait3A_332 : memref<10112x128xf32, #tpu.memory_space<vmem_shared>>)
        tpu.yield
      }) : () -> ()
      %add3A_172 = arith.constant 4 : i32
      %add3A_173 = arith.addi %add3A_147, %add3A_172 : i32
      %lt3A = arith.constant 80 : i32
      %lt3A_174 = arith.cmpi slt, %add3A_173, %lt3A : i32
      %convert_element_type3A = arith.extui %lt3A_174 : i1 to i32
      %cond3A = arith.constant 0 : i32
      %cond3A_175 = arith.cmpi ne, %convert_element_type3A, %cond3A : i32
      scf.if %cond3A_175 {
        %add3A_312 = arith.addi %mul3A_4, %add3A_147 : i32
        %add3A_313 = arith.constant 4 : i32
        %add3A_314 = arith.addi %add3A_312, %add3A_313 : i32
        %mul3A_315 = arith.constant 128 : i32
        %mul3A_316 = arith.muli %add3A_314, %mul3A_315 : i32
        %dma_start3A_317 = arith.constant 0 : i32
        %dma_start3A_318 = arith.constant 0 : i32
        %dma_start3A_319 = tpu.memref_slice %arg7[%dma_start3A_317, %dma_start3A_318] : memref<4x128xi32, #tpu.memory_space<vmem>> -> memref<1x128xi32, #tpu.memory_space<vmem>>
        %dma_start3A_320 = tpu.memref_squeeze %dma_start3A_319 : memref<1x128xi32, #tpu.memory_space<vmem>> -> memref<128xi32, #tpu.memory_space<vmem>>
        %dma_start3A_321 = tpu.memref_slice %arg3[%mul3A_316] : memref<327680xi32, #tpu.memory_space<hbm>> -> memref<128xi32, #tpu.memory_space<hbm>>
        %dma_start3A_322 = arith.constant 0 : i32
        %dma_start3A_323 = tpu.memref_slice %arg7[%dma_start3A_317, %dma_start3A_322] : memref<4x128xi32, #tpu.memory_space<vmem>> -> memref<1x128xi32, #tpu.memory_space<vmem>>
        %dma_start3A_324 = tpu.memref_squeeze %dma_start3A_323 : memref<1x128xi32, #tpu.memory_space<vmem>> -> memref<128xi32, #tpu.memory_space<vmem>>
        %dma_start3A_325 = tpu.memref_slice %arg3[%mul3A_316] : memref<327680xi32, #tpu.memory_space<hbm>> -> memref<128xi32, #tpu.memory_space<hbm>>
        tpu.enqueue_dma source(%dma_start3A_325 : memref<128xi32, #tpu.memory_space<hbm>>) target(%dma_start3A_324 : memref<128xi32, #tpu.memory_space<vmem>>) target_semaphore(%arg13 : memref<!tpu.dma_semaphore, #tpu.memory_space<semaphore_mem>>)
        %dma_start3A_326 = arith.constant 0 : i32
        %dma_start3A_327 = arith.constant 0 : i32
        %dma_start3A_328 = tpu.memref_slice %arg8[%dma_start3A_326, %dma_start3A_327] : memref<4x128xi32, #tpu.memory_space<vmem>> -> memref<1x128xi32, #tpu.memory_space<vmem>>
        %dma_start3A_329 = tpu.memref_squeeze %dma_start3A_328 : memref<1x128xi32, #tpu.memory_space<vmem>> -> memref<128xi32, #tpu.memory_space<vmem>>
        %dma_start3A_330 = tpu.memref_slice %arg4[%mul3A_316] : memref<327680xi32, #tpu.memory_space<hbm>> -> memref<128xi32, #tpu.memory_space<hbm>>
        %dma_start3A_331 = arith.constant 0 : i32
        %dma_start3A_332 = tpu.memref_slice %arg8[%dma_start3A_326, %dma_start3A_331] : memref<4x128xi32, #tpu.memory_space<vmem>> -> memref<1x128xi32, #tpu.memory_space<vmem>>
        %dma_start3A_333 = tpu.memref_squeeze %dma_start3A_332 : memref<1x128xi32, #tpu.memory_space<vmem>> -> memref<128xi32, #tpu.memory_space<vmem>>
        %dma_start3A_334 = tpu.memref_slice %arg4[%mul3A_316] : memref<327680xi32, #tpu.memory_space<hbm>> -> memref<128xi32, #tpu.memory_space<hbm>>
        tpu.enqueue_dma source(%dma_start3A_334 : memref<128xi32, #tpu.memory_space<hbm>>) target(%dma_start3A_333 : memref<128xi32, #tpu.memory_space<vmem>>) target_semaphore(%arg17 : memref<!tpu.dma_semaphore, #tpu.memory_space<semaphore_mem>>)
      } else {
      }
      %add3A_176 = arith.constant 2 : i32
      %add3A_177 = arith.addi %add3A_147, %add3A_176 : i32
      %lt3A_178 = arith.constant 80 : i32
      %lt3A_179 = arith.cmpi slt, %add3A_177, %lt3A_178 : i32
      %convert_element_type3A_180 = arith.extui %lt3A_179 : i1 to i32
      %cond3A_181 = arith.constant 0 : i32
      %cond3A_182 = arith.cmpi ne, %convert_element_type3A_180, %cond3A_181 : i32
      scf.if %cond3A_182 {
        %dma_wait3A_312 = arith.constant 2 : i32
        %dma_wait3A_313 = arith.constant 0 : i32
        %dma_wait3A_314 = tpu.memref_slice %arg7[%dma_wait3A_312, %dma_wait3A_313] : memref<4x128xi32, #tpu.memory_space<vmem>> -> memref<1x128xi32, #tpu.memory_space<vmem>>
        %dma_wait3A_315 = tpu.memref_squeeze %dma_wait3A_314 : memref<1x128xi32, #tpu.memory_space<vmem>> -> memref<128xi32, #tpu.memory_space<vmem>>
        %dma_wait3A_316 = arith.constant 0 : i32
        %dma_wait3A_317 = tpu.memref_slice %arg3[%dma_wait3A_316] : memref<327680xi32, #tpu.memory_space<hbm>> -> memref<128xi32, #tpu.memory_space<hbm>>
        %dma_wait3A_318 = arith.constant 0 : i32
        %dma_wait3A_319 = tpu.memref_slice %arg7[%dma_wait3A_312, %dma_wait3A_318] : memref<4x128xi32, #tpu.memory_space<vmem>> -> memref<1x128xi32, #tpu.memory_space<vmem>>
        %dma_wait3A_320 = tpu.memref_squeeze %dma_wait3A_319 : memref<1x128xi32, #tpu.memory_space<vmem>> -> memref<128xi32, #tpu.memory_space<vmem>>
        %dma_wait3A_321 = arith.constant 0 : i32
        %dma_wait3A_322 = tpu.memref_slice %arg3[%dma_wait3A_321] : memref<327680xi32, #tpu.memory_space<hbm>> -> memref<128xi32, #tpu.memory_space<hbm>>
        tpu.wait_dma2 semaphore(%arg15 : memref<!tpu.dma_semaphore, #tpu.memory_space<semaphore_mem>>) src(%dma_wait3A_322 : memref<128xi32, #tpu.memory_space<hbm>>) dst(%dma_wait3A_320 : memref<128xi32, #tpu.memory_space<vmem>>)
        %dma_start3A_323 = arith.constant 2 : i32
        %dma_start3A_324 = arith.constant 0 : i32
        %dma_start3A_325 = arith.constant 0 : i32
        %dma_start3A_326 = arith.constant 0 : i32
        %dma_start3A_327 = tpu.memref_slice %arg9[%dma_start3A_324, %dma_start3A_325, %dma_start3A_326] : memref<2x128x128xf32, #tpu.memory_space<vmem>> -> memref<1x128x128xf32, #tpu.memory_space<vmem>>
        %dma_start3A_328 = tpu.memref_squeeze %dma_start3A_327 : memref<1x128x128xf32, #tpu.memory_space<vmem>> -> memref<128x128xf32, #tpu.memory_space<vmem>>
        %dma_start3A_329 = arith.constant 0 : i32
        %dma_start3A_330 = tpu.memref_slice %arg7[%dma_start3A_323, %dma_start3A_329] : memref<4x128xi32, #tpu.memory_space<vmem>> -> memref<1x128xi32, #tpu.memory_space<vmem>>
        %dma_start3A_331 = tpu.memref_squeeze %dma_start3A_330 : memref<1x128xi32, #tpu.memory_space<vmem>> -> memref<128xi32, #tpu.memory_space<vmem>>
        %dma_start3A_332 = arith.constant 0 : i32
        %dma_start3A_333 = arith.constant 0 : i32
        %dma_start3A_334 = tpu.memref_slice %arg2[%dma_start3A_332, %dma_start3A_333] : memref<10000x128xf32, #tpu.memory_space<hbm>> -> memref<10000x128xf32, #tpu.memory_space<hbm>>
        tpu.enqueue_indirect_dma source(%dma_start3A_334 : memref<10000x128xf32, #tpu.memory_space<hbm>>) target(%dma_start3A_328 : memref<128x128xf32, #tpu.memory_space<vmem>>) offsets(%dma_start3A_331 : memref<128xi32, #tpu.memory_space<vmem>>) semaphore(%arg11 : memref<!tpu.dma_semaphore, #tpu.memory_space<semaphore_mem>>)
      } else {
      }
      %mul3A_183 = arith.constant 4 : i32
      %mul3A_184 = arith.muli %scan3A_143, %mul3A_183 : i32
      %add3A_185 = arith.constant 1 : i32
      %add3A_186 = arith.addi %mul3A_184, %add3A_185 : i32
      %dma_wait3A_187 = arith.constant 0 : i32
      %dma_wait3A_188 = arith.constant 1 : i32
      %dma_wait3A_189 = arith.constant 0 : i32
      %dma_wait3A_190 = arith.constant 0 : i32
      %dma_wait3A_191 = tpu.memref_slice %arg9[%dma_wait3A_188, %dma_wait3A_189, %dma_wait3A_190] : memref<2x128x128xf32, #tpu.memory_space<vmem>> -> memref<1x128x128xf32, #tpu.memory_space<vmem>>
      %dma_wait3A_192 = tpu.memref_squeeze %dma_wait3A_191 : memref<1x128x128xf32, #tpu.memory_space<vmem>> -> memref<128x128xf32, #tpu.memory_space<vmem>>
      %dma_wait3A_193 = arith.constant 0 : i32
      %dma_wait3A_194 = tpu.memref_slice %arg7[%dma_wait3A_187, %dma_wait3A_193] : memref<4x128xi32, #tpu.memory_space<vmem>> -> memref<1x128xi32, #tpu.memory_space<vmem>>
      %dma_wait3A_195 = tpu.memref_squeeze %dma_wait3A_194 : memref<1x128xi32, #tpu.memory_space<vmem>> -> memref<128xi32, #tpu.memory_space<vmem>>
      %dma_wait3A_196 = arith.constant 0 : i32
      %dma_wait3A_197 = arith.constant 0 : i32
      %dma_wait3A_198 = tpu.memref_slice %arg2[%dma_wait3A_196, %dma_wait3A_197] : memref<10000x128xf32, #tpu.memory_space<hbm>> -> memref<10000x128xf32, #tpu.memory_space<hbm>>
      tpu.wait_indirect_dma semaphore(%arg12 : memref<!tpu.dma_semaphore, #tpu.memory_space<semaphore_mem>>) src(%dma_wait3A_198 : memref<10000x128xf32, #tpu.memory_space<hbm>>) dst(%dma_wait3A_192 : memref<128x128xf32, #tpu.memory_space<vmem>>)
      %dma_wait3A_199 = arith.constant 1 : i32
      %dma_wait3A_200 = arith.constant 0 : i32
      %dma_wait3A_201 = tpu.memref_slice %arg8[%dma_wait3A_199, %dma_wait3A_200] : memref<4x128xi32, #tpu.memory_space<vmem>> -> memref<1x128xi32, #tpu.memory_space<vmem>>
      %dma_wait3A_202 = tpu.memref_squeeze %dma_wait3A_201 : memref<1x128xi32, #tpu.memory_space<vmem>> -> memref<128xi32, #tpu.memory_space<vmem>>
      %dma_wait3A_203 = arith.constant 0 : i32
      %dma_wait3A_204 = tpu.memref_slice %arg3[%dma_wait3A_203] : memref<327680xi32, #tpu.memory_space<hbm>> -> memref<128xi32, #tpu.memory_space<hbm>>
      %dma_wait3A_205 = arith.constant 0 : i32
      %dma_wait3A_206 = tpu.memref_slice %arg8[%dma_wait3A_199, %dma_wait3A_205] : memref<4x128xi32, #tpu.memory_space<vmem>> -> memref<1x128xi32, #tpu.memory_space<vmem>>
      %dma_wait3A_207 = tpu.memref_squeeze %dma_wait3A_206 : memref<1x128xi32, #tpu.memory_space<vmem>> -> memref<128xi32, #tpu.memory_space<vmem>>
      %dma_wait3A_208 = arith.constant 0 : i32
      %dma_wait3A_209 = tpu.memref_slice %arg3[%dma_wait3A_208] : memref<327680xi32, #tpu.memory_space<hbm>> -> memref<128xi32, #tpu.memory_space<hbm>>
      tpu.wait_dma2 semaphore(%arg18 : memref<!tpu.dma_semaphore, #tpu.memory_space<semaphore_mem>>) src(%dma_wait3A_209 : memref<128xi32, #tpu.memory_space<hbm>>) dst(%dma_wait3A_207 : memref<128xi32, #tpu.memory_space<vmem>>)
      %run_scoped3A_210 = arith.constant 1 : i32
      %run_scoped3A_211 = arith.constant 1 : i32
      "tpu.region"() ({
        %run_scoped3A_312 = tpu.sem_alloc : memref<!tpu.dma_semaphore, #tpu.memory_space<semaphore_mem>>
        %dma_start3A_313 = arith.constant 0 : i32
        %dma_start3A_314 = arith.constant 0 : i32
        %dma_start3A_315 = tpu.memref_slice %arg9[%run_scoped3A_210, %dma_start3A_313, %dma_start3A_314] : memref<2x128x128xf32, #tpu.memory_space<vmem>> -> memref<1x128x128xf32, #tpu.memory_space<vmem>>
        %dma_start3A_316 = tpu.memref_squeeze %dma_start3A_315 : memref<1x128x128xf32, #tpu.memory_space<vmem>> -> memref<128x128xf32, #tpu.memory_space<vmem>>
        %dma_start3A_317 = arith.constant 0 : i32
        %dma_start3A_318 = tpu.memref_slice %arg8[%run_scoped3A_211, %dma_start3A_317] : memref<4x128xi32, #tpu.memory_space<vmem>> -> memref<1x128xi32, #tpu.memory_space<vmem>>
        %dma_start3A_319 = tpu.memref_squeeze %dma_start3A_318 : memref<1x128xi32, #tpu.memory_space<vmem>> -> memref<128xi32, #tpu.memory_space<vmem>>
        %dma_start3A_320 = arith.constant 0 : i32
        %dma_start3A_321 = arith.constant 0 : i32
        %dma_start3A_322 = tpu.memref_slice %arg10[%dma_start3A_320, %dma_start3A_321] : memref<10112x128xf32, #tpu.memory_space<vmem_shared>> -> memref<10112x128xf32, #tpu.memory_space<vmem_shared>>
        tpu.enqueue_indirect_dma source(%dma_start3A_316 : memref<128x128xf32, #tpu.memory_space<vmem>>) target(%dma_start3A_322 : memref<10112x128xf32, #tpu.memory_space<vmem_shared>>) offsets(%dma_start3A_319 : memref<128xi32, #tpu.memory_space<vmem>>) semaphore(%run_scoped3A_312 : memref<!tpu.dma_semaphore, #tpu.memory_space<semaphore_mem>>) {add = true}
        %dma_wait3A_323 = arith.constant 0 : i32
        %dma_wait3A_324 = arith.constant 0 : i32
        %dma_wait3A_325 = tpu.memref_slice %arg9[%run_scoped3A_210, %dma_wait3A_323, %dma_wait3A_324] : memref<2x128x128xf32, #tpu.memory_space<vmem>> -> memref<1x128x128xf32, #tpu.memory_space<vmem>>
        %dma_wait3A_326 = tpu.memref_squeeze %dma_wait3A_325 : memref<1x128x128xf32, #tpu.memory_space<vmem>> -> memref<128x128xf32, #tpu.memory_space<vmem>>
        %dma_wait3A_327 = arith.constant 0 : i32
        %dma_wait3A_328 = tpu.memref_slice %arg8[%run_scoped3A_211, %dma_wait3A_327] : memref<4x128xi32, #tpu.memory_space<vmem>> -> memref<1x128xi32, #tpu.memory_space<vmem>>
        %dma_wait3A_329 = tpu.memref_squeeze %dma_wait3A_328 : memref<1x128xi32, #tpu.memory_space<vmem>> -> memref<128xi32, #tpu.memory_space<vmem>>
        %dma_wait3A_330 = arith.constant 0 : i32
        %dma_wait3A_331 = arith.constant 0 : i32
        %dma_wait3A_332 = tpu.memref_slice %arg10[%dma_wait3A_330, %dma_wait3A_331] : memref<10112x128xf32, #tpu.memory_space<vmem_shared>> -> memref<10112x128xf32, #tpu.memory_space<vmem_shared>>
        tpu.wait_indirect_dma semaphore(%run_scoped3A_312 : memref<!tpu.dma_semaphore, #tpu.memory_space<semaphore_mem>>) src(%dma_wait3A_326 : memref<128x128xf32, #tpu.memory_space<vmem>>) dst(%dma_wait3A_332 : memref<10112x128xf32, #tpu.memory_space<vmem_shared>>)
        tpu.yield
      }) : () -> ()
      %add3A_212 = arith.constant 4 : i32
      %add3A_213 = arith.addi %add3A_186, %add3A_212 : i32
      %lt3A_214 = arith.constant 80 : i32
      %lt3A_215 = arith.cmpi slt, %add3A_213, %lt3A_214 : i32
      %convert_element_type3A_216 = arith.extui %lt3A_215 : i1 to i32
      %cond3A_217 = arith.constant 0 : i32
      %cond3A_218 = arith.cmpi ne, %convert_element_type3A_216, %cond3A_217 : i32
      scf.if %cond3A_218 {
        %add3A_312 = arith.addi %mul3A_4, %add3A_186 : i32
        %add3A_313 = arith.constant 4 : i32
        %add3A_314 = arith.addi %add3A_312, %add3A_313 : i32
        %mul3A_315 = arith.constant 128 : i32
        %mul3A_316 = arith.muli %add3A_314, %mul3A_315 : i32
        %dma_start3A_317 = arith.constant 1 : i32
        %dma_start3A_318 = arith.constant 0 : i32
        %dma_start3A_319 = tpu.memref_slice %arg7[%dma_start3A_317, %dma_start3A_318] : memref<4x128xi32, #tpu.memory_space<vmem>> -> memref<1x128xi32, #tpu.memory_space<vmem>>
        %dma_start3A_320 = tpu.memref_squeeze %dma_start3A_319 : memref<1x128xi32, #tpu.memory_space<vmem>> -> memref<128xi32, #tpu.memory_space<vmem>>
        %dma_start3A_321 = tpu.memref_slice %arg3[%mul3A_316] : memref<327680xi32, #tpu.memory_space<hbm>> -> memref<128xi32, #tpu.memory_space<hbm>>
        %dma_start3A_322 = arith.constant 0 : i32
        %dma_start3A_323 = tpu.memref_slice %arg7[%dma_start3A_317, %dma_start3A_322] : memref<4x128xi32, #tpu.memory_space<vmem>> -> memref<1x128xi32, #tpu.memory_space<vmem>>
        %dma_start3A_324 = tpu.memref_squeeze %dma_start3A_323 : memref<1x128xi32, #tpu.memory_space<vmem>> -> memref<128xi32, #tpu.memory_space<vmem>>
        %dma_start3A_325 = tpu.memref_slice %arg3[%mul3A_316] : memref<327680xi32, #tpu.memory_space<hbm>> -> memref<128xi32, #tpu.memory_space<hbm>>
        tpu.enqueue_dma source(%dma_start3A_325 : memref<128xi32, #tpu.memory_space<hbm>>) target(%dma_start3A_324 : memref<128xi32, #tpu.memory_space<vmem>>) target_semaphore(%arg14 : memref<!tpu.dma_semaphore, #tpu.memory_space<semaphore_mem>>)
        %dma_start3A_326 = arith.constant 1 : i32
        %dma_start3A_327 = arith.constant 0 : i32
        %dma_start3A_328 = tpu.memref_slice %arg8[%dma_start3A_326, %dma_start3A_327] : memref<4x128xi32, #tpu.memory_space<vmem>> -> memref<1x128xi32, #tpu.memory_space<vmem>>
        %dma_start3A_329 = tpu.memref_squeeze %dma_start3A_328 : memref<1x128xi32, #tpu.memory_space<vmem>> -> memref<128xi32, #tpu.memory_space<vmem>>
        %dma_start3A_330 = tpu.memref_slice %arg4[%mul3A_316] : memref<327680xi32, #tpu.memory_space<hbm>> -> memref<128xi32, #tpu.memory_space<hbm>>
        %dma_start3A_331 = arith.constant 0 : i32
        %dma_start3A_332 = tpu.memref_slice %arg8[%dma_start3A_326, %dma_start3A_331] : memref<4x128xi32, #tpu.memory_space<vmem>> -> memref<1x128xi32, #tpu.memory_space<vmem>>
        %dma_start3A_333 = tpu.memref_squeeze %dma_start3A_332 : memref<1x128xi32, #tpu.memory_space<vmem>> -> memref<128xi32, #tpu.memory_space<vmem>>
        %dma_start3A_334 = tpu.memref_slice %arg4[%mul3A_316] : memref<327680xi32, #tpu.memory_space<hbm>> -> memref<128xi32, #tpu.memory_space<hbm>>
        tpu.enqueue_dma source(%dma_start3A_334 : memref<128xi32, #tpu.memory_space<hbm>>) target(%dma_start3A_333 : memref<128xi32, #tpu.memory_space<vmem>>) target_semaphore(%arg18 : memref<!tpu.dma_semaphore, #tpu.memory_space<semaphore_mem>>)
      } else {
      }
      %add3A_219 = arith.constant 2 : i32
      %add3A_220 = arith.addi %add3A_186, %add3A_219 : i32
      %lt3A_221 = arith.constant 80 : i32
      %lt3A_222 = arith.cmpi slt, %add3A_220, %lt3A_221 : i32
      %convert_element_type3A_223 = arith.extui %lt3A_222 : i1 to i32
      %cond3A_224 = arith.constant 0 : i32
      %cond3A_225 = arith.cmpi ne, %convert_element_type3A_223, %cond3A_224 : i32
      scf.if %cond3A_225 {
        %dma_wait3A_312 = arith.constant 3 : i32
        %dma_wait3A_313 = arith.constant 0 : i32
        %dma_wait3A_314 = tpu.memref_slice %arg7[%dma_wait3A_312, %dma_wait3A_313] : memref<4x128xi32, #tpu.memory_space<vmem>> -> memref<1x128xi32, #tpu.memory_space<vmem>>
        %dma_wait3A_315 = tpu.memref_squeeze %dma_wait3A_314 : memref<1x128xi32, #tpu.memory_space<vmem>> -> memref<128xi32, #tpu.memory_space<vmem>>
        %dma_wait3A_316 = arith.constant 0 : i32
        %dma_wait3A_317 = tpu.memref_slice %arg3[%dma_wait3A_316] : memref<327680xi32, #tpu.memory_space<hbm>> -> memref<128xi32, #tpu.memory_space<hbm>>
        %dma_wait3A_318 = arith.constant 0 : i32
        %dma_wait3A_319 = tpu.memref_slice %arg7[%dma_wait3A_312, %dma_wait3A_318] : memref<4x128xi32, #tpu.memory_space<vmem>> -> memref<1x128xi32, #tpu.memory_space<vmem>>
        %dma_wait3A_320 = tpu.memref_squeeze %dma_wait3A_319 : memref<1x128xi32, #tpu.memory_space<vmem>> -> memref<128xi32, #tpu.memory_space<vmem>>
        %dma_wait3A_321 = arith.constant 0 : i32
        %dma_wait3A_322 = tpu.memref_slice %arg3[%dma_wait3A_321] : memref<327680xi32, #tpu.memory_space<hbm>> -> memref<128xi32, #tpu.memory_space<hbm>>
        tpu.wait_dma2 semaphore(%arg16 : memref<!tpu.dma_semaphore, #tpu.memory_space<semaphore_mem>>) src(%dma_wait3A_322 : memref<128xi32, #tpu.memory_space<hbm>>) dst(%dma_wait3A_320 : memref<128xi32, #tpu.memory_space<vmem>>)
        %dma_start3A_323 = arith.constant 3 : i32
        %dma_start3A_324 = arith.constant 1 : i32
        %dma_start3A_325 = arith.constant 0 : i32
        %dma_start3A_326 = arith.constant 0 : i32
        %dma_start3A_327 = tpu.memref_slice %arg9[%dma_start3A_324, %dma_start3A_325, %dma_start3A_326] : memref<2x128x128xf32, #tpu.memory_space<vmem>> -> memref<1x128x128xf32, #tpu.memory_space<vmem>>
        %dma_start3A_328 = tpu.memref_squeeze %dma_start3A_327 : memref<1x128x128xf32, #tpu.memory_space<vmem>> -> memref<128x128xf32, #tpu.memory_space<vmem>>
        %dma_start3A_329 = arith.constant 0 : i32
        %dma_start3A_330 = tpu.memref_slice %arg7[%dma_start3A_323, %dma_start3A_329] : memref<4x128xi32, #tpu.memory_space<vmem>> -> memref<1x128xi32, #tpu.memory_space<vmem>>
        %dma_start3A_331 = tpu.memref_squeeze %dma_start3A_330 : memref<1x128xi32, #tpu.memory_space<vmem>> -> memref<128xi32, #tpu.memory_space<vmem>>
        %dma_start3A_332 = arith.constant 0 : i32
        %dma_start3A_333 = arith.constant 0 : i32
        %dma_start3A_334 = tpu.memref_slice %arg2[%dma_start3A_332, %dma_start3A_333] : memref<10000x128xf32, #tpu.memory_space<hbm>> -> memref<10000x128xf32, #tpu.memory_space<hbm>>
        tpu.enqueue_indirect_dma source(%dma_start3A_334 : memref<10000x128xf32, #tpu.memory_space<hbm>>) target(%dma_start3A_328 : memref<128x128xf32, #tpu.memory_space<vmem>>) offsets(%dma_start3A_331 : memref<128xi32, #tpu.memory_space<vmem>>) semaphore(%arg12 : memref<!tpu.dma_semaphore, #tpu.memory_space<semaphore_mem>>)
      } else {
      }
      %mul3A_226 = arith.constant 4 : i32
      %mul3A_227 = arith.muli %scan3A_143, %mul3A_226 : i32
      %add3A_228 = arith.constant 2 : i32
      %add3A_229 = arith.addi %mul3A_227, %add3A_228 : i32
      %dma_wait3A_230 = arith.constant 0 : i32
      %dma_wait3A_231 = arith.constant 0 : i32
      %dma_wait3A_232 = arith.constant 0 : i32
      %dma_wait3A_233 = arith.constant 0 : i32
      %dma_wait3A_234 = tpu.memref_slice %arg9[%dma_wait3A_231, %dma_wait3A_232, %dma_wait3A_233] : memref<2x128x128xf32, #tpu.memory_space<vmem>> -> memref<1x128x128xf32, #tpu.memory_space<vmem>>
      %dma_wait3A_235 = tpu.memref_squeeze %dma_wait3A_234 : memref<1x128x128xf32, #tpu.memory_space<vmem>> -> memref<128x128xf32, #tpu.memory_space<vmem>>
      %dma_wait3A_236 = arith.constant 0 : i32
      %dma_wait3A_237 = tpu.memref_slice %arg7[%dma_wait3A_230, %dma_wait3A_236] : memref<4x128xi32, #tpu.memory_space<vmem>> -> memref<1x128xi32, #tpu.memory_space<vmem>>
      %dma_wait3A_238 = tpu.memref_squeeze %dma_wait3A_237 : memref<1x128xi32, #tpu.memory_space<vmem>> -> memref<128xi32, #tpu.memory_space<vmem>>
      %dma_wait3A_239 = arith.constant 0 : i32
      %dma_wait3A_240 = arith.constant 0 : i32
      %dma_wait3A_241 = tpu.memref_slice %arg2[%dma_wait3A_239, %dma_wait3A_240] : memref<10000x128xf32, #tpu.memory_space<hbm>> -> memref<10000x128xf32, #tpu.memory_space<hbm>>
      tpu.wait_indirect_dma semaphore(%arg11 : memref<!tpu.dma_semaphore, #tpu.memory_space<semaphore_mem>>) src(%dma_wait3A_241 : memref<10000x128xf32, #tpu.memory_space<hbm>>) dst(%dma_wait3A_235 : memref<128x128xf32, #tpu.memory_space<vmem>>)
      %dma_wait3A_242 = arith.constant 2 : i32
      %dma_wait3A_243 = arith.constant 0 : i32
      %dma_wait3A_244 = tpu.memref_slice %arg8[%dma_wait3A_242, %dma_wait3A_243] : memref<4x128xi32, #tpu.memory_space<vmem>> -> memref<1x128xi32, #tpu.memory_space<vmem>>
      %dma_wait3A_245 = tpu.memref_squeeze %dma_wait3A_244 : memref<1x128xi32, #tpu.memory_space<vmem>> -> memref<128xi32, #tpu.memory_space<vmem>>
      %dma_wait3A_246 = arith.constant 0 : i32
      %dma_wait3A_247 = tpu.memref_slice %arg3[%dma_wait3A_246] : memref<327680xi32, #tpu.memory_space<hbm>> -> memref<128xi32, #tpu.memory_space<hbm>>
      %dma_wait3A_248 = arith.constant 0 : i32
      %dma_wait3A_249 = tpu.memref_slice %arg8[%dma_wait3A_242, %dma_wait3A_248] : memref<4x128xi32, #tpu.memory_space<vmem>> -> memref<1x128xi32, #tpu.memory_space<vmem>>
      %dma_wait3A_250 = tpu.memref_squeeze %dma_wait3A_249 : memref<1x128xi32, #tpu.memory_space<vmem>> -> memref<128xi32, #tpu.memory_space<vmem>>
      %dma_wait3A_251 = arith.constant 0 : i32
      %dma_wait3A_252 = tpu.memref_slice %arg3[%dma_wait3A_251] : memref<327680xi32, #tpu.memory_space<hbm>> -> memref<128xi32, #tpu.memory_space<hbm>>
      tpu.wait_dma2 semaphore(%arg19 : memref<!tpu.dma_semaphore, #tpu.memory_space<semaphore_mem>>) src(%dma_wait3A_252 : memref<128xi32, #tpu.memory_space<hbm>>) dst(%dma_wait3A_250 : memref<128xi32, #tpu.memory_space<vmem>>)
      %run_scoped3A_253 = arith.constant 0 : i32
      %run_scoped3A_254 = arith.constant 2 : i32
      "tpu.region"() ({
        %run_scoped3A_312 = tpu.sem_alloc : memref<!tpu.dma_semaphore, #tpu.memory_space<semaphore_mem>>
        %dma_start3A_313 = arith.constant 0 : i32
        %dma_start3A_314 = arith.constant 0 : i32
        %dma_start3A_315 = tpu.memref_slice %arg9[%run_scoped3A_253, %dma_start3A_313, %dma_start3A_314] : memref<2x128x128xf32, #tpu.memory_space<vmem>> -> memref<1x128x128xf32, #tpu.memory_space<vmem>>
        %dma_start3A_316 = tpu.memref_squeeze %dma_start3A_315 : memref<1x128x128xf32, #tpu.memory_space<vmem>> -> memref<128x128xf32, #tpu.memory_space<vmem>>
        %dma_start3A_317 = arith.constant 0 : i32
        %dma_start3A_318 = tpu.memref_slice %arg8[%run_scoped3A_254, %dma_start3A_317] : memref<4x128xi32, #tpu.memory_space<vmem>> -> memref<1x128xi32, #tpu.memory_space<vmem>>
        %dma_start3A_319 = tpu.memref_squeeze %dma_start3A_318 : memref<1x128xi32, #tpu.memory_space<vmem>> -> memref<128xi32, #tpu.memory_space<vmem>>
        %dma_start3A_320 = arith.constant 0 : i32
        %dma_start3A_321 = arith.constant 0 : i32
        %dma_start3A_322 = tpu.memref_slice %arg10[%dma_start3A_320, %dma_start3A_321] : memref<10112x128xf32, #tpu.memory_space<vmem_shared>> -> memref<10112x128xf32, #tpu.memory_space<vmem_shared>>
        tpu.enqueue_indirect_dma source(%dma_start3A_316 : memref<128x128xf32, #tpu.memory_space<vmem>>) target(%dma_start3A_322 : memref<10112x128xf32, #tpu.memory_space<vmem_shared>>) offsets(%dma_start3A_319 : memref<128xi32, #tpu.memory_space<vmem>>) semaphore(%run_scoped3A_312 : memref<!tpu.dma_semaphore, #tpu.memory_space<semaphore_mem>>) {add = true}
        %dma_wait3A_323 = arith.constant 0 : i32
        %dma_wait3A_324 = arith.constant 0 : i32
        %dma_wait3A_325 = tpu.memref_slice %arg9[%run_scoped3A_253, %dma_wait3A_323, %dma_wait3A_324] : memref<2x128x128xf32, #tpu.memory_space<vmem>> -> memref<1x128x128xf32, #tpu.memory_space<vmem>>
        %dma_wait3A_326 = tpu.memref_squeeze %dma_wait3A_325 : memref<1x128x128xf32, #tpu.memory_space<vmem>> -> memref<128x128xf32, #tpu.memory_space<vmem>>
        %dma_wait3A_327 = arith.constant 0 : i32
        %dma_wait3A_328 = tpu.memref_slice %arg8[%run_scoped3A_254, %dma_wait3A_327] : memref<4x128xi32, #tpu.memory_space<vmem>> -> memref<1x128xi32, #tpu.memory_space<vmem>>
        %dma_wait3A_329 = tpu.memref_squeeze %dma_wait3A_328 : memref<1x128xi32, #tpu.memory_space<vmem>> -> memref<128xi32, #tpu.memory_space<vmem>>
        %dma_wait3A_330 = arith.constant 0 : i32
        %dma_wait3A_331 = arith.constant 0 : i32
        %dma_wait3A_332 = tpu.memref_slice %arg10[%dma_wait3A_330, %dma_wait3A_331] : memref<10112x128xf32, #tpu.memory_space<vmem_shared>> -> memref<10112x128xf32, #tpu.memory_space<vmem_shared>>
        tpu.wait_indirect_dma semaphore(%run_scoped3A_312 : memref<!tpu.dma_semaphore, #tpu.memory_space<semaphore_mem>>) src(%dma_wait3A_326 : memref<128x128xf32, #tpu.memory_space<vmem>>) dst(%dma_wait3A_332 : memref<10112x128xf32, #tpu.memory_space<vmem_shared>>)
        tpu.yield
      }) : () -> ()
      %add3A_255 = arith.constant 4 : i32
      %add3A_256 = arith.addi %add3A_229, %add3A_255 : i32
      %lt3A_257 = arith.constant 80 : i32
      %lt3A_258 = arith.cmpi slt, %add3A_256, %lt3A_257 : i32
      %convert_element_type3A_259 = arith.extui %lt3A_258 : i1 to i32
      %cond3A_260 = arith.constant 0 : i32
      %cond3A_261 = arith.cmpi ne, %convert_element_type3A_259, %cond3A_260 : i32
      scf.if %cond3A_261 {
        %add3A_312 = arith.addi %mul3A_4, %add3A_229 : i32
        %add3A_313 = arith.constant 4 : i32
        %add3A_314 = arith.addi %add3A_312, %add3A_313 : i32
        %mul3A_315 = arith.constant 128 : i32
        %mul3A_316 = arith.muli %add3A_314, %mul3A_315 : i32
        %dma_start3A_317 = arith.constant 2 : i32
        %dma_start3A_318 = arith.constant 0 : i32
        %dma_start3A_319 = tpu.memref_slice %arg7[%dma_start3A_317, %dma_start3A_318] : memref<4x128xi32, #tpu.memory_space<vmem>> -> memref<1x128xi32, #tpu.memory_space<vmem>>
        %dma_start3A_320 = tpu.memref_squeeze %dma_start3A_319 : memref<1x128xi32, #tpu.memory_space<vmem>> -> memref<128xi32, #tpu.memory_space<vmem>>
        %dma_start3A_321 = tpu.memref_slice %arg3[%mul3A_316] : memref<327680xi32, #tpu.memory_space<hbm>> -> memref<128xi32, #tpu.memory_space<hbm>>
        %dma_start3A_322 = arith.constant 0 : i32
        %dma_start3A_323 = tpu.memref_slice %arg7[%dma_start3A_317, %dma_start3A_322] : memref<4x128xi32, #tpu.memory_space<vmem>> -> memref<1x128xi32, #tpu.memory_space<vmem>>
        %dma_start3A_324 = tpu.memref_squeeze %dma_start3A_323 : memref<1x128xi32, #tpu.memory_space<vmem>> -> memref<128xi32, #tpu.memory_space<vmem>>
        %dma_start3A_325 = tpu.memref_slice %arg3[%mul3A_316] : memref<327680xi32, #tpu.memory_space<hbm>> -> memref<128xi32, #tpu.memory_space<hbm>>
        tpu.enqueue_dma source(%dma_start3A_325 : memref<128xi32, #tpu.memory_space<hbm>>) target(%dma_start3A_324 : memref<128xi32, #tpu.memory_space<vmem>>) target_semaphore(%arg15 : memref<!tpu.dma_semaphore, #tpu.memory_space<semaphore_mem>>)
        %dma_start3A_326 = arith.constant 2 : i32
        %dma_start3A_327 = arith.constant 0 : i32
        %dma_start3A_328 = tpu.memref_slice %arg8[%dma_start3A_326, %dma_start3A_327] : memref<4x128xi32, #tpu.memory_space<vmem>> -> memref<1x128xi32, #tpu.memory_space<vmem>>
        %dma_start3A_329 = tpu.memref_squeeze %dma_start3A_328 : memref<1x128xi32, #tpu.memory_space<vmem>> -> memref<128xi32, #tpu.memory_space<vmem>>
        %dma_start3A_330 = tpu.memref_slice %arg4[%mul3A_316] : memref<327680xi32, #tpu.memory_space<hbm>> -> memref<128xi32, #tpu.memory_space<hbm>>
        %dma_start3A_331 = arith.constant 0 : i32
        %dma_start3A_332 = tpu.memref_slice %arg8[%dma_start3A_326, %dma_start3A_331] : memref<4x128xi32, #tpu.memory_space<vmem>> -> memref<1x128xi32, #tpu.memory_space<vmem>>
        %dma_start3A_333 = tpu.memref_squeeze %dma_start3A_332 : memref<1x128xi32, #tpu.memory_space<vmem>> -> memref<128xi32, #tpu.memory_space<vmem>>
        %dma_start3A_334 = tpu.memref_slice %arg4[%mul3A_316] : memref<327680xi32, #tpu.memory_space<hbm>> -> memref<128xi32, #tpu.memory_space<hbm>>
        tpu.enqueue_dma source(%dma_start3A_334 : memref<128xi32, #tpu.memory_space<hbm>>) target(%dma_start3A_333 : memref<128xi32, #tpu.memory_space<vmem>>) target_semaphore(%arg19 : memref<!tpu.dma_semaphore, #tpu.memory_space<semaphore_mem>>)
      } else {
      }
      %add3A_262 = arith.constant 2 : i32
      %add3A_263 = arith.addi %add3A_229, %add3A_262 : i32
      %lt3A_264 = arith.constant 80 : i32
      %lt3A_265 = arith.cmpi slt, %add3A_263, %lt3A_264 : i32
      %convert_element_type3A_266 = arith.extui %lt3A_265 : i1 to i32
      %cond3A_267 = arith.constant 0 : i32
      %cond3A_268 = arith.cmpi ne, %convert_element_type3A_266, %cond3A_267 : i32
      scf.if %cond3A_268 {
        %dma_wait3A_312 = arith.constant 0 : i32
        %dma_wait3A_313 = arith.constant 0 : i32
        %dma_wait3A_314 = tpu.memref_slice %arg7[%dma_wait3A_312, %dma_wait3A_313] : memref<4x128xi32, #tpu.memory_space<vmem>> -> memref<1x128xi32, #tpu.memory_space<vmem>>
        %dma_wait3A_315 = tpu.memref_squeeze %dma_wait3A_314 : memref<1x128xi32, #tpu.memory_space<vmem>> -> memref<128xi32, #tpu.memory_space<vmem>>
        %dma_wait3A_316 = arith.constant 0 : i32
        %dma_wait3A_317 = tpu.memref_slice %arg3[%dma_wait3A_316] : memref<327680xi32, #tpu.memory_space<hbm>> -> memref<128xi32, #tpu.memory_space<hbm>>
        %dma_wait3A_318 = arith.constant 0 : i32
        %dma_wait3A_319 = tpu.memref_slice %arg7[%dma_wait3A_312, %dma_wait3A_318] : memref<4x128xi32, #tpu.memory_space<vmem>> -> memref<1x128xi32, #tpu.memory_space<vmem>>
        %dma_wait3A_320 = tpu.memref_squeeze %dma_wait3A_319 : memref<1x128xi32, #tpu.memory_space<vmem>> -> memref<128xi32, #tpu.memory_space<vmem>>
        %dma_wait3A_321 = arith.constant 0 : i32
        %dma_wait3A_322 = tpu.memref_slice %arg3[%dma_wait3A_321] : memref<327680xi32, #tpu.memory_space<hbm>> -> memref<128xi32, #tpu.memory_space<hbm>>
        tpu.wait_dma2 semaphore(%arg13 : memref<!tpu.dma_semaphore, #tpu.memory_space<semaphore_mem>>) src(%dma_wait3A_322 : memref<128xi32, #tpu.memory_space<hbm>>) dst(%dma_wait3A_320 : memref<128xi32, #tpu.memory_space<vmem>>)
        %dma_start3A_323 = arith.constant 0 : i32
        %dma_start3A_324 = arith.constant 0 : i32
        %dma_start3A_325 = arith.constant 0 : i32
        %dma_start3A_326 = arith.constant 0 : i32
        %dma_start3A_327 = tpu.memref_slice %arg9[%dma_start3A_324, %dma_start3A_325, %dma_start3A_326] : memref<2x128x128xf32, #tpu.memory_space<vmem>> -> memref<1x128x128xf32, #tpu.memory_space<vmem>>
        %dma_start3A_328 = tpu.memref_squeeze %dma_start3A_327 : memref<1x128x128xf32, #tpu.memory_space<vmem>> -> memref<128x128xf32, #tpu.memory_space<vmem>>
        %dma_start3A_329 = arith.constant 0 : i32
        %dma_start3A_330 = tpu.memref_slice %arg7[%dma_start3A_323, %dma_start3A_329] : memref<4x128xi32, #tpu.memory_space<vmem>> -> memref<1x128xi32, #tpu.memory_space<vmem>>
        %dma_start3A_331 = tpu.memref_squeeze %dma_start3A_330 : memref<1x128xi32, #tpu.memory_space<vmem>> -> memref<128xi32, #tpu.memory_space<vmem>>
        %dma_start3A_332 = arith.constant 0 : i32
        %dma_start3A_333 = arith.constant 0 : i32
        %dma_start3A_334 = tpu.memref_slice %arg2[%dma_start3A_332, %dma_start3A_333] : memref<10000x128xf32, #tpu.memory_space<hbm>> -> memref<10000x128xf32, #tpu.memory_space<hbm>>
        tpu.enqueue_indirect_dma source(%dma_start3A_334 : memref<10000x128xf32, #tpu.memory_space<hbm>>) target(%dma_start3A_328 : memref<128x128xf32, #tpu.memory_space<vmem>>) offsets(%dma_start3A_331 : memref<128xi32, #tpu.memory_space<vmem>>) semaphore(%arg11 : memref<!tpu.dma_semaphore, #tpu.memory_space<semaphore_mem>>)
      } else {
      }
      %mul3A_269 = arith.constant 4 : i32
      %mul3A_270 = arith.muli %scan3A_143, %mul3A_269 : i32
      %add3A_271 = arith.constant 3 : i32
      %add3A_272 = arith.addi %mul3A_270, %add3A_271 : i32
      %dma_wait3A_273 = arith.constant 0 : i32
      %dma_wait3A_274 = arith.constant 1 : i32
      %dma_wait3A_275 = arith.constant 0 : i32
      %dma_wait3A_276 = arith.constant 0 : i32
      %dma_wait3A_277 = tpu.memref_slice %arg9[%dma_wait3A_274, %dma_wait3A_275, %dma_wait3A_276] : memref<2x128x128xf32, #tpu.memory_space<vmem>> -> memref<1x128x128xf32, #tpu.memory_space<vmem>>
      %dma_wait3A_278 = tpu.memref_squeeze %dma_wait3A_277 : memref<1x128x128xf32, #tpu.memory_space<vmem>> -> memref<128x128xf32, #tpu.memory_space<vmem>>
      %dma_wait3A_279 = arith.constant 0 : i32
      %dma_wait3A_280 = tpu.memref_slice %arg7[%dma_wait3A_273, %dma_wait3A_279] : memref<4x128xi32, #tpu.memory_space<vmem>> -> memref<1x128xi32, #tpu.memory_space<vmem>>
      %dma_wait3A_281 = tpu.memref_squeeze %dma_wait3A_280 : memref<1x128xi32, #tpu.memory_space<vmem>> -> memref<128xi32, #tpu.memory_space<vmem>>
      %dma_wait3A_282 = arith.constant 0 : i32
      %dma_wait3A_283 = arith.constant 0 : i32
      %dma_wait3A_284 = tpu.memref_slice %arg2[%dma_wait3A_282, %dma_wait3A_283] : memref<10000x128xf32, #tpu.memory_space<hbm>> -> memref<10000x128xf32, #tpu.memory_space<hbm>>
      tpu.wait_indirect_dma semaphore(%arg12 : memref<!tpu.dma_semaphore, #tpu.memory_space<semaphore_mem>>) src(%dma_wait3A_284 : memref<10000x128xf32, #tpu.memory_space<hbm>>) dst(%dma_wait3A_278 : memref<128x128xf32, #tpu.memory_space<vmem>>)
      %dma_wait3A_285 = arith.constant 3 : i32
      %dma_wait3A_286 = arith.constant 0 : i32
      %dma_wait3A_287 = tpu.memref_slice %arg8[%dma_wait3A_285, %dma_wait3A_286] : memref<4x128xi32, #tpu.memory_space<vmem>> -> memref<1x128xi32, #tpu.memory_space<vmem>>
      %dma_wait3A_288 = tpu.memref_squeeze %dma_wait3A_287 : memref<1x128xi32, #tpu.memory_space<vmem>> -> memref<128xi32, #tpu.memory_space<vmem>>
      %dma_wait3A_289 = arith.constant 0 : i32
      %dma_wait3A_290 = tpu.memref_slice %arg3[%dma_wait3A_289] : memref<327680xi32, #tpu.memory_space<hbm>> -> memref<128xi32, #tpu.memory_space<hbm>>
      %dma_wait3A_291 = arith.constant 0 : i32
      %dma_wait3A_292 = tpu.memref_slice %arg8[%dma_wait3A_285, %dma_wait3A_291] : memref<4x128xi32, #tpu.memory_space<vmem>> -> memref<1x128xi32, #tpu.memory_space<vmem>>
      %dma_wait3A_293 = tpu.memref_squeeze %dma_wait3A_292 : memref<1x128xi32, #tpu.memory_space<vmem>> -> memref<128xi32, #tpu.memory_space<vmem>>
      %dma_wait3A_294 = arith.constant 0 : i32
      %dma_wait3A_295 = tpu.memref_slice %arg3[%dma_wait3A_294] : memref<327680xi32, #tpu.memory_space<hbm>> -> memref<128xi32, #tpu.memory_space<hbm>>
      tpu.wait_dma2 semaphore(%arg20 : memref<!tpu.dma_semaphore, #tpu.memory_space<semaphore_mem>>) src(%dma_wait3A_295 : memref<128xi32, #tpu.memory_space<hbm>>) dst(%dma_wait3A_293 : memref<128xi32, #tpu.memory_space<vmem>>)
      %run_scoped3A_296 = arith.constant 1 : i32
      %run_scoped3A_297 = arith.constant 3 : i32
      "tpu.region"() ({
        %run_scoped3A_312 = tpu.sem_alloc : memref<!tpu.dma_semaphore, #tpu.memory_space<semaphore_mem>>
        %dma_start3A_313 = arith.constant 0 : i32
        %dma_start3A_314 = arith.constant 0 : i32
        %dma_start3A_315 = tpu.memref_slice %arg9[%run_scoped3A_296, %dma_start3A_313, %dma_start3A_314] : memref<2x128x128xf32, #tpu.memory_space<vmem>> -> memref<1x128x128xf32, #tpu.memory_space<vmem>>
        %dma_start3A_316 = tpu.memref_squeeze %dma_start3A_315 : memref<1x128x128xf32, #tpu.memory_space<vmem>> -> memref<128x128xf32, #tpu.memory_space<vmem>>
        %dma_start3A_317 = arith.constant 0 : i32
        %dma_start3A_318 = tpu.memref_slice %arg8[%run_scoped3A_297, %dma_start3A_317] : memref<4x128xi32, #tpu.memory_space<vmem>> -> memref<1x128xi32, #tpu.memory_space<vmem>>
        %dma_start3A_319 = tpu.memref_squeeze %dma_start3A_318 : memref<1x128xi32, #tpu.memory_space<vmem>> -> memref<128xi32, #tpu.memory_space<vmem>>
        %dma_start3A_320 = arith.constant 0 : i32
        %dma_start3A_321 = arith.constant 0 : i32
        %dma_start3A_322 = tpu.memref_slice %arg10[%dma_start3A_320, %dma_start3A_321] : memref<10112x128xf32, #tpu.memory_space<vmem_shared>> -> memref<10112x128xf32, #tpu.memory_space<vmem_shared>>
        tpu.enqueue_indirect_dma source(%dma_start3A_316 : memref<128x128xf32, #tpu.memory_space<vmem>>) target(%dma_start3A_322 : memref<10112x128xf32, #tpu.memory_space<vmem_shared>>) offsets(%dma_start3A_319 : memref<128xi32, #tpu.memory_space<vmem>>) semaphore(%run_scoped3A_312 : memref<!tpu.dma_semaphore, #tpu.memory_space<semaphore_mem>>) {add = true}
        %dma_wait3A_323 = arith.constant 0 : i32
        %dma_wait3A_324 = arith.constant 0 : i32
        %dma_wait3A_325 = tpu.memref_slice %arg9[%run_scoped3A_296, %dma_wait3A_323, %dma_wait3A_324] : memref<2x128x128xf32, #tpu.memory_space<vmem>> -> memref<1x128x128xf32, #tpu.memory_space<vmem>>
        %dma_wait3A_326 = tpu.memref_squeeze %dma_wait3A_325 : memref<1x128x128xf32, #tpu.memory_space<vmem>> -> memref<128x128xf32, #tpu.memory_space<vmem>>
        %dma_wait3A_327 = arith.constant 0 : i32
        %dma_wait3A_328 = tpu.memref_slice %arg8[%run_scoped3A_297, %dma_wait3A_327] : memref<4x128xi32, #tpu.memory_space<vmem>> -> memref<1x128xi32, #tpu.memory_space<vmem>>
        %dma_wait3A_329 = tpu.memref_squeeze %dma_wait3A_328 : memref<1x128xi32, #tpu.memory_space<vmem>> -> memref<128xi32, #tpu.memory_space<vmem>>
        %dma_wait3A_330 = arith.constant 0 : i32
        %dma_wait3A_331 = arith.constant 0 : i32
        %dma_wait3A_332 = tpu.memref_slice %arg10[%dma_wait3A_330, %dma_wait3A_331] : memref<10112x128xf32, #tpu.memory_space<vmem_shared>> -> memref<10112x128xf32, #tpu.memory_space<vmem_shared>>
        tpu.wait_indirect_dma semaphore(%run_scoped3A_312 : memref<!tpu.dma_semaphore, #tpu.memory_space<semaphore_mem>>) src(%dma_wait3A_326 : memref<128x128xf32, #tpu.memory_space<vmem>>) dst(%dma_wait3A_332 : memref<10112x128xf32, #tpu.memory_space<vmem_shared>>)
        tpu.yield
      }) : () -> ()
      %add3A_298 = arith.constant 4 : i32
      %add3A_299 = arith.addi %add3A_272, %add3A_298 : i32
      %lt3A_300 = arith.constant 80 : i32
      %lt3A_301 = arith.cmpi slt, %add3A_299, %lt3A_300 : i32
      %convert_element_type3A_302 = arith.extui %lt3A_301 : i1 to i32
      %cond3A_303 = arith.constant 0 : i32
      %cond3A_304 = arith.cmpi ne, %convert_element_type3A_302, %cond3A_303 : i32
      scf.if %cond3A_304 {
        %add3A_312 = arith.addi %mul3A_4, %add3A_272 : i32
        %add3A_313 = arith.constant 4 : i32
        %add3A_314 = arith.addi %add3A_312, %add3A_313 : i32
        %mul3A_315 = arith.constant 128 : i32
        %mul3A_316 = arith.muli %add3A_314, %mul3A_315 : i32
        %dma_start3A_317 = arith.constant 3 : i32
        %dma_start3A_318 = arith.constant 0 : i32
        %dma_start3A_319 = tpu.memref_slice %arg7[%dma_start3A_317, %dma_start3A_318] : memref<4x128xi32, #tpu.memory_space<vmem>> -> memref<1x128xi32, #tpu.memory_space<vmem>>
        %dma_start3A_320 = tpu.memref_squeeze %dma_start3A_319 : memref<1x128xi32, #tpu.memory_space<vmem>> -> memref<128xi32, #tpu.memory_space<vmem>>
        %dma_start3A_321 = tpu.memref_slice %arg3[%mul3A_316] : memref<327680xi32, #tpu.memory_space<hbm>> -> memref<128xi32, #tpu.memory_space<hbm>>
        %dma_start3A_322 = arith.constant 0 : i32
        %dma_start3A_323 = tpu.memref_slice %arg7[%dma_start3A_317, %dma_start3A_322] : memref<4x128xi32, #tpu.memory_space<vmem>> -> memref<1x128xi32, #tpu.memory_space<vmem>>
        %dma_start3A_324 = tpu.memref_squeeze %dma_start3A_323 : memref<1x128xi32, #tpu.memory_space<vmem>> -> memref<128xi32, #tpu.memory_space<vmem>>
        %dma_start3A_325 = tpu.memref_slice %arg3[%mul3A_316] : memref<327680xi32, #tpu.memory_space<hbm>> -> memref<128xi32, #tpu.memory_space<hbm>>
        tpu.enqueue_dma source(%dma_start3A_325 : memref<128xi32, #tpu.memory_space<hbm>>) target(%dma_start3A_324 : memref<128xi32, #tpu.memory_space<vmem>>) target_semaphore(%arg16 : memref<!tpu.dma_semaphore, #tpu.memory_space<semaphore_mem>>)
        %dma_start3A_326 = arith.constant 3 : i32
        %dma_start3A_327 = arith.constant 0 : i32
        %dma_start3A_328 = tpu.memref_slice %arg8[%dma_start3A_326, %dma_start3A_327] : memref<4x128xi32, #tpu.memory_space<vmem>> -> memref<1x128xi32, #tpu.memory_space<vmem>>
        %dma_start3A_329 = tpu.memref_squeeze %dma_start3A_328 : memref<1x128xi32, #tpu.memory_space<vmem>> -> memref<128xi32, #tpu.memory_space<vmem>>
        %dma_start3A_330 = tpu.memref_slice %arg4[%mul3A_316] : memref<327680xi32, #tpu.memory_space<hbm>> -> memref<128xi32, #tpu.memory_space<hbm>>
        %dma_start3A_331 = arith.constant 0 : i32
        %dma_start3A_332 = tpu.memref_slice %arg8[%dma_start3A_326, %dma_start3A_331] : memref<4x128xi32, #tpu.memory_space<vmem>> -> memref<1x128xi32, #tpu.memory_space<vmem>>
        %dma_start3A_333 = tpu.memref_squeeze %dma_start3A_332 : memref<1x128xi32, #tpu.memory_space<vmem>> -> memref<128xi32, #tpu.memory_space<vmem>>
        %dma_start3A_334 = tpu.memref_slice %arg4[%mul3A_316] : memref<327680xi32, #tpu.memory_space<hbm>> -> memref<128xi32, #tpu.memory_space<hbm>>
        tpu.enqueue_dma source(%dma_start3A_334 : memref<128xi32, #tpu.memory_space<hbm>>) target(%dma_start3A_333 : memref<128xi32, #tpu.memory_space<vmem>>) target_semaphore(%arg20 : memref<!tpu.dma_semaphore, #tpu.memory_space<semaphore_mem>>)
      } else {
      }
      %add3A_305 = arith.constant 2 : i32
      %add3A_306 = arith.addi %add3A_272, %add3A_305 : i32
      %lt3A_307 = arith.constant 80 : i32
      %lt3A_308 = arith.cmpi slt, %add3A_306, %lt3A_307 : i32
      %convert_element_type3A_309 = arith.extui %lt3A_308 : i1 to i32
      %cond3A_310 = arith.constant 0 : i32
      %cond3A_311 = arith.cmpi ne, %convert_element_type3A_309, %cond3A_310 : i32
      scf.if %cond3A_311 {
        %dma_wait3A_312 = arith.constant 1 : i32
        %dma_wait3A_313 = arith.constant 0 : i32
        %dma_wait3A_314 = tpu.memref_slice %arg7[%dma_wait3A_312, %dma_wait3A_313] : memref<4x128xi32, #tpu.memory_space<vmem>> -> memref<1x128xi32, #tpu.memory_space<vmem>>
        %dma_wait3A_315 = tpu.memref_squeeze %dma_wait3A_314 : memref<1x128xi32, #tpu.memory_space<vmem>> -> memref<128xi32, #tpu.memory_space<vmem>>
        %dma_wait3A_316 = arith.constant 0 : i32
        %dma_wait3A_317 = tpu.memref_slice %arg3[%dma_wait3A_316] : memref<327680xi32, #tpu.memory_space<hbm>> -> memref<128xi32, #tpu.memory_space<hbm>>
        %dma_wait3A_318 = arith.constant 0 : i32
        %dma_wait3A_319 = tpu.memref_slice %arg7[%dma_wait3A_312, %dma_wait3A_318] : memref<4x128xi32, #tpu.memory_space<vmem>> -> memref<1x128xi32, #tpu.memory_space<vmem>>
        %dma_wait3A_320 = tpu.memref_squeeze %dma_wait3A_319 : memref<1x128xi32, #tpu.memory_space<vmem>> -> memref<128xi32, #tpu.memory_space<vmem>>
        %dma_wait3A_321 = arith.constant 0 : i32
        %dma_wait3A_322 = tpu.memref_slice %arg3[%dma_wait3A_321] : memref<327680xi32, #tpu.memory_space<hbm>> -> memref<128xi32, #tpu.memory_space<hbm>>
        tpu.wait_dma2 semaphore(%arg14 : memref<!tpu.dma_semaphore, #tpu.memory_space<semaphore_mem>>) src(%dma_wait3A_322 : memref<128xi32, #tpu.memory_space<hbm>>) dst(%dma_wait3A_320 : memref<128xi32, #tpu.memory_space<vmem>>)
        %dma_start3A_323 = arith.constant 1 : i32
        %dma_start3A_324 = arith.constant 1 : i32
        %dma_start3A_325 = arith.constant 0 : i32
        %dma_start3A_326 = arith.constant 0 : i32
        %dma_start3A_327 = tpu.memref_slice %arg9[%dma_start3A_324, %dma_start3A_325, %dma_start3A_326] : memref<2x128x128xf32, #tpu.memory_space<vmem>> -> memref<1x128x128xf32, #tpu.memory_space<vmem>>
        %dma_start3A_328 = tpu.memref_squeeze %dma_start3A_327 : memref<1x128x128xf32, #tpu.memory_space<vmem>> -> memref<128x128xf32, #tpu.memory_space<vmem>>
        %dma_start3A_329 = arith.constant 0 : i32
        %dma_start3A_330 = tpu.memref_slice %arg7[%dma_start3A_323, %dma_start3A_329] : memref<4x128xi32, #tpu.memory_space<vmem>> -> memref<1x128xi32, #tpu.memory_space<vmem>>
        %dma_start3A_331 = tpu.memref_squeeze %dma_start3A_330 : memref<1x128xi32, #tpu.memory_space<vmem>> -> memref<128xi32, #tpu.memory_space<vmem>>
        %dma_start3A_332 = arith.constant 0 : i32
        %dma_start3A_333 = arith.constant 0 : i32
        %dma_start3A_334 = tpu.memref_slice %arg2[%dma_start3A_332, %dma_start3A_333] : memref<10000x128xf32, #tpu.memory_space<hbm>> -> memref<10000x128xf32, #tpu.memory_space<hbm>>
        tpu.enqueue_indirect_dma source(%dma_start3A_334 : memref<10000x128xf32, #tpu.memory_space<hbm>>) target(%dma_start3A_328 : memref<128x128xf32, #tpu.memory_space<vmem>>) offsets(%dma_start3A_331 : memref<128xi32, #tpu.memory_space<vmem>>) semaphore(%arg12 : memref<!tpu.dma_semaphore, #tpu.memory_space<semaphore_mem>>)
      } else {
      }
    }
    %scan3A_141 = arith.constant 20 : i32
    %barrier3A_142 = arith.constant 0 : index
    tpu.barrier barrier_id(%barrier3A_142)
    "tpu.region"() ({
      %run_scoped3A = tpu.sem_alloc : memref<!tpu.dma_semaphore, #tpu.memory_space<semaphore_mem>>
      %dma_start3A_143 = arith.constant 0 : i32
      %dma_start3A_144 = tpu.memref_slice %arg6[%arg0, %mul3A_0, %dma_start3A_143] : memref<2x10112x128xf32, #tpu.memory_space<hbm>> -> memref<1x632x128xf32, #tpu.memory_space<hbm>>
      %dma_start3A_145 = tpu.memref_squeeze %dma_start3A_144 : memref<1x632x128xf32, #tpu.memory_space<hbm>> -> memref<632x128xf32, #tpu.memory_space<hbm>>
      %dma_start3A_146 = arith.constant 0 : i32
      %dma_start3A_147 = tpu.memref_slice %arg10[%mul3A_0, %dma_start3A_146] : memref<10112x128xf32, #tpu.memory_space<vmem_shared>> -> memref<632x128xf32, #tpu.memory_space<vmem_shared>>
      tpu.enqueue_dma source(%dma_start3A_147 : memref<632x128xf32, #tpu.memory_space<vmem_shared>>) target(%dma_start3A_145 : memref<632x128xf32, #tpu.memory_space<hbm>>) target_semaphore(%run_scoped3A : memref<!tpu.dma_semaphore, #tpu.memory_space<semaphore_mem>>)
      %dma_wait3A_148 = arith.constant 0 : i32
      %dma_wait3A_149 = tpu.memref_slice %arg6[%arg0, %mul3A_0, %dma_wait3A_148] : memref<2x10112x128xf32, #tpu.memory_space<hbm>> -> memref<1x632x128xf32, #tpu.memory_space<hbm>>
      %dma_wait3A_150 = tpu.memref_squeeze %dma_wait3A_149 : memref<1x632x128xf32, #tpu.memory_space<hbm>> -> memref<632x128xf32, #tpu.memory_space<hbm>>
      %dma_wait3A_151 = arith.constant 0 : i32
      %dma_wait3A_152 = tpu.memref_slice %arg10[%mul3A_0, %dma_wait3A_151] : memref<10112x128xf32, #tpu.memory_space<vmem_shared>> -> memref<632x128xf32, #tpu.memory_space<vmem_shared>>
      tpu.wait_dma2 semaphore(%run_scoped3A : memref<!tpu.dma_semaphore, #tpu.memory_space<semaphore_mem>>) src(%dma_wait3A_152 : memref<632x128xf32, #tpu.memory_space<vmem_shared>>) dst(%dma_wait3A_150 : memref<632x128xf32, #tpu.memory_space<hbm>>)
      tpu.yield
    }) : () -> ()
    return
  }
}

#map = affine_map<(d0, d1) -> (0, 0)>
#map1 = affine_map<(d0, d1) -> (0)>
#map2 = affine_map<(d0, d1) -> (0, 0, 0)>
module attributes {stable_mosaic.version = 14 : i64} {
  func.func @sc_aggregate(%arg0: i32, %arg1: i32, %arg2: memref<10000x128xf32, #tpu.memory_space<hbm>>, %arg3: memref<327680xi32, #tpu.memory_space<hbm>>, %arg4: memref<327680xi32, #tpu.memory_space<hbm>>, %arg5: memref<10112x128xf32, #tpu.memory_space<hbm>>, %arg6: memref<2x10112x128xf32, #tpu.memory_space<hbm>>, %arg7: memref<4x128xi32, #tpu.memory_space<vmem>>, %arg8: memref<4x128xi32, #tpu.memory_space<vmem>>, %arg9: memref<2x128x128xf32, #tpu.memory_space<vmem>>, %arg10: memref<10112x128xf32, #tpu.memory_space<vmem_shared>>, %arg11: memref<!tpu.dma_semaphore, #tpu.memory_space<semaphore_mem>>, %arg12: memref<!tpu.dma_semaphore, #tpu.memory_space<semaphore_mem>>, %arg13: memref<!tpu.dma_semaphore, #tpu.memory_space<semaphore_mem>>, %arg14: memref<!tpu.dma_semaphore, #tpu.memory_space<semaphore_mem>>, %arg15: memref<!tpu.dma_semaphore, #tpu.memory_space<semaphore_mem>>, %arg16: memref<!tpu.dma_semaphore, #tpu.memory_space<semaphore_mem>>, %arg17: memref<!tpu.dma_semaphore, #tpu.memory_space<semaphore_mem>>, %arg18: memref<!tpu.dma_semaphore, #tpu.memory_space<semaphore_mem>>, %arg19: memref<!tpu.dma_semaphore, #tpu.memory_space<semaphore_mem>>, %arg20: memref<!tpu.dma_semaphore, #tpu.memory_space<semaphore_mem>>) attributes {dimension_semantics = [#tpu.dimension_semantics<core_parallel>, #tpu.dimension_semantics<subcore_parallel>], iteration_bounds = array<i64: 2, 16>, scalar_prefetch = 0 : i64, scratch_operands = 14 : i64, tpu.core_type = #tpu.core_type<sc_vector_subcore>, window_params = [{transform_indices = #map}, {transform_indices = #map1}, {transform_indices = #map1}, {transform_indices = #map}, {transform_indices = #map2}]} {
    %mul3A = arith.constant 632 : i32
    %mul3A_0 = arith.muli %arg1, %mul3A : i32
    %mul3A_1 = arith.constant 16 : i32
    %mul3A_2 = arith.muli %arg0, %mul3A_1 : i32
    %add3A = arith.addi %mul3A_2, %arg1 : i32
    %mul3A_3 = arith.constant 80 : i32
    %mul3A_4 = arith.muli %add3A, %mul3A_3 : i32
    %add3A_5 = arith.constant 0 : i32
    %add3A_6 = arith.addi %mul3A_4, %add3A_5 : i32
    %mul3A_7 = arith.constant 128 : i32
    %mul3A_8 = arith.muli %add3A_6, %mul3A_7 : i32
    %dma_start3A = arith.constant 0 : i32
    %dma_start3A_9 = arith.constant 0 : i32
    %dma_start3A_10 = tpu.memref_slice %arg7[%dma_start3A, %dma_start3A_9] : memref<4x128xi32, #tpu.memory_space<vmem>> -> memref<1x128xi32, #tpu.memory_space<vmem>>
    %dma_start3A_11 = tpu.memref_squeeze %dma_start3A_10 : memref<1x128xi32, #tpu.memory_space<vmem>> -> memref<128xi32, #tpu.memory_space<vmem>>
    %dma_start3A_12 = tpu.memref_slice %arg3[%mul3A_8] : memref<327680xi32, #tpu.memory_space<hbm>> -> memref<128xi32, #tpu.memory_space<hbm>>
    %dma_start3A_13 = arith.constant 0 : i32
    %dma_start3A_14 = tpu.memref_slice %arg7[%dma_start3A, %dma_start3A_13] : memref<4x128xi32, #tpu.memory_space<vmem>> -> memref<1x128xi32, #tpu.memory_space<vmem>>
    %dma_start3A_15 = tpu.memref_squeeze %dma_start3A_14 : memref<1x128xi32, #tpu.memory_space<vmem>> -> memref<128xi32, #tpu.memory_space<vmem>>
    %dma_start3A_16 = tpu.memref_slice %arg3[%mul3A_8] : memref<327680xi32, #tpu.memory_space<hbm>> -> memref<128xi32, #tpu.memory_space<hbm>>
    tpu.enqueue_dma source(%dma_start3A_16 : memref<128xi32, #tpu.memory_space<hbm>>) target(%dma_start3A_15 : memref<128xi32, #tpu.memory_space<vmem>>) target_semaphore(%arg13 : memref<!tpu.dma_semaphore, #tpu.memory_space<semaphore_mem>>)
    %dma_start3A_17 = arith.constant 0 : i32
    %dma_start3A_18 = arith.constant 0 : i32
    %dma_start3A_19 = tpu.memref_slice %arg8[%dma_start3A_17, %dma_start3A_18] : memref<4x128xi32, #tpu.memory_space<vmem>> -> memref<1x128xi32, #tpu.memory_space<vmem>>
    %dma_start3A_20 = tpu.memref_squeeze %dma_start3A_19 : memref<1x128xi32, #tpu.memory_space<vmem>> -> memref<128xi32, #tpu.memory_space<vmem>>
    %dma_start3A_21 = tpu.memref_slice %arg4[%mul3A_8] : memref<327680xi32, #tpu.memory_space<hbm>> -> memref<128xi32, #tpu.memory_space<hbm>>
    %dma_start3A_22 = arith.constant 0 : i32
    %dma_start3A_23 = tpu.memref_slice %arg8[%dma_start3A_17, %dma_start3A_22] : memref<4x128xi32, #tpu.memory_space<vmem>> -> memref<1x128xi32, #tpu.memory_space<vmem>>
    %dma_start3A_24 = tpu.memref_squeeze %dma_start3A_23 : memref<1x128xi32, #tpu.memory_space<vmem>> -> memref<128xi32, #tpu.memory_space<vmem>>
    %dma_start3A_25 = tpu.memref_slice %arg4[%mul3A_8] : memref<327680xi32, #tpu.memory_space<hbm>> -> memref<128xi32, #tpu.memory_space<hbm>>
    tpu.enqueue_dma source(%dma_start3A_25 : memref<128xi32, #tpu.memory_space<hbm>>) target(%dma_start3A_24 : memref<128xi32, #tpu.memory_space<vmem>>) target_semaphore(%arg17 : memref<!tpu.dma_semaphore, #tpu.memory_space<semaphore_mem>>)
    %add3A_26 = arith.constant 1 : i32
    %add3A_27 = arith.addi %mul3A_4, %add3A_26 : i32
    %mul3A_28 = arith.constant 128 : i32
    %mul3A_29 = arith.muli %add3A_27, %mul3A_28 : i32
    %dma_start3A_30 = arith.constant 1 : i32
    %dma_start3A_31 = arith.constant 0 : i32
    %dma_start3A_32 = tpu.memref_slice %arg7[%dma_start3A_30, %dma_start3A_31] : memref<4x128xi32, #tpu.memory_space<vmem>> -> memref<1x128xi32, #tpu.memory_space<vmem>>
    %dma_start3A_33 = tpu.memref_squeeze %dma_start3A_32 : memref<1x128xi32, #tpu.memory_space<vmem>> -> memref<128xi32, #tpu.memory_space<vmem>>
    %dma_start3A_34 = tpu.memref_slice %arg3[%mul3A_29] : memref<327680xi32, #tpu.memory_space<hbm>> -> memref<128xi32, #tpu.memory_space<hbm>>
    %dma_start3A_35 = arith.constant 0 : i32
    %dma_start3A_36 = tpu.memref_slice %arg7[%dma_start3A_30, %dma_start3A_35] : memref<4x128xi32, #tpu.memory_space<vmem>> -> memref<1x128xi32, #tpu.memory_space<vmem>>
    %dma_start3A_37 = tpu.memref_squeeze %dma_start3A_36 : memref<1x128xi32, #tpu.memory_space<vmem>> -> memref<128xi32, #tpu.memory_space<vmem>>
    %dma_start3A_38 = tpu.memref_slice %arg3[%mul3A_29] : memref<327680xi32, #tpu.memory_space<hbm>> -> memref<128xi32, #tpu.memory_space<hbm>>
    tpu.enqueue_dma source(%dma_start3A_38 : memref<128xi32, #tpu.memory_space<hbm>>) target(%dma_start3A_37 : memref<128xi32, #tpu.memory_space<vmem>>) target_semaphore(%arg14 : memref<!tpu.dma_semaphore, #tpu.memory_space<semaphore_mem>>)
    %dma_start3A_39 = arith.constant 1 : i32
    %dma_start3A_40 = arith.constant 0 : i32
    %dma_start3A_41 = tpu.memref_slice %arg8[%dma_start3A_39, %dma_start3A_40] : memref<4x128xi32, #tpu.memory_space<vmem>> -> memref<1x128xi32, #tpu.memory_space<vmem>>
    %dma_start3A_42 = tpu.memref_squeeze %dma_start3A_41 : memref<1x128xi32, #tpu.memory_space<vmem>> -> memref<128xi32, #tpu.memory_space<vmem>>
    %dma_start3A_43 = tpu.memref_slice %arg4[%mul3A_29] : memref<327680xi32, #tpu.memory_space<hbm>> -> memref<128xi32, #tpu.memory_space<hbm>>
    %dma_start3A_44 = arith.constant 0 : i32
    %dma_start3A_45 = tpu.memref_slice %arg8[%dma_start3A_39, %dma_start3A_44] : memref<4x128xi32, #tpu.memory_space<vmem>> -> memref<1x128xi32, #tpu.memory_space<vmem>>
    %dma_start3A_46 = tpu.memref_squeeze %dma_start3A_45 : memref<1x128xi32, #tpu.memory_space<vmem>> -> memref<128xi32, #tpu.memory_space<vmem>>
    %dma_start3A_47 = tpu.memref_slice %arg4[%mul3A_29] : memref<327680xi32, #tpu.memory_space<hbm>> -> memref<128xi32, #tpu.memory_space<hbm>>
    tpu.enqueue_dma source(%dma_start3A_47 : memref<128xi32, #tpu.memory_space<hbm>>) target(%dma_start3A_46 : memref<128xi32, #tpu.memory_space<vmem>>) target_semaphore(%arg18 : memref<!tpu.dma_semaphore, #tpu.memory_space<semaphore_mem>>)
    %add3A_48 = arith.constant 2 : i32
    %add3A_49 = arith.addi %mul3A_4, %add3A_48 : i32
    %mul3A_50 = arith.constant 128 : i32
    %mul3A_51 = arith.muli %add3A_49, %mul3A_50 : i32
    %dma_start3A_52 = arith.constant 2 : i32
    %dma_start3A_53 = arith.constant 0 : i32
    %dma_start3A_54 = tpu.memref_slice %arg7[%dma_start3A_52, %dma_start3A_53] : memref<4x128xi32, #tpu.memory_space<vmem>> -> memref<1x128xi32, #tpu.memory_space<vmem>>
    %dma_start3A_55 = tpu.memref_squeeze %dma_start3A_54 : memref<1x128xi32, #tpu.memory_space<vmem>> -> memref<128xi32, #tpu.memory_space<vmem>>
    %dma_start3A_56 = tpu.memref_slice %arg3[%mul3A_51] : memref<327680xi32, #tpu.memory_space<hbm>> -> memref<128xi32, #tpu.memory_space<hbm>>
    %dma_start3A_57 = arith.constant 0 : i32
    %dma_start3A_58 = tpu.memref_slice %arg7[%dma_start3A_52, %dma_start3A_57] : memref<4x128xi32, #tpu.memory_space<vmem>> -> memref<1x128xi32, #tpu.memory_space<vmem>>
    %dma_start3A_59 = tpu.memref_squeeze %dma_start3A_58 : memref<1x128xi32, #tpu.memory_space<vmem>> -> memref<128xi32, #tpu.memory_space<vmem>>
    %dma_start3A_60 = tpu.memref_slice %arg3[%mul3A_51] : memref<327680xi32, #tpu.memory_space<hbm>> -> memref<128xi32, #tpu.memory_space<hbm>>
    tpu.enqueue_dma source(%dma_start3A_60 : memref<128xi32, #tpu.memory_space<hbm>>) target(%dma_start3A_59 : memref<128xi32, #tpu.memory_space<vmem>>) target_semaphore(%arg15 : memref<!tpu.dma_semaphore, #tpu.memory_space<semaphore_mem>>)
    %dma_start3A_61 = arith.constant 2 : i32
    %dma_start3A_62 = arith.constant 0 : i32
    %dma_start3A_63 = tpu.memref_slice %arg8[%dma_start3A_61, %dma_start3A_62] : memref<4x128xi32, #tpu.memory_space<vmem>> -> memref<1x128xi32, #tpu.memory_space<vmem>>
    %dma_start3A_64 = tpu.memref_squeeze %dma_start3A_63 : memref<1x128xi32, #tpu.memory_space<vmem>> -> memref<128xi32, #tpu.memory_space<vmem>>
    %dma_start3A_65 = tpu.memref_slice %arg4[%mul3A_51] : memref<327680xi32, #tpu.memory_space<hbm>> -> memref<128xi32, #tpu.memory_space<hbm>>
    %dma_start3A_66 = arith.constant 0 : i32
    %dma_start3A_67 = tpu.memref_slice %arg8[%dma_start3A_61, %dma_start3A_66] : memref<4x128xi32, #tpu.memory_space<vmem>> -> memref<1x128xi32, #tpu.memory_space<vmem>>
    %dma_start3A_68 = tpu.memref_squeeze %dma_start3A_67 : memref<1x128xi32, #tpu.memory_space<vmem>> -> memref<128xi32, #tpu.memory_space<vmem>>
    %dma_start3A_69 = tpu.memref_slice %arg4[%mul3A_51] : memref<327680xi32, #tpu.memory_space<hbm>> -> memref<128xi32, #tpu.memory_space<hbm>>
    tpu.enqueue_dma source(%dma_start3A_69 : memref<128xi32, #tpu.memory_space<hbm>>) target(%dma_start3A_68 : memref<128xi32, #tpu.memory_space<vmem>>) target_semaphore(%arg19 : memref<!tpu.dma_semaphore, #tpu.memory_space<semaphore_mem>>)
    %add3A_70 = arith.constant 3 : i32
    %add3A_71 = arith.addi %mul3A_4, %add3A_70 : i32
    %mul3A_72 = arith.constant 128 : i32
    %mul3A_73 = arith.muli %add3A_71, %mul3A_72 : i32
    %dma_start3A_74 = arith.constant 3 : i32
    %dma_start3A_75 = arith.constant 0 : i32
    %dma_start3A_76 = tpu.memref_slice %arg7[%dma_start3A_74, %dma_start3A_75] : memref<4x128xi32, #tpu.memory_space<vmem>> -> memref<1x128xi32, #tpu.memory_space<vmem>>
    %dma_start3A_77 = tpu.memref_squeeze %dma_start3A_76 : memref<1x128xi32, #tpu.memory_space<vmem>> -> memref<128xi32, #tpu.memory_space<vmem>>
    %dma_start3A_78 = tpu.memref_slice %arg3[%mul3A_73] : memref<327680xi32, #tpu.memory_space<hbm>> -> memref<128xi32, #tpu.memory_space<hbm>>
    %dma_start3A_79 = arith.constant 0 : i32
    %dma_start3A_80 = tpu.memref_slice %arg7[%dma_start3A_74, %dma_start3A_79] : memref<4x128xi32, #tpu.memory_space<vmem>> -> memref<1x128xi32, #tpu.memory_space<vmem>>
    %dma_start3A_81 = tpu.memref_squeeze %dma_start3A_80 : memref<1x128xi32, #tpu.memory_space<vmem>> -> memref<128xi32, #tpu.memory_space<vmem>>
    %dma_start3A_82 = tpu.memref_slice %arg3[%mul3A_73] : memref<327680xi32, #tpu.memory_space<hbm>> -> memref<128xi32, #tpu.memory_space<hbm>>
    tpu.enqueue_dma source(%dma_start3A_82 : memref<128xi32, #tpu.memory_space<hbm>>) target(%dma_start3A_81 : memref<128xi32, #tpu.memory_space<vmem>>) target_semaphore(%arg16 : memref<!tpu.dma_semaphore, #tpu.memory_space<semaphore_mem>>)
    %dma_start3A_83 = arith.constant 3 : i32
    %dma_start3A_84 = arith.constant 0 : i32
    %dma_start3A_85 = tpu.memref_slice %arg8[%dma_start3A_83, %dma_start3A_84] : memref<4x128xi32, #tpu.memory_space<vmem>> -> memref<1x128xi32, #tpu.memory_space<vmem>>
    %dma_start3A_86 = tpu.memref_squeeze %dma_start3A_85 : memref<1x128xi32, #tpu.memory_space<vmem>> -> memref<128xi32, #tpu.memory_space<vmem>>
    %dma_start3A_87 = tpu.memref_slice %arg4[%mul3A_73] : memref<327680xi32, #tpu.memory_space<hbm>> -> memref<128xi32, #tpu.memory_space<hbm>>
    %dma_start3A_88 = arith.constant 0 : i32
    %dma_start3A_89 = tpu.memref_slice %arg8[%dma_start3A_83, %dma_start3A_88] : memref<4x128xi32, #tpu.memory_space<vmem>> -> memref<1x128xi32, #tpu.memory_space<vmem>>
    %dma_start3A_90 = tpu.memref_squeeze %dma_start3A_89 : memref<1x128xi32, #tpu.memory_space<vmem>> -> memref<128xi32, #tpu.memory_space<vmem>>
    %dma_start3A_91 = tpu.memref_slice %arg4[%mul3A_73] : memref<327680xi32, #tpu.memory_space<hbm>> -> memref<128xi32, #tpu.memory_space<hbm>>
    tpu.enqueue_dma source(%dma_start3A_91 : memref<128xi32, #tpu.memory_space<hbm>>) target(%dma_start3A_90 : memref<128xi32, #tpu.memory_space<vmem>>) target_semaphore(%arg20 : memref<!tpu.dma_semaphore, #tpu.memory_space<semaphore_mem>>)
    "tpu.region"() ({
      %run_scoped3A = tpu.sem_alloc : memref<!tpu.dma_semaphore, #tpu.memory_space<semaphore_mem>>
      %dma_start3A_143 = arith.constant 0 : i32
      %dma_start3A_144 = tpu.memref_slice %arg10[%mul3A_0, %dma_start3A_143] : memref<10112x128xf32, #tpu.memory_space<vmem_shared>> -> memref<632x128xf32, #tpu.memory_space<vmem_shared>>
      %dma_start3A_145 = arith.constant 0 : i32
      %dma_start3A_146 = tpu.memref_slice %arg5[%mul3A_0, %dma_start3A_145] : memref<10112x128xf32, #tpu.memory_space<hbm>> -> memref<632x128xf32, #tpu.memory_space<hbm>>
      tpu.enqueue_dma source(%dma_start3A_146 : memref<632x128xf32, #tpu.memory_space<hbm>>) target(%dma_start3A_144 : memref<632x128xf32, #tpu.memory_space<vmem_shared>>) target_semaphore(%run_scoped3A : memref<!tpu.dma_semaphore, #tpu.memory_space<semaphore_mem>>)
      %dma_wait3A_147 = arith.constant 0 : i32
      %dma_wait3A_148 = tpu.memref_slice %arg10[%mul3A_0, %dma_wait3A_147] : memref<10112x128xf32, #tpu.memory_space<vmem_shared>> -> memref<632x128xf32, #tpu.memory_space<vmem_shared>>
      %dma_wait3A_149 = arith.constant 0 : i32
      %dma_wait3A_150 = tpu.memref_slice %arg5[%mul3A_0, %dma_wait3A_149] : memref<10112x128xf32, #tpu.memory_space<hbm>> -> memref<632x128xf32, #tpu.memory_space<hbm>>
      tpu.wait_dma2 semaphore(%run_scoped3A : memref<!tpu.dma_semaphore, #tpu.memory_space<semaphore_mem>>) src(%dma_wait3A_150 : memref<632x128xf32, #tpu.memory_space<hbm>>) dst(%dma_wait3A_148 : memref<632x128xf32, #tpu.memory_space<vmem_shared>>)
      tpu.yield
    }) : () -> ()
    %dma_wait3A = arith.constant 0 : i32
    %dma_wait3A_92 = arith.constant 0 : i32
    %dma_wait3A_93 = tpu.memref_slice %arg7[%dma_wait3A, %dma_wait3A_92] : memref<4x128xi32, #tpu.memory_space<vmem>> -> memref<1x128xi32, #tpu.memory_space<vmem>>
    %dma_wait3A_94 = tpu.memref_squeeze %dma_wait3A_93 : memref<1x128xi32, #tpu.memory_space<vmem>> -> memref<128xi32, #tpu.memory_space<vmem>>
    %dma_wait3A_95 = arith.constant 0 : i32
    %dma_wait3A_96 = tpu.memref_slice %arg3[%dma_wait3A_95] : memref<327680xi32, #tpu.memory_space<hbm>> -> memref<128xi32, #tpu.memory_space<hbm>>
    %dma_wait3A_97 = arith.constant 0 : i32
    %dma_wait3A_98 = tpu.memref_slice %arg7[%dma_wait3A, %dma_wait3A_97] : memref<4x128xi32, #tpu.memory_space<vmem>> -> memref<1x128xi32, #tpu.memory_space<vmem>>
    %dma_wait3A_99 = tpu.memref_squeeze %dma_wait3A_98 : memref<1x128xi32, #tpu.memory_space<vmem>> -> memref<128xi32, #tpu.memory_space<vmem>>
    %dma_wait3A_100 = arith.constant 0 : i32
    %dma_wait3A_101 = tpu.memref_slice %arg3[%dma_wait3A_100] : memref<327680xi32, #tpu.memory_space<hbm>> -> memref<128xi32, #tpu.memory_space<hbm>>
    tpu.wait_dma2 semaphore(%arg13 : memref<!tpu.dma_semaphore, #tpu.memory_space<semaphore_mem>>) src(%dma_wait3A_101 : memref<128xi32, #tpu.memory_space<hbm>>) dst(%dma_wait3A_99 : memref<128xi32, #tpu.memory_space<vmem>>)
    %dma_start3A_102 = arith.constant 0 : i32
    %dma_start3A_103 = arith.constant 0 : i32
    %dma_start3A_104 = arith.constant 0 : i32
    %dma_start3A_105 = arith.constant 0 : i32
    %dma_start3A_106 = tpu.memref_slice %arg9[%dma_start3A_103, %dma_start3A_104, %dma_start3A_105] : memref<2x128x128xf32, #tpu.memory_space<vmem>> -> memref<1x128x128xf32, #tpu.memory_space<vmem>>
    %dma_start3A_107 = tpu.memref_squeeze %dma_start3A_106 : memref<1x128x128xf32, #tpu.memory_space<vmem>> -> memref<128x128xf32, #tpu.memory_space<vmem>>
    %dma_start3A_108 = arith.constant 0 : i32
    %dma_start3A_109 = tpu.memref_slice %arg7[%dma_start3A_102, %dma_start3A_108] : memref<4x128xi32, #tpu.memory_space<vmem>> -> memref<1x128xi32, #tpu.memory_space<vmem>>
    %dma_start3A_110 = tpu.memref_squeeze %dma_start3A_109 : memref<1x128xi32, #tpu.memory_space<vmem>> -> memref<128xi32, #tpu.memory_space<vmem>>
    %dma_start3A_111 = arith.constant 0 : i32
    %dma_start3A_112 = arith.constant 0 : i32
    %dma_start3A_113 = tpu.memref_slice %arg2[%dma_start3A_111, %dma_start3A_112] : memref<10000x128xf32, #tpu.memory_space<hbm>> -> memref<10000x128xf32, #tpu.memory_space<hbm>>
    tpu.enqueue_indirect_dma source(%dma_start3A_113 : memref<10000x128xf32, #tpu.memory_space<hbm>>) target(%dma_start3A_107 : memref<128x128xf32, #tpu.memory_space<vmem>>) offsets(%dma_start3A_110 : memref<128xi32, #tpu.memory_space<vmem>>) semaphore(%arg11 : memref<!tpu.dma_semaphore, #tpu.memory_space<semaphore_mem>>)
    %dma_wait3A_114 = arith.constant 1 : i32
    %dma_wait3A_115 = arith.constant 0 : i32
    %dma_wait3A_116 = tpu.memref_slice %arg7[%dma_wait3A_114, %dma_wait3A_115] : memref<4x128xi32, #tpu.memory_space<vmem>> -> memref<1x128xi32, #tpu.memory_space<vmem>>
    %dma_wait3A_117 = tpu.memref_squeeze %dma_wait3A_116 : memref<1x128xi32, #tpu.memory_space<vmem>> -> memref<128xi32, #tpu.memory_space<vmem>>
    %dma_wait3A_118 = arith.constant 0 : i32
    %dma_wait3A_119 = tpu.memref_slice %arg3[%dma_wait3A_118] : memref<327680xi32, #tpu.memory_space<hbm>> -> memref<128xi32, #tpu.memory_space<hbm>>
    %dma_wait3A_120 = arith.constant 0 : i32
    %dma_wait3A_121 = tpu.memref_slice %arg7[%dma_wait3A_114, %dma_wait3A_120] : memref<4x128xi32, #tpu.memory_space<vmem>> -> memref<1x128xi32, #tpu.memory_space<vmem>>
    %dma_wait3A_122 = tpu.memref_squeeze %dma_wait3A_121 : memref<1x128xi32, #tpu.memory_space<vmem>> -> memref<128xi32, #tpu.memory_space<vmem>>
    %dma_wait3A_123 = arith.constant 0 : i32
    %dma_wait3A_124 = tpu.memref_slice %arg3[%dma_wait3A_123] : memref<327680xi32, #tpu.memory_space<hbm>> -> memref<128xi32, #tpu.memory_space<hbm>>
    tpu.wait_dma2 semaphore(%arg14 : memref<!tpu.dma_semaphore, #tpu.memory_space<semaphore_mem>>) src(%dma_wait3A_124 : memref<128xi32, #tpu.memory_space<hbm>>) dst(%dma_wait3A_122 : memref<128xi32, #tpu.memory_space<vmem>>)
    %dma_start3A_125 = arith.constant 1 : i32
    %dma_start3A_126 = arith.constant 1 : i32
    %dma_start3A_127 = arith.constant 0 : i32
    %dma_start3A_128 = arith.constant 0 : i32
    %dma_start3A_129 = tpu.memref_slice %arg9[%dma_start3A_126, %dma_start3A_127, %dma_start3A_128] : memref<2x128x128xf32, #tpu.memory_space<vmem>> -> memref<1x128x128xf32, #tpu.memory_space<vmem>>
    %dma_start3A_130 = tpu.memref_squeeze %dma_start3A_129 : memref<1x128x128xf32, #tpu.memory_space<vmem>> -> memref<128x128xf32, #tpu.memory_space<vmem>>
    %dma_start3A_131 = arith.constant 0 : i32
    %dma_start3A_132 = tpu.memref_slice %arg7[%dma_start3A_125, %dma_start3A_131] : memref<4x128xi32, #tpu.memory_space<vmem>> -> memref<1x128xi32, #tpu.memory_space<vmem>>
    %dma_start3A_133 = tpu.memref_squeeze %dma_start3A_132 : memref<1x128xi32, #tpu.memory_space<vmem>> -> memref<128xi32, #tpu.memory_space<vmem>>
    %dma_start3A_134 = arith.constant 0 : i32
    %dma_start3A_135 = arith.constant 0 : i32
    %dma_start3A_136 = tpu.memref_slice %arg2[%dma_start3A_134, %dma_start3A_135] : memref<10000x128xf32, #tpu.memory_space<hbm>> -> memref<10000x128xf32, #tpu.memory_space<hbm>>
    tpu.enqueue_indirect_dma source(%dma_start3A_136 : memref<10000x128xf32, #tpu.memory_space<hbm>>) target(%dma_start3A_130 : memref<128x128xf32, #tpu.memory_space<vmem>>) offsets(%dma_start3A_133 : memref<128xi32, #tpu.memory_space<vmem>>) semaphore(%arg12 : memref<!tpu.dma_semaphore, #tpu.memory_space<semaphore_mem>>)
    %barrier3A = arith.constant 0 : index
    tpu.barrier barrier_id(%barrier3A)
    %scan3A = arith.constant 0 : i32
    %scan3A_137 = arith.constant 0 : i32
    %scan3A_138 = arith.constant 20 : i32
    %scan3A_139 = arith.addi %scan3A_137, %scan3A_138 : i32
    %scan3A_140 = arith.constant 1 : i32
    scf.for %scan3A_143 = %scan3A_137 to %scan3A_139 step %scan3A_140  : i32 {
      %mul3A_144 = arith.constant 4 : i32
      %mul3A_145 = arith.muli %scan3A_143, %mul3A_144 : i32
      %add3A_146 = arith.constant 0 : i32
      %add3A_147 = arith.addi %mul3A_145, %add3A_146 : i32
      %dma_wait3A_148 = arith.constant 0 : i32
      %dma_wait3A_149 = arith.constant 0 : i32
      %dma_wait3A_150 = arith.constant 0 : i32
      %dma_wait3A_151 = arith.constant 0 : i32
      %dma_wait3A_152 = tpu.memref_slice %arg9[%dma_wait3A_149, %dma_wait3A_150, %dma_wait3A_151] : memref<2x128x128xf32, #tpu.memory_space<vmem>> -> memref<1x128x128xf32, #tpu.memory_space<vmem>>
      %dma_wait3A_153 = tpu.memref_squeeze %dma_wait3A_152 : memref<1x128x128xf32, #tpu.memory_space<vmem>> -> memref<128x128xf32, #tpu.memory_space<vmem>>
      %dma_wait3A_154 = arith.constant 0 : i32
      %dma_wait3A_155 = tpu.memref_slice %arg7[%dma_wait3A_148, %dma_wait3A_154] : memref<4x128xi32, #tpu.memory_space<vmem>> -> memref<1x128xi32, #tpu.memory_space<vmem>>
      %dma_wait3A_156 = tpu.memref_squeeze %dma_wait3A_155 : memref<1x128xi32, #tpu.memory_space<vmem>> -> memref<128xi32, #tpu.memory_space<vmem>>
      %dma_wait3A_157 = arith.constant 0 : i32
      %dma_wait3A_158 = arith.constant 0 : i32
      %dma_wait3A_159 = tpu.memref_slice %arg2[%dma_wait3A_157, %dma_wait3A_158] : memref<10000x128xf32, #tpu.memory_space<hbm>> -> memref<10000x128xf32, #tpu.memory_space<hbm>>
      tpu.wait_indirect_dma semaphore(%arg11 : memref<!tpu.dma_semaphore, #tpu.memory_space<semaphore_mem>>) src(%dma_wait3A_159 : memref<10000x128xf32, #tpu.memory_space<hbm>>) dst(%dma_wait3A_153 : memref<128x128xf32, #tpu.memory_space<vmem>>)
      %dma_wait3A_160 = arith.constant 0 : i32
      %dma_wait3A_161 = arith.constant 0 : i32
      %dma_wait3A_162 = tpu.memref_slice %arg8[%dma_wait3A_160, %dma_wait3A_161] : memref<4x128xi32, #tpu.memory_space<vmem>> -> memref<1x128xi32, #tpu.memory_space<vmem>>
      %dma_wait3A_163 = tpu.memref_squeeze %dma_wait3A_162 : memref<1x128xi32, #tpu.memory_space<vmem>> -> memref<128xi32, #tpu.memory_space<vmem>>
      %dma_wait3A_164 = arith.constant 0 : i32
      %dma_wait3A_165 = tpu.memref_slice %arg3[%dma_wait3A_164] : memref<327680xi32, #tpu.memory_space<hbm>> -> memref<128xi32, #tpu.memory_space<hbm>>
      %dma_wait3A_166 = arith.constant 0 : i32
      %dma_wait3A_167 = tpu.memref_slice %arg8[%dma_wait3A_160, %dma_wait3A_166] : memref<4x128xi32, #tpu.memory_space<vmem>> -> memref<1x128xi32, #tpu.memory_space<vmem>>
      %dma_wait3A_168 = tpu.memref_squeeze %dma_wait3A_167 : memref<1x128xi32, #tpu.memory_space<vmem>> -> memref<128xi32, #tpu.memory_space<vmem>>
      %dma_wait3A_169 = arith.constant 0 : i32
      %dma_wait3A_170 = tpu.memref_slice %arg3[%dma_wait3A_169] : memref<327680xi32, #tpu.memory_space<hbm>> -> memref<128xi32, #tpu.memory_space<hbm>>
      tpu.wait_dma2 semaphore(%arg17 : memref<!tpu.dma_semaphore, #tpu.memory_space<semaphore_mem>>) src(%dma_wait3A_170 : memref<128xi32, #tpu.memory_space<hbm>>) dst(%dma_wait3A_168 : memref<128xi32, #tpu.memory_space<vmem>>)
      %run_scoped3A = arith.constant 0 : i32
      %run_scoped3A_171 = arith.constant 0 : i32
      "tpu.region"() ({
        %run_scoped3A_312 = tpu.sem_alloc : memref<!tpu.dma_semaphore, #tpu.memory_space<semaphore_mem>>
        %dma_start3A_313 = arith.constant 0 : i32
        %dma_start3A_314 = arith.constant 0 : i32
        %dma_start3A_315 = tpu.memref_slice %arg9[%run_scoped3A, %dma_start3A_313, %dma_start3A_314] : memref<2x128x128xf32, #tpu.memory_space<vmem>> -> memref<1x128x128xf32, #tpu.memory_space<vmem>>
        %dma_start3A_316 = tpu.memref_squeeze %dma_start3A_315 : memref<1x128x128xf32, #tpu.memory_space<vmem>> -> memref<128x128xf32, #tpu.memory_space<vmem>>
        %dma_start3A_317 = arith.constant 0 : i32
        %dma_start3A_318 = tpu.memref_slice %arg8[%run_scoped3A_171, %dma_start3A_317] : memref<4x128xi32, #tpu.memory_space<vmem>> -> memref<1x128xi32, #tpu.memory_space<vmem>>
        %dma_start3A_319 = tpu.memref_squeeze %dma_start3A_318 : memref<1x128xi32, #tpu.memory_space<vmem>> -> memref<128xi32, #tpu.memory_space<vmem>>
        %dma_start3A_320 = arith.constant 0 : i32
        %dma_start3A_321 = arith.constant 0 : i32
        %dma_start3A_322 = tpu.memref_slice %arg10[%dma_start3A_320, %dma_start3A_321] : memref<10112x128xf32, #tpu.memory_space<vmem_shared>> -> memref<10112x128xf32, #tpu.memory_space<vmem_shared>>
        tpu.enqueue_indirect_dma source(%dma_start3A_316 : memref<128x128xf32, #tpu.memory_space<vmem>>) target(%dma_start3A_322 : memref<10112x128xf32, #tpu.memory_space<vmem_shared>>) offsets(%dma_start3A_319 : memref<128xi32, #tpu.memory_space<vmem>>) semaphore(%run_scoped3A_312 : memref<!tpu.dma_semaphore, #tpu.memory_space<semaphore_mem>>) {add = true}
        %dma_wait3A_323 = arith.constant 0 : i32
        %dma_wait3A_324 = arith.constant 0 : i32
        %dma_wait3A_325 = tpu.memref_slice %arg9[%run_scoped3A, %dma_wait3A_323, %dma_wait3A_324] : memref<2x128x128xf32, #tpu.memory_space<vmem>> -> memref<1x128x128xf32, #tpu.memory_space<vmem>>
        %dma_wait3A_326 = tpu.memref_squeeze %dma_wait3A_325 : memref<1x128x128xf32, #tpu.memory_space<vmem>> -> memref<128x128xf32, #tpu.memory_space<vmem>>
        %dma_wait3A_327 = arith.constant 0 : i32
        %dma_wait3A_328 = tpu.memref_slice %arg8[%run_scoped3A_171, %dma_wait3A_327] : memref<4x128xi32, #tpu.memory_space<vmem>> -> memref<1x128xi32, #tpu.memory_space<vmem>>
        %dma_wait3A_329 = tpu.memref_squeeze %dma_wait3A_328 : memref<1x128xi32, #tpu.memory_space<vmem>> -> memref<128xi32, #tpu.memory_space<vmem>>
        %dma_wait3A_330 = arith.constant 0 : i32
        %dma_wait3A_331 = arith.constant 0 : i32
        %dma_wait3A_332 = tpu.memref_slice %arg10[%dma_wait3A_330, %dma_wait3A_331] : memref<10112x128xf32, #tpu.memory_space<vmem_shared>> -> memref<10112x128xf32, #tpu.memory_space<vmem_shared>>
        tpu.wait_indirect_dma semaphore(%run_scoped3A_312 : memref<!tpu.dma_semaphore, #tpu.memory_space<semaphore_mem>>) src(%dma_wait3A_326 : memref<128x128xf32, #tpu.memory_space<vmem>>) dst(%dma_wait3A_332 : memref<10112x128xf32, #tpu.memory_space<vmem_shared>>)
        tpu.yield
      }) : () -> ()
      %add3A_172 = arith.constant 4 : i32
      %add3A_173 = arith.addi %add3A_147, %add3A_172 : i32
      %lt3A = arith.constant 80 : i32
      %lt3A_174 = arith.cmpi slt, %add3A_173, %lt3A : i32
      %convert_element_type3A = arith.extui %lt3A_174 : i1 to i32
      %cond3A = arith.constant 0 : i32
      %cond3A_175 = arith.cmpi ne, %convert_element_type3A, %cond3A : i32
      scf.if %cond3A_175 {
        %add3A_312 = arith.addi %mul3A_4, %add3A_147 : i32
        %add3A_313 = arith.constant 4 : i32
        %add3A_314 = arith.addi %add3A_312, %add3A_313 : i32
        %mul3A_315 = arith.constant 128 : i32
        %mul3A_316 = arith.muli %add3A_314, %mul3A_315 : i32
        %dma_start3A_317 = arith.constant 0 : i32
        %dma_start3A_318 = arith.constant 0 : i32
        %dma_start3A_319 = tpu.memref_slice %arg7[%dma_start3A_317, %dma_start3A_318] : memref<4x128xi32, #tpu.memory_space<vmem>> -> memref<1x128xi32, #tpu.memory_space<vmem>>
        %dma_start3A_320 = tpu.memref_squeeze %dma_start3A_319 : memref<1x128xi32, #tpu.memory_space<vmem>> -> memref<128xi32, #tpu.memory_space<vmem>>
        %dma_start3A_321 = tpu.memref_slice %arg3[%mul3A_316] : memref<327680xi32, #tpu.memory_space<hbm>> -> memref<128xi32, #tpu.memory_space<hbm>>
        %dma_start3A_322 = arith.constant 0 : i32
        %dma_start3A_323 = tpu.memref_slice %arg7[%dma_start3A_317, %dma_start3A_322] : memref<4x128xi32, #tpu.memory_space<vmem>> -> memref<1x128xi32, #tpu.memory_space<vmem>>
        %dma_start3A_324 = tpu.memref_squeeze %dma_start3A_323 : memref<1x128xi32, #tpu.memory_space<vmem>> -> memref<128xi32, #tpu.memory_space<vmem>>
        %dma_start3A_325 = tpu.memref_slice %arg3[%mul3A_316] : memref<327680xi32, #tpu.memory_space<hbm>> -> memref<128xi32, #tpu.memory_space<hbm>>
        tpu.enqueue_dma source(%dma_start3A_325 : memref<128xi32, #tpu.memory_space<hbm>>) target(%dma_start3A_324 : memref<128xi32, #tpu.memory_space<vmem>>) target_semaphore(%arg13 : memref<!tpu.dma_semaphore, #tpu.memory_space<semaphore_mem>>)
        %dma_start3A_326 = arith.constant 0 : i32
        %dma_start3A_327 = arith.constant 0 : i32
        %dma_start3A_328 = tpu.memref_slice %arg8[%dma_start3A_326, %dma_start3A_327] : memref<4x128xi32, #tpu.memory_space<vmem>> -> memref<1x128xi32, #tpu.memory_space<vmem>>
        %dma_start3A_329 = tpu.memref_squeeze %dma_start3A_328 : memref<1x128xi32, #tpu.memory_space<vmem>> -> memref<128xi32, #tpu.memory_space<vmem>>
        %dma_start3A_330 = tpu.memref_slice %arg4[%mul3A_316] : memref<327680xi32, #tpu.memory_space<hbm>> -> memref<128xi32, #tpu.memory_space<hbm>>
        %dma_start3A_331 = arith.constant 0 : i32
        %dma_start3A_332 = tpu.memref_slice %arg8[%dma_start3A_326, %dma_start3A_331] : memref<4x128xi32, #tpu.memory_space<vmem>> -> memref<1x128xi32, #tpu.memory_space<vmem>>
        %dma_start3A_333 = tpu.memref_squeeze %dma_start3A_332 : memref<1x128xi32, #tpu.memory_space<vmem>> -> memref<128xi32, #tpu.memory_space<vmem>>
        %dma_start3A_334 = tpu.memref_slice %arg4[%mul3A_316] : memref<327680xi32, #tpu.memory_space<hbm>> -> memref<128xi32, #tpu.memory_space<hbm>>
        tpu.enqueue_dma source(%dma_start3A_334 : memref<128xi32, #tpu.memory_space<hbm>>) target(%dma_start3A_333 : memref<128xi32, #tpu.memory_space<vmem>>) target_semaphore(%arg17 : memref<!tpu.dma_semaphore, #tpu.memory_space<semaphore_mem>>)
      } else {
      }
      %add3A_176 = arith.constant 2 : i32
      %add3A_177 = arith.addi %add3A_147, %add3A_176 : i32
      %lt3A_178 = arith.constant 80 : i32
      %lt3A_179 = arith.cmpi slt, %add3A_177, %lt3A_178 : i32
      %convert_element_type3A_180 = arith.extui %lt3A_179 : i1 to i32
      %cond3A_181 = arith.constant 0 : i32
      %cond3A_182 = arith.cmpi ne, %convert_element_type3A_180, %cond3A_181 : i32
      scf.if %cond3A_182 {
        %dma_wait3A_312 = arith.constant 2 : i32
        %dma_wait3A_313 = arith.constant 0 : i32
        %dma_wait3A_314 = tpu.memref_slice %arg7[%dma_wait3A_312, %dma_wait3A_313] : memref<4x128xi32, #tpu.memory_space<vmem>> -> memref<1x128xi32, #tpu.memory_space<vmem>>
        %dma_wait3A_315 = tpu.memref_squeeze %dma_wait3A_314 : memref<1x128xi32, #tpu.memory_space<vmem>> -> memref<128xi32, #tpu.memory_space<vmem>>
        %dma_wait3A_316 = arith.constant 0 : i32
        %dma_wait3A_317 = tpu.memref_slice %arg3[%dma_wait3A_316] : memref<327680xi32, #tpu.memory_space<hbm>> -> memref<128xi32, #tpu.memory_space<hbm>>
        %dma_wait3A_318 = arith.constant 0 : i32
        %dma_wait3A_319 = tpu.memref_slice %arg7[%dma_wait3A_312, %dma_wait3A_318] : memref<4x128xi32, #tpu.memory_space<vmem>> -> memref<1x128xi32, #tpu.memory_space<vmem>>
        %dma_wait3A_320 = tpu.memref_squeeze %dma_wait3A_319 : memref<1x128xi32, #tpu.memory_space<vmem>> -> memref<128xi32, #tpu.memory_space<vmem>>
        %dma_wait3A_321 = arith.constant 0 : i32
        %dma_wait3A_322 = tpu.memref_slice %arg3[%dma_wait3A_321] : memref<327680xi32, #tpu.memory_space<hbm>> -> memref<128xi32, #tpu.memory_space<hbm>>
        tpu.wait_dma2 semaphore(%arg15 : memref<!tpu.dma_semaphore, #tpu.memory_space<semaphore_mem>>) src(%dma_wait3A_322 : memref<128xi32, #tpu.memory_space<hbm>>) dst(%dma_wait3A_320 : memref<128xi32, #tpu.memory_space<vmem>>)
        %dma_start3A_323 = arith.constant 2 : i32
        %dma_start3A_324 = arith.constant 0 : i32
        %dma_start3A_325 = arith.constant 0 : i32
        %dma_start3A_326 = arith.constant 0 : i32
        %dma_start3A_327 = tpu.memref_slice %arg9[%dma_start3A_324, %dma_start3A_325, %dma_start3A_326] : memref<2x128x128xf32, #tpu.memory_space<vmem>> -> memref<1x128x128xf32, #tpu.memory_space<vmem>>
        %dma_start3A_328 = tpu.memref_squeeze %dma_start3A_327 : memref<1x128x128xf32, #tpu.memory_space<vmem>> -> memref<128x128xf32, #tpu.memory_space<vmem>>
        %dma_start3A_329 = arith.constant 0 : i32
        %dma_start3A_330 = tpu.memref_slice %arg7[%dma_start3A_323, %dma_start3A_329] : memref<4x128xi32, #tpu.memory_space<vmem>> -> memref<1x128xi32, #tpu.memory_space<vmem>>
        %dma_start3A_331 = tpu.memref_squeeze %dma_start3A_330 : memref<1x128xi32, #tpu.memory_space<vmem>> -> memref<128xi32, #tpu.memory_space<vmem>>
        %dma_start3A_332 = arith.constant 0 : i32
        %dma_start3A_333 = arith.constant 0 : i32
        %dma_start3A_334 = tpu.memref_slice %arg2[%dma_start3A_332, %dma_start3A_333] : memref<10000x128xf32, #tpu.memory_space<hbm>> -> memref<10000x128xf32, #tpu.memory_space<hbm>>
        tpu.enqueue_indirect_dma source(%dma_start3A_334 : memref<10000x128xf32, #tpu.memory_space<hbm>>) target(%dma_start3A_328 : memref<128x128xf32, #tpu.memory_space<vmem>>) offsets(%dma_start3A_331 : memref<128xi32, #tpu.memory_space<vmem>>) semaphore(%arg11 : memref<!tpu.dma_semaphore, #tpu.memory_space<semaphore_mem>>)
      } else {
      }
      %mul3A_183 = arith.constant 4 : i32
      %mul3A_184 = arith.muli %scan3A_143, %mul3A_183 : i32
      %add3A_185 = arith.constant 1 : i32
      %add3A_186 = arith.addi %mul3A_184, %add3A_185 : i32
      %dma_wait3A_187 = arith.constant 0 : i32
      %dma_wait3A_188 = arith.constant 1 : i32
      %dma_wait3A_189 = arith.constant 0 : i32
      %dma_wait3A_190 = arith.constant 0 : i32
      %dma_wait3A_191 = tpu.memref_slice %arg9[%dma_wait3A_188, %dma_wait3A_189, %dma_wait3A_190] : memref<2x128x128xf32, #tpu.memory_space<vmem>> -> memref<1x128x128xf32, #tpu.memory_space<vmem>>
      %dma_wait3A_192 = tpu.memref_squeeze %dma_wait3A_191 : memref<1x128x128xf32, #tpu.memory_space<vmem>> -> memref<128x128xf32, #tpu.memory_space<vmem>>
      %dma_wait3A_193 = arith.constant 0 : i32
      %dma_wait3A_194 = tpu.memref_slice %arg7[%dma_wait3A_187, %dma_wait3A_193] : memref<4x128xi32, #tpu.memory_space<vmem>> -> memref<1x128xi32, #tpu.memory_space<vmem>>
      %dma_wait3A_195 = tpu.memref_squeeze %dma_wait3A_194 : memref<1x128xi32, #tpu.memory_space<vmem>> -> memref<128xi32, #tpu.memory_space<vmem>>
      %dma_wait3A_196 = arith.constant 0 : i32
      %dma_wait3A_197 = arith.constant 0 : i32
      %dma_wait3A_198 = tpu.memref_slice %arg2[%dma_wait3A_196, %dma_wait3A_197] : memref<10000x128xf32, #tpu.memory_space<hbm>> -> memref<10000x128xf32, #tpu.memory_space<hbm>>
      tpu.wait_indirect_dma semaphore(%arg12 : memref<!tpu.dma_semaphore, #tpu.memory_space<semaphore_mem>>) src(%dma_wait3A_198 : memref<10000x128xf32, #tpu.memory_space<hbm>>) dst(%dma_wait3A_192 : memref<128x128xf32, #tpu.memory_space<vmem>>)
      %dma_wait3A_199 = arith.constant 1 : i32
      %dma_wait3A_200 = arith.constant 0 : i32
      %dma_wait3A_201 = tpu.memref_slice %arg8[%dma_wait3A_199, %dma_wait3A_200] : memref<4x128xi32, #tpu.memory_space<vmem>> -> memref<1x128xi32, #tpu.memory_space<vmem>>
      %dma_wait3A_202 = tpu.memref_squeeze %dma_wait3A_201 : memref<1x128xi32, #tpu.memory_space<vmem>> -> memref<128xi32, #tpu.memory_space<vmem>>
      %dma_wait3A_203 = arith.constant 0 : i32
      %dma_wait3A_204 = tpu.memref_slice %arg3[%dma_wait3A_203] : memref<327680xi32, #tpu.memory_space<hbm>> -> memref<128xi32, #tpu.memory_space<hbm>>
      %dma_wait3A_205 = arith.constant 0 : i32
      %dma_wait3A_206 = tpu.memref_slice %arg8[%dma_wait3A_199, %dma_wait3A_205] : memref<4x128xi32, #tpu.memory_space<vmem>> -> memref<1x128xi32, #tpu.memory_space<vmem>>
      %dma_wait3A_207 = tpu.memref_squeeze %dma_wait3A_206 : memref<1x128xi32, #tpu.memory_space<vmem>> -> memref<128xi32, #tpu.memory_space<vmem>>
      %dma_wait3A_208 = arith.constant 0 : i32
      %dma_wait3A_209 = tpu.memref_slice %arg3[%dma_wait3A_208] : memref<327680xi32, #tpu.memory_space<hbm>> -> memref<128xi32, #tpu.memory_space<hbm>>
      tpu.wait_dma2 semaphore(%arg18 : memref<!tpu.dma_semaphore, #tpu.memory_space<semaphore_mem>>) src(%dma_wait3A_209 : memref<128xi32, #tpu.memory_space<hbm>>) dst(%dma_wait3A_207 : memref<128xi32, #tpu.memory_space<vmem>>)
      %run_scoped3A_210 = arith.constant 1 : i32
      %run_scoped3A_211 = arith.constant 1 : i32
      "tpu.region"() ({
        %run_scoped3A_312 = tpu.sem_alloc : memref<!tpu.dma_semaphore, #tpu.memory_space<semaphore_mem>>
        %dma_start3A_313 = arith.constant 0 : i32
        %dma_start3A_314 = arith.constant 0 : i32
        %dma_start3A_315 = tpu.memref_slice %arg9[%run_scoped3A_210, %dma_start3A_313, %dma_start3A_314] : memref<2x128x128xf32, #tpu.memory_space<vmem>> -> memref<1x128x128xf32, #tpu.memory_space<vmem>>
        %dma_start3A_316 = tpu.memref_squeeze %dma_start3A_315 : memref<1x128x128xf32, #tpu.memory_space<vmem>> -> memref<128x128xf32, #tpu.memory_space<vmem>>
        %dma_start3A_317 = arith.constant 0 : i32
        %dma_start3A_318 = tpu.memref_slice %arg8[%run_scoped3A_211, %dma_start3A_317] : memref<4x128xi32, #tpu.memory_space<vmem>> -> memref<1x128xi32, #tpu.memory_space<vmem>>
        %dma_start3A_319 = tpu.memref_squeeze %dma_start3A_318 : memref<1x128xi32, #tpu.memory_space<vmem>> -> memref<128xi32, #tpu.memory_space<vmem>>
        %dma_start3A_320 = arith.constant 0 : i32
        %dma_start3A_321 = arith.constant 0 : i32
        %dma_start3A_322 = tpu.memref_slice %arg10[%dma_start3A_320, %dma_start3A_321] : memref<10112x128xf32, #tpu.memory_space<vmem_shared>> -> memref<10112x128xf32, #tpu.memory_space<vmem_shared>>
        tpu.enqueue_indirect_dma source(%dma_start3A_316 : memref<128x128xf32, #tpu.memory_space<vmem>>) target(%dma_start3A_322 : memref<10112x128xf32, #tpu.memory_space<vmem_shared>>) offsets(%dma_start3A_319 : memref<128xi32, #tpu.memory_space<vmem>>) semaphore(%run_scoped3A_312 : memref<!tpu.dma_semaphore, #tpu.memory_space<semaphore_mem>>) {add = true}
        %dma_wait3A_323 = arith.constant 0 : i32
        %dma_wait3A_324 = arith.constant 0 : i32
        %dma_wait3A_325 = tpu.memref_slice %arg9[%run_scoped3A_210, %dma_wait3A_323, %dma_wait3A_324] : memref<2x128x128xf32, #tpu.memory_space<vmem>> -> memref<1x128x128xf32, #tpu.memory_space<vmem>>
        %dma_wait3A_326 = tpu.memref_squeeze %dma_wait3A_325 : memref<1x128x128xf32, #tpu.memory_space<vmem>> -> memref<128x128xf32, #tpu.memory_space<vmem>>
        %dma_wait3A_327 = arith.constant 0 : i32
        %dma_wait3A_328 = tpu.memref_slice %arg8[%run_scoped3A_211, %dma_wait3A_327] : memref<4x128xi32, #tpu.memory_space<vmem>> -> memref<1x128xi32, #tpu.memory_space<vmem>>
        %dma_wait3A_329 = tpu.memref_squeeze %dma_wait3A_328 : memref<1x128xi32, #tpu.memory_space<vmem>> -> memref<128xi32, #tpu.memory_space<vmem>>
        %dma_wait3A_330 = arith.constant 0 : i32
        %dma_wait3A_331 = arith.constant 0 : i32
        %dma_wait3A_332 = tpu.memref_slice %arg10[%dma_wait3A_330, %dma_wait3A_331] : memref<10112x128xf32, #tpu.memory_space<vmem_shared>> -> memref<10112x128xf32, #tpu.memory_space<vmem_shared>>
        tpu.wait_indirect_dma semaphore(%run_scoped3A_312 : memref<!tpu.dma_semaphore, #tpu.memory_space<semaphore_mem>>) src(%dma_wait3A_326 : memref<128x128xf32, #tpu.memory_space<vmem>>) dst(%dma_wait3A_332 : memref<10112x128xf32, #tpu.memory_space<vmem_shared>>)
        tpu.yield
      }) : () -> ()
      %add3A_212 = arith.constant 4 : i32
      %add3A_213 = arith.addi %add3A_186, %add3A_212 : i32
      %lt3A_214 = arith.constant 80 : i32
      %lt3A_215 = arith.cmpi slt, %add3A_213, %lt3A_214 : i32
      %convert_element_type3A_216 = arith.extui %lt3A_215 : i1 to i32
      %cond3A_217 = arith.constant 0 : i32
      %cond3A_218 = arith.cmpi ne, %convert_element_type3A_216, %cond3A_217 : i32
      scf.if %cond3A_218 {
        %add3A_312 = arith.addi %mul3A_4, %add3A_186 : i32
        %add3A_313 = arith.constant 4 : i32
        %add3A_314 = arith.addi %add3A_312, %add3A_313 : i32
        %mul3A_315 = arith.constant 128 : i32
        %mul3A_316 = arith.muli %add3A_314, %mul3A_315 : i32
        %dma_start3A_317 = arith.constant 1 : i32
        %dma_start3A_318 = arith.constant 0 : i32
        %dma_start3A_319 = tpu.memref_slice %arg7[%dma_start3A_317, %dma_start3A_318] : memref<4x128xi32, #tpu.memory_space<vmem>> -> memref<1x128xi32, #tpu.memory_space<vmem>>
        %dma_start3A_320 = tpu.memref_squeeze %dma_start3A_319 : memref<1x128xi32, #tpu.memory_space<vmem>> -> memref<128xi32, #tpu.memory_space<vmem>>
        %dma_start3A_321 = tpu.memref_slice %arg3[%mul3A_316] : memref<327680xi32, #tpu.memory_space<hbm>> -> memref<128xi32, #tpu.memory_space<hbm>>
        %dma_start3A_322 = arith.constant 0 : i32
        %dma_start3A_323 = tpu.memref_slice %arg7[%dma_start3A_317, %dma_start3A_322] : memref<4x128xi32, #tpu.memory_space<vmem>> -> memref<1x128xi32, #tpu.memory_space<vmem>>
        %dma_start3A_324 = tpu.memref_squeeze %dma_start3A_323 : memref<1x128xi32, #tpu.memory_space<vmem>> -> memref<128xi32, #tpu.memory_space<vmem>>
        %dma_start3A_325 = tpu.memref_slice %arg3[%mul3A_316] : memref<327680xi32, #tpu.memory_space<hbm>> -> memref<128xi32, #tpu.memory_space<hbm>>
        tpu.enqueue_dma source(%dma_start3A_325 : memref<128xi32, #tpu.memory_space<hbm>>) target(%dma_start3A_324 : memref<128xi32, #tpu.memory_space<vmem>>) target_semaphore(%arg14 : memref<!tpu.dma_semaphore, #tpu.memory_space<semaphore_mem>>)
        %dma_start3A_326 = arith.constant 1 : i32
        %dma_start3A_327 = arith.constant 0 : i32
        %dma_start3A_328 = tpu.memref_slice %arg8[%dma_start3A_326, %dma_start3A_327] : memref<4x128xi32, #tpu.memory_space<vmem>> -> memref<1x128xi32, #tpu.memory_space<vmem>>
        %dma_start3A_329 = tpu.memref_squeeze %dma_start3A_328 : memref<1x128xi32, #tpu.memory_space<vmem>> -> memref<128xi32, #tpu.memory_space<vmem>>
        %dma_start3A_330 = tpu.memref_slice %arg4[%mul3A_316] : memref<327680xi32, #tpu.memory_space<hbm>> -> memref<128xi32, #tpu.memory_space<hbm>>
        %dma_start3A_331 = arith.constant 0 : i32
        %dma_start3A_332 = tpu.memref_slice %arg8[%dma_start3A_326, %dma_start3A_331] : memref<4x128xi32, #tpu.memory_space<vmem>> -> memref<1x128xi32, #tpu.memory_space<vmem>>
        %dma_start3A_333 = tpu.memref_squeeze %dma_start3A_332 : memref<1x128xi32, #tpu.memory_space<vmem>> -> memref<128xi32, #tpu.memory_space<vmem>>
        %dma_start3A_334 = tpu.memref_slice %arg4[%mul3A_316] : memref<327680xi32, #tpu.memory_space<hbm>> -> memref<128xi32, #tpu.memory_space<hbm>>
        tpu.enqueue_dma source(%dma_start3A_334 : memref<128xi32, #tpu.memory_space<hbm>>) target(%dma_start3A_333 : memref<128xi32, #tpu.memory_space<vmem>>) target_semaphore(%arg18 : memref<!tpu.dma_semaphore, #tpu.memory_space<semaphore_mem>>)
      } else {
      }
      %add3A_219 = arith.constant 2 : i32
      %add3A_220 = arith.addi %add3A_186, %add3A_219 : i32
      %lt3A_221 = arith.constant 80 : i32
      %lt3A_222 = arith.cmpi slt, %add3A_220, %lt3A_221 : i32
      %convert_element_type3A_223 = arith.extui %lt3A_222 : i1 to i32
      %cond3A_224 = arith.constant 0 : i32
      %cond3A_225 = arith.cmpi ne, %convert_element_type3A_223, %cond3A_224 : i32
      scf.if %cond3A_225 {
        %dma_wait3A_312 = arith.constant 3 : i32
        %dma_wait3A_313 = arith.constant 0 : i32
        %dma_wait3A_314 = tpu.memref_slice %arg7[%dma_wait3A_312, %dma_wait3A_313] : memref<4x128xi32, #tpu.memory_space<vmem>> -> memref<1x128xi32, #tpu.memory_space<vmem>>
        %dma_wait3A_315 = tpu.memref_squeeze %dma_wait3A_314 : memref<1x128xi32, #tpu.memory_space<vmem>> -> memref<128xi32, #tpu.memory_space<vmem>>
        %dma_wait3A_316 = arith.constant 0 : i32
        %dma_wait3A_317 = tpu.memref_slice %arg3[%dma_wait3A_316] : memref<327680xi32, #tpu.memory_space<hbm>> -> memref<128xi32, #tpu.memory_space<hbm>>
        %dma_wait3A_318 = arith.constant 0 : i32
        %dma_wait3A_319 = tpu.memref_slice %arg7[%dma_wait3A_312, %dma_wait3A_318] : memref<4x128xi32, #tpu.memory_space<vmem>> -> memref<1x128xi32, #tpu.memory_space<vmem>>
        %dma_wait3A_320 = tpu.memref_squeeze %dma_wait3A_319 : memref<1x128xi32, #tpu.memory_space<vmem>> -> memref<128xi32, #tpu.memory_space<vmem>>
        %dma_wait3A_321 = arith.constant 0 : i32
        %dma_wait3A_322 = tpu.memref_slice %arg3[%dma_wait3A_321] : memref<327680xi32, #tpu.memory_space<hbm>> -> memref<128xi32, #tpu.memory_space<hbm>>
        tpu.wait_dma2 semaphore(%arg16 : memref<!tpu.dma_semaphore, #tpu.memory_space<semaphore_mem>>) src(%dma_wait3A_322 : memref<128xi32, #tpu.memory_space<hbm>>) dst(%dma_wait3A_320 : memref<128xi32, #tpu.memory_space<vmem>>)
        %dma_start3A_323 = arith.constant 3 : i32
        %dma_start3A_324 = arith.constant 1 : i32
        %dma_start3A_325 = arith.constant 0 : i32
        %dma_start3A_326 = arith.constant 0 : i32
        %dma_start3A_327 = tpu.memref_slice %arg9[%dma_start3A_324, %dma_start3A_325, %dma_start3A_326] : memref<2x128x128xf32, #tpu.memory_space<vmem>> -> memref<1x128x128xf32, #tpu.memory_space<vmem>>
        %dma_start3A_328 = tpu.memref_squeeze %dma_start3A_327 : memref<1x128x128xf32, #tpu.memory_space<vmem>> -> memref<128x128xf32, #tpu.memory_space<vmem>>
        %dma_start3A_329 = arith.constant 0 : i32
        %dma_start3A_330 = tpu.memref_slice %arg7[%dma_start3A_323, %dma_start3A_329] : memref<4x128xi32, #tpu.memory_space<vmem>> -> memref<1x128xi32, #tpu.memory_space<vmem>>
        %dma_start3A_331 = tpu.memref_squeeze %dma_start3A_330 : memref<1x128xi32, #tpu.memory_space<vmem>> -> memref<128xi32, #tpu.memory_space<vmem>>
        %dma_start3A_332 = arith.constant 0 : i32
        %dma_start3A_333 = arith.constant 0 : i32
        %dma_start3A_334 = tpu.memref_slice %arg2[%dma_start3A_332, %dma_start3A_333] : memref<10000x128xf32, #tpu.memory_space<hbm>> -> memref<10000x128xf32, #tpu.memory_space<hbm>>
        tpu.enqueue_indirect_dma source(%dma_start3A_334 : memref<10000x128xf32, #tpu.memory_space<hbm>>) target(%dma_start3A_328 : memref<128x128xf32, #tpu.memory_space<vmem>>) offsets(%dma_start3A_331 : memref<128xi32, #tpu.memory_space<vmem>>) semaphore(%arg12 : memref<!tpu.dma_semaphore, #tpu.memory_space<semaphore_mem>>)
      } else {
      }
      %mul3A_226 = arith.constant 4 : i32
      %mul3A_227 = arith.muli %scan3A_143, %mul3A_226 : i32
      %add3A_228 = arith.constant 2 : i32
      %add3A_229 = arith.addi %mul3A_227, %add3A_228 : i32
      %dma_wait3A_230 = arith.constant 0 : i32
      %dma_wait3A_231 = arith.constant 0 : i32
      %dma_wait3A_232 = arith.constant 0 : i32
      %dma_wait3A_233 = arith.constant 0 : i32
      %dma_wait3A_234 = tpu.memref_slice %arg9[%dma_wait3A_231, %dma_wait3A_232, %dma_wait3A_233] : memref<2x128x128xf32, #tpu.memory_space<vmem>> -> memref<1x128x128xf32, #tpu.memory_space<vmem>>
      %dma_wait3A_235 = tpu.memref_squeeze %dma_wait3A_234 : memref<1x128x128xf32, #tpu.memory_space<vmem>> -> memref<128x128xf32, #tpu.memory_space<vmem>>
      %dma_wait3A_236 = arith.constant 0 : i32
      %dma_wait3A_237 = tpu.memref_slice %arg7[%dma_wait3A_230, %dma_wait3A_236] : memref<4x128xi32, #tpu.memory_space<vmem>> -> memref<1x128xi32, #tpu.memory_space<vmem>>
      %dma_wait3A_238 = tpu.memref_squeeze %dma_wait3A_237 : memref<1x128xi32, #tpu.memory_space<vmem>> -> memref<128xi32, #tpu.memory_space<vmem>>
      %dma_wait3A_239 = arith.constant 0 : i32
      %dma_wait3A_240 = arith.constant 0 : i32
      %dma_wait3A_241 = tpu.memref_slice %arg2[%dma_wait3A_239, %dma_wait3A_240] : memref<10000x128xf32, #tpu.memory_space<hbm>> -> memref<10000x128xf32, #tpu.memory_space<hbm>>
      tpu.wait_indirect_dma semaphore(%arg11 : memref<!tpu.dma_semaphore, #tpu.memory_space<semaphore_mem>>) src(%dma_wait3A_241 : memref<10000x128xf32, #tpu.memory_space<hbm>>) dst(%dma_wait3A_235 : memref<128x128xf32, #tpu.memory_space<vmem>>)
      %dma_wait3A_242 = arith.constant 2 : i32
      %dma_wait3A_243 = arith.constant 0 : i32
      %dma_wait3A_244 = tpu.memref_slice %arg8[%dma_wait3A_242, %dma_wait3A_243] : memref<4x128xi32, #tpu.memory_space<vmem>> -> memref<1x128xi32, #tpu.memory_space<vmem>>
      %dma_wait3A_245 = tpu.memref_squeeze %dma_wait3A_244 : memref<1x128xi32, #tpu.memory_space<vmem>> -> memref<128xi32, #tpu.memory_space<vmem>>
      %dma_wait3A_246 = arith.constant 0 : i32
      %dma_wait3A_247 = tpu.memref_slice %arg3[%dma_wait3A_246] : memref<327680xi32, #tpu.memory_space<hbm>> -> memref<128xi32, #tpu.memory_space<hbm>>
      %dma_wait3A_248 = arith.constant 0 : i32
      %dma_wait3A_249 = tpu.memref_slice %arg8[%dma_wait3A_242, %dma_wait3A_248] : memref<4x128xi32, #tpu.memory_space<vmem>> -> memref<1x128xi32, #tpu.memory_space<vmem>>
      %dma_wait3A_250 = tpu.memref_squeeze %dma_wait3A_249 : memref<1x128xi32, #tpu.memory_space<vmem>> -> memref<128xi32, #tpu.memory_space<vmem>>
      %dma_wait3A_251 = arith.constant 0 : i32
      %dma_wait3A_252 = tpu.memref_slice %arg3[%dma_wait3A_251] : memref<327680xi32, #tpu.memory_space<hbm>> -> memref<128xi32, #tpu.memory_space<hbm>>
      tpu.wait_dma2 semaphore(%arg19 : memref<!tpu.dma_semaphore, #tpu.memory_space<semaphore_mem>>) src(%dma_wait3A_252 : memref<128xi32, #tpu.memory_space<hbm>>) dst(%dma_wait3A_250 : memref<128xi32, #tpu.memory_space<vmem>>)
      %run_scoped3A_253 = arith.constant 0 : i32
      %run_scoped3A_254 = arith.constant 2 : i32
      "tpu.region"() ({
        %run_scoped3A_312 = tpu.sem_alloc : memref<!tpu.dma_semaphore, #tpu.memory_space<semaphore_mem>>
        %dma_start3A_313 = arith.constant 0 : i32
        %dma_start3A_314 = arith.constant 0 : i32
        %dma_start3A_315 = tpu.memref_slice %arg9[%run_scoped3A_253, %dma_start3A_313, %dma_start3A_314] : memref<2x128x128xf32, #tpu.memory_space<vmem>> -> memref<1x128x128xf32, #tpu.memory_space<vmem>>
        %dma_start3A_316 = tpu.memref_squeeze %dma_start3A_315 : memref<1x128x128xf32, #tpu.memory_space<vmem>> -> memref<128x128xf32, #tpu.memory_space<vmem>>
        %dma_start3A_317 = arith.constant 0 : i32
        %dma_start3A_318 = tpu.memref_slice %arg8[%run_scoped3A_254, %dma_start3A_317] : memref<4x128xi32, #tpu.memory_space<vmem>> -> memref<1x128xi32, #tpu.memory_space<vmem>>
        %dma_start3A_319 = tpu.memref_squeeze %dma_start3A_318 : memref<1x128xi32, #tpu.memory_space<vmem>> -> memref<128xi32, #tpu.memory_space<vmem>>
        %dma_start3A_320 = arith.constant 0 : i32
        %dma_start3A_321 = arith.constant 0 : i32
        %dma_start3A_322 = tpu.memref_slice %arg10[%dma_start3A_320, %dma_start3A_321] : memref<10112x128xf32, #tpu.memory_space<vmem_shared>> -> memref<10112x128xf32, #tpu.memory_space<vmem_shared>>
        tpu.enqueue_indirect_dma source(%dma_start3A_316 : memref<128x128xf32, #tpu.memory_space<vmem>>) target(%dma_start3A_322 : memref<10112x128xf32, #tpu.memory_space<vmem_shared>>) offsets(%dma_start3A_319 : memref<128xi32, #tpu.memory_space<vmem>>) semaphore(%run_scoped3A_312 : memref<!tpu.dma_semaphore, #tpu.memory_space<semaphore_mem>>) {add = true}
        %dma_wait3A_323 = arith.constant 0 : i32
        %dma_wait3A_324 = arith.constant 0 : i32
        %dma_wait3A_325 = tpu.memref_slice %arg9[%run_scoped3A_253, %dma_wait3A_323, %dma_wait3A_324] : memref<2x128x128xf32, #tpu.memory_space<vmem>> -> memref<1x128x128xf32, #tpu.memory_space<vmem>>
        %dma_wait3A_326 = tpu.memref_squeeze %dma_wait3A_325 : memref<1x128x128xf32, #tpu.memory_space<vmem>> -> memref<128x128xf32, #tpu.memory_space<vmem>>
        %dma_wait3A_327 = arith.constant 0 : i32
        %dma_wait3A_328 = tpu.memref_slice %arg8[%run_scoped3A_254, %dma_wait3A_327] : memref<4x128xi32, #tpu.memory_space<vmem>> -> memref<1x128xi32, #tpu.memory_space<vmem>>
        %dma_wait3A_329 = tpu.memref_squeeze %dma_wait3A_328 : memref<1x128xi32, #tpu.memory_space<vmem>> -> memref<128xi32, #tpu.memory_space<vmem>>
        %dma_wait3A_330 = arith.constant 0 : i32
        %dma_wait3A_331 = arith.constant 0 : i32
        %dma_wait3A_332 = tpu.memref_slice %arg10[%dma_wait3A_330, %dma_wait3A_331] : memref<10112x128xf32, #tpu.memory_space<vmem_shared>> -> memref<10112x128xf32, #tpu.memory_space<vmem_shared>>
        tpu.wait_indirect_dma semaphore(%run_scoped3A_312 : memref<!tpu.dma_semaphore, #tpu.memory_space<semaphore_mem>>) src(%dma_wait3A_326 : memref<128x128xf32, #tpu.memory_space<vmem>>) dst(%dma_wait3A_332 : memref<10112x128xf32, #tpu.memory_space<vmem_shared>>)
        tpu.yield
      }) : () -> ()
      %add3A_255 = arith.constant 4 : i32
      %add3A_256 = arith.addi %add3A_229, %add3A_255 : i32
      %lt3A_257 = arith.constant 80 : i32
      %lt3A_258 = arith.cmpi slt, %add3A_256, %lt3A_257 : i32
      %convert_element_type3A_259 = arith.extui %lt3A_258 : i1 to i32
      %cond3A_260 = arith.constant 0 : i32
      %cond3A_261 = arith.cmpi ne, %convert_element_type3A_259, %cond3A_260 : i32
      scf.if %cond3A_261 {
        %add3A_312 = arith.addi %mul3A_4, %add3A_229 : i32
        %add3A_313 = arith.constant 4 : i32
        %add3A_314 = arith.addi %add3A_312, %add3A_313 : i32
        %mul3A_315 = arith.constant 128 : i32
        %mul3A_316 = arith.muli %add3A_314, %mul3A_315 : i32
        %dma_start3A_317 = arith.constant 2 : i32
        %dma_start3A_318 = arith.constant 0 : i32
        %dma_start3A_319 = tpu.memref_slice %arg7[%dma_start3A_317, %dma_start3A_318] : memref<4x128xi32, #tpu.memory_space<vmem>> -> memref<1x128xi32, #tpu.memory_space<vmem>>
        %dma_start3A_320 = tpu.memref_squeeze %dma_start3A_319 : memref<1x128xi32, #tpu.memory_space<vmem>> -> memref<128xi32, #tpu.memory_space<vmem>>
        %dma_start3A_321 = tpu.memref_slice %arg3[%mul3A_316] : memref<327680xi32, #tpu.memory_space<hbm>> -> memref<128xi32, #tpu.memory_space<hbm>>
        %dma_start3A_322 = arith.constant 0 : i32
        %dma_start3A_323 = tpu.memref_slice %arg7[%dma_start3A_317, %dma_start3A_322] : memref<4x128xi32, #tpu.memory_space<vmem>> -> memref<1x128xi32, #tpu.memory_space<vmem>>
        %dma_start3A_324 = tpu.memref_squeeze %dma_start3A_323 : memref<1x128xi32, #tpu.memory_space<vmem>> -> memref<128xi32, #tpu.memory_space<vmem>>
        %dma_start3A_325 = tpu.memref_slice %arg3[%mul3A_316] : memref<327680xi32, #tpu.memory_space<hbm>> -> memref<128xi32, #tpu.memory_space<hbm>>
        tpu.enqueue_dma source(%dma_start3A_325 : memref<128xi32, #tpu.memory_space<hbm>>) target(%dma_start3A_324 : memref<128xi32, #tpu.memory_space<vmem>>) target_semaphore(%arg15 : memref<!tpu.dma_semaphore, #tpu.memory_space<semaphore_mem>>)
        %dma_start3A_326 = arith.constant 2 : i32
        %dma_start3A_327 = arith.constant 0 : i32
        %dma_start3A_328 = tpu.memref_slice %arg8[%dma_start3A_326, %dma_start3A_327] : memref<4x128xi32, #tpu.memory_space<vmem>> -> memref<1x128xi32, #tpu.memory_space<vmem>>
        %dma_start3A_329 = tpu.memref_squeeze %dma_start3A_328 : memref<1x128xi32, #tpu.memory_space<vmem>> -> memref<128xi32, #tpu.memory_space<vmem>>
        %dma_start3A_330 = tpu.memref_slice %arg4[%mul3A_316] : memref<327680xi32, #tpu.memory_space<hbm>> -> memref<128xi32, #tpu.memory_space<hbm>>
        %dma_start3A_331 = arith.constant 0 : i32
        %dma_start3A_332 = tpu.memref_slice %arg8[%dma_start3A_326, %dma_start3A_331] : memref<4x128xi32, #tpu.memory_space<vmem>> -> memref<1x128xi32, #tpu.memory_space<vmem>>
        %dma_start3A_333 = tpu.memref_squeeze %dma_start3A_332 : memref<1x128xi32, #tpu.memory_space<vmem>> -> memref<128xi32, #tpu.memory_space<vmem>>
        %dma_start3A_334 = tpu.memref_slice %arg4[%mul3A_316] : memref<327680xi32, #tpu.memory_space<hbm>> -> memref<128xi32, #tpu.memory_space<hbm>>
        tpu.enqueue_dma source(%dma_start3A_334 : memref<128xi32, #tpu.memory_space<hbm>>) target(%dma_start3A_333 : memref<128xi32, #tpu.memory_space<vmem>>) target_semaphore(%arg19 : memref<!tpu.dma_semaphore, #tpu.memory_space<semaphore_mem>>)
      } else {
      }
      %add3A_262 = arith.constant 2 : i32
      %add3A_263 = arith.addi %add3A_229, %add3A_262 : i32
      %lt3A_264 = arith.constant 80 : i32
      %lt3A_265 = arith.cmpi slt, %add3A_263, %lt3A_264 : i32
      %convert_element_type3A_266 = arith.extui %lt3A_265 : i1 to i32
      %cond3A_267 = arith.constant 0 : i32
      %cond3A_268 = arith.cmpi ne, %convert_element_type3A_266, %cond3A_267 : i32
      scf.if %cond3A_268 {
        %dma_wait3A_312 = arith.constant 0 : i32
        %dma_wait3A_313 = arith.constant 0 : i32
        %dma_wait3A_314 = tpu.memref_slice %arg7[%dma_wait3A_312, %dma_wait3A_313] : memref<4x128xi32, #tpu.memory_space<vmem>> -> memref<1x128xi32, #tpu.memory_space<vmem>>
        %dma_wait3A_315 = tpu.memref_squeeze %dma_wait3A_314 : memref<1x128xi32, #tpu.memory_space<vmem>> -> memref<128xi32, #tpu.memory_space<vmem>>
        %dma_wait3A_316 = arith.constant 0 : i32
        %dma_wait3A_317 = tpu.memref_slice %arg3[%dma_wait3A_316] : memref<327680xi32, #tpu.memory_space<hbm>> -> memref<128xi32, #tpu.memory_space<hbm>>
        %dma_wait3A_318 = arith.constant 0 : i32
        %dma_wait3A_319 = tpu.memref_slice %arg7[%dma_wait3A_312, %dma_wait3A_318] : memref<4x128xi32, #tpu.memory_space<vmem>> -> memref<1x128xi32, #tpu.memory_space<vmem>>
        %dma_wait3A_320 = tpu.memref_squeeze %dma_wait3A_319 : memref<1x128xi32, #tpu.memory_space<vmem>> -> memref<128xi32, #tpu.memory_space<vmem>>
        %dma_wait3A_321 = arith.constant 0 : i32
        %dma_wait3A_322 = tpu.memref_slice %arg3[%dma_wait3A_321] : memref<327680xi32, #tpu.memory_space<hbm>> -> memref<128xi32, #tpu.memory_space<hbm>>
        tpu.wait_dma2 semaphore(%arg13 : memref<!tpu.dma_semaphore, #tpu.memory_space<semaphore_mem>>) src(%dma_wait3A_322 : memref<128xi32, #tpu.memory_space<hbm>>) dst(%dma_wait3A_320 : memref<128xi32, #tpu.memory_space<vmem>>)
        %dma_start3A_323 = arith.constant 0 : i32
        %dma_start3A_324 = arith.constant 0 : i32
        %dma_start3A_325 = arith.constant 0 : i32
        %dma_start3A_326 = arith.constant 0 : i32
        %dma_start3A_327 = tpu.memref_slice %arg9[%dma_start3A_324, %dma_start3A_325, %dma_start3A_326] : memref<2x128x128xf32, #tpu.memory_space<vmem>> -> memref<1x128x128xf32, #tpu.memory_space<vmem>>
        %dma_start3A_328 = tpu.memref_squeeze %dma_start3A_327 : memref<1x128x128xf32, #tpu.memory_space<vmem>> -> memref<128x128xf32, #tpu.memory_space<vmem>>
        %dma_start3A_329 = arith.constant 0 : i32
        %dma_start3A_330 = tpu.memref_slice %arg7[%dma_start3A_323, %dma_start3A_329] : memref<4x128xi32, #tpu.memory_space<vmem>> -> memref<1x128xi32, #tpu.memory_space<vmem>>
        %dma_start3A_331 = tpu.memref_squeeze %dma_start3A_330 : memref<1x128xi32, #tpu.memory_space<vmem>> -> memref<128xi32, #tpu.memory_space<vmem>>
        %dma_start3A_332 = arith.constant 0 : i32
        %dma_start3A_333 = arith.constant 0 : i32
        %dma_start3A_334 = tpu.memref_slice %arg2[%dma_start3A_332, %dma_start3A_333] : memref<10000x128xf32, #tpu.memory_space<hbm>> -> memref<10000x128xf32, #tpu.memory_space<hbm>>
        tpu.enqueue_indirect_dma source(%dma_start3A_334 : memref<10000x128xf32, #tpu.memory_space<hbm>>) target(%dma_start3A_328 : memref<128x128xf32, #tpu.memory_space<vmem>>) offsets(%dma_start3A_331 : memref<128xi32, #tpu.memory_space<vmem>>) semaphore(%arg11 : memref<!tpu.dma_semaphore, #tpu.memory_space<semaphore_mem>>)
      } else {
      }
      %mul3A_269 = arith.constant 4 : i32
      %mul3A_270 = arith.muli %scan3A_143, %mul3A_269 : i32
      %add3A_271 = arith.constant 3 : i32
      %add3A_272 = arith.addi %mul3A_270, %add3A_271 : i32
      %dma_wait3A_273 = arith.constant 0 : i32
      %dma_wait3A_274 = arith.constant 1 : i32
      %dma_wait3A_275 = arith.constant 0 : i32
      %dma_wait3A_276 = arith.constant 0 : i32
      %dma_wait3A_277 = tpu.memref_slice %arg9[%dma_wait3A_274, %dma_wait3A_275, %dma_wait3A_276] : memref<2x128x128xf32, #tpu.memory_space<vmem>> -> memref<1x128x128xf32, #tpu.memory_space<vmem>>
      %dma_wait3A_278 = tpu.memref_squeeze %dma_wait3A_277 : memref<1x128x128xf32, #tpu.memory_space<vmem>> -> memref<128x128xf32, #tpu.memory_space<vmem>>
      %dma_wait3A_279 = arith.constant 0 : i32
      %dma_wait3A_280 = tpu.memref_slice %arg7[%dma_wait3A_273, %dma_wait3A_279] : memref<4x128xi32, #tpu.memory_space<vmem>> -> memref<1x128xi32, #tpu.memory_space<vmem>>
      %dma_wait3A_281 = tpu.memref_squeeze %dma_wait3A_280 : memref<1x128xi32, #tpu.memory_space<vmem>> -> memref<128xi32, #tpu.memory_space<vmem>>
      %dma_wait3A_282 = arith.constant 0 : i32
      %dma_wait3A_283 = arith.constant 0 : i32
      %dma_wait3A_284 = tpu.memref_slice %arg2[%dma_wait3A_282, %dma_wait3A_283] : memref<10000x128xf32, #tpu.memory_space<hbm>> -> memref<10000x128xf32, #tpu.memory_space<hbm>>
      tpu.wait_indirect_dma semaphore(%arg12 : memref<!tpu.dma_semaphore, #tpu.memory_space<semaphore_mem>>) src(%dma_wait3A_284 : memref<10000x128xf32, #tpu.memory_space<hbm>>) dst(%dma_wait3A_278 : memref<128x128xf32, #tpu.memory_space<vmem>>)
      %dma_wait3A_285 = arith.constant 3 : i32
      %dma_wait3A_286 = arith.constant 0 : i32
      %dma_wait3A_287 = tpu.memref_slice %arg8[%dma_wait3A_285, %dma_wait3A_286] : memref<4x128xi32, #tpu.memory_space<vmem>> -> memref<1x128xi32, #tpu.memory_space<vmem>>
      %dma_wait3A_288 = tpu.memref_squeeze %dma_wait3A_287 : memref<1x128xi32, #tpu.memory_space<vmem>> -> memref<128xi32, #tpu.memory_space<vmem>>
      %dma_wait3A_289 = arith.constant 0 : i32
      %dma_wait3A_290 = tpu.memref_slice %arg3[%dma_wait3A_289] : memref<327680xi32, #tpu.memory_space<hbm>> -> memref<128xi32, #tpu.memory_space<hbm>>
      %dma_wait3A_291 = arith.constant 0 : i32
      %dma_wait3A_292 = tpu.memref_slice %arg8[%dma_wait3A_285, %dma_wait3A_291] : memref<4x128xi32, #tpu.memory_space<vmem>> -> memref<1x128xi32, #tpu.memory_space<vmem>>
      %dma_wait3A_293 = tpu.memref_squeeze %dma_wait3A_292 : memref<1x128xi32, #tpu.memory_space<vmem>> -> memref<128xi32, #tpu.memory_space<vmem>>
      %dma_wait3A_294 = arith.constant 0 : i32
      %dma_wait3A_295 = tpu.memref_slice %arg3[%dma_wait3A_294] : memref<327680xi32, #tpu.memory_space<hbm>> -> memref<128xi32, #tpu.memory_space<hbm>>
      tpu.wait_dma2 semaphore(%arg20 : memref<!tpu.dma_semaphore, #tpu.memory_space<semaphore_mem>>) src(%dma_wait3A_295 : memref<128xi32, #tpu.memory_space<hbm>>) dst(%dma_wait3A_293 : memref<128xi32, #tpu.memory_space<vmem>>)
      %run_scoped3A_296 = arith.constant 1 : i32
      %run_scoped3A_297 = arith.constant 3 : i32
      "tpu.region"() ({
        %run_scoped3A_312 = tpu.sem_alloc : memref<!tpu.dma_semaphore, #tpu.memory_space<semaphore_mem>>
        %dma_start3A_313 = arith.constant 0 : i32
        %dma_start3A_314 = arith.constant 0 : i32
        %dma_start3A_315 = tpu.memref_slice %arg9[%run_scoped3A_296, %dma_start3A_313, %dma_start3A_314] : memref<2x128x128xf32, #tpu.memory_space<vmem>> -> memref<1x128x128xf32, #tpu.memory_space<vmem>>
        %dma_start3A_316 = tpu.memref_squeeze %dma_start3A_315 : memref<1x128x128xf32, #tpu.memory_space<vmem>> -> memref<128x128xf32, #tpu.memory_space<vmem>>
        %dma_start3A_317 = arith.constant 0 : i32
        %dma_start3A_318 = tpu.memref_slice %arg8[%run_scoped3A_297, %dma_start3A_317] : memref<4x128xi32, #tpu.memory_space<vmem>> -> memref<1x128xi32, #tpu.memory_space<vmem>>
        %dma_start3A_319 = tpu.memref_squeeze %dma_start3A_318 : memref<1x128xi32, #tpu.memory_space<vmem>> -> memref<128xi32, #tpu.memory_space<vmem>>
        %dma_start3A_320 = arith.constant 0 : i32
        %dma_start3A_321 = arith.constant 0 : i32
        %dma_start3A_322 = tpu.memref_slice %arg10[%dma_start3A_320, %dma_start3A_321] : memref<10112x128xf32, #tpu.memory_space<vmem_shared>> -> memref<10112x128xf32, #tpu.memory_space<vmem_shared>>
        tpu.enqueue_indirect_dma source(%dma_start3A_316 : memref<128x128xf32, #tpu.memory_space<vmem>>) target(%dma_start3A_322 : memref<10112x128xf32, #tpu.memory_space<vmem_shared>>) offsets(%dma_start3A_319 : memref<128xi32, #tpu.memory_space<vmem>>) semaphore(%run_scoped3A_312 : memref<!tpu.dma_semaphore, #tpu.memory_space<semaphore_mem>>) {add = true}
        %dma_wait3A_323 = arith.constant 0 : i32
        %dma_wait3A_324 = arith.constant 0 : i32
        %dma_wait3A_325 = tpu.memref_slice %arg9[%run_scoped3A_296, %dma_wait3A_323, %dma_wait3A_324] : memref<2x128x128xf32, #tpu.memory_space<vmem>> -> memref<1x128x128xf32, #tpu.memory_space<vmem>>
        %dma_wait3A_326 = tpu.memref_squeeze %dma_wait3A_325 : memref<1x128x128xf32, #tpu.memory_space<vmem>> -> memref<128x128xf32, #tpu.memory_space<vmem>>
        %dma_wait3A_327 = arith.constant 0 : i32
        %dma_wait3A_328 = tpu.memref_slice %arg8[%run_scoped3A_297, %dma_wait3A_327] : memref<4x128xi32, #tpu.memory_space<vmem>> -> memref<1x128xi32, #tpu.memory_space<vmem>>
        %dma_wait3A_329 = tpu.memref_squeeze %dma_wait3A_328 : memref<1x128xi32, #tpu.memory_space<vmem>> -> memref<128xi32, #tpu.memory_space<vmem>>
        %dma_wait3A_330 = arith.constant 0 : i32
        %dma_wait3A_331 = arith.constant 0 : i32
        %dma_wait3A_332 = tpu.memref_slice %arg10[%dma_wait3A_330, %dma_wait3A_331] : memref<10112x128xf32, #tpu.memory_space<vmem_shared>> -> memref<10112x128xf32, #tpu.memory_space<vmem_shared>>
        tpu.wait_indirect_dma semaphore(%run_scoped3A_312 : memref<!tpu.dma_semaphore, #tpu.memory_space<semaphore_mem>>) src(%dma_wait3A_326 : memref<128x128xf32, #tpu.memory_space<vmem>>) dst(%dma_wait3A_332 : memref<10112x128xf32, #tpu.memory_space<vmem_shared>>)
        tpu.yield
      }) : () -> ()
      %add3A_298 = arith.constant 4 : i32
      %add3A_299 = arith.addi %add3A_272, %add3A_298 : i32
      %lt3A_300 = arith.constant 80 : i32
      %lt3A_301 = arith.cmpi slt, %add3A_299, %lt3A_300 : i32
      %convert_element_type3A_302 = arith.extui %lt3A_301 : i1 to i32
      %cond3A_303 = arith.constant 0 : i32
      %cond3A_304 = arith.cmpi ne, %convert_element_type3A_302, %cond3A_303 : i32
      scf.if %cond3A_304 {
        %add3A_312 = arith.addi %mul3A_4, %add3A_272 : i32
        %add3A_313 = arith.constant 4 : i32
        %add3A_314 = arith.addi %add3A_312, %add3A_313 : i32
        %mul3A_315 = arith.constant 128 : i32
        %mul3A_316 = arith.muli %add3A_314, %mul3A_315 : i32
        %dma_start3A_317 = arith.constant 3 : i32
        %dma_start3A_318 = arith.constant 0 : i32
        %dma_start3A_319 = tpu.memref_slice %arg7[%dma_start3A_317, %dma_start3A_318] : memref<4x128xi32, #tpu.memory_space<vmem>> -> memref<1x128xi32, #tpu.memory_space<vmem>>
        %dma_start3A_320 = tpu.memref_squeeze %dma_start3A_319 : memref<1x128xi32, #tpu.memory_space<vmem>> -> memref<128xi32, #tpu.memory_space<vmem>>
        %dma_start3A_321 = tpu.memref_slice %arg3[%mul3A_316] : memref<327680xi32, #tpu.memory_space<hbm>> -> memref<128xi32, #tpu.memory_space<hbm>>
        %dma_start3A_322 = arith.constant 0 : i32
        %dma_start3A_323 = tpu.memref_slice %arg7[%dma_start3A_317, %dma_start3A_322] : memref<4x128xi32, #tpu.memory_space<vmem>> -> memref<1x128xi32, #tpu.memory_space<vmem>>
        %dma_start3A_324 = tpu.memref_squeeze %dma_start3A_323 : memref<1x128xi32, #tpu.memory_space<vmem>> -> memref<128xi32, #tpu.memory_space<vmem>>
        %dma_start3A_325 = tpu.memref_slice %arg3[%mul3A_316] : memref<327680xi32, #tpu.memory_space<hbm>> -> memref<128xi32, #tpu.memory_space<hbm>>
        tpu.enqueue_dma source(%dma_start3A_325 : memref<128xi32, #tpu.memory_space<hbm>>) target(%dma_start3A_324 : memref<128xi32, #tpu.memory_space<vmem>>) target_semaphore(%arg16 : memref<!tpu.dma_semaphore, #tpu.memory_space<semaphore_mem>>)
        %dma_start3A_326 = arith.constant 3 : i32
        %dma_start3A_327 = arith.constant 0 : i32
        %dma_start3A_328 = tpu.memref_slice %arg8[%dma_start3A_326, %dma_start3A_327] : memref<4x128xi32, #tpu.memory_space<vmem>> -> memref<1x128xi32, #tpu.memory_space<vmem>>
        %dma_start3A_329 = tpu.memref_squeeze %dma_start3A_328 : memref<1x128xi32, #tpu.memory_space<vmem>> -> memref<128xi32, #tpu.memory_space<vmem>>
        %dma_start3A_330 = tpu.memref_slice %arg4[%mul3A_316] : memref<327680xi32, #tpu.memory_space<hbm>> -> memref<128xi32, #tpu.memory_space<hbm>>
        %dma_start3A_331 = arith.constant 0 : i32
        %dma_start3A_332 = tpu.memref_slice %arg8[%dma_start3A_326, %dma_start3A_331] : memref<4x128xi32, #tpu.memory_space<vmem>> -> memref<1x128xi32, #tpu.memory_space<vmem>>
        %dma_start3A_333 = tpu.memref_squeeze %dma_start3A_332 : memref<1x128xi32, #tpu.memory_space<vmem>> -> memref<128xi32, #tpu.memory_space<vmem>>
        %dma_start3A_334 = tpu.memref_slice %arg4[%mul3A_316] : memref<327680xi32, #tpu.memory_space<hbm>> -> memref<128xi32, #tpu.memory_space<hbm>>
        tpu.enqueue_dma source(%dma_start3A_334 : memref<128xi32, #tpu.memory_space<hbm>>) target(%dma_start3A_333 : memref<128xi32, #tpu.memory_space<vmem>>) target_semaphore(%arg20 : memref<!tpu.dma_semaphore, #tpu.memory_space<semaphore_mem>>)
      } else {
      }
      %add3A_305 = arith.constant 2 : i32
      %add3A_306 = arith.addi %add3A_272, %add3A_305 : i32
      %lt3A_307 = arith.constant 80 : i32
      %lt3A_308 = arith.cmpi slt, %add3A_306, %lt3A_307 : i32
      %convert_element_type3A_309 = arith.extui %lt3A_308 : i1 to i32
      %cond3A_310 = arith.constant 0 : i32
      %cond3A_311 = arith.cmpi ne, %convert_element_type3A_309, %cond3A_310 : i32
      scf.if %cond3A_311 {
        %dma_wait3A_312 = arith.constant 1 : i32
        %dma_wait3A_313 = arith.constant 0 : i32
        %dma_wait3A_314 = tpu.memref_slice %arg7[%dma_wait3A_312, %dma_wait3A_313] : memref<4x128xi32, #tpu.memory_space<vmem>> -> memref<1x128xi32, #tpu.memory_space<vmem>>
        %dma_wait3A_315 = tpu.memref_squeeze %dma_wait3A_314 : memref<1x128xi32, #tpu.memory_space<vmem>> -> memref<128xi32, #tpu.memory_space<vmem>>
        %dma_wait3A_316 = arith.constant 0 : i32
        %dma_wait3A_317 = tpu.memref_slice %arg3[%dma_wait3A_316] : memref<327680xi32, #tpu.memory_space<hbm>> -> memref<128xi32, #tpu.memory_space<hbm>>
        %dma_wait3A_318 = arith.constant 0 : i32
        %dma_wait3A_319 = tpu.memref_slice %arg7[%dma_wait3A_312, %dma_wait3A_318] : memref<4x128xi32, #tpu.memory_space<vmem>> -> memref<1x128xi32, #tpu.memory_space<vmem>>
        %dma_wait3A_320 = tpu.memref_squeeze %dma_wait3A_319 : memref<1x128xi32, #tpu.memory_space<vmem>> -> memref<128xi32, #tpu.memory_space<vmem>>
        %dma_wait3A_321 = arith.constant 0 : i32
        %dma_wait3A_322 = tpu.memref_slice %arg3[%dma_wait3A_321] : memref<327680xi32, #tpu.memory_space<hbm>> -> memref<128xi32, #tpu.memory_space<hbm>>
        tpu.wait_dma2 semaphore(%arg14 : memref<!tpu.dma_semaphore, #tpu.memory_space<semaphore_mem>>) src(%dma_wait3A_322 : memref<128xi32, #tpu.memory_space<hbm>>) dst(%dma_wait3A_320 : memref<128xi32, #tpu.memory_space<vmem>>)
        %dma_start3A_323 = arith.constant 1 : i32
        %dma_start3A_324 = arith.constant 1 : i32
        %dma_start3A_325 = arith.constant 0 : i32
        %dma_start3A_326 = arith.constant 0 : i32
        %dma_start3A_327 = tpu.memref_slice %arg9[%dma_start3A_324, %dma_start3A_325, %dma_start3A_326] : memref<2x128x128xf32, #tpu.memory_space<vmem>> -> memref<1x128x128xf32, #tpu.memory_space<vmem>>
        %dma_start3A_328 = tpu.memref_squeeze %dma_start3A_327 : memref<1x128x128xf32, #tpu.memory_space<vmem>> -> memref<128x128xf32, #tpu.memory_space<vmem>>
        %dma_start3A_329 = arith.constant 0 : i32
        %dma_start3A_330 = tpu.memref_slice %arg7[%dma_start3A_323, %dma_start3A_329] : memref<4x128xi32, #tpu.memory_space<vmem>> -> memref<1x128xi32, #tpu.memory_space<vmem>>
        %dma_start3A_331 = tpu.memref_squeeze %dma_start3A_330 : memref<1x128xi32, #tpu.memory_space<vmem>> -> memref<128xi32, #tpu.memory_space<vmem>>
        %dma_start3A_332 = arith.constant 0 : i32
        %dma_start3A_333 = arith.constant 0 : i32
        %dma_start3A_334 = tpu.memref_slice %arg2[%dma_start3A_332, %dma_start3A_333] : memref<10000x128xf32, #tpu.memory_space<hbm>> -> memref<10000x128xf32, #tpu.memory_space<hbm>>
        tpu.enqueue_indirect_dma source(%dma_start3A_334 : memref<10000x128xf32, #tpu.memory_space<hbm>>) target(%dma_start3A_328 : memref<128x128xf32, #tpu.memory_space<vmem>>) offsets(%dma_start3A_331 : memref<128xi32, #tpu.memory_space<vmem>>) semaphore(%arg12 : memref<!tpu.dma_semaphore, #tpu.memory_space<semaphore_mem>>)
      } else {
      }
    }
    %scan3A_141 = arith.constant 20 : i32
    %barrier3A_142 = arith.constant 0 : index
    tpu.barrier barrier_id(%barrier3A_142)
    "tpu.region"() ({
      %run_scoped3A = tpu.sem_alloc : memref<!tpu.dma_semaphore, #tpu.memory_space<semaphore_mem>>
      %dma_start3A_143 = arith.constant 0 : i32
      %dma_start3A_144 = tpu.memref_slice %arg6[%arg0, %mul3A_0, %dma_start3A_143] : memref<2x10112x128xf32, #tpu.memory_space<hbm>> -> memref<1x632x128xf32, #tpu.memory_space<hbm>>
      %dma_start3A_145 = tpu.memref_squeeze %dma_start3A_144 : memref<1x632x128xf32, #tpu.memory_space<hbm>> -> memref<632x128xf32, #tpu.memory_space<hbm>>
      %dma_start3A_146 = arith.constant 0 : i32
      %dma_start3A_147 = tpu.memref_slice %arg10[%mul3A_0, %dma_start3A_146] : memref<10112x128xf32, #tpu.memory_space<vmem_shared>> -> memref<632x128xf32, #tpu.memory_space<vmem_shared>>
      tpu.enqueue_dma source(%dma_start3A_147 : memref<632x128xf32, #tpu.memory_space<vmem_shared>>) target(%dma_start3A_145 : memref<632x128xf32, #tpu.memory_space<hbm>>) target_semaphore(%run_scoped3A : memref<!tpu.dma_semaphore, #tpu.memory_space<semaphore_mem>>)
      %dma_wait3A_148 = arith.constant 0 : i32
      %dma_wait3A_149 = tpu.memref_slice %arg6[%arg0, %mul3A_0, %dma_wait3A_148] : memref<2x10112x128xf32, #tpu.memory_space<hbm>> -> memref<1x632x128xf32, #tpu.memory_space<hbm>>
      %dma_wait3A_150 = tpu.memref_squeeze %dma_wait3A_149 : memref<1x632x128xf32, #tpu.memory_space<hbm>> -> memref<632x128xf32, #tpu.memory_space<hbm>>
      %dma_wait3A_151 = arith.constant 0 : i32
      %dma_wait3A_152 = tpu.memref_slice %arg10[%mul3A_0, %dma_wait3A_151] : memref<10112x128xf32, #tpu.memory_space<vmem_shared>> -> memref<632x128xf32, #tpu.memory_space<vmem_shared>>
      tpu.wait_dma2 semaphore(%run_scoped3A : memref<!tpu.dma_semaphore, #tpu.memory_space<semaphore_mem>>) src(%dma_wait3A_152 : memref<632x128xf32, #tpu.memory_space<vmem_shared>>) dst(%dma_wait3A_150 : memref<632x128xf32, #tpu.memory_space<hbm>>)
      tpu.yield
    }) : () -> ()
    return
  }
}

module attributes {stable_mosaic.version = 14 : i64} {
  func.func @_tc_mlp_body(%arg0: i32, %arg1: memref<2000x128xf32, #tpu.memory_space<vmem>>, %arg2: memref<2x2000x128xf32, #tpu.memory_space<vmem>>, %arg3: memref<128x128xf32, #tpu.memory_space<vmem>>, %arg4: memref<1x128xf32, #tpu.memory_space<vmem>>, %arg5: memref<128x128xf32, #tpu.memory_space<vmem>>, %arg6: memref<1x128xf32, #tpu.memory_space<vmem>>, %arg7: memref<2000x128xf32, #tpu.memory_space<vmem>>) attributes {dimension_semantics = [#tpu.dimension_semantics<arbitrary>], iteration_bounds = array<i64: 5>, scalar_prefetch = 0 : i64, scratch_operands = 0 : i64, tpu.core_type = #tpu.core_type<tc>, window_params = [{transform_indices = @transform_0, window_bounds = array<i64: 2000, 128>}, {transform_indices = @transform_1, window_bounds = array<i64: 2, 2000, 128>}, {pipeline_mode = #tpu.pipeline_mode<synchronous>, transform_indices = @transform_2, window_bounds = array<i64: 128, 128>}, {pipeline_mode = #tpu.pipeline_mode<synchronous>, transform_indices = @transform_3, window_bounds = array<i64: 1, 128>}, {pipeline_mode = #tpu.pipeline_mode<synchronous>, transform_indices = @transform_4, window_bounds = array<i64: 128, 128>}, {pipeline_mode = #tpu.pipeline_mode<synchronous>, transform_indices = @transform_5, window_bounds = array<i64: 1, 128>}, {transform_indices = @transform_6, window_bounds = array<i64: 2000, 128>}]} {
    %get3A = arith.constant 0 : index
    %get3A_0 = arith.constant 0 : index
    %get3A_1 = vector.load %arg1[%get3A, %get3A_0] : memref<2000x128xf32, #tpu.memory_space<vmem>>, vector<2000x128xf32>
    %get3A_2 = arith.constant 0 : index
    %get3A_3 = arith.constant 0 : index
    %get3A_4 = arith.constant 0 : index
    %get3A_5 = vector.load %arg2[%get3A_2, %get3A_3, %get3A_4] : memref<2x2000x128xf32, #tpu.memory_space<vmem>>, vector<1x2000x128xf32>
    %get3A_6 = vector.shape_cast %get3A_5 : vector<1x2000x128xf32> to vector<2000x128xf32>
    %add3A = arith.addf %get3A_1, %get3A_6 : vector<2000x128xf32>
    %get3A_7 = arith.constant 1 : index
    %get3A_8 = arith.constant 0 : index
    %get3A_9 = arith.constant 0 : index
    %get3A_10 = vector.load %arg2[%get3A_7, %get3A_8, %get3A_9] : memref<2x2000x128xf32, #tpu.memory_space<vmem>>, vector<1x2000x128xf32>
    %get3A_11 = vector.shape_cast %get3A_10 : vector<1x2000x128xf32> to vector<2000x128xf32>
    %add3A_12 = arith.addf %add3A, %get3A_11 : vector<2000x128xf32>
    %get3A_13 = arith.constant 0 : index
    %get3A_14 = arith.constant 0 : index
    %get3A_15 = vector.load %arg3[%get3A_13, %get3A_14] : memref<128x128xf32, #tpu.memory_space<vmem>>, vector<128x128xf32>
    %dot_general3A = arith.constant dense<0.000000e+00> : vector<2000x128xf32>
    %dot_general3A_16 = tpu.matmul %add3A_12, %get3A_15, %dot_general3A {dimension_numbers = #tpu.dot_dimension_numbers<[1], [0], [0], [1], [0, 0, 1, 1], [], []>, transpose_lhs_hint = false} : vector<2000x128xf32>, vector<128x128xf32>, vector<2000x128xf32> -> vector<2000x128xf32>
    %get3A_17 = arith.constant 0 : index
    %get3A_18 = arith.constant 0 : index
    %get3A_19 = vector.load %arg4[%get3A_17, %get3A_18] : memref<1x128xf32, #tpu.memory_space<vmem>>, vector<1x128xf32>
    %add3A_20 = vector.broadcast %get3A_19 : vector<1x128xf32> to vector<2000x128xf32>
    %add3A_21 = arith.addf %dot_general3A_16, %add3A_20 : vector<2000x128xf32>
    %gt3A = arith.constant 0.000000e+00 : f32
    %gt3A_22 = vector.broadcast %gt3A : f32 to vector<2000x128xf32>
    %gt3A_23 = arith.cmpf ogt, %add3A_21, %gt3A_22 : vector<2000x128xf32>
    %exp3A = math.exp %add3A_21 : vector<2000x128xf32>
    %sub3A = arith.constant 1.000000e+00 : f32
    %sub3A_24 = vector.broadcast %sub3A : f32 to vector<2000x128xf32>
    %sub3A_25 = arith.subf %exp3A, %sub3A_24 : vector<2000x128xf32>
    %select_n3A = arith.select %gt3A_23, %add3A_21, %sub3A_25 : vector<2000x128xi1>, vector<2000x128xf32>
    %get3A_26 = arith.constant 0 : index
    %get3A_27 = arith.constant 0 : index
    %get3A_28 = vector.load %arg5[%get3A_26, %get3A_27] : memref<128x128xf32, #tpu.memory_space<vmem>>, vector<128x128xf32>
    %dot_general3A_29 = arith.constant dense<0.000000e+00> : vector<2000x128xf32>
    %dot_general3A_30 = tpu.matmul %select_n3A, %get3A_28, %dot_general3A_29 {dimension_numbers = #tpu.dot_dimension_numbers<[1], [0], [0], [1], [0, 0, 1, 1], [], []>, transpose_lhs_hint = false} : vector<2000x128xf32>, vector<128x128xf32>, vector<2000x128xf32> -> vector<2000x128xf32>
    %get3A_31 = arith.constant 0 : index
    %get3A_32 = arith.constant 0 : index
    %get3A_33 = vector.load %arg6[%get3A_31, %get3A_32] : memref<1x128xf32, #tpu.memory_space<vmem>>, vector<1x128xf32>
    %add3A_34 = vector.broadcast %get3A_33 : vector<1x128xf32> to vector<2000x128xf32>
    %add3A_35 = arith.addf %dot_general3A_30, %add3A_34 : vector<2000x128xf32>
    %gt3A_36 = arith.constant 0.000000e+00 : f32
    %gt3A_37 = vector.broadcast %gt3A_36 : f32 to vector<2000x128xf32>
    %gt3A_38 = arith.cmpf ogt, %add3A_35, %gt3A_37 : vector<2000x128xf32>
    %exp3A_39 = math.exp %add3A_35 : vector<2000x128xf32>
    %sub3A_40 = arith.constant 1.000000e+00 : f32
    %sub3A_41 = vector.broadcast %sub3A_40 : f32 to vector<2000x128xf32>
    %sub3A_42 = arith.subf %exp3A_39, %sub3A_41 : vector<2000x128xf32>
    %select_n3A_43 = arith.select %gt3A_38, %add3A_35, %sub3A_42 : vector<2000x128xi1>, vector<2000x128xf32>
    %swap3A = arith.constant 0 : index
    %swap3A_44 = arith.constant 0 : index
    %swap3A_45 = vector.load %arg7[%swap3A, %swap3A_44] : memref<2000x128xf32, #tpu.memory_space<vmem>>, vector<2000x128xf32>
    tpu.vector_store %arg7[%swap3A, %swap3A_44], %select_n3A_43 {strides = array<i32>} : memref<2000x128xf32, #tpu.memory_space<vmem>>, vector<2000x128xf32>,
    return
  }
  func.func @transform_0(%arg0: i32) -> (i32, i32) {
    %c0_i32 = arith.constant 0 : i32
    %c0_i32_0 = arith.constant 0 : i32
    return %arg0, %c0_i32 : i32, i32
  }
  func.func @transform_1(%arg0: i32) -> (i32, i32, i32) {
    %c0_i32 = arith.constant 0 : i32
    %c0_i32_0 = arith.constant 0 : i32
    %c0_i32_1 = arith.constant 0 : i32
    return %c0_i32, %arg0, %c0_i32_0 : i32, i32, i32
  }
  func.func @transform_2(%arg0: i32) -> (i32, i32) {
    %c0_i32 = arith.constant 0 : i32
    %c0_i32_0 = arith.constant 0 : i32
    %c0_i32_1 = arith.constant 0 : i32
    return %c0_i32, %c0_i32_0 : i32, i32
  }
  func.func @transform_3(%arg0: i32) -> (i32, i32) {
    %c0_i32 = arith.constant 0 : i32
    %c0_i32_0 = arith.constant 0 : i32
    %c0_i32_1 = arith.constant 0 : i32
    return %c0_i32, %c0_i32_0 : i32, i32
  }
  func.func @transform_4(%arg0: i32) -> (i32, i32) {
    %c0_i32 = arith.constant 0 : i32
    %c0_i32_0 = arith.constant 0 : i32
    %c0_i32_1 = arith.constant 0 : i32
    return %c0_i32, %c0_i32_0 : i32, i32
  }
  func.func @transform_5(%arg0: i32) -> (i32, i32) {
    %c0_i32 = arith.constant 0 : i32
    %c0_i32_0 = arith.constant 0 : i32
    %c0_i32_1 = arith.constant 0 : i32
    return %c0_i32, %c0_i32_0 : i32, i32
  }
  func.func @transform_6(%arg0: i32) -> (i32, i32) {
    %c0_i32 = arith.constant 0 : i32
    %c0_i32_0 = arith.constant 0 : i32
    return %arg0, %c0_i32 : i32, i32
  }
}

module attributes {stable_mosaic.version = 14 : i64} {
  func.func @_tc_mlp_fc_body(%arg0: i32, %arg1: memref<2000x128xf32, #tpu.memory_space<vmem>>, %arg2: memref<2x2000x128xf32, #tpu.memory_space<vmem>>, %arg3: memref<128x128xf32, #tpu.memory_space<vmem>>, %arg4: memref<1x128xf32, #tpu.memory_space<vmem>>, %arg5: memref<128x128xf32, #tpu.memory_space<vmem>>, %arg6: memref<1x128xf32, #tpu.memory_space<vmem>>, %arg7: memref<128x40xf32, #tpu.memory_space<vmem>>, %arg8: memref<1x40xf32, #tpu.memory_space<vmem>>, %arg9: memref<2000x40xf32, #tpu.memory_space<vmem>>) attributes {dimension_semantics = [#tpu.dimension_semantics<arbitrary>], iteration_bounds = array<i64: 5>, scalar_prefetch = 0 : i64, scratch_operands = 0 : i64, tpu.core_type = #tpu.core_type<tc>, window_params = [{transform_indices = @transform_0, window_bounds = array<i64: 2000, 128>}, {transform_indices = @transform_1, window_bounds = array<i64: 2, 2000, 128>}, {pipeline_mode = #tpu.pipeline_mode<synchronous>, transform_indices = @transform_2, window_bounds = array<i64: 128, 128>}, {pipeline_mode = #tpu.pipeline_mode<synchronous>, transform_indices = @transform_3, window_bounds = array<i64: 1, 128>}, {pipeline_mode = #tpu.pipeline_mode<synchronous>, transform_indices = @transform_4, window_bounds = array<i64: 128, 128>}, {pipeline_mode = #tpu.pipeline_mode<synchronous>, transform_indices = @transform_5, window_bounds = array<i64: 1, 128>}, {pipeline_mode = #tpu.pipeline_mode<synchronous>, transform_indices = @transform_6, window_bounds = array<i64: 128, 40>}, {pipeline_mode = #tpu.pipeline_mode<synchronous>, transform_indices = @transform_7, window_bounds = array<i64: 1, 40>}, {transform_indices = @transform_8, window_bounds = array<i64: 2000, 40>}]} {
    %get3A = arith.constant 0 : index
    %get3A_0 = arith.constant 0 : index
    %get3A_1 = vector.load %arg1[%get3A, %get3A_0] : memref<2000x128xf32, #tpu.memory_space<vmem>>, vector<2000x128xf32>
    %get3A_2 = arith.constant 0 : index
    %get3A_3 = arith.constant 0 : index
    %get3A_4 = arith.constant 0 : index
    %get3A_5 = vector.load %arg2[%get3A_2, %get3A_3, %get3A_4] : memref<2x2000x128xf32, #tpu.memory_space<vmem>>, vector<1x2000x128xf32>
    %get3A_6 = vector.shape_cast %get3A_5 : vector<1x2000x128xf32> to vector<2000x128xf32>
    %add3A = arith.addf %get3A_1, %get3A_6 : vector<2000x128xf32>
    %get3A_7 = arith.constant 1 : index
    %get3A_8 = arith.constant 0 : index
    %get3A_9 = arith.constant 0 : index
    %get3A_10 = vector.load %arg2[%get3A_7, %get3A_8, %get3A_9] : memref<2x2000x128xf32, #tpu.memory_space<vmem>>, vector<1x2000x128xf32>
    %get3A_11 = vector.shape_cast %get3A_10 : vector<1x2000x128xf32> to vector<2000x128xf32>
    %add3A_12 = arith.addf %add3A, %get3A_11 : vector<2000x128xf32>
    %get3A_13 = arith.constant 0 : index
    %get3A_14 = arith.constant 0 : index
    %get3A_15 = vector.load %arg3[%get3A_13, %get3A_14] : memref<128x128xf32, #tpu.memory_space<vmem>>, vector<128x128xf32>
    %dot_general3A = arith.constant dense<0.000000e+00> : vector<2000x128xf32>
    %dot_general3A_16 = tpu.matmul %add3A_12, %get3A_15, %dot_general3A {dimension_numbers = #tpu.dot_dimension_numbers<[1], [0], [0], [1], [0, 0, 1, 1], [], []>, transpose_lhs_hint = false} : vector<2000x128xf32>, vector<128x128xf32>, vector<2000x128xf32> -> vector<2000x128xf32>
    %get3A_17 = arith.constant 0 : index
    %get3A_18 = arith.constant 0 : index
    %get3A_19 = vector.load %arg4[%get3A_17, %get3A_18] : memref<1x128xf32, #tpu.memory_space<vmem>>, vector<1x128xf32>
    %add3A_20 = vector.broadcast %get3A_19 : vector<1x128xf32> to vector<2000x128xf32>
    %add3A_21 = arith.addf %dot_general3A_16, %add3A_20 : vector<2000x128xf32>
    %gt3A = arith.constant 0.000000e+00 : f32
    %gt3A_22 = vector.broadcast %gt3A : f32 to vector<2000x128xf32>
    %gt3A_23 = arith.cmpf ogt, %add3A_21, %gt3A_22 : vector<2000x128xf32>
    %exp3A = math.exp %add3A_21 : vector<2000x128xf32>
    %sub3A = arith.constant 1.000000e+00 : f32
    %sub3A_24 = vector.broadcast %sub3A : f32 to vector<2000x128xf32>
    %sub3A_25 = arith.subf %exp3A, %sub3A_24 : vector<2000x128xf32>
    %select_n3A = arith.select %gt3A_23, %add3A_21, %sub3A_25 : vector<2000x128xi1>, vector<2000x128xf32>
    %get3A_26 = arith.constant 0 : index
    %get3A_27 = arith.constant 0 : index
    %get3A_28 = vector.load %arg5[%get3A_26, %get3A_27] : memref<128x128xf32, #tpu.memory_space<vmem>>, vector<128x128xf32>
    %dot_general3A_29 = arith.constant dense<0.000000e+00> : vector<2000x128xf32>
    %dot_general3A_30 = tpu.matmul %select_n3A, %get3A_28, %dot_general3A_29 {dimension_numbers = #tpu.dot_dimension_numbers<[1], [0], [0], [1], [0, 0, 1, 1], [], []>, transpose_lhs_hint = false} : vector<2000x128xf32>, vector<128x128xf32>, vector<2000x128xf32> -> vector<2000x128xf32>
    %get3A_31 = arith.constant 0 : index
    %get3A_32 = arith.constant 0 : index
    %get3A_33 = vector.load %arg6[%get3A_31, %get3A_32] : memref<1x128xf32, #tpu.memory_space<vmem>>, vector<1x128xf32>
    %add3A_34 = vector.broadcast %get3A_33 : vector<1x128xf32> to vector<2000x128xf32>
    %add3A_35 = arith.addf %dot_general3A_30, %add3A_34 : vector<2000x128xf32>
    %gt3A_36 = arith.constant 0.000000e+00 : f32
    %gt3A_37 = vector.broadcast %gt3A_36 : f32 to vector<2000x128xf32>
    %gt3A_38 = arith.cmpf ogt, %add3A_35, %gt3A_37 : vector<2000x128xf32>
    %exp3A_39 = math.exp %add3A_35 : vector<2000x128xf32>
    %sub3A_40 = arith.constant 1.000000e+00 : f32
    %sub3A_41 = vector.broadcast %sub3A_40 : f32 to vector<2000x128xf32>
    %sub3A_42 = arith.subf %exp3A_39, %sub3A_41 : vector<2000x128xf32>
    %select_n3A_43 = arith.select %gt3A_38, %add3A_35, %sub3A_42 : vector<2000x128xi1>, vector<2000x128xf32>
    %get3A_44 = arith.constant 0 : index
    %get3A_45 = arith.constant 0 : index
    %get3A_46 = vector.load %arg7[%get3A_44, %get3A_45] : memref<128x40xf32, #tpu.memory_space<vmem>>, vector<128x40xf32>
    %dot_general3A_47 = arith.constant dense<0.000000e+00> : vector<2000x40xf32>
    %dot_general3A_48 = tpu.matmul %select_n3A_43, %get3A_46, %dot_general3A_47 {dimension_numbers = #tpu.dot_dimension_numbers<[1], [0], [0], [1], [0, 0, 1, 1], [], []>, transpose_lhs_hint = false} : vector<2000x128xf32>, vector<128x40xf32>, vector<2000x40xf32> -> vector<2000x40xf32>
    %get3A_49 = arith.constant 0 : index
    %get3A_50 = arith.constant 0 : index
    %get3A_51 = vector.load %arg8[%get3A_49, %get3A_50] : memref<1x40xf32, #tpu.memory_space<vmem>>, vector<1x40xf32>
    %add3A_52 = vector.broadcast %get3A_51 : vector<1x40xf32> to vector<2000x40xf32>
    %add3A_53 = arith.addf %dot_general3A_48, %add3A_52 : vector<2000x40xf32>
    %swap3A = arith.constant 0 : index
    %swap3A_54 = arith.constant 0 : index
    %swap3A_55 = vector.load %arg9[%swap3A, %swap3A_54] : memref<2000x40xf32, #tpu.memory_space<vmem>>, vector<2000x40xf32>
    tpu.vector_store %arg9[%swap3A, %swap3A_54], %add3A_53 {strides = array<i32>} : memref<2000x40xf32, #tpu.memory_space<vmem>>, vector<2000x40xf32>,
    return
  }
  func.func @transform_0(%arg0: i32) -> (i32, i32) {
    %c0_i32 = arith.constant 0 : i32
    %c0_i32_0 = arith.constant 0 : i32
    return %arg0, %c0_i32 : i32, i32
  }
  func.func @transform_1(%arg0: i32) -> (i32, i32, i32) {
    %c0_i32 = arith.constant 0 : i32
    %c0_i32_0 = arith.constant 0 : i32
    %c0_i32_1 = arith.constant 0 : i32
    return %c0_i32, %arg0, %c0_i32_0 : i32, i32, i32
  }
  func.func @transform_2(%arg0: i32) -> (i32, i32) {
    %c0_i32 = arith.constant 0 : i32
    %c0_i32_0 = arith.constant 0 : i32
    %c0_i32_1 = arith.constant 0 : i32
    return %c0_i32, %c0_i32_0 : i32, i32
  }
  func.func @transform_3(%arg0: i32) -> (i32, i32) {
    %c0_i32 = arith.constant 0 : i32
    %c0_i32_0 = arith.constant 0 : i32
    %c0_i32_1 = arith.constant 0 : i32
    return %c0_i32, %c0_i32_0 : i32, i32
  }
  func.func @transform_4(%arg0: i32) -> (i32, i32) {
    %c0_i32 = arith.constant 0 : i32
    %c0_i32_0 = arith.constant 0 : i32
    %c0_i32_1 = arith.constant 0 : i32
    return %c0_i32, %c0_i32_0 : i32, i32
  }
  func.func @transform_5(%arg0: i32) -> (i32, i32) {
    %c0_i32 = arith.constant 0 : i32
    %c0_i32_0 = arith.constant 0 : i32
    %c0_i32_1 = arith.constant 0 : i32
    return %c0_i32, %c0_i32_0 : i32, i32
  }
  func.func @transform_6(%arg0: i32) -> (i32, i32) {
    %c0_i32 = arith.constant 0 : i32
    %c0_i32_0 = arith.constant 0 : i32
    %c0_i32_1 = arith.constant 0 : i32
    return %c0_i32, %c0_i32_0 : i32, i32
  }
  func.func @transform_7(%arg0: i32) -> (i32, i32) {
    %c0_i32 = arith.constant 0 : i32
    %c0_i32_0 = arith.constant 0 : i32
    %c0_i32_1 = arith.constant 0 : i32
    return %c0_i32, %c0_i32_0 : i32, i32
  }
  func.func @transform_8(%arg0: i32) -> (i32, i32) {
    %c0_i32 = arith.constant 0 : i32
    %c0_i32_0 = arith.constant 0 : i32
    return %arg0, %c0_i32 : i32, i32
  }
}

</mosaic_0001>

<sc_bundles>
// kernel: kernel.11.cloned.1.call-start
scs
__scs_entry_jumppad:
0x0: {  	(pc) =	sbr.rel $0x88, $3  }
0x1: {  	(tag) =	ssettag $0x0;
	lr =	simm.s32 $0x1  }
0x2: {  	[smem:$0x3F91] =	sst lr;
	_ =	strace $0xD0000000  }
0x3: {  	_ = 	snop  }
0x4: {  	_ = 	snop  }
0x5: {  	_ = 	snop  }
0x6: {  	_ = 	snop  }
0x7: {  	_ = 	snop  }
__scs_overlays_trampoline_lowered:
0x8: {  	[smem:$0x3FA0] =	sst s0  }
0x9: {  	[smem:$0x3FA1] =	sst s1  }
0xa: {  	[smem:$0x3FA2] =	sst s2  }
0xb: {  	[smem:$0x3FA3] =	sst s3  }
0xc: {  	[smem:$0x3FA4] =	sst s4  }
0xd: {  	[smem:$0x3FA5] =	sst s5  }
0xe: {  	[smem:$0x3FA6] =	sst s6  }
0xf: {  	[smem:$0x3FA7] =	sst s7  }
0x10: {  	[smem:$0x3FA8] =	sst s8  }
0x11: {  	[smem:$0x3FA9] =	sst s9;
	s0 =	simm.s32 @!p0 $0x0  }
0x12: {  	s1 =	sld [smem:$0x3F8F];
	s0 =	simm.s32 @p0 $0x1  }
0x13: {  	[smem:$0x3FAA] =	sst s0;
	s0 =	simm.s32 @!p1 $0x0  }
0x14: {  	s2 =	sld [smem:$0x3F8E];
	s0 =	simm.s32 @p1 $0x1  }
0x15: {  	[smem:$0x3FAB] =	sst s0;
	s0 =	simm.s32 @!p2 $0x0  }
0x16: {  	s3 =	sld [smem:$0x3FDB];
	s0 =	simm.s32 @p2 $0x1  }
0x17: {  	s4 =	simm.s32 $0x1BF5;
	[smem:$0x3FAD] =	sst s0  }
0x18: {  	s0 =	sld [smem:$0x3F90];
	_ =	swait.ge [sflag:s4], $0x0  }
0x19: {  	s7 =	sld [smem:$0x3F91]  }
0x1a: {  	s8 =	sadd.s32 $0xFFFFE003, lr  }
0x1b: {  	s9 =	sadd.s32 $0xFFFFFEF7, lr;
	s5 =	simm.s32 $0xFFFFFFFF;
	p2 =	slt.u32 s8, $0xFFFFF086  }
0x1c: {  	p1 =	slt.u32 s9, $0xF7A;
	s5 =	simm.s32 @!p2 $0x0  }
0x1d: {  	s5 =	simm.s32 @p1 $0x1;
	p0 =	seq.s32 s7, s2  }
0x1e: {  	s7 =	smul.u32 @!p0 $0xF7A, s2;
	p2 =	seq.s32 @!p0 s5, $0x0  }
0x1f: {  	s9 =	smul.u32 $0xF7A, s1;
	s8 =	simm.s32 @!p0 $0x1BF5;
	p2 =	por !p2, p0  }
0x20: {  	[sflag:s8] =	ssyncset.s32 @!p0 $0xFFFFF086;
	s6 =	sadd.s32 @!p0 s3, s7;
	s7 =	simm.s32 @!p0 $0x108  }
0x21: {  	s3 =	sadd.s32 s3, s9;
	s6 =	sadd.s32 @!p0 $0x88, s6;
	s7 =	simm.s32 @p2 $0x1082  }
0x22: {  	[simem:s7], [sflag:s8] =	dma.local @!p0 [hbm:s6], $0xF7A  }
0x23: {  	s9 =	sor.u32 $0xD0000000, s2;
	s6 =	simm.s32 $0x108;
	_ =	swait.ge @!p0 [sflag:s8], $0x0  }
0x24: {  	s3 =	sadd.s32 $0x88, s3;
	s6 =	simm.s32 @!p1 $0x1082;
	[sflag:s4] =	ssyncset.s32 $0xFFFFF086  }
0x25: {  	[simem:s6], [sflag:s4] =	dma.local [hbm:s3], $0xF7A  }
0x26: {  	[smem:$0x3F91] =	sst s1;
	(tag) =	ssettag s2;
	_ =	strace s9  }
0x27: {  	s1 =	sld [smem:$0x3FA1]  }
0x28: {  	s2 =	sld [smem:$0x3FA2]  }
0x29: {  	s4 =	sld [smem:$0x3FA4]  }
0x2a: {  	p0 =	seq.s32 s5, $0x0;
	s5 =	sld [smem:$0x3FA5]  }
0x2b: {  	s6 =	sld [smem:$0x3FA6]  }
0x2c: {  	s7 =	sld [smem:$0x3FA7]  }
0x2d: {  	s3 =	simm.s32 $0x108;
	s8 =	sld [smem:$0x3FA8]  }
0x2e: {  	s3 =	simm.s32 @!p0 $0x1082;
	s9 =	sld [smem:$0x3FA9]  }
0x2f: {  	lr =	sadd.s32 s0, s3;
	s0 =	sld [smem:$0x3FA0]  }
0x30: {  	s3 =	sld [smem:$0x3FA3]  }
0x31: {  	[smem:$0x3FAC] =	sst s10  }
0x32: {  	s10 =	sld [smem:$0x3FAA];
	_ =	sdelay $0x3  }
0x33: {  	p0 =	seq.s32 s10, $0x1;
	s10 =	sld [smem:$0x3FAC];
	_ =	sdelay $0x3  }
0x34: {  	[smem:$0x3FAC] =	sst s10  }
0x35: {  	s10 =	sld [smem:$0x3FAB];
	_ =	sdelay $0x3  }
0x36: {  	p1 =	seq.s32 s10, $0x1;
	s10 =	sld [smem:$0x3FAC];
	_ =	sdelay $0x3  }
0x37: {  	[smem:$0x3FAC] =	sst s10  }
0x38: {  	s10 =	sld [smem:$0x3FAD]  }
0x39: {  	_ = 	snop;
	(pc) =	sbr.ind lr, $3  }
0x3a: {  	_ = 	snop  }
0x3b: {  	_ = 	snop  }
0x3c: {  	p2 =	seq.s32 s10, $0x1;
	s10 =	sld [smem:$0x3FAC]  }
0x3d: {  	_ =	shalt  }
0x3e: {  	_ =	shalt  }
0x3f: {  	_ =	shalt  }
0x40: {  	_ =	shalt  }
0x41: {  	_ =	shalt  }
0x42: {  	_ =	shalt  }
0x43: {  	_ =	shalt  }
0x44: {  	_ =	shalt  }
0x45: {  	_ =	shalt  }
0x46: {  	_ =	shalt  }
0x47: {  	_ =	shalt  }
0x48: {  	_ =	shalt  }
0x49: {  	_ =	shalt  }
0x4a: {  	_ =	shalt  }
0x4b: {  	_ =	shalt  }
0x4c: {  	_ =	shalt  }
0x4d: {  	_ =	shalt  }
0x4e: {  	_ =	shalt  }
0x4f: {  	_ =	shalt  }
0x50: {  	_ =	shalt  }
0x51: {  	_ =	shalt  }
0x52: {  	_ =	shalt  }
0x53: {  	_ =	shalt  }
0x54: {  	_ =	shalt  }
0x55: {  	_ =	shalt  }
0x56: {  	_ =	shalt  }
0x57: {  	_ =	shalt  }
0x58: {  	_ =	shalt  }
0x59: {  	_ =	shalt  }
0x5a: {  	_ =	shalt  }
0x5b: {  	_ =	shalt  }
0x5c: {  	_ =	shalt  }
0x5d: {  	_ =	shalt  }
0x5e: {  	_ =	shalt  }
0x5f: {  	_ =	shalt  }
0x60: {  	_ =	shalt  }
0x61: {  	_ =	shalt  }
0x62: {  	_ =	shalt  }
0x63: {  	_ =	shalt  }
0x64: {  	_ =	shalt  }
0x65: {  	_ =	shalt  }
0x66: {  	_ =	shalt  }
0x67: {  	_ =	shalt  }
0x68: {  	_ =	shalt  }
0x69: {  	_ =	shalt  }
0x6a: {  	_ =	shalt  }
0x6b: {  	_ =	shalt  }
0x6c: {  	_ =	shalt  }
0x6d: {  	_ =	shalt  }
0x6e: {  	_ =	shalt  }
0x6f: {  	_ =	shalt  }
0x70: {  	_ =	shalt  }
0x71: {  	_ =	shalt  }
0x72: {  	_ =	shalt  }
0x73: {  	_ =	shalt  }
0x74: {  	_ =	shalt  }
0x75: {  	_ =	shalt  }
0x76: {  	_ =	shalt  }
0x77: {  	_ =	shalt  }
0x78: {  	_ =	shalt  }
0x79: {  	_ =	shalt  }
0x7a: {  	_ =	shalt  }
0x7b: {  	_ =	shalt  }
0x7c: {  	_ =	shalt  }
0x7d: {  	_ =	shalt  }
0x7e: {  	_ =	shalt  }
0x7f: {  	_ =	shalt  }
0x80: {  	_ =	shalt  }
0x81: {  	_ =	shalt  }
0x82: {  	_ =	shalt  }
0x83: {  	_ =	shalt  }
0x84: {  	_ =	shalt  }
0x85: {  	_ =	shalt  }
0x86: {  	_ =	shalt  }
0x87: {  	_ =	shalt  }
.Lfunc_end0:
.L_simem_size_0:
called_computation.1_lowered:
.L_overlay_start_0:
0x88: {  	s2 =	sld [smem:$0x3FD9]  }
0x89: {  	s3 =	sld [smem:$0x3FFE];
	_ =	sdelay $0x1  }
0x8a: {  	s1 =	srdreg.scid  }
0x8b: {  	s0 =	sand.u32 $0x1, s1  }
0x8c: {  	s17 =	sshll.u32 s0, $0xA;
	s2 =	sadd.s32 s3, s2  }
0x8d: {  	s2 =	sadd.s32 s2, s17  }
0x8e: {  	[smem:$0x3FB8] =	sst s2  }
0x8f: {  	_ = 	snop  }
0x90: {  	s2 =	sld [smem:$0x3FD0];
	(tm) =	ssettm $0x1  }
0x91: {  	s18 =	sld [smem:$0x3FFB];
	_ =	sdelay $0x3  }
0x92: {  	_ =	strace s18  }
0x93: {  	s3 =	sld [smem:$0x3FFC];
	_ =	sdelay $0x3  }
0x94: {  	_ =	strace s3  }
0x95: {  	s3 =	sld [smem:$0x3FFD];
	_ =	sdelay $0x3  }
0x96: {  	_ =	strace s3  }
0x97: {  	_ =	strace $0x8FFFFFFF  }
0x98: {  	s19 =	sld [smem:$0x3FDB];
	_ =	sdelay $0x1  }
0x99: {  	s4 =	simm.s32 $_scs_section_size  }
0x9a: {  	s5 =	simm.s32 $_size__tile_overlayer_lowered;
	s6 =	simm.s32 $_tile_overlayer_lowered  }
0x9b: {  	s22 =	simm.s32 $0x1BFF;
	s21 =	sshll.u32 s6, $0x1;
	s3 =	sadd.s32 s4, s19  }
0x9c: {  	s7 =	simm.s32 $0x0;
	s20 =	sshll.u32 s5, $0x1;
	s5 =	sadd.s32 s21, s3  }
0x9d: {  	[timem:s7], [sflag:s22] =	dma.local [hbm:s5], s20  }
0x9e: {  	_ =	swait.ge [sflag:s22], s20  }
0x9f: {  	s4 =	ssub.s32 $0x0, s20;
	[sflag:s22] =	ssyncset.done $0x0  }
0xa0: {  	[sflag:s22] =	ssyncadd.s32 s4;
	_ =	sdelay $0x1  }
0xa1: {  	s23 =	simm.s32 $0x1B8B  }
0xa2: {  	_ =	swait.ge [sflag:s23], $0x1  }
0xa3: {  	[sflag:s23] =	ssyncset.done $0x0  }
0xa4: {  	s25 =	simm.s32 $0x1B8E;
	s24 =	sld [smem:$0x3FFE];
	[sflag:s23] =	ssyncadd.s32 $0xFFFFFFFF  }
0xa5: {  	s26 =	simm.s32 $execute0_lowered;
	[smem:$0x3FD2] =	sst s25  }
0xa6: {  	s5 =	sshll.u32 s26, $0x1;
	_ =	strace $0x80000049;
	[dreg:$0x1] =	wrdreg $0xFFFFFFFF  }
0xa7: {  	s28 =	simm.s32 $_size_execute0_lowered;
	s3 =	sadd.s32 s3, s5;
	[dreg:$0x0] =	wrdreg $0x0  }
0xa8: {  	s5 =	sshll.u32 s28, $0x1;
	[dreg:$0x2] =	wrdreg s3  }
0xa9: {  	[dreg:$0x3] =	wrdreg s5  }
0xaa: {  	[dreg:$0x4] =	wrdreg $0xC0  }
0xab: {  	_ =	task [dreg:s7], $0x5FFFF  }
0xac: {  	[dreg:$0x1] =	wrdreg $0xFFFFFFFF  }
0xad: {  	[dreg:$0x0] =	wrdreg $0x60  }
0xae: {  	[dreg:$0x2] =	wrdreg s24  }
0xaf: {  	[dreg:$0x3] =	wrdreg s2  }
0xb0: {  	[dreg:$0x4] =	wrdreg $0x84000  }
0xb1: {  	[dreg:$0x5] =	wrdreg $0x9  }
0xb2: {  	_ =	task.clear_ibuf [dreg:s7], $0x6FFFF;
	_ =	strace $0x90000049  }
0xb3: {  	s29 =	simm.s32 $0x9;
	_ =	strace $0x8000004B  }
0xb4: {  	_ =	swait.ge [sflag:s29], $0x1  }
0xb5: {  	[sflag:s29] =	ssyncadd.s32 $0xFFFFFFFF  }
0xb6: {  	_ =	strace $0x9000004B  }
0xb7: {  	_ =	sfence  }
0xb8: {  	s30 =	sld [smem:$0x0];
	_ =	sdelay $0x2  }
0xb9: {  	s31 =	sshll.u32 s1, $0xD;
	s1 =	sshrl.u32 s1, $0x2  }
0xba: {  	s3 =	sand.u32 $0x4000, s31;
	s1 =	sadd.s32 s1, s30  }
0xbb: {  	s0 =	sor.u32 s3, s0;
	s1 =	sshll.u32 s1, $0x11  }
0xbc: {  	s0 =	sor.u32 s1, s0  }
0xbd: {  	s0 =	sadd.s32 $0x8F2B, s0  }
0xbe: {  	[sflag:s0] =	ssyncadd.remote.s32 $0x1  }
0xbf: {  	_ =	sfence.sel $0xFFFF  }
0xc0: {  	[dreg:$0x0] =	wrdreg $0xFFFFFFFF;
	(pc) =	sbr.abs _section_cstart, $3  }
0xc1: {  	[dreg:$0x1] =	wrdreg $0xFFFFFFFF  }
0xc2: {  	_ =	task.clear_ibuf [dreg:s7], $0x2FFFF;
	_ =	strace $0x9FFFFFFF  }
0xc3: {  	(tm) =	ssettm $0x7FFFFFFF  }
tec
execute0_lowered:
.L_overlay_start_1:
0x0: {  	(tag) =	ssettag $0x1  }
0x1: {  	s0 =	rddreg [dreg:$0x0]  }
0x2: {  	s1 =	rddreg [dreg:$0x1]  }
0x3: {  	s2 =	rddreg [dreg:$0x2]  }
0x4: {  	s3 =	simm.s32 $0x0;
	s12 =	stileid.u32;
	s4 =	srdreg.scid  }
0x5: {  	s28 =	simm.s32 $0xB;
	s29 =	simm.s32 $0x3;
	s30 =	simm.s32 $0x400  }
0x6: {  	s31 =	simm.s32 $0x4;
	[smem:$0x7FF] =	sst s3;
	s5 =	smul.u32 $0x13C00, s12  }
0x7: {  	s6 =	sand.u32 $0x1, s4;
	s4 =	sadd.s32 $0x35200, s0;
	s19 =	smul.u32 $0x4F000, s12  }
0x8: {  	s9 =	sadd.s32 $0x3A00, s0;
	s22 =	sshll.u32 s12, $0x6;
	s24 =	smul.u32 $0x500, s12  }
0x9: {  	_ =	strace $0x8000004A;
	s7 =	smul.u32 $0x13C000, s6;
	s8 =	sshll.u32 s6, $0x4  }
0xa: {  	s13 =	ssub.s32 $0x2, s6;
	s6 =	smul.u32 $0x5000, s6;
	s10 =	sshrl.u32 s5, $0x3  }
0xb: {  	s8 =	sor.u32 s12, s8;
	s11 =	sshrl.u32 s13, $0x1;
	s21 =	sshrl.u32 s19, $0x2  }
0xc: {  	s5 =	sadd.s32 s5, s7;
	s8 =	smul.u32 $0x500, s8;
	s10 =	sadd.s32 s10, s0  }
0xd: {  	s25 =	sadd.s32 s6, s1;
	s26 =	sadd.s32 s6, s9;
	s6 =	simm.s32 $0x5  }
0xe: {  	s5 =	sshrl.u32 s5, $0x3;
	s23 =	sadd.s32 $0xDA00, s10;
	s19 =	sadd.s32 s24, s26  }
0xf: {  	s26 =	simm.s32 $0x380;
	s10 =	simm.s32 $0x9;
	s0 =	sadd.s32 s5, s0  }
0x10: {  	s5 =	ssub.s32 s13, s11;
	s15 =	sadd.s32 s1, s8;
	[dreg:$0xd] =	wrdreg s23  }
0x11: {  	s14 =	sor.u32 $0x10, s8;
	s16 =	sadd.s32 s9, s8;
	[dreg:$0x4] =	wrdreg s15  }
0x12: {  	s18 =	sor.u32 $0x20, s8;
	[dreg:$0x5] =	wrdreg s16;
	s17 =	sadd.s32 s1, s14  }
0x13: {  	s20 =	sor.u32 $0x30, s8;
	s7 =	sadd.s32 s9, s14;
	[dreg:$0x6] =	wrdreg s17  }
0x14: {  	s23 =	simm.s32 $0x100;
	s13 =	sadd.s32 s1, s18;
	[dreg:$0x7] =	wrdreg s7  }
0x15: {  	s11 =	simm.s32 $0xA;
	s8 =	sadd.s32 s1, s20;
	[dreg:$0x8] =	wrdreg s13  }
0x16: {  	s0 =	sadd.s32 $0x5C400, s0;
	s5 =	smax.u32 s5, $0x1;
	[dreg:$0xa] =	wrdreg s8  }
0x17: {  	s1 =	simm.s32 $0x1;
	s14 =	simm.s32 $0x0;
	[dreg:$0xf] =	wrdreg s0  }
0x18: {  	s7 =	sadd.s32 s9, s18;
	s13 =	sor.u32 $0x1C0B, s22;
	[dreg:$0x10] =	wrdreg s5  }
0x19: {  	s18 =	sadd.s32 s24, s25;
	s22 =	simm.s32 $0x280;
	s24 =	simm.s32 $0x300  }
.Ltmp0:
0x1a: {  	s25 =	simm.s32 $0x180;
	s0 =	simm.s32 $0x4400;
	(pc) =	sbr.rel .LBB2_1-.Ltmp0, $4  }
0x1b: {  	s5 =	simm.s32 $0x7;
	s8 =	simm.s32 $0x8;
	[dreg:$0x9] =	wrdreg s7  }
0x1c: {  	s7 =	sadd.s32 s9, s20;
	s20 =	simm.s32 $0x200;
	[dreg:$0xe] =	wrdreg s13  }
0x1d: {  	s9 =	simm.s32 $0x6;
	[dreg:$0xb] =	wrdreg s7;
	s7 =	sadd.s32 s21, s2  }
0x1e: {  	s21 =	simm.s32 $0x80;
	[dreg:$0xc] =	wrdreg s7;
	s7 =	simm.s32 $0x2  }
.LBB2_4:
0x1f: {  	_ =	swait.ge [sflag:s7], $0x4000  }
0x20: {  	[sflag:s7] =	ssyncset.done $0x0  }
0x21: {  	[sflag:s7] =	ssyncadd.s32 $0xFFFFC000  }
0x22: {  	_ =	swait.ge [sflag:s11], $0x80  }
0x23: {  	[sflag:s11] =	ssyncset.done $0x0  }
0x24: {  	[sflag:s11] =	ssyncadd.s32 $0xFFFFFF80  }
0x25: {  	[spmem:s2] =	stream.indirect.scatter.add.f32 [tilespmem:s0], [sflag:$0xB], $0x80, s26, s21, $0xb8;
	[tilespmem:$0x1C000] =	vst v63  }
0x26: {  	_ =	swait.ge [sflag:s28], $0x4000  }
0x27: {  	[sflag:s28] =	ssyncset.done $0x0  }
0x28: {  	[sflag:s28] =	ssyncadd.s32 $0xFFFFC000  }
0x29: {  	[bflag:$0x0] =	sbarrier.arrive $0xFFFF  }
0x2a: {  	s13 =	rddreg [dreg:$0xe]  }
0x2b: {  	s12 =	rddreg [dreg:$0xf]  }
0x2c: {  	s14 =	rddreg [dreg:$0x12]  }
0x2d: {  	[hbm:s12], [sflag:s13] =	dma.local [spmem:s14], $0x2780  }
0x2e: {  	_ =	swait.ge [sflag:s28], $0x2780  }
0x2f: {  	s16 =	rddreg [dreg:$0x11]  }
0x30: {  	s17 =	rddreg [dreg:$0x10];
	s14 =	sadd.s32 $0x1, s16  }
0x31: {  	p0 =	sne.s32 s14, s17  }
.Ltmp1:
0x32: {  	_ = 	snop;
	(pc) =	sbr.rel @!p0 .LBB2_5-.Ltmp1, $3  }
0x33: {  	_ =	sdelay $0x1  }
0x34: {  	[sflag:s28] =	ssyncset.done $0x0  }
0x35: {  	[sflag:s28] =	ssyncadd.s32 $0xFFFFD880  }
.LBB2_1:
0x36: {  	[dreg:$0x11] =	wrdreg s14  }
0x37: {  	s12 =	rddreg [dreg:$0x4]  }
0x38: {  	s16 =	rddreg [dreg:$0x5]  }
0x39: {  	s17 =	rddreg [dreg:$0x6]  }
0x3a: {  	[tilespmem:s3], [sflag:$0x3] =	stream.linear.gather [hbm4b:s12+s3], $0x80, $0x38;
	[tilespmem:$0x1C000] =	vst v63  }
0x3b: {  	s14 =	rddreg [dreg:$0x7]  }
0x3c: {  	[tilespmem:s20], [sflag:$0x7] =	stream.linear.gather [hbm4b:s16+s3], $0x80, $0x38;
	[tilespmem:$0x1C000] =	vst v63  }
0x3d: {  	s15 =	rddreg [dreg:$0x8]  }
0x3e: {  	[tilespmem:s21], [sflag:$0x4] =	stream.linear.gather [hbm4b:s17+s3], $0x80, $0x38;
	[tilespmem:$0x1C000] =	vst v63  }
0x3f: {  	s16 =	rddreg [dreg:$0x9]  }
0x40: {  	[tilespmem:s22], [sflag:$0x8] =	stream.linear.gather [hbm4b:s14+s3], $0x80, $0x38;
	[tilespmem:$0x1C000] =	vst v63  }
0x41: {  	s17 =	rddreg [dreg:$0xa]  }
0x42: {  	[tilespmem:s23], [sflag:$0x5] =	stream.linear.gather [hbm4b:s15+s3], $0x80, $0x38;
	[tilespmem:$0x1C000] =	vst v63  }
0x43: {  	s15 =	rddreg [dreg:$0xc]  }
0x44: {  	[tilespmem:s24], [sflag:$0x9] =	stream.linear.gather [hbm4b:s16+s3], $0x80, $0x38;
	[tilespmem:$0x1C000] =	vst v63  }
0x45: {  	s14 =	rddreg [dreg:$0xb];
	s16 =	sshrl.u32 s15, $0x3  }
0x46: {  	[dreg:$0x12] =	wrdreg s16  }
0x47: {  	[tilespmem:s25], [sflag:$0x6] =	stream.linear.gather [hbm4b:s17+s3], $0x80, $0x38;
	[tilespmem:$0x1C000] =	vst v63  }
0x48: {  	s17 =	rddreg [dreg:$0xd]  }
0x49: {  	[tilespmem:s26], [sflag:$0xA] =	stream.linear.gather [hbm4b:s14+s3], $0x80, $0x38;
	[tilespmem:$0x1C000] =	vst v63  }
0x4a: {  	[spmem:s16], [sflag:s13] =	dma.local [hbm:s17], $0x2780  }
0x4b: {  	_ =	swait.ge [sflag:s28], $0x2780  }
0x4c: {  	[sflag:s28] =	ssyncset.done $0x0  }
0x4d: {  	[sflag:s28] =	ssyncadd.s32 $0xFFFFD880  }
0x4e: {  	_ =	swait.ge [sflag:s29], $0x80  }
0x4f: {  	[sflag:s29] =	ssyncset.done $0x0  }
0x50: {  	[sflag:s29] =	ssyncadd.s32 $0xFFFFFF80  }
0x51: {  	[tilespmem:s30], [sflag:$0x1] =	stream.indirect.gather [hbm4b:s4+s21], $0x80, s3, s21, $0xb8;
	[tilespmem:$0x1C000] =	vst v63  }
0x52: {  	_ =	swait.ge [sflag:s31], $0x80  }
0x53: {  	[sflag:s31] =	ssyncset.done $0x0  }
0x54: {  	[sflag:s31] =	ssyncadd.s32 $0xFFFFFF80  }
0x55: {  	[tilespmem:s0], [sflag:$0x2] =	stream.indirect.gather [hbm4b:s4+s21], $0x80, s21, s21, $0xb8;
	[tilespmem:$0x1C000] =	vst v63  }
0x56: {  	s14 =	simm.s32 $0x0;
	[bflag:$0x0] =	sbarrier.arrive $0xFFFF  }
.LBB2_2:
0x57: {  	_ =	swait.ge [sflag:s1], $0x4000  }
0x58: {  	[sflag:s1] =	ssyncset.done $0x0  }
0x59: {  	[sflag:s1] =	ssyncadd.s32 $0xFFFFC000  }
0x5a: {  	_ =	swait.ge [sflag:s5], $0x80  }
0x5b: {  	[sflag:s5] =	ssyncset.done $0x0  }
0x5c: {  	[sflag:s5] =	ssyncadd.s32 $0xFFFFFF80  }
0x5d: {  	[spmem:s2] =	stream.indirect.scatter.add.f32 [tilespmem:s30], [sflag:$0xB], $0x80, s20, s21, $0xb8;
	[tilespmem:$0x1C000] =	vst v63  }
0x5e: {  	p0 =	seq.s32 s14, $0x4C0;
	_ =	swait.ge [sflag:s28], $0x4000  }
0x5f: {  	s16 =	sadd.s32 @!p0 s14, s18;
	[sflag:s28] =	ssyncset.done $0x0  }
0x60: {  	s15 =	simm.s32 @!p0 $0x0;
	s17 =	sadd.s32 @!p0 $0x40, s16;
	[sflag:s28] =	ssyncadd.s32 $0xFFFFC000  }
0x61: {  	[tilespmem:s15], [sflag:$0x3] =	stream.linear.gather @!p0 [hbm4b:s17+s15], $0x80, $0x38;
	[tilespmem:$0x1C000] =	vst v63  }
0x62: {  	s17 =	sadd.s32 @!p0 s14, s19  }
0x63: {  	s12 =	simm.s32 @!p0 $0x200;
	s13 =	sadd.s32 @!p0 $0x40, s17  }
0x64: {  	[tilespmem:s12], [sflag:$0x7] =	stream.linear.gather @!p0 [hbm4b:s13+s15], $0x80, $0x38;
	[tilespmem:$0x1C000] =	vst v63  }
0x65: {  	_ =	swait.ge [sflag:s6], $0x80  }
0x66: {  	[sflag:s6] =	ssyncset.done $0x0  }
0x67: {  	[sflag:s6] =	ssyncadd.s32 $0xFFFFFF80  }
0x68: {  	[tilespmem:s30], [sflag:$0x1] =	stream.indirect.gather [hbm4b:s4+s21], $0x80, s23, s21, $0xb8;
	[tilespmem:$0x1C000] =	vst v63  }
0x69: {  	_ =	swait.ge [sflag:s7], $0x4000  }
0x6a: {  	[sflag:s7] =	ssyncset.done $0x0  }
0x6b: {  	[sflag:s7] =	ssyncadd.s32 $0xFFFFC000  }
0x6c: {  	_ =	swait.ge [sflag:s8], $0x80  }
0x6d: {  	[sflag:s8] =	ssyncset.done $0x0  }
0x6e: {  	[sflag:s8] =	ssyncadd.s32 $0xFFFFFF80  }
0x6f: {  	[spmem:s2] =	stream.indirect.scatter.add.f32 [tilespmem:s0], [sflag:$0xB], $0x80, s22, s21, $0xb8;
	[tilespmem:$0x1C000] =	vst v63  }
0x70: {  	_ =	swait.ge [sflag:s28], $0x4000  }
0x71: {  	[sflag:s28] =	ssyncset.done $0x0  }
0x72: {  	s12 =	sadd.s32 @!p0 $0x50, s16;
	s13 =	simm.s32 @!p0 $0x80;
	[sflag:s28] =	ssyncadd.s32 $0xFFFFC000  }
0x73: {  	[tilespmem:s13], [sflag:$0x4] =	stream.linear.gather @!p0 [hbm4b:s12+s15], $0x80, $0x38;
	[tilespmem:$0x1C000] =	vst v63  }
0x74: {  	s12 =	sadd.s32 @!p0 $0x50, s17;
	s13 =	simm.s32 @!p0 $0x280  }
0x75: {  	[tilespmem:s13], [sflag:$0x8] =	stream.linear.gather @!p0 [hbm4b:s12+s15], $0x80, $0x38;
	[tilespmem:$0x1C000] =	vst v63  }
0x76: {  	_ =	swait.ge [sflag:s9], $0x80  }
0x77: {  	[sflag:s9] =	ssyncset.done $0x0  }
0x78: {  	[sflag:s9] =	ssyncadd.s32 $0xFFFFFF80  }
0x79: {  	[tilespmem:s0], [sflag:$0x2] =	stream.indirect.gather [hbm4b:s4+s21], $0x80, s25, s21, $0xb8;
	[tilespmem:$0x1C000] =	vst v63  }
0x7a: {  	_ =	swait.ge [sflag:s1], $0x4000  }
0x7b: {  	[sflag:s1] =	ssyncset.done $0x0  }
0x7c: {  	[sflag:s1] =	ssyncadd.s32 $0xFFFFC000  }
0x7d: {  	_ =	swait.ge [sflag:s10], $0x80  }
0x7e: {  	[sflag:s10] =	ssyncset.done $0x0  }
.Ltmp2:
0x7f: {  	[sflag:s10] =	ssyncadd.s32 $0xFFFFFF80;
	(pc) =	sbr.rel @p0 .LBB2_4-.Ltmp2, $4  }
0x80: {  	[spmem:s2] =	stream.indirect.scatter.add.f32 [tilespmem:s30], [sflag:$0xB], $0x80, s24, s21, $0xb8;
	[tilespmem:$0x1C000] =	vst v63  }
0x81: {  	_ =	swait.ge [sflag:s28], $0x4000  }
0x82: {  	[sflag:s28] =	ssyncset.done $0x0  }
0x83: {  	[sflag:s28] =	ssyncadd.s32 $0xFFFFC000  }
0x84: {  	s12 =	sadd.s32 s14, s18  }
0x85: {  	s16 =	sadd.s32 s14, s19;
	s13 =	sadd.s32 $0x60, s12  }
0x86: {  	[tilespmem:s23], [sflag:$0x5] =	stream.linear.gather [hbm4b:s13+s3], $0x80, $0x38;
	[tilespmem:$0x1C000] =	vst v63  }
0x87: {  	s15 =	sadd.s32 $0x60, s16  }
0x88: {  	[tilespmem:s24], [sflag:$0x9] =	stream.linear.gather [hbm4b:s15+s3], $0x80, $0x38;
	[tilespmem:$0x1C000] =	vst v63  }
0x89: {  	_ =	swait.ge [sflag:s29], $0x80  }
0x8a: {  	[sflag:s29] =	ssyncset.done $0x0  }
0x8b: {  	[sflag:s29] =	ssyncadd.s32 $0xFFFFFF80  }
0x8c: {  	[tilespmem:s30], [sflag:$0x1] =	stream.indirect.gather [hbm4b:s4+s21], $0x80, s3, s21, $0xb8;
	[tilespmem:$0x1C000] =	vst v63  }
0x8d: {  	_ =	swait.ge [sflag:s7], $0x4000  }
0x8e: {  	[sflag:s7] =	ssyncset.done $0x0  }
0x8f: {  	[sflag:s7] =	ssyncadd.s32 $0xFFFFC000  }
0x90: {  	_ =	swait.ge [sflag:s11], $0x80  }
0x91: {  	[sflag:s11] =	ssyncset.done $0x0  }
0x92: {  	[sflag:s11] =	ssyncadd.s32 $0xFFFFFF80  }
0x93: {  	[spmem:s2] =	stream.indirect.scatter.add.f32 [tilespmem:s0], [sflag:$0xB], $0x80, s26, s21, $0xb8;
	[tilespmem:$0x1C000] =	vst v63  }
0x94: {  	_ =	swait.ge [sflag:s28], $0x4000  }
0x95: {  	[sflag:s28] =	ssyncset.done $0x0  }
0x96: {  	s12 =	sadd.s32 $0x70, s12;
	[sflag:s28] =	ssyncadd.s32 $0xFFFFC000  }
0x97: {  	[tilespmem:s25], [sflag:$0x6] =	stream.linear.gather [hbm4b:s12+s3], $0x80, $0x38;
	[tilespmem:$0x1C000] =	vst v63  }
0x98: {  	s17 =	sadd.s32 $0x70, s16  }
0x99: {  	[tilespmem:s26], [sflag:$0xA] =	stream.linear.gather [hbm4b:s17+s3], $0x80, $0x38;
	[tilespmem:$0x1C000] =	vst v63  }
.Ltmp3:
0x9a: {  	_ = 	snop;
	(pc) =	sbr.rel .LBB2_2-.Ltmp3, $4  }
0x9b: {  	_ =	swait.ge [sflag:s31], $0x80  }
0x9c: {  	[sflag:s31] =	ssyncset.done $0x0  }
0x9d: {  	s14 =	sadd.s32 $0x40, s14;
	[sflag:s31] =	ssyncadd.s32 $0xFFFFFF80  }
0x9e: {  	[tilespmem:s0], [sflag:$0x2] =	stream.indirect.gather [hbm4b:s4+s21], $0x80, s21, s21, $0xb8;
	[tilespmem:$0x1C000] =	vst v63  }
.LBB2_5:
0x9f: {  	_ =	sfence.sel $0x180000  }
0xa0: {  	[bflag:$0x0] =	sbarrier.arrive $0xFFFF  }
0xa1: {  	_ =	strace $0x9000004A  }
0xa2: {  	s0 =	stileid.u32;
	[bflag:$0x2] =	sbarrier.arrive $0xFFFF  }
0xa3: {  	p0 =	sne.s32 s0, $0x0;
	s0 =	rddreg [dreg:$0x3]  }
0xa4: {  	s0 =	sadd.s32 @!p0 $0x100000, s0  }
0xa5: {  	[sflag:s0] =	ssyncadd.tile.s32 @!p0 $0x1;
	_ =	shalt  }
.Lfunc_end2:
_tile_overlayer_lowered:
.L_overlay_start_2:
0xa6: {  	(tag) =	ssettag $0x2  }
0xa7: {  	s0 =	rddreg [dreg:$0x0];
	s2 =	stileid.u32  }
0xa8: {  	s1 =	rddreg [dreg:$0x1];
	p0 =	sne.s32 s2, $0x0  }
0xa9: {  	s3 =	rddreg [dreg:$0x2];
	[bflag:$0x3] =	sbarrier.arrive $0xFFFF;
	s2 =	simm.s32 @!p0 $0x1C0B  }
0xaa: {  	[timem:s3], [sflag:s2] =	dma.local @!p0 [hbm:s0], s1  }
0xab: {  	s0 =	simm.s32 @!p0 $0xB  }
0xac: {  	_ =	swait.ge @!p0 [sflag:s0], s1  }
0xad: {  	s1 =	ssub.s32 @!p0 $0x0, s1;
	[sflag:s0] =	ssyncset.done @!p0 $0x0  }
0xae: {  	[sflag:s0] =	ssyncadd.s32 @!p0 s1  }
0xaf: {  	[bflag:$0x3] =	sbarrier.arrive $0xFFFF  }
0xb0: {  	_ =	shalt  }

// kernel: kernel.14.cloned.1.call-start
scs
__scs_entry_jumppad:
0x0: {  	(pc) =	sbr.rel $0x88, $3  }
0x1: {  	(tag) =	ssettag $0x0;
	lr =	simm.s32 $0x1  }
0x2: {  	[smem:$0x3F91] =	sst lr;
	_ =	strace $0xD0000000  }
0x3: {  	_ = 	snop  }
0x4: {  	_ = 	snop  }
0x5: {  	_ = 	snop  }
0x6: {  	_ = 	snop  }
0x7: {  	_ = 	snop  }
__scs_overlays_trampoline_lowered:
0x8: {  	[smem:$0x3FA0] =	sst s0  }
0x9: {  	[smem:$0x3FA1] =	sst s1  }
0xa: {  	[smem:$0x3FA2] =	sst s2  }
0xb: {  	[smem:$0x3FA3] =	sst s3  }
0xc: {  	[smem:$0x3FA4] =	sst s4  }
0xd: {  	[smem:$0x3FA5] =	sst s5  }
0xe: {  	[smem:$0x3FA6] =	sst s6  }
0xf: {  	[smem:$0x3FA7] =	sst s7  }
0x10: {  	[smem:$0x3FA8] =	sst s8  }
0x11: {  	[smem:$0x3FA9] =	sst s9;
	s0 =	simm.s32 @!p0 $0x0  }
0x12: {  	s1 =	sld [smem:$0x3F8F];
	s0 =	simm.s32 @p0 $0x1  }
0x13: {  	[smem:$0x3FAA] =	sst s0;
	s0 =	simm.s32 @!p1 $0x0  }
0x14: {  	s2 =	sld [smem:$0x3F8E];
	s0 =	simm.s32 @p1 $0x1  }
0x15: {  	[smem:$0x3FAB] =	sst s0;
	s0 =	simm.s32 @!p2 $0x0  }
0x16: {  	s3 =	sld [smem:$0x3FDB];
	s0 =	simm.s32 @p2 $0x1  }
0x17: {  	s4 =	simm.s32 $0x1BF5;
	[smem:$0x3FAD] =	sst s0  }
0x18: {  	s0 =	sld [smem:$0x3F90];
	_ =	swait.ge [sflag:s4], $0x0  }
0x19: {  	s7 =	sld [smem:$0x3F91]  }
0x1a: {  	s8 =	sadd.s32 $0xFFFFE003, lr  }
0x1b: {  	s9 =	sadd.s32 $0xFFFFFEF7, lr;
	s5 =	simm.s32 $0xFFFFFFFF;
	p2 =	slt.u32 s8, $0xFFFFF086  }
0x1c: {  	p1 =	slt.u32 s9, $0xF7A;
	s5 =	simm.s32 @!p2 $0x0  }
0x1d: {  	s5 =	simm.s32 @p1 $0x1;
	p0 =	seq.s32 s7, s2  }
0x1e: {  	s7 =	smul.u32 @!p0 $0xF7A, s2;
	p2 =	seq.s32 @!p0 s5, $0x0  }
0x1f: {  	s9 =	smul.u32 $0xF7A, s1;
	s8 =	simm.s32 @!p0 $0x1BF5;
	p2 =	por !p2, p0  }
0x20: {  	[sflag:s8] =	ssyncset.s32 @!p0 $0xFFFFF086;
	s6 =	sadd.s32 @!p0 s3, s7;
	s7 =	simm.s32 @!p0 $0x108  }
0x21: {  	s3 =	sadd.s32 s3, s9;
	s6 =	sadd.s32 @!p0 $0x88, s6;
	s7 =	simm.s32 @p2 $0x1082  }
0x22: {  	[simem:s7], [sflag:s8] =	dma.local @!p0 [hbm:s6], $0xF7A  }
0x23: {  	s9 =	sor.u32 $0xD0000000, s2;
	s6 =	simm.s32 $0x108;
	_ =	swait.ge @!p0 [sflag:s8], $0x0  }
0x24: {  	s3 =	sadd.s32 $0x88, s3;
	s6 =	simm.s32 @!p1 $0x1082;
	[sflag:s4] =	ssyncset.s32 $0xFFFFF086  }
0x25: {  	[simem:s6], [sflag:s4] =	dma.local [hbm:s3], $0xF7A  }
0x26: {  	[smem:$0x3F91] =	sst s1;
	(tag) =	ssettag s2;
	_ =	strace s9  }
0x27: {  	s1 =	sld [smem:$0x3FA1]  }
0x28: {  	s2 =	sld [smem:$0x3FA2]  }
0x29: {  	s4 =	sld [smem:$0x3FA4]  }
0x2a: {  	p0 =	seq.s32 s5, $0x0;
	s5 =	sld [smem:$0x3FA5]  }
0x2b: {  	s6 =	sld [smem:$0x3FA6]  }
0x2c: {  	s7 =	sld [smem:$0x3FA7]  }
0x2d: {  	s3 =	simm.s32 $0x108;
	s8 =	sld [smem:$0x3FA8]  }
0x2e: {  	s3 =	simm.s32 @!p0 $0x1082;
	s9 =	sld [smem:$0x3FA9]  }
0x2f: {  	lr =	sadd.s32 s0, s3;
	s0 =	sld [smem:$0x3FA0]  }
0x30: {  	s3 =	sld [smem:$0x3FA3]  }
0x31: {  	[smem:$0x3FAC] =	sst s10  }
0x32: {  	s10 =	sld [smem:$0x3FAA];
	_ =	sdelay $0x3  }
0x33: {  	p0 =	seq.s32 s10, $0x1;
	s10 =	sld [smem:$0x3FAC];
	_ =	sdelay $0x3  }
0x34: {  	[smem:$0x3FAC] =	sst s10  }
0x35: {  	s10 =	sld [smem:$0x3FAB];
	_ =	sdelay $0x3  }
0x36: {  	p1 =	seq.s32 s10, $0x1;
	s10 =	sld [smem:$0x3FAC];
	_ =	sdelay $0x3  }
0x37: {  	[smem:$0x3FAC] =	sst s10  }
0x38: {  	s10 =	sld [smem:$0x3FAD]  }
0x39: {  	_ = 	snop;
	(pc) =	sbr.ind lr, $3  }
0x3a: {  	_ = 	snop  }
0x3b: {  	_ = 	snop  }
0x3c: {  	p2 =	seq.s32 s10, $0x1;
	s10 =	sld [smem:$0x3FAC]  }
0x3d: {  	_ =	shalt  }
0x3e: {  	_ =	shalt  }
0x3f: {  	_ =	shalt  }
0x40: {  	_ =	shalt  }
0x41: {  	_ =	shalt  }
0x42: {  	_ =	shalt  }
0x43: {  	_ =	shalt  }
0x44: {  	_ =	shalt  }
0x45: {  	_ =	shalt  }
0x46: {  	_ =	shalt  }
0x47: {  	_ =	shalt  }
0x48: {  	_ =	shalt  }
0x49: {  	_ =	shalt  }
0x4a: {  	_ =	shalt  }
0x4b: {  	_ =	shalt  }
0x4c: {  	_ =	shalt  }
0x4d: {  	_ =	shalt  }
0x4e: {  	_ =	shalt  }
0x4f: {  	_ =	shalt  }
0x50: {  	_ =	shalt  }
0x51: {  	_ =	shalt  }
0x52: {  	_ =	shalt  }
0x53: {  	_ =	shalt  }
0x54: {  	_ =	shalt  }
0x55: {  	_ =	shalt  }
0x56: {  	_ =	shalt  }
0x57: {  	_ =	shalt  }
0x58: {  	_ =	shalt  }
0x59: {  	_ =	shalt  }
0x5a: {  	_ =	shalt  }
0x5b: {  	_ =	shalt  }
0x5c: {  	_ =	shalt  }
0x5d: {  	_ =	shalt  }
0x5e: {  	_ =	shalt  }
0x5f: {  	_ =	shalt  }
0x60: {  	_ =	shalt  }
0x61: {  	_ =	shalt  }
0x62: {  	_ =	shalt  }
0x63: {  	_ =	shalt  }
0x64: {  	_ =	shalt  }
0x65: {  	_ =	shalt  }
0x66: {  	_ =	shalt  }
0x67: {  	_ =	shalt  }
0x68: {  	_ =	shalt  }
0x69: {  	_ =	shalt  }
0x6a: {  	_ =	shalt  }
0x6b: {  	_ =	shalt  }
0x6c: {  	_ =	shalt  }
0x6d: {  	_ =	shalt  }
0x6e: {  	_ =	shalt  }
0x6f: {  	_ =	shalt  }
0x70: {  	_ =	shalt  }
0x71: {  	_ =	shalt  }
0x72: {  	_ =	shalt  }
0x73: {  	_ =	shalt  }
0x74: {  	_ =	shalt  }
0x75: {  	_ =	shalt  }
0x76: {  	_ =	shalt  }
0x77: {  	_ =	shalt  }
0x78: {  	_ =	shalt  }
0x79: {  	_ =	shalt  }
0x7a: {  	_ =	shalt  }
0x7b: {  	_ =	shalt  }
0x7c: {  	_ =	shalt  }
0x7d: {  	_ =	shalt  }
0x7e: {  	_ =	shalt  }
0x7f: {  	_ =	shalt  }
0x80: {  	_ =	shalt  }
0x81: {  	_ =	shalt  }
0x82: {  	_ =	shalt  }
0x83: {  	_ =	shalt  }
0x84: {  	_ =	shalt  }
0x85: {  	_ =	shalt  }
0x86: {  	_ =	shalt  }
0x87: {  	_ =	shalt  }
.Lfunc_end0:
.L_simem_size_0:
called_computation.2_lowered:
.L_overlay_start_0:
0x88: {  	s2 =	sld [smem:$0x3FD9]  }
0x89: {  	s3 =	sld [smem:$0x3FFE];
	_ =	sdelay $0x1  }
0x8a: {  	s1 =	srdreg.scid  }
0x8b: {  	s0 =	sand.u32 $0x1, s1  }
0x8c: {  	s17 =	sshll.u32 s0, $0xA;
	s2 =	sadd.s32 s3, s2  }
0x8d: {  	s2 =	sadd.s32 s2, s17  }
0x8e: {  	[smem:$0x3FB8] =	sst s2  }
0x8f: {  	_ = 	snop  }
0x90: {  	s2 =	sld [smem:$0x3FD0];
	(tm) =	ssettm $0x1  }
0x91: {  	s18 =	sld [smem:$0x3FFB];
	_ =	sdelay $0x3  }
0x92: {  	_ =	strace s18  }
0x93: {  	s3 =	sld [smem:$0x3FFC];
	_ =	sdelay $0x3  }
0x94: {  	_ =	strace s3  }
0x95: {  	s3 =	sld [smem:$0x3FFD];
	_ =	sdelay $0x3  }
0x96: {  	_ =	strace s3  }
0x97: {  	_ =	strace $0x8FFFFFFF  }
0x98: {  	s19 =	sld [smem:$0x3FDB];
	_ =	sdelay $0x1  }
0x99: {  	s4 =	simm.s32 $_scs_section_size  }
0x9a: {  	s5 =	simm.s32 $_size__tile_overlayer_lowered;
	s6 =	simm.s32 $_tile_overlayer_lowered  }
0x9b: {  	s22 =	simm.s32 $0x1BFF;
	s21 =	sshll.u32 s6, $0x1;
	s3 =	sadd.s32 s4, s19  }
0x9c: {  	s7 =	simm.s32 $0x0;
	s20 =	sshll.u32 s5, $0x1;
	s5 =	sadd.s32 s21, s3  }
0x9d: {  	[timem:s7], [sflag:s22] =	dma.local [hbm:s5], s20  }
0x9e: {  	_ =	swait.ge [sflag:s22], s20  }
0x9f: {  	s4 =	ssub.s32 $0x0, s20;
	[sflag:s22] =	ssyncset.done $0x0  }
0xa0: {  	[sflag:s22] =	ssyncadd.s32 s4;
	_ =	sdelay $0x1  }
0xa1: {  	s23 =	simm.s32 $0x1B8B  }
0xa2: {  	_ =	swait.ge [sflag:s23], $0x1  }
0xa3: {  	[sflag:s23] =	ssyncset.done $0x0  }
0xa4: {  	s25 =	simm.s32 $0x1B8E;
	s24 =	sld [smem:$0x3FFE];
	[sflag:s23] =	ssyncadd.s32 $0xFFFFFFFF  }
0xa5: {  	s26 =	simm.s32 $execute0_lowered;
	[smem:$0x3FD2] =	sst s25  }
0xa6: {  	s5 =	sshll.u32 s26, $0x1;
	_ =	strace $0x8000004C;
	[dreg:$0x1] =	wrdreg $0xFFFFFFFF  }
0xa7: {  	s28 =	simm.s32 $_size_execute0_lowered;
	s3 =	sadd.s32 s3, s5;
	[dreg:$0x0] =	wrdreg $0x0  }
0xa8: {  	s5 =	sshll.u32 s28, $0x1;
	[dreg:$0x2] =	wrdreg s3  }
0xa9: {  	[dreg:$0x3] =	wrdreg s5  }
0xaa: {  	[dreg:$0x4] =	wrdreg $0xC0  }
0xab: {  	_ =	task [dreg:s7], $0x5FFFF  }
0xac: {  	[dreg:$0x1] =	wrdreg $0xFFFFFFFF  }
0xad: {  	[dreg:$0x0] =	wrdreg $0x60  }
0xae: {  	[dreg:$0x2] =	wrdreg s24  }
0xaf: {  	[dreg:$0x3] =	wrdreg s2  }
0xb0: {  	[dreg:$0x4] =	wrdreg $0x84000  }
0xb1: {  	[dreg:$0x5] =	wrdreg $0x9  }
0xb2: {  	_ =	task.clear_ibuf [dreg:s7], $0x6FFFF;
	_ =	strace $0x9000004C  }
0xb3: {  	s29 =	simm.s32 $0x9;
	_ =	strace $0x8000004E  }
0xb4: {  	_ =	swait.ge [sflag:s29], $0x1  }
0xb5: {  	[sflag:s29] =	ssyncadd.s32 $0xFFFFFFFF  }
0xb6: {  	_ =	strace $0x9000004E  }
0xb7: {  	_ =	sfence  }
0xb8: {  	s30 =	sld [smem:$0x0];
	_ =	sdelay $0x2  }
0xb9: {  	s31 =	sshll.u32 s1, $0xD;
	s1 =	sshrl.u32 s1, $0x2  }
0xba: {  	s3 =	sand.u32 $0x4000, s31;
	s1 =	sadd.s32 s1, s30  }
0xbb: {  	s0 =	sor.u32 s3, s0;
	s1 =	sshll.u32 s1, $0x11  }
0xbc: {  	s0 =	sor.u32 s1, s0  }
0xbd: {  	s0 =	sadd.s32 $0x8F2B, s0  }
0xbe: {  	[sflag:s0] =	ssyncadd.remote.s32 $0x1  }
0xbf: {  	_ =	sfence.sel $0xFFFF  }
0xc0: {  	[dreg:$0x0] =	wrdreg $0xFFFFFFFF;
	(pc) =	sbr.abs _section_cstart, $3  }
0xc1: {  	[dreg:$0x1] =	wrdreg $0xFFFFFFFF  }
0xc2: {  	_ =	task.clear_ibuf [dreg:s7], $0x2FFFF;
	_ =	strace $0x9FFFFFFF  }
0xc3: {  	(tm) =	ssettm $0x7FFFFFFF  }
tec
execute0_lowered:
.L_overlay_start_1:
0x0: {  	(tag) =	ssettag $0x1  }
0x1: {  	s0 =	rddreg [dreg:$0x0]  }
0x2: {  	s1 =	rddreg [dreg:$0x1]  }
0x3: {  	s2 =	rddreg [dreg:$0x2]  }
0x4: {  	s3 =	simm.s32 $0x0;
	s12 =	stileid.u32;
	s4 =	srdreg.scid  }
0x5: {  	s28 =	simm.s32 $0xB;
	s29 =	simm.s32 $0x3;
	s30 =	simm.s32 $0x400  }
0x6: {  	s31 =	simm.s32 $0x4;
	[smem:$0x7FF] =	sst s3;
	s5 =	smul.u32 $0x13C00, s12  }
0x7: {  	s6 =	sand.u32 $0x1, s4;
	s4 =	sadd.s32 $0x35200, s0;
	s19 =	smul.u32 $0x4F000, s12  }
0x8: {  	s9 =	sadd.s32 $0x3A00, s0;
	s22 =	sshll.u32 s12, $0x6;
	s24 =	smul.u32 $0x500, s12  }
0x9: {  	_ =	strace $0x8000004D;
	s7 =	smul.u32 $0x13C000, s6;
	s8 =	sshll.u32 s6, $0x4  }
0xa: {  	s13 =	ssub.s32 $0x2, s6;
	s6 =	smul.u32 $0x5000, s6;
	s10 =	sshrl.u32 s5, $0x3  }
0xb: {  	s8 =	sor.u32 s12, s8;
	s11 =	sshrl.u32 s13, $0x1;
	s21 =	sshrl.u32 s19, $0x2  }
0xc: {  	s5 =	sadd.s32 s5, s7;
	s8 =	smul.u32 $0x500, s8;
	s10 =	sadd.s32 s10, s0  }
0xd: {  	s25 =	sadd.s32 s6, s1;
	s26 =	sadd.s32 s6, s9;
	s6 =	simm.s32 $0x5  }
0xe: {  	s5 =	sshrl.u32 s5, $0x3;
	s23 =	sadd.s32 $0xDA00, s10;
	s19 =	sadd.s32 s24, s26  }
0xf: {  	s26 =	simm.s32 $0x380;
	s10 =	simm.s32 $0x9;
	s0 =	sadd.s32 s5, s0  }
0x10: {  	s5 =	ssub.s32 s13, s11;
	s15 =	sadd.s32 s1, s8;
	[dreg:$0xd] =	wrdreg s23  }
0x11: {  	s14 =	sor.u32 $0x10, s8;
	s16 =	sadd.s32 s9, s8;
	[dreg:$0x4] =	wrdreg s15  }
0x12: {  	s18 =	sor.u32 $0x20, s8;
	[dreg:$0x5] =	wrdreg s16;
	s17 =	sadd.s32 s1, s14  }
0x13: {  	s20 =	sor.u32 $0x30, s8;
	s7 =	sadd.s32 s9, s14;
	[dreg:$0x6] =	wrdreg s17  }
0x14: {  	s23 =	simm.s32 $0x100;
	s13 =	sadd.s32 s1, s18;
	[dreg:$0x7] =	wrdreg s7  }
0x15: {  	s11 =	simm.s32 $0xA;
	s8 =	sadd.s32 s1, s20;
	[dreg:$0x8] =	wrdreg s13  }
0x16: {  	s0 =	sadd.s32 $0x5C400, s0;
	s5 =	smax.u32 s5, $0x1;
	[dreg:$0xa] =	wrdreg s8  }
0x17: {  	s1 =	simm.s32 $0x1;
	s14 =	simm.s32 $0x0;
	[dreg:$0xf] =	wrdreg s0  }
0x18: {  	s7 =	sadd.s32 s9, s18;
	s13 =	sor.u32 $0x1C0B, s22;
	[dreg:$0x10] =	wrdreg s5  }
0x19: {  	s18 =	sadd.s32 s24, s25;
	s22 =	simm.s32 $0x280;
	s24 =	simm.s32 $0x300  }
.Ltmp0:
0x1a: {  	s25 =	simm.s32 $0x180;
	s0 =	simm.s32 $0x4400;
	(pc) =	sbr.rel .LBB2_1-.Ltmp0, $4  }
0x1b: {  	s5 =	simm.s32 $0x7;
	s8 =	simm.s32 $0x8;
	[dreg:$0x9] =	wrdreg s7  }
0x1c: {  	s7 =	sadd.s32 s9, s20;
	s20 =	simm.s32 $0x200;
	[dreg:$0xe] =	wrdreg s13  }
0x1d: {  	s9 =	simm.s32 $0x6;
	[dreg:$0xb] =	wrdreg s7;
	s7 =	sadd.s32 s21, s2  }
0x1e: {  	s21 =	simm.s32 $0x80;
	[dreg:$0xc] =	wrdreg s7;
	s7 =	simm.s32 $0x2  }
.LBB2_4:
0x1f: {  	_ =	swait.ge [sflag:s7], $0x4000  }
0x20: {  	[sflag:s7] =	ssyncset.done $0x0  }
0x21: {  	[sflag:s7] =	ssyncadd.s32 $0xFFFFC000  }
0x22: {  	_ =	swait.ge [sflag:s11], $0x80  }
0x23: {  	[sflag:s11] =	ssyncset.done $0x0  }
0x24: {  	[sflag:s11] =	ssyncadd.s32 $0xFFFFFF80  }
0x25: {  	[spmem:s2] =	stream.indirect.scatter.add.f32 [tilespmem:s0], [sflag:$0xB], $0x80, s26, s21, $0xb8;
	[tilespmem:$0x1C000] =	vst v63  }
0x26: {  	_ =	swait.ge [sflag:s28], $0x4000  }
0x27: {  	[sflag:s28] =	ssyncset.done $0x0  }
0x28: {  	[sflag:s28] =	ssyncadd.s32 $0xFFFFC000  }
0x29: {  	[bflag:$0x0] =	sbarrier.arrive $0xFFFF  }
0x2a: {  	s13 =	rddreg [dreg:$0xe]  }
0x2b: {  	s12 =	rddreg [dreg:$0xf]  }
0x2c: {  	s14 =	rddreg [dreg:$0x12]  }
0x2d: {  	[hbm:s12], [sflag:s13] =	dma.local [spmem:s14], $0x2780  }
0x2e: {  	_ =	swait.ge [sflag:s28], $0x2780  }
0x2f: {  	s16 =	rddreg [dreg:$0x11]  }
0x30: {  	s17 =	rddreg [dreg:$0x10];
	s14 =	sadd.s32 $0x1, s16  }
0x31: {  	p0 =	sne.s32 s14, s17  }
.Ltmp1:
0x32: {  	_ = 	snop;
	(pc) =	sbr.rel @!p0 .LBB2_5-.Ltmp1, $3  }
0x33: {  	_ =	sdelay $0x1  }
0x34: {  	[sflag:s28] =	ssyncset.done $0x0  }
0x35: {  	[sflag:s28] =	ssyncadd.s32 $0xFFFFD880  }
.LBB2_1:
0x36: {  	[dreg:$0x11] =	wrdreg s14  }
0x37: {  	s12 =	rddreg [dreg:$0x4]  }
0x38: {  	s16 =	rddreg [dreg:$0x5]  }
0x39: {  	s17 =	rddreg [dreg:$0x6]  }
0x3a: {  	[tilespmem:s3], [sflag:$0x3] =	stream.linear.gather [hbm4b:s12+s3], $0x80, $0x38;
	[tilespmem:$0x1C000] =	vst v63  }
0x3b: {  	s14 =	rddreg [dreg:$0x7]  }
0x3c: {  	[tilespmem:s20], [sflag:$0x7] =	stream.linear.gather [hbm4b:s16+s3], $0x80, $0x38;
	[tilespmem:$0x1C000] =	vst v63  }
0x3d: {  	s15 =	rddreg [dreg:$0x8]  }
0x3e: {  	[tilespmem:s21], [sflag:$0x4] =	stream.linear.gather [hbm4b:s17+s3], $0x80, $0x38;
	[tilespmem:$0x1C000] =	vst v63  }
0x3f: {  	s16 =	rddreg [dreg:$0x9]  }
0x40: {  	[tilespmem:s22], [sflag:$0x8] =	stream.linear.gather [hbm4b:s14+s3], $0x80, $0x38;
	[tilespmem:$0x1C000] =	vst v63  }
0x41: {  	s17 =	rddreg [dreg:$0xa]  }
0x42: {  	[tilespmem:s23], [sflag:$0x5] =	stream.linear.gather [hbm4b:s15+s3], $0x80, $0x38;
	[tilespmem:$0x1C000] =	vst v63  }
0x43: {  	s15 =	rddreg [dreg:$0xc]  }
0x44: {  	[tilespmem:s24], [sflag:$0x9] =	stream.linear.gather [hbm4b:s16+s3], $0x80, $0x38;
	[tilespmem:$0x1C000] =	vst v63  }
0x45: {  	s14 =	rddreg [dreg:$0xb];
	s16 =	sshrl.u32 s15, $0x3  }
0x46: {  	[dreg:$0x12] =	wrdreg s16  }
0x47: {  	[tilespmem:s25], [sflag:$0x6] =	stream.linear.gather [hbm4b:s17+s3], $0x80, $0x38;
	[tilespmem:$0x1C000] =	vst v63  }
0x48: {  	s17 =	rddreg [dreg:$0xd]  }
0x49: {  	[tilespmem:s26], [sflag:$0xA] =	stream.linear.gather [hbm4b:s14+s3], $0x80, $0x38;
	[tilespmem:$0x1C000] =	vst v63  }
0x4a: {  	[spmem:s16], [sflag:s13] =	dma.local [hbm:s17], $0x2780  }
0x4b: {  	_ =	swait.ge [sflag:s28], $0x2780  }
0x4c: {  	[sflag:s28] =	ssyncset.done $0x0  }
0x4d: {  	[sflag:s28] =	ssyncadd.s32 $0xFFFFD880  }
0x4e: {  	_ =	swait.ge [sflag:s29], $0x80  }
0x4f: {  	[sflag:s29] =	ssyncset.done $0x0  }
0x50: {  	[sflag:s29] =	ssyncadd.s32 $0xFFFFFF80  }
0x51: {  	[tilespmem:s30], [sflag:$0x1] =	stream.indirect.gather [hbm4b:s4+s21], $0x80, s3, s21, $0xb8;
	[tilespmem:$0x1C000] =	vst v63  }
0x52: {  	_ =	swait.ge [sflag:s31], $0x80  }
0x53: {  	[sflag:s31] =	ssyncset.done $0x0  }
0x54: {  	[sflag:s31] =	ssyncadd.s32 $0xFFFFFF80  }
0x55: {  	[tilespmem:s0], [sflag:$0x2] =	stream.indirect.gather [hbm4b:s4+s21], $0x80, s21, s21, $0xb8;
	[tilespmem:$0x1C000] =	vst v63  }
0x56: {  	s14 =	simm.s32 $0x0;
	[bflag:$0x0] =	sbarrier.arrive $0xFFFF  }
.LBB2_2:
0x57: {  	_ =	swait.ge [sflag:s1], $0x4000  }
0x58: {  	[sflag:s1] =	ssyncset.done $0x0  }
0x59: {  	[sflag:s1] =	ssyncadd.s32 $0xFFFFC000  }
0x5a: {  	_ =	swait.ge [sflag:s5], $0x80  }
0x5b: {  	[sflag:s5] =	ssyncset.done $0x0  }
0x5c: {  	[sflag:s5] =	ssyncadd.s32 $0xFFFFFF80  }
0x5d: {  	[spmem:s2] =	stream.indirect.scatter.add.f32 [tilespmem:s30], [sflag:$0xB], $0x80, s20, s21, $0xb8;
	[tilespmem:$0x1C000] =	vst v63  }
0x5e: {  	p0 =	seq.s32 s14, $0x4C0;
	_ =	swait.ge [sflag:s28], $0x4000  }
0x5f: {  	s16 =	sadd.s32 @!p0 s14, s18;
	[sflag:s28] =	ssyncset.done $0x0  }
0x60: {  	s15 =	simm.s32 @!p0 $0x0;
	s17 =	sadd.s32 @!p0 $0x40, s16;
	[sflag:s28] =	ssyncadd.s32 $0xFFFFC000  }
0x61: {  	[tilespmem:s15], [sflag:$0x3] =	stream.linear.gather @!p0 [hbm4b:s17+s15], $0x80, $0x38;
	[tilespmem:$0x1C000] =	vst v63  }
0x62: {  	s17 =	sadd.s32 @!p0 s14, s19  }
0x63: {  	s12 =	simm.s32 @!p0 $0x200;
	s13 =	sadd.s32 @!p0 $0x40, s17  }
0x64: {  	[tilespmem:s12], [sflag:$0x7] =	stream.linear.gather @!p0 [hbm4b:s13+s15], $0x80, $0x38;
	[tilespmem:$0x1C000] =	vst v63  }
0x65: {  	_ =	swait.ge [sflag:s6], $0x80  }
0x66: {  	[sflag:s6] =	ssyncset.done $0x0  }
0x67: {  	[sflag:s6] =	ssyncadd.s32 $0xFFFFFF80  }
0x68: {  	[tilespmem:s30], [sflag:$0x1] =	stream.indirect.gather [hbm4b:s4+s21], $0x80, s23, s21, $0xb8;
	[tilespmem:$0x1C000] =	vst v63  }
0x69: {  	_ =	swait.ge [sflag:s7], $0x4000  }
0x6a: {  	[sflag:s7] =	ssyncset.done $0x0  }
0x6b: {  	[sflag:s7] =	ssyncadd.s32 $0xFFFFC000  }
0x6c: {  	_ =	swait.ge [sflag:s8], $0x80  }
0x6d: {  	[sflag:s8] =	ssyncset.done $0x0  }
0x6e: {  	[sflag:s8] =	ssyncadd.s32 $0xFFFFFF80  }
0x6f: {  	[spmem:s2] =	stream.indirect.scatter.add.f32 [tilespmem:s0], [sflag:$0xB], $0x80, s22, s21, $0xb8;
	[tilespmem:$0x1C000] =	vst v63  }
0x70: {  	_ =	swait.ge [sflag:s28], $0x4000  }
0x71: {  	[sflag:s28] =	ssyncset.done $0x0  }
0x72: {  	s12 =	sadd.s32 @!p0 $0x50, s16;
	s13 =	simm.s32 @!p0 $0x80;
	[sflag:s28] =	ssyncadd.s32 $0xFFFFC000  }
0x73: {  	[tilespmem:s13], [sflag:$0x4] =	stream.linear.gather @!p0 [hbm4b:s12+s15], $0x80, $0x38;
	[tilespmem:$0x1C000] =	vst v63  }
0x74: {  	s12 =	sadd.s32 @!p0 $0x50, s17;
	s13 =	simm.s32 @!p0 $0x280  }
0x75: {  	[tilespmem:s13], [sflag:$0x8] =	stream.linear.gather @!p0 [hbm4b:s12+s15], $0x80, $0x38;
	[tilespmem:$0x1C000] =	vst v63  }
0x76: {  	_ =	swait.ge [sflag:s9], $0x80  }
0x77: {  	[sflag:s9] =	ssyncset.done $0x0  }
0x78: {  	[sflag:s9] =	ssyncadd.s32 $0xFFFFFF80  }
0x79: {  	[tilespmem:s0], [sflag:$0x2] =	stream.indirect.gather [hbm4b:s4+s21], $0x80, s25, s21, $0xb8;
	[tilespmem:$0x1C000] =	vst v63  }
0x7a: {  	_ =	swait.ge [sflag:s1], $0x4000  }
0x7b: {  	[sflag:s1] =	ssyncset.done $0x0  }
0x7c: {  	[sflag:s1] =	ssyncadd.s32 $0xFFFFC000  }
0x7d: {  	_ =	swait.ge [sflag:s10], $0x80  }
0x7e: {  	[sflag:s10] =	ssyncset.done $0x0  }
.Ltmp2:
0x7f: {  	[sflag:s10] =	ssyncadd.s32 $0xFFFFFF80;
	(pc) =	sbr.rel @p0 .LBB2_4-.Ltmp2, $4  }
0x80: {  	[spmem:s2] =	stream.indirect.scatter.add.f32 [tilespmem:s30], [sflag:$0xB], $0x80, s24, s21, $0xb8;
	[tilespmem:$0x1C000] =	vst v63  }
0x81: {  	_ =	swait.ge [sflag:s28], $0x4000  }
0x82: {  	[sflag:s28] =	ssyncset.done $0x0  }
0x83: {  	[sflag:s28] =	ssyncadd.s32 $0xFFFFC000  }
0x84: {  	s12 =	sadd.s32 s14, s18  }
0x85: {  	s16 =	sadd.s32 s14, s19;
	s13 =	sadd.s32 $0x60, s12  }
0x86: {  	[tilespmem:s23], [sflag:$0x5] =	stream.linear.gather [hbm4b:s13+s3], $0x80, $0x38;
	[tilespmem:$0x1C000] =	vst v63  }
0x87: {  	s15 =	sadd.s32 $0x60, s16  }
0x88: {  	[tilespmem:s24], [sflag:$0x9] =	stream.linear.gather [hbm4b:s15+s3], $0x80, $0x38;
	[tilespmem:$0x1C000] =	vst v63  }
0x89: {  	_ =	swait.ge [sflag:s29], $0x80  }
0x8a: {  	[sflag:s29] =	ssyncset.done $0x0  }
0x8b: {  	[sflag:s29] =	ssyncadd.s32 $0xFFFFFF80  }
0x8c: {  	[tilespmem:s30], [sflag:$0x1] =	stream.indirect.gather [hbm4b:s4+s21], $0x80, s3, s21, $0xb8;
	[tilespmem:$0x1C000] =	vst v63  }
0x8d: {  	_ =	swait.ge [sflag:s7], $0x4000  }
0x8e: {  	[sflag:s7] =	ssyncset.done $0x0  }
0x8f: {  	[sflag:s7] =	ssyncadd.s32 $0xFFFFC000  }
0x90: {  	_ =	swait.ge [sflag:s11], $0x80  }
0x91: {  	[sflag:s11] =	ssyncset.done $0x0  }
0x92: {  	[sflag:s11] =	ssyncadd.s32 $0xFFFFFF80  }
0x93: {  	[spmem:s2] =	stream.indirect.scatter.add.f32 [tilespmem:s0], [sflag:$0xB], $0x80, s26, s21, $0xb8;
	[tilespmem:$0x1C000] =	vst v63  }
0x94: {  	_ =	swait.ge [sflag:s28], $0x4000  }
0x95: {  	[sflag:s28] =	ssyncset.done $0x0  }
0x96: {  	s12 =	sadd.s32 $0x70, s12;
	[sflag:s28] =	ssyncadd.s32 $0xFFFFC000  }
0x97: {  	[tilespmem:s25], [sflag:$0x6] =	stream.linear.gather [hbm4b:s12+s3], $0x80, $0x38;
	[tilespmem:$0x1C000] =	vst v63  }
0x98: {  	s17 =	sadd.s32 $0x70, s16  }
0x99: {  	[tilespmem:s26], [sflag:$0xA] =	stream.linear.gather [hbm4b:s17+s3], $0x80, $0x38;
	[tilespmem:$0x1C000] =	vst v63  }
.Ltmp3:
0x9a: {  	_ = 	snop;
	(pc) =	sbr.rel .LBB2_2-.Ltmp3, $4  }
0x9b: {  	_ =	swait.ge [sflag:s31], $0x80  }
0x9c: {  	[sflag:s31] =	ssyncset.done $0x0  }
0x9d: {  	s14 =	sadd.s32 $0x40, s14;
	[sflag:s31] =	ssyncadd.s32 $0xFFFFFF80  }
0x9e: {  	[tilespmem:s0], [sflag:$0x2] =	stream.indirect.gather [hbm4b:s4+s21], $0x80, s21, s21, $0xb8;
	[tilespmem:$0x1C000] =	vst v63  }
.LBB2_5:
0x9f: {  	_ =	sfence.sel $0x180000  }
0xa0: {  	[bflag:$0x0] =	sbarrier.arrive $0xFFFF  }
0xa1: {  	_ =	strace $0x9000004D  }
0xa2: {  	s0 =	stileid.u32;
	[bflag:$0x2] =	sbarrier.arrive $0xFFFF  }
0xa3: {  	p0 =	sne.s32 s0, $0x0;
	s0 =	rddreg [dreg:$0x3]  }
0xa4: {  	s0 =	sadd.s32 @!p0 $0x100000, s0  }
0xa5: {  	[sflag:s0] =	ssyncadd.tile.s32 @!p0 $0x1;
	_ =	shalt  }
.Lfunc_end2:
_tile_overlayer_lowered:
.L_overlay_start_2:
0xa6: {  	(tag) =	ssettag $0x2  }
0xa7: {  	s0 =	rddreg [dreg:$0x0];
	s2 =	stileid.u32  }
0xa8: {  	s1 =	rddreg [dreg:$0x1];
	p0 =	sne.s32 s2, $0x0  }
0xa9: {  	s3 =	rddreg [dreg:$0x2];
	[bflag:$0x3] =	sbarrier.arrive $0xFFFF;
	s2 =	simm.s32 @!p0 $0x1C0B  }
0xaa: {  	[timem:s3], [sflag:s2] =	dma.local @!p0 [hbm:s0], s1  }
0xab: {  	s0 =	simm.s32 @!p0 $0xB  }
0xac: {  	_ =	swait.ge @!p0 [sflag:s0], s1  }
0xad: {  	s1 =	ssub.s32 @!p0 $0x0, s1;
	[sflag:s0] =	ssyncset.done @!p0 $0x0  }
0xae: {  	[sflag:s0] =	ssyncadd.s32 @!p0 s1  }
0xaf: {  	[bflag:$0x3] =	sbarrier.arrive $0xFFFF  }
0xb0: {  	_ =	shalt  }

// kernel: kernel.8.cloned.1.call-start
scs
__scs_entry_jumppad:
0x0: {  	(pc) =	sbr.rel $0x88, $3  }
0x1: {  	(tag) =	ssettag $0x0;
	lr =	simm.s32 $0x1  }
0x2: {  	[smem:$0x3F91] =	sst lr;
	_ =	strace $0xD0000000  }
0x3: {  	_ = 	snop  }
0x4: {  	_ = 	snop  }
0x5: {  	_ = 	snop  }
0x6: {  	_ = 	snop  }
0x7: {  	_ = 	snop  }
__scs_overlays_trampoline_lowered:
0x8: {  	[smem:$0x3FA0] =	sst s0  }
0x9: {  	[smem:$0x3FA1] =	sst s1  }
0xa: {  	[smem:$0x3FA2] =	sst s2  }
0xb: {  	[smem:$0x3FA3] =	sst s3  }
0xc: {  	[smem:$0x3FA4] =	sst s4  }
0xd: {  	[smem:$0x3FA5] =	sst s5  }
0xe: {  	[smem:$0x3FA6] =	sst s6  }
0xf: {  	[smem:$0x3FA7] =	sst s7  }
0x10: {  	[smem:$0x3FA8] =	sst s8  }
0x11: {  	[smem:$0x3FA9] =	sst s9;
	s0 =	simm.s32 @!p0 $0x0  }
0x12: {  	s1 =	sld [smem:$0x3F8F];
	s0 =	simm.s32 @p0 $0x1  }
0x13: {  	[smem:$0x3FAA] =	sst s0;
	s0 =	simm.s32 @!p1 $0x0  }
0x14: {  	s2 =	sld [smem:$0x3F8E];
	s0 =	simm.s32 @p1 $0x1  }
0x15: {  	[smem:$0x3FAB] =	sst s0;
	s0 =	simm.s32 @!p2 $0x0  }
0x16: {  	s3 =	sld [smem:$0x3FDB];
	s0 =	simm.s32 @p2 $0x1  }
0x17: {  	s4 =	simm.s32 $0x1BF5;
	[smem:$0x3FAD] =	sst s0  }
0x18: {  	s0 =	sld [smem:$0x3F90];
	_ =	swait.ge [sflag:s4], $0x0  }
0x19: {  	s7 =	sld [smem:$0x3F91]  }
0x1a: {  	s8 =	sadd.s32 $0xFFFFE003, lr  }
0x1b: {  	s9 =	sadd.s32 $0xFFFFFEF7, lr;
	s5 =	simm.s32 $0xFFFFFFFF;
	p2 =	slt.u32 s8, $0xFFFFF086  }
0x1c: {  	p1 =	slt.u32 s9, $0xF7A;
	s5 =	simm.s32 @!p2 $0x0  }
0x1d: {  	s5 =	simm.s32 @p1 $0x1;
	p0 =	seq.s32 s7, s2  }
0x1e: {  	s7 =	smul.u32 @!p0 $0xF7A, s2;
	p2 =	seq.s32 @!p0 s5, $0x0  }
0x1f: {  	s9 =	smul.u32 $0xF7A, s1;
	s8 =	simm.s32 @!p0 $0x1BF5;
	p2 =	por !p2, p0  }
0x20: {  	[sflag:s8] =	ssyncset.s32 @!p0 $0xFFFFF086;
	s6 =	sadd.s32 @!p0 s3, s7;
	s7 =	simm.s32 @!p0 $0x108  }
0x21: {  	s3 =	sadd.s32 s3, s9;
	s6 =	sadd.s32 @!p0 $0x88, s6;
	s7 =	simm.s32 @p2 $0x1082  }
0x22: {  	[simem:s7], [sflag:s8] =	dma.local @!p0 [hbm:s6], $0xF7A  }
0x23: {  	s9 =	sor.u32 $0xD0000000, s2;
	s6 =	simm.s32 $0x108;
	_ =	swait.ge @!p0 [sflag:s8], $0x0  }
0x24: {  	s3 =	sadd.s32 $0x88, s3;
	s6 =	simm.s32 @!p1 $0x1082;
	[sflag:s4] =	ssyncset.s32 $0xFFFFF086  }
0x25: {  	[simem:s6], [sflag:s4] =	dma.local [hbm:s3], $0xF7A  }
0x26: {  	[smem:$0x3F91] =	sst s1;
	(tag) =	ssettag s2;
	_ =	strace s9  }
0x27: {  	s1 =	sld [smem:$0x3FA1]  }
0x28: {  	s2 =	sld [smem:$0x3FA2]  }
0x29: {  	s4 =	sld [smem:$0x3FA4]  }
0x2a: {  	p0 =	seq.s32 s5, $0x0;
	s5 =	sld [smem:$0x3FA5]  }
0x2b: {  	s6 =	sld [smem:$0x3FA6]  }
0x2c: {  	s7 =	sld [smem:$0x3FA7]  }
0x2d: {  	s3 =	simm.s32 $0x108;
	s8 =	sld [smem:$0x3FA8]  }
0x2e: {  	s3 =	simm.s32 @!p0 $0x1082;
	s9 =	sld [smem:$0x3FA9]  }
0x2f: {  	lr =	sadd.s32 s0, s3;
	s0 =	sld [smem:$0x3FA0]  }
0x30: {  	s3 =	sld [smem:$0x3FA3]  }
0x31: {  	[smem:$0x3FAC] =	sst s10  }
0x32: {  	s10 =	sld [smem:$0x3FAA];
	_ =	sdelay $0x3  }
0x33: {  	p0 =	seq.s32 s10, $0x1;
	s10 =	sld [smem:$0x3FAC];
	_ =	sdelay $0x3  }
0x34: {  	[smem:$0x3FAC] =	sst s10  }
0x35: {  	s10 =	sld [smem:$0x3FAB];
	_ =	sdelay $0x3  }
0x36: {  	p1 =	seq.s32 s10, $0x1;
	s10 =	sld [smem:$0x3FAC];
	_ =	sdelay $0x3  }
0x37: {  	[smem:$0x3FAC] =	sst s10  }
0x38: {  	s10 =	sld [smem:$0x3FAD]  }
0x39: {  	_ = 	snop;
	(pc) =	sbr.ind lr, $3  }
0x3a: {  	_ = 	snop  }
0x3b: {  	_ = 	snop  }
0x3c: {  	p2 =	seq.s32 s10, $0x1;
	s10 =	sld [smem:$0x3FAC]  }
0x3d: {  	_ =	shalt  }
0x3e: {  	_ =	shalt  }
0x3f: {  	_ =	shalt  }
0x40: {  	_ =	shalt  }
0x41: {  	_ =	shalt  }
0x42: {  	_ =	shalt  }
0x43: {  	_ =	shalt  }
0x44: {  	_ =	shalt  }
0x45: {  	_ =	shalt  }
0x46: {  	_ =	shalt  }
0x47: {  	_ =	shalt  }
0x48: {  	_ =	shalt  }
0x49: {  	_ =	shalt  }
0x4a: {  	_ =	shalt  }
0x4b: {  	_ =	shalt  }
0x4c: {  	_ =	shalt  }
0x4d: {  	_ =	shalt  }
0x4e: {  	_ =	shalt  }
0x4f: {  	_ =	shalt  }
0x50: {  	_ =	shalt  }
0x51: {  	_ =	shalt  }
0x52: {  	_ =	shalt  }
0x53: {  	_ =	shalt  }
0x54: {  	_ =	shalt  }
0x55: {  	_ =	shalt  }
0x56: {  	_ =	shalt  }
0x57: {  	_ =	shalt  }
0x58: {  	_ =	shalt  }
0x59: {  	_ =	shalt  }
0x5a: {  	_ =	shalt  }
0x5b: {  	_ =	shalt  }
0x5c: {  	_ =	shalt  }
0x5d: {  	_ =	shalt  }
0x5e: {  	_ =	shalt  }
0x5f: {  	_ =	shalt  }
0x60: {  	_ =	shalt  }
0x61: {  	_ =	shalt  }
0x62: {  	_ =	shalt  }
0x63: {  	_ =	shalt  }
0x64: {  	_ =	shalt  }
0x65: {  	_ =	shalt  }
0x66: {  	_ =	shalt  }
0x67: {  	_ =	shalt  }
0x68: {  	_ =	shalt  }
0x69: {  	_ =	shalt  }
0x6a: {  	_ =	shalt  }
0x6b: {  	_ =	shalt  }
0x6c: {  	_ =	shalt  }
0x6d: {  	_ =	shalt  }
0x6e: {  	_ =	shalt  }
0x6f: {  	_ =	shalt  }
0x70: {  	_ =	shalt  }
0x71: {  	_ =	shalt  }
0x72: {  	_ =	shalt  }
0x73: {  	_ =	shalt  }
0x74: {  	_ =	shalt  }
0x75: {  	_ =	shalt  }
0x76: {  	_ =	shalt  }
0x77: {  	_ =	shalt  }
0x78: {  	_ =	shalt  }
0x79: {  	_ =	shalt  }
0x7a: {  	_ =	shalt  }
0x7b: {  	_ =	shalt  }
0x7c: {  	_ =	shalt  }
0x7d: {  	_ =	shalt  }
0x7e: {  	_ =	shalt  }
0x7f: {  	_ =	shalt  }
0x80: {  	_ =	shalt  }
0x81: {  	_ =	shalt  }
0x82: {  	_ =	shalt  }
0x83: {  	_ =	shalt  }
0x84: {  	_ =	shalt  }
0x85: {  	_ =	shalt  }
0x86: {  	_ =	shalt  }
0x87: {  	_ =	shalt  }
.Lfunc_end0:
.L_simem_size_0:
called_computation_lowered:
.L_overlay_start_0:
0x88: {  	s2 =	sld [smem:$0x3FD9]  }
0x89: {  	s3 =	sld [smem:$0x3FFE];
	_ =	sdelay $0x1  }
0x8a: {  	s1 =	srdreg.scid  }
0x8b: {  	s0 =	sand.u32 $0x1, s1  }
0x8c: {  	s17 =	sshll.u32 s0, $0xA;
	s2 =	sadd.s32 s3, s2  }
0x8d: {  	s2 =	sadd.s32 s2, s17  }
0x8e: {  	[smem:$0x3FB8] =	sst s2  }
0x8f: {  	_ = 	snop  }
0x90: {  	s2 =	sld [smem:$0x3FC9]  }
0x91: {  	s18 =	sld [smem:$0x3FD0];
	(tm) =	ssettm $0x1  }
0x92: {  	s4 =	sld [smem:$0x3FFB];
	_ =	sdelay $0x3  }
0x93: {  	_ =	strace s4  }
0x94: {  	s4 =	sld [smem:$0x3FFC];
	_ =	sdelay $0x3  }
0x95: {  	_ =	strace s4  }
0x96: {  	s4 =	sld [smem:$0x3FFD];
	_ =	sdelay $0x3  }
0x97: {  	_ =	strace s4  }
0x98: {  	_ =	strace $0x8FFFFFFF  }
0x99: {  	s19 =	sld [smem:$0x3FDB];
	_ =	sdelay $0x1  }
0x9a: {  	s5 =	simm.s32 $_scs_section_size  }
0x9b: {  	s6 =	simm.s32 $_size__tile_overlayer_lowered;
	s7 =	simm.s32 $_tile_overlayer_lowered  }
0x9c: {  	s22 =	simm.s32 $0x1BFF;
	s21 =	sshll.u32 s7, $0x1;
	s4 =	sadd.s32 s5, s19  }
0x9d: {  	s8 =	simm.s32 $0x0;
	s20 =	sshll.u32 s6, $0x1;
	s6 =	sadd.s32 s21, s4  }
0x9e: {  	[timem:s8], [sflag:s22] =	dma.local [hbm:s6], s20  }
0x9f: {  	_ =	swait.ge [sflag:s22], s20  }
0xa0: {  	s5 =	ssub.s32 $0x0, s20;
	[sflag:s22] =	ssyncset.done $0x0  }
0xa1: {  	[sflag:s22] =	ssyncadd.s32 s5;
	_ =	sdelay $0x1  }
0xa2: {  	s23 =	simm.s32 $0x1B8B  }
0xa3: {  	_ =	swait.ge [sflag:s23], $0x1  }
0xa4: {  	[sflag:s23] =	ssyncset.done $0x0  }
0xa5: {  	s25 =	simm.s32 $0x1B8E;
	s24 =	sld [smem:$0x3FFE];
	[sflag:s23] =	ssyncadd.s32 $0xFFFFFFFF  }
0xa6: {  	s26 =	simm.s32 $execute0_lowered;
	[smem:$0x3FD2] =	sst s25  }
0xa7: {  	s6 =	sshll.u32 s26, $0x1;
	_ =	strace $0x80000046;
	[dreg:$0x1] =	wrdreg $0xFFFFFFFF  }
0xa8: {  	s28 =	simm.s32 $_size_execute0_lowered;
	s4 =	sadd.s32 s4, s6;
	[dreg:$0x0] =	wrdreg $0x0  }
0xa9: {  	s6 =	sshll.u32 s28, $0x1;
	[dreg:$0x2] =	wrdreg s4  }
0xaa: {  	[dreg:$0x3] =	wrdreg s6  }
0xab: {  	[dreg:$0x4] =	wrdreg $0xC0  }
0xac: {  	_ =	task [dreg:s8], $0x5FFFF  }
0xad: {  	[dreg:$0x1] =	wrdreg $0xFFFFFFFF  }
0xae: {  	[dreg:$0x0] =	wrdreg $0x60  }
0xaf: {  	[dreg:$0x2] =	wrdreg s2  }
0xb0: {  	[dreg:$0x3] =	wrdreg s18  }
0xb1: {  	[dreg:$0x4] =	wrdreg s24  }
0xb2: {  	[dreg:$0x5] =	wrdreg $0x84000  }
0xb3: {  	[dreg:$0x6] =	wrdreg $0x9  }
0xb4: {  	_ =	task.clear_ibuf [dreg:s8], $0x7FFFF;
	_ =	strace $0x90000046  }
0xb5: {  	s29 =	simm.s32 $0x9;
	_ =	strace $0x80000048  }
0xb6: {  	_ =	swait.ge [sflag:s29], $0x1  }
0xb7: {  	[sflag:s29] =	ssyncadd.s32 $0xFFFFFFFF  }
0xb8: {  	_ =	strace $0x90000048  }
0xb9: {  	_ =	sfence  }
0xba: {  	s30 =	sld [smem:$0x0];
	_ =	sdelay $0x2  }
0xbb: {  	s31 =	sshll.u32 s1, $0xD;
	s1 =	sshrl.u32 s1, $0x2  }
0xbc: {  	s3 =	sand.u32 $0x4000, s31;
	s1 =	sadd.s32 s1, s30  }
0xbd: {  	s0 =	sor.u32 s3, s0;
	s1 =	sshll.u32 s1, $0x11  }
0xbe: {  	s0 =	sor.u32 s1, s0  }
0xbf: {  	s0 =	sadd.s32 $0x8F2B, s0  }
0xc0: {  	[sflag:s0] =	ssyncadd.remote.s32 $0x1  }
0xc1: {  	_ =	sfence.sel $0xFFFF  }
0xc2: {  	[dreg:$0x0] =	wrdreg $0xFFFFFFFF;
	(pc) =	sbr.abs _section_cstart, $3  }
0xc3: {  	[dreg:$0x1] =	wrdreg $0xFFFFFFFF  }
0xc4: {  	_ =	task.clear_ibuf [dreg:s8], $0x2FFFF;
	_ =	strace $0x9FFFFFFF  }
0xc5: {  	(tm) =	ssettm $0x7FFFFFFF  }
tec
execute0_lowered:
.L_overlay_start_1:
0x0: {  	(tag) =	ssettag $0x1  }
0x1: {  	s1 =	rddreg [dreg:$0x0]  }
0x2: {  	s0 =	rddreg [dreg:$0x1]  }
0x3: {  	s2 =	rddreg [dreg:$0x2]  }
0x4: {  	s3 =	rddreg [dreg:$0x3];
	s4 =	simm.s32 $0x0;
	s12 =	stileid.u32  }
0x5: {  	s5 =	srdreg.scid;
	s28 =	simm.s32 $0xB;
	s29 =	simm.s32 $0x3  }
0x6: {  	s30 =	simm.s32 $0x400;
	s31 =	simm.s32 $0x4;
	s6 =	smul.u32 $0x13C00, s12  }
0x7: {  	[smem:$0x7FF] =	sst s4;
	s5 =	sand.u32 $0x1, s5;
	s19 =	smul.u32 $0x4F000, s12  }
0x8: {  	s9 =	sadd.s32 $0x3A00, s2;
	s22 =	sshll.u32 s12, $0x6;
	s24 =	smul.u32 $0x500, s12  }
0x9: {  	_ =	strace $0x80000047;
	s7 =	smul.u32 $0x13C000, s5;
	s8 =	sshll.u32 s5, $0x4  }
0xa: {  	s25 =	ssub.s32 $0x2, s5;
	s5 =	smul.u32 $0x5000, s5;
	s10 =	sshrl.u32 s6, $0x3  }
0xb: {  	s8 =	sor.u32 s12, s8;
	s11 =	sshrl.u32 s25, $0x1;
	s21 =	sshrl.u32 s19, $0x2  }
0xc: {  	s6 =	sadd.s32 s6, s7;
	s8 =	smul.u32 $0x500, s8;
	s10 =	sadd.s32 s10, s2  }
0xd: {  	s26 =	ssub.s32 s25, s11;
	s25 =	sadd.s32 s5, s9;
	s11 =	simm.s32 $0xA  }
0xe: {  	s6 =	sshrl.u32 s6, $0x3;
	s23 =	sadd.s32 $0xDA00, s10;
	s26 =	smax.u32 s26, $0x1  }
0xf: {  	s19 =	sadd.s32 s24, s25;
	s25 =	simm.s32 $0x180;
	s10 =	simm.s32 $0x9  }
0x10: {  	s2 =	sadd.s32 s6, s2;
	s14 =	sor.u32 $0x10, s8;
	s15 =	sadd.s32 s0, s8  }
0x11: {  	s16 =	sadd.s32 s9, s8;
	s18 =	sor.u32 $0x20, s8;
	[dreg:$0xe] =	wrdreg s23  }
0x12: {  	s20 =	sor.u32 $0x30, s8;
	[dreg:$0x11] =	wrdreg s26;
	s23 =	simm.s32 $0x100  }
0x13: {  	s26 =	simm.s32 $0x380;
	s6 =	simm.s32 $0x5;
	[dreg:$0x5] =	wrdreg s15  }
0x14: {  	[dreg:$0x6] =	wrdreg s16;
	s17 =	sadd.s32 s0, s14;
	s7 =	sadd.s32 s9, s14  }
0x15: {  	s13 =	sadd.s32 s0, s18;
	s8 =	sadd.s32 s0, s20;
	[dreg:$0x7] =	wrdreg s17  }
0x16: {  	s2 =	sadd.s32 $0x35200, s2;
	s0 =	sadd.s32 s5, s0;
	[dreg:$0x8] =	wrdreg s7  }
0x17: {  	s5 =	simm.s32 $0x7;
	s14 =	simm.s32 $0x0;
	[dreg:$0x9] =	wrdreg s13  }
0x18: {  	s7 =	sadd.s32 s9, s18;
	[dreg:$0xb] =	wrdreg s8;
	s13 =	sor.u32 $0x1C0B, s22  }
0x19: {  	[dreg:$0x10] =	wrdreg s2;
	s18 =	sadd.s32 s24, s0;
	s22 =	simm.s32 $0x280  }
.Ltmp0:
0x1a: {  	s24 =	simm.s32 $0x300;
	s0 =	simm.s32 $0x4400;
	(pc) =	sbr.rel .LBB2_1-.Ltmp0, $4  }
0x1b: {  	s2 =	simm.s32 $0x1;
	s8 =	simm.s32 $0x8;
	[dreg:$0xa] =	wrdreg s7  }
0x1c: {  	s7 =	sadd.s32 s9, s20;
	s20 =	simm.s32 $0x200;
	[dreg:$0xf] =	wrdreg s13  }
0x1d: {  	s9 =	simm.s32 $0x6;
	[dreg:$0xc] =	wrdreg s7;
	s7 =	sadd.s32 s21, s3  }
0x1e: {  	s21 =	simm.s32 $0x80;
	[dreg:$0xd] =	wrdreg s7;
	s7 =	simm.s32 $0x2  }
.LBB2_4:
0x1f: {  	_ =	swait.ge [sflag:s7], $0x4000  }
0x20: {  	[sflag:s7] =	ssyncset.done $0x0  }
0x21: {  	[sflag:s7] =	ssyncadd.s32 $0xFFFFC000  }
0x22: {  	_ =	swait.ge [sflag:s11], $0x80  }
0x23: {  	[sflag:s11] =	ssyncset.done $0x0  }
0x24: {  	[sflag:s11] =	ssyncadd.s32 $0xFFFFFF80  }
0x25: {  	[spmem:s3] =	stream.indirect.scatter.add.f32 [tilespmem:s0], [sflag:$0xB], $0x80, s26, s21, $0xb8;
	[tilespmem:$0x1C000] =	vst v63  }
0x26: {  	_ =	swait.ge [sflag:s28], $0x4000  }
0x27: {  	[sflag:s28] =	ssyncset.done $0x0  }
0x28: {  	[sflag:s28] =	ssyncadd.s32 $0xFFFFC000  }
0x29: {  	[bflag:$0x0] =	sbarrier.arrive $0xFFFF  }
0x2a: {  	s13 =	rddreg [dreg:$0xf]  }
0x2b: {  	s12 =	rddreg [dreg:$0x10]  }
0x2c: {  	s14 =	rddreg [dreg:$0x13]  }
0x2d: {  	[hbm:s12], [sflag:s13] =	dma.local [spmem:s14], $0x2780  }
0x2e: {  	_ =	swait.ge [sflag:s28], $0x2780  }
0x2f: {  	s16 =	rddreg [dreg:$0x12]  }
0x30: {  	s17 =	rddreg [dreg:$0x11];
	s14 =	sadd.s32 $0x1, s16  }
0x31: {  	p0 =	sne.s32 s14, s17  }
.Ltmp1:
0x32: {  	_ = 	snop;
	(pc) =	sbr.rel @!p0 .LBB2_5-.Ltmp1, $3  }
0x33: {  	_ =	sdelay $0x1  }
0x34: {  	[sflag:s28] =	ssyncset.done $0x0  }
0x35: {  	[sflag:s28] =	ssyncadd.s32 $0xFFFFD880  }
.LBB2_1:
0x36: {  	[dreg:$0x12] =	wrdreg s14  }
0x37: {  	s12 =	rddreg [dreg:$0x5]  }
0x38: {  	s16 =	rddreg [dreg:$0x6]  }
0x39: {  	s17 =	rddreg [dreg:$0x7]  }
0x3a: {  	[tilespmem:s4], [sflag:$0x3] =	stream.linear.gather [hbm4b:s12+s4], $0x80, $0x38;
	[tilespmem:$0x1C000] =	vst v63  }
0x3b: {  	s14 =	rddreg [dreg:$0x8]  }
0x3c: {  	[tilespmem:s20], [sflag:$0x7] =	stream.linear.gather [hbm4b:s16+s4], $0x80, $0x38;
	[tilespmem:$0x1C000] =	vst v63  }
0x3d: {  	s15 =	rddreg [dreg:$0x9]  }
0x3e: {  	[tilespmem:s21], [sflag:$0x4] =	stream.linear.gather [hbm4b:s17+s4], $0x80, $0x38;
	[tilespmem:$0x1C000] =	vst v63  }
0x3f: {  	s16 =	rddreg [dreg:$0xa]  }
0x40: {  	[tilespmem:s22], [sflag:$0x8] =	stream.linear.gather [hbm4b:s14+s4], $0x80, $0x38;
	[tilespmem:$0x1C000] =	vst v63  }
0x41: {  	s17 =	rddreg [dreg:$0xb]  }
0x42: {  	[tilespmem:s23], [sflag:$0x5] =	stream.linear.gather [hbm4b:s15+s4], $0x80, $0x38;
	[tilespmem:$0x1C000] =	vst v63  }
0x43: {  	s15 =	rddreg [dreg:$0xd]  }
0x44: {  	[tilespmem:s24], [sflag:$0x9] =	stream.linear.gather [hbm4b:s16+s4], $0x80, $0x38;
	[tilespmem:$0x1C000] =	vst v63  }
0x45: {  	s14 =	rddreg [dreg:$0xc];
	s16 =	sshrl.u32 s15, $0x3  }
0x46: {  	[dreg:$0x13] =	wrdreg s16  }
0x47: {  	[tilespmem:s25], [sflag:$0x6] =	stream.linear.gather [hbm4b:s17+s4], $0x80, $0x38;
	[tilespmem:$0x1C000] =	vst v63  }
0x48: {  	s17 =	rddreg [dreg:$0xe]  }
0x49: {  	[tilespmem:s26], [sflag:$0xA] =	stream.linear.gather [hbm4b:s14+s4], $0x80, $0x38;
	[tilespmem:$0x1C000] =	vst v63  }
0x4a: {  	[spmem:s16], [sflag:s13] =	dma.local [hbm:s17], $0x2780  }
0x4b: {  	_ =	swait.ge [sflag:s28], $0x2780  }
0x4c: {  	[sflag:s28] =	ssyncset.done $0x0  }
0x4d: {  	[sflag:s28] =	ssyncadd.s32 $0xFFFFD880  }
0x4e: {  	_ =	swait.ge [sflag:s29], $0x80  }
0x4f: {  	[sflag:s29] =	ssyncset.done $0x0  }
0x50: {  	[sflag:s29] =	ssyncadd.s32 $0xFFFFFF80  }
0x51: {  	[tilespmem:s30], [sflag:$0x1] =	stream.indirect.gather [hbm4b:s1+s21], $0x80, s4, s21, $0xb8;
	[tilespmem:$0x1C000] =	vst v63  }
0x52: {  	_ =	swait.ge [sflag:s31], $0x80  }
0x53: {  	[sflag:s31] =	ssyncset.done $0x0  }
0x54: {  	[sflag:s31] =	ssyncadd.s32 $0xFFFFFF80  }
0x55: {  	[tilespmem:s0], [sflag:$0x2] =	stream.indirect.gather [hbm4b:s1+s21], $0x80, s21, s21, $0xb8;
	[tilespmem:$0x1C000] =	vst v63  }
0x56: {  	s14 =	simm.s32 $0x0;
	[bflag:$0x0] =	sbarrier.arrive $0xFFFF  }
.LBB2_2:
0x57: {  	_ =	swait.ge [sflag:s2], $0x4000  }
0x58: {  	[sflag:s2] =	ssyncset.done $0x0  }
0x59: {  	[sflag:s2] =	ssyncadd.s32 $0xFFFFC000  }
0x5a: {  	_ =	swait.ge [sflag:s5], $0x80  }
0x5b: {  	[sflag:s5] =	ssyncset.done $0x0  }
0x5c: {  	[sflag:s5] =	ssyncadd.s32 $0xFFFFFF80  }
0x5d: {  	[spmem:s3] =	stream.indirect.scatter.add.f32 [tilespmem:s30], [sflag:$0xB], $0x80, s20, s21, $0xb8;
	[tilespmem:$0x1C000] =	vst v63  }
0x5e: {  	p0 =	seq.s32 s14, $0x4C0;
	_ =	swait.ge [sflag:s28], $0x4000  }
0x5f: {  	s16 =	sadd.s32 @!p0 s14, s18;
	[sflag:s28] =	ssyncset.done $0x0  }
0x60: {  	s15 =	simm.s32 @!p0 $0x0;
	s17 =	sadd.s32 @!p0 $0x40, s16;
	[sflag:s28] =	ssyncadd.s32 $0xFFFFC000  }
0x61: {  	[tilespmem:s15], [sflag:$0x3] =	stream.linear.gather @!p0 [hbm4b:s17+s15], $0x80, $0x38;
	[tilespmem:$0x1C000] =	vst v63  }
0x62: {  	s17 =	sadd.s32 @!p0 s14, s19  }
0x63: {  	s12 =	simm.s32 @!p0 $0x200;
	s13 =	sadd.s32 @!p0 $0x40, s17  }
0x64: {  	[tilespmem:s12], [sflag:$0x7] =	stream.linear.gather @!p0 [hbm4b:s13+s15], $0x80, $0x38;
	[tilespmem:$0x1C000] =	vst v63  }
0x65: {  	_ =	swait.ge [sflag:s6], $0x80  }
0x66: {  	[sflag:s6] =	ssyncset.done $0x0  }
0x67: {  	[sflag:s6] =	ssyncadd.s32 $0xFFFFFF80  }
0x68: {  	[tilespmem:s30], [sflag:$0x1] =	stream.indirect.gather [hbm4b:s1+s21], $0x80, s23, s21, $0xb8;
	[tilespmem:$0x1C000] =	vst v63  }
0x69: {  	_ =	swait.ge [sflag:s7], $0x4000  }
0x6a: {  	[sflag:s7] =	ssyncset.done $0x0  }
0x6b: {  	[sflag:s7] =	ssyncadd.s32 $0xFFFFC000  }
0x6c: {  	_ =	swait.ge [sflag:s8], $0x80  }
0x6d: {  	[sflag:s8] =	ssyncset.done $0x0  }
0x6e: {  	[sflag:s8] =	ssyncadd.s32 $0xFFFFFF80  }
0x6f: {  	[spmem:s3] =	stream.indirect.scatter.add.f32 [tilespmem:s0], [sflag:$0xB], $0x80, s22, s21, $0xb8;
	[tilespmem:$0x1C000] =	vst v63  }
0x70: {  	_ =	swait.ge [sflag:s28], $0x4000  }
0x71: {  	[sflag:s28] =	ssyncset.done $0x0  }
0x72: {  	s12 =	sadd.s32 @!p0 $0x50, s16;
	s13 =	simm.s32 @!p0 $0x80;
	[sflag:s28] =	ssyncadd.s32 $0xFFFFC000  }
0x73: {  	[tilespmem:s13], [sflag:$0x4] =	stream.linear.gather @!p0 [hbm4b:s12+s15], $0x80, $0x38;
	[tilespmem:$0x1C000] =	vst v63  }
0x74: {  	s12 =	sadd.s32 @!p0 $0x50, s17;
	s13 =	simm.s32 @!p0 $0x280  }
0x75: {  	[tilespmem:s13], [sflag:$0x8] =	stream.linear.gather @!p0 [hbm4b:s12+s15], $0x80, $0x38;
	[tilespmem:$0x1C000] =	vst v63  }
0x76: {  	_ =	swait.ge [sflag:s9], $0x80  }
0x77: {  	[sflag:s9] =	ssyncset.done $0x0  }
0x78: {  	[sflag:s9] =	ssyncadd.s32 $0xFFFFFF80  }
0x79: {  	[tilespmem:s0], [sflag:$0x2] =	stream.indirect.gather [hbm4b:s1+s21], $0x80, s25, s21, $0xb8;
	[tilespmem:$0x1C000] =	vst v63  }
0x7a: {  	_ =	swait.ge [sflag:s2], $0x4000  }
0x7b: {  	[sflag:s2] =	ssyncset.done $0x0  }
0x7c: {  	[sflag:s2] =	ssyncadd.s32 $0xFFFFC000  }
0x7d: {  	_ =	swait.ge [sflag:s10], $0x80  }
0x7e: {  	[sflag:s10] =	ssyncset.done $0x0  }
.Ltmp2:
0x7f: {  	[sflag:s10] =	ssyncadd.s32 $0xFFFFFF80;
	(pc) =	sbr.rel @p0 .LBB2_4-.Ltmp2, $4  }
0x80: {  	[spmem:s3] =	stream.indirect.scatter.add.f32 [tilespmem:s30], [sflag:$0xB], $0x80, s24, s21, $0xb8;
	[tilespmem:$0x1C000] =	vst v63  }
0x81: {  	_ =	swait.ge [sflag:s28], $0x4000  }
0x82: {  	[sflag:s28] =	ssyncset.done $0x0  }
0x83: {  	[sflag:s28] =	ssyncadd.s32 $0xFFFFC000  }
0x84: {  	s12 =	sadd.s32 s14, s18  }
0x85: {  	s16 =	sadd.s32 s14, s19;
	s13 =	sadd.s32 $0x60, s12  }
0x86: {  	[tilespmem:s23], [sflag:$0x5] =	stream.linear.gather [hbm4b:s13+s4], $0x80, $0x38;
	[tilespmem:$0x1C000] =	vst v63  }
0x87: {  	s15 =	sadd.s32 $0x60, s16  }
0x88: {  	[tilespmem:s24], [sflag:$0x9] =	stream.linear.gather [hbm4b:s15+s4], $0x80, $0x38;
	[tilespmem:$0x1C000] =	vst v63  }
0x89: {  	_ =	swait.ge [sflag:s29], $0x80  }
0x8a: {  	[sflag:s29] =	ssyncset.done $0x0  }
0x8b: {  	[sflag:s29] =	ssyncadd.s32 $0xFFFFFF80  }
0x8c: {  	[tilespmem:s30], [sflag:$0x1] =	stream.indirect.gather [hbm4b:s1+s21], $0x80, s4, s21, $0xb8;
	[tilespmem:$0x1C000] =	vst v63  }
0x8d: {  	_ =	swait.ge [sflag:s7], $0x4000  }
0x8e: {  	[sflag:s7] =	ssyncset.done $0x0  }
0x8f: {  	[sflag:s7] =	ssyncadd.s32 $0xFFFFC000  }
0x90: {  	_ =	swait.ge [sflag:s11], $0x80  }
0x91: {  	[sflag:s11] =	ssyncset.done $0x0  }
0x92: {  	[sflag:s11] =	ssyncadd.s32 $0xFFFFFF80  }
0x93: {  	[spmem:s3] =	stream.indirect.scatter.add.f32 [tilespmem:s0], [sflag:$0xB], $0x80, s26, s21, $0xb8;
	[tilespmem:$0x1C000] =	vst v63  }
0x94: {  	_ =	swait.ge [sflag:s28], $0x4000  }
0x95: {  	[sflag:s28] =	ssyncset.done $0x0  }
0x96: {  	s12 =	sadd.s32 $0x70, s12;
	[sflag:s28] =	ssyncadd.s32 $0xFFFFC000  }
0x97: {  	[tilespmem:s25], [sflag:$0x6] =	stream.linear.gather [hbm4b:s12+s4], $0x80, $0x38;
	[tilespmem:$0x1C000] =	vst v63  }
0x98: {  	s17 =	sadd.s32 $0x70, s16  }
0x99: {  	[tilespmem:s26], [sflag:$0xA] =	stream.linear.gather [hbm4b:s17+s4], $0x80, $0x38;
	[tilespmem:$0x1C000] =	vst v63  }
.Ltmp3:
0x9a: {  	_ = 	snop;
	(pc) =	sbr.rel .LBB2_2-.Ltmp3, $4  }
0x9b: {  	_ =	swait.ge [sflag:s31], $0x80  }
0x9c: {  	[sflag:s31] =	ssyncset.done $0x0  }
0x9d: {  	s14 =	sadd.s32 $0x40, s14;
	[sflag:s31] =	ssyncadd.s32 $0xFFFFFF80  }
0x9e: {  	[tilespmem:s0], [sflag:$0x2] =	stream.indirect.gather [hbm4b:s1+s21], $0x80, s21, s21, $0xb8;
	[tilespmem:$0x1C000] =	vst v63  }
.LBB2_5:
0x9f: {  	_ =	sfence.sel $0x180000  }
0xa0: {  	[bflag:$0x0] =	sbarrier.arrive $0xFFFF  }
0xa1: {  	_ =	strace $0x90000047  }
0xa2: {  	s0 =	stileid.u32;
	[bflag:$0x2] =	sbarrier.arrive $0xFFFF  }
0xa3: {  	p0 =	sne.s32 s0, $0x0;
	s0 =	rddreg [dreg:$0x4]  }
0xa4: {  	s0 =	sadd.s32 @!p0 $0x100000, s0  }
0xa5: {  	[sflag:s0] =	ssyncadd.tile.s32 @!p0 $0x1;
	_ =	shalt  }
.Lfunc_end2:
_tile_overlayer_lowered:
.L_overlay_start_2:
0xa6: {  	(tag) =	ssettag $0x2  }
0xa7: {  	s0 =	rddreg [dreg:$0x0];
	s2 =	stileid.u32  }
0xa8: {  	s1 =	rddreg [dreg:$0x1];
	p0 =	sne.s32 s2, $0x0  }
0xa9: {  	s3 =	rddreg [dreg:$0x2];
	[bflag:$0x3] =	sbarrier.arrive $0xFFFF;
	s2 =	simm.s32 @!p0 $0x1C0B  }
0xaa: {  	[timem:s3], [sflag:s2] =	dma.local @!p0 [hbm:s0], s1  }
0xab: {  	s0 =	simm.s32 @!p0 $0xB  }
0xac: {  	_ =	swait.ge @!p0 [sflag:s0], s1  }
0xad: {  	s1 =	ssub.s32 @!p0 $0x0, s1;
	[sflag:s0] =	ssyncset.done @!p0 $0x0  }
0xae: {  	[sflag:s0] =	ssyncadd.s32 @!p0 s1  }
0xaf: {  	[bflag:$0x3] =	sbarrier.arrive $0xFFFF  }
0xb0: {  	_ =	shalt  }

</sc_bundles>
